<compile_context>
chip_gen: v7x
topology: tpu7x:2x2x1
jax: 0.10.2.dev20260603
libtpu: 0.0.44.dev20260713+nightly
codegen_flags: <defaults>
</compile_context>

<pallas_src>
import functools

import jax
import jax.numpy as jnp
from jax import lax
from jax.experimental import pallas as pl
from jax.experimental.pallas import tpu as pltpu
from jax.experimental.pallas import tpu_sc as plsc

N_FIELDS = 26
CARD = 100000
DIM = 24
BATCH = 16384
OUT_W = N_FIELDS * DIM

NC = 2
NS = 16
NW = NC * NS
IDX_W = BATCH * N_FIELDS // NW
BLK = 16
NBLK = IDX_W // (BLK * N_FIELDS)
BLK_IDX = BLK * N_FIELDS

_mesh = plsc.VectorSubcoreMesh(core_axis_name="c", subcore_axis_name="s")


@functools.partial(
    pl.kernel,
    mesh=_mesh,
    out_type=jax.ShapeDtypeStruct((BATCH * N_FIELDS, DIM), jnp.float32),
    scratch_types=[
        pltpu.VMEM((IDX_W,), jnp.int32),
        pltpu.VMEM((2, BLK_IDX, DIM), jnp.float32),
        pltpu.SemaphoreType.DMA,
        pltpu.SemaphoreType.DMA,
        pltpu.SemaphoreType.DMA,
    ],
)
def _embed_gather(x_ref, table_ref, out_ref, idx_v, buf_v, gsem0, gsem1, osem):
    wid = lax.axis_index("s") * NC + lax.axis_index("c")
    ibase = pl.multiple_of(wid * IDX_W, IDX_W)

    pltpu.sync_copy(x_ref.at[pl.ds(ibase, IDX_W)], idx_v)

    def add_offsets(g, _):
        b = pl.multiple_of(g * 208, 208)
        for j in range(13):
            pos = j * 16 + lax.iota(jnp.int32, 16)
            off = lax.rem(pos, N_FIELDS) * CARD
            idx_v[pl.ds(b + j * 16, 16)] = idx_v[pl.ds(b + j * 16, 16)] + off
        return _

    lax.fori_loop(0, IDX_W // 208, add_offsets, None)

    def fire(blk, buf, gsem):
        iblk = pl.multiple_of(blk * BLK_IDX, BLK_IDX)

        @plsc.parallel_loop(0, BLK_IDX // 16, 1)
        def fire_grp(g):
            vec = idx_v[pl.ds(pl.multiple_of(iblk + g * 16, 16), 16)]
            d = g * 16
            for l in range(16):
                row = vec[l]
                pltpu.async_copy(
                    table_ref.at[pl.ds(row, 1), :],
                    buf.at[pl.ds(d + l, 1), :],
                    gsem,
                )

    def drain_store(blk, buf, gsem):
        pltpu.make_async_copy(out_ref.at[pl.ds(0, BLK_IDX), :], buf, gsem).wait()
        o = pl.multiple_of(ibase + blk * BLK_IDX, 8)
        pltpu.make_async_copy(buf, out_ref.at[pl.ds(o, BLK_IDX), :], osem).start()

    def wait_store(buf):
        pltpu.make_async_copy(out_ref.at[pl.ds(0, BLK_IDX), :], buf, osem).wait()

    fire(0, buf_v.at[0], gsem0)
    fire(1, buf_v.at[1], gsem1)
    drain_store(0, buf_v.at[0], gsem0)

    def do_super(s, _):
        a = 2 * s
        wait_store(buf_v.at[0])
        fire(a, buf_v.at[0], gsem0)
        drain_store(a - 1, buf_v.at[1], gsem1)
        wait_store(buf_v.at[1])
        fire(a + 1, buf_v.at[1], gsem1)
        drain_store(a, buf_v.at[0], gsem0)
        return _

    lax.fori_loop(1, NBLK // 2, do_super, None)
    drain_store(NBLK - 1, buf_v.at[1], gsem1)
    wait_store(buf_v.at[0])
    wait_store(buf_v.at[1])


def kernel(x_cat, tables):
    x_flat = x_cat.reshape(BATCH * N_FIELDS)
    table2d = tables.reshape(N_FIELDS * CARD, DIM)
    out = _embed_gather(x_flat, table2d)
    return out.reshape(BATCH, OUT_W)

# --- scband reference (transcript-rebuilt; emitter-appended) ---
"""Pipeline reference for scband-cat-embed-31619549233513 (READ-ONLY COPY).

The authoritative reference and input builder live on the scoring server;
editing this copy changes nothing except your own understanding.
"""

import jax, jax.numpy as jnp
import numpy as np

N_FIELDS = 26
CARD = 100000
DIM = 24  # emb_dim_from_card(100000) = clip(round(1.8*100000**0.25),4,24) = 24
BATCH = 16384


def setup_inputs(seed: int = 0) -> dict:
    key = jax.random.key(seed)
    k1, k2 = jax.random.split(key)
    x_cat = jax.random.randint(k1, (BATCH, N_FIELDS), 0, CARD, dtype=jnp.int32)
    # all 26 fields share cardinality 100000 and dim 24, so stack tables into one array
    tables = 0.02 * jax.random.normal(k2, (N_FIELDS, CARD, DIM), dtype=jnp.float32)
    return {"x_cat": x_cat, "tables": tables}


def reference(x_cat, tables):
    # CatEmbed.forward: concat per-field embedding lookups along feature dim
    outs = [jnp.take(tables[i], x_cat[:, i], axis=0) for i in range(N_FIELDS)]
    return jnp.concatenate(outs, axis=1)  # [BATCH, N_FIELDS*DIM] = [16384, 624]

if __name__ == "__main__":
    import jax
    _d = setup_inputs()
    print(jax.jit(kernel)(*tuple(_d.values())))

</pallas_src>

<mosaic_0001>
#map = affine_map<(d0, d1) -> (0)>
#map1 = affine_map<(d0, d1) -> (0, 0)>
module attributes {stable_mosaic.version = 14 : i64} {
  func.func @_embed_gather(%arg0: i32, %arg1: i32, %arg2: memref<425984xi32, #tpu.memory_space<hbm>>, %arg3: memref<2600000x24xf32, #tpu.memory_space<hbm>>, %arg4: memref<425984x24xf32, #tpu.memory_space<hbm>>, %arg5: memref<13312xi32, #tpu.memory_space<vmem>>, %arg6: memref<2x416x24xf32, #tpu.memory_space<vmem>>, %arg7: memref<!tpu.dma_semaphore, #tpu.memory_space<semaphore_mem>>, %arg8: memref<!tpu.dma_semaphore, #tpu.memory_space<semaphore_mem>>, %arg9: memref<!tpu.dma_semaphore, #tpu.memory_space<semaphore_mem>>) attributes {dimension_semantics = [#tpu.dimension_semantics<core_parallel>, #tpu.dimension_semantics<subcore_parallel>], iteration_bounds = array<i64: 2, 16>, scalar_prefetch = 0 : i64, scratch_operands = 5 : i64, tpu.core_type = #tpu.core_type<sc_vector_subcore>, window_params = [{transform_indices = #map}, {transform_indices = #map1}, {transform_indices = #map1}]} {
    %mul3A = arith.constant 2 : i32
    %mul3A_0 = arith.muli %arg1, %mul3A : i32
    %add3A = arith.addi %mul3A_0, %arg0 : i32
    %mul3A_1 = arith.constant 13312 : i32
    %mul3A_2 = arith.muli %add3A, %mul3A_1 : i32
    %multiple_of3A = tpu.assume_multiple %mul3A_2, 13312 : i32
    "tpu.region"() ({
      %run_scoped3A = tpu.sem_alloc : memref<!tpu.dma_semaphore, #tpu.memory_space<semaphore_mem>>
      %dma_start3A_113 = tpu.memref_slice %arg2[%multiple_of3A] : memref<425984xi32, #tpu.memory_space<hbm>> -> memref<13312xi32, #tpu.memory_space<hbm>>
      %dma_start3A_114 = tpu.memref_slice %arg2[%multiple_of3A] : memref<425984xi32, #tpu.memory_space<hbm>> -> memref<13312xi32, #tpu.memory_space<hbm>>
      tpu.enqueue_dma source(%dma_start3A_114 : memref<13312xi32, #tpu.memory_space<hbm>>) target(%arg5 : memref<13312xi32, #tpu.memory_space<vmem>>) target_semaphore(%run_scoped3A : memref<!tpu.dma_semaphore, #tpu.memory_space<semaphore_mem>>)
      %dma_wait3A_115 = tpu.memref_slice %arg2[%multiple_of3A] : memref<425984xi32, #tpu.memory_space<hbm>> -> memref<13312xi32, #tpu.memory_space<hbm>>
      %dma_wait3A_116 = tpu.memref_slice %arg2[%multiple_of3A] : memref<425984xi32, #tpu.memory_space<hbm>> -> memref<13312xi32, #tpu.memory_space<hbm>>
      tpu.wait_dma2 semaphore(%run_scoped3A : memref<!tpu.dma_semaphore, #tpu.memory_space<semaphore_mem>>) src(%dma_wait3A_116 : memref<13312xi32, #tpu.memory_space<hbm>>) dst(%arg5 : memref<13312xi32, #tpu.memory_space<vmem>>)
      tpu.yield
    }) : () -> ()
    %scan3A = arith.constant 0 : i32
    %scan3A_3 = arith.constant 64 : i32
    %scan3A_4 = arith.addi %scan3A, %scan3A_3 : i32
    %scan3A_5 = arith.constant 1 : i32
    scf.for %scan3A_113 = %scan3A to %scan3A_4 step %scan3A_5  : i32 {
      %mul3A_114 = arith.constant 208 : i32
      %mul3A_115 = arith.muli %scan3A_113, %mul3A_114 : i32
      %multiple_of3A_116 = tpu.assume_multiple %mul3A_115, 208 : i32
      %iota3A = tpu.iota {dimensions = array<i32: 0>} : vector<16xi32>
      %add3A_117 = arith.constant 0 : i32
      %add3A_118 = vector.broadcast %add3A_117 : i32 to vector<16xi32>
      %add3A_119 = arith.addi %add3A_118, %iota3A : vector<16xi32>
      %rem3A = arith.constant 26 : i32
      %rem3A_120 = vector.broadcast %rem3A : i32 to vector<16xi32>
      %rem3A_121 = arith.remsi %add3A_119, %rem3A_120 : vector<16xi32>
      %mul3A_122 = arith.constant 100000 : i32
      %mul3A_123 = vector.broadcast %mul3A_122 : i32 to vector<16xi32>
      %mul3A_124 = arith.muli %rem3A_121, %mul3A_123 : vector<16xi32>
      %add3A_125 = arith.constant 0 : i32
      %add3A_126 = arith.addi %multiple_of3A_116, %add3A_125 : i32
      %get3A = arith.index_cast %add3A_126 : i32 to index
      %get3A_127 = tpu.vector_load %arg5[%get3A] {strides = array<i32>} : memref<13312xi32, #tpu.memory_space<vmem>>, vector<16xi32>,
      %get3A_128 = vector.shape_cast %get3A_127 : vector<16xi32> to vector<16xi32>
      %add3A_129 = arith.addi %get3A_128, %mul3A_124 : vector<16xi32>
      %add3A_130 = arith.constant 0 : i32
      %add3A_131 = arith.addi %multiple_of3A_116, %add3A_130 : i32
      %swap3A = arith.index_cast %add3A_131 : i32 to index
      %swap3A_132 = tpu.vector_load %arg5[%swap3A] {strides = array<i32>} : memref<13312xi32, #tpu.memory_space<vmem>>, vector<16xi32>,
      %swap3A_133 = vector.shape_cast %swap3A_132 : vector<16xi32> to vector<16xi32>
      %swap3A_134 = vector.shape_cast %add3A_129 : vector<16xi32> to vector<16xi32>
      tpu.vector_store %arg5[%swap3A], %swap3A_134 {strides = array<i32>} : memref<13312xi32, #tpu.memory_space<vmem>>, vector<16xi32>,
      %iota3A_135 = tpu.iota {dimensions = array<i32: 0>} : vector<16xi32>
      %add3A_136 = arith.constant 16 : i32
      %add3A_137 = vector.broadcast %add3A_136 : i32 to vector<16xi32>
      %add3A_138 = arith.addi %add3A_137, %iota3A_135 : vector<16xi32>
      %rem3A_139 = arith.constant 26 : i32
      %rem3A_140 = vector.broadcast %rem3A_139 : i32 to vector<16xi32>
      %rem3A_141 = arith.remsi %add3A_138, %rem3A_140 : vector<16xi32>
      %mul3A_142 = arith.constant 100000 : i32
      %mul3A_143 = vector.broadcast %mul3A_142 : i32 to vector<16xi32>
      %mul3A_144 = arith.muli %rem3A_141, %mul3A_143 : vector<16xi32>
      %add3A_145 = arith.constant 16 : i32
      %add3A_146 = arith.addi %multiple_of3A_116, %add3A_145 : i32
      %get3A_147 = arith.index_cast %add3A_146 : i32 to index
      %get3A_148 = tpu.vector_load %arg5[%get3A_147] {strides = array<i32>} : memref<13312xi32, #tpu.memory_space<vmem>>, vector<16xi32>,
      %get3A_149 = vector.shape_cast %get3A_148 : vector<16xi32> to vector<16xi32>
      %add3A_150 = arith.addi %get3A_149, %mul3A_144 : vector<16xi32>
      %add3A_151 = arith.constant 16 : i32
      %add3A_152 = arith.addi %multiple_of3A_116, %add3A_151 : i32
      %swap3A_153 = arith.index_cast %add3A_152 : i32 to index
      %swap3A_154 = tpu.vector_load %arg5[%swap3A_153] {strides = array<i32>} : memref<13312xi32, #tpu.memory_space<vmem>>, vector<16xi32>,
      %swap3A_155 = vector.shape_cast %swap3A_154 : vector<16xi32> to vector<16xi32>
      %swap3A_156 = vector.shape_cast %add3A_150 : vector<16xi32> to vector<16xi32>
      tpu.vector_store %arg5[%swap3A_153], %swap3A_156 {strides = array<i32>} : memref<13312xi32, #tpu.memory_space<vmem>>, vector<16xi32>,
      %iota3A_157 = tpu.iota {dimensions = array<i32: 0>} : vector<16xi32>
      %add3A_158 = arith.constant 32 : i32
      %add3A_159 = vector.broadcast %add3A_158 : i32 to vector<16xi32>
      %add3A_160 = arith.addi %add3A_159, %iota3A_157 : vector<16xi32>
      %rem3A_161 = arith.constant 26 : i32
      %rem3A_162 = vector.broadcast %rem3A_161 : i32 to vector<16xi32>
      %rem3A_163 = arith.remsi %add3A_160, %rem3A_162 : vector<16xi32>
      %mul3A_164 = arith.constant 100000 : i32
      %mul3A_165 = vector.broadcast %mul3A_164 : i32 to vector<16xi32>
      %mul3A_166 = arith.muli %rem3A_163, %mul3A_165 : vector<16xi32>
      %add3A_167 = arith.constant 32 : i32
      %add3A_168 = arith.addi %multiple_of3A_116, %add3A_167 : i32
      %get3A_169 = arith.index_cast %add3A_168 : i32 to index
      %get3A_170 = tpu.vector_load %arg5[%get3A_169] {strides = array<i32>} : memref<13312xi32, #tpu.memory_space<vmem>>, vector<16xi32>,
      %get3A_171 = vector.shape_cast %get3A_170 : vector<16xi32> to vector<16xi32>
      %add3A_172 = arith.addi %get3A_171, %mul3A_166 : vector<16xi32>
      %add3A_173 = arith.constant 32 : i32
      %add3A_174 = arith.addi %multiple_of3A_116, %add3A_173 : i32
      %swap3A_175 = arith.index_cast %add3A_174 : i32 to index
      %swap3A_176 = tpu.vector_load %arg5[%swap3A_175] {strides = array<i32>} : memref<13312xi32, #tpu.memory_space<vmem>>, vector<16xi32>,
      %swap3A_177 = vector.shape_cast %swap3A_176 : vector<16xi32> to vector<16xi32>
      %swap3A_178 = vector.shape_cast %add3A_172 : vector<16xi32> to vector<16xi32>
      tpu.vector_store %arg5[%swap3A_175], %swap3A_178 {strides = array<i32>} : memref<13312xi32, #tpu.memory_space<vmem>>, vector<16xi32>,
      %iota3A_179 = tpu.iota {dimensions = array<i32: 0>} : vector<16xi32>
      %add3A_180 = arith.constant 48 : i32
      %add3A_181 = vector.broadcast %add3A_180 : i32 to vector<16xi32>
      %add3A_182 = arith.addi %add3A_181, %iota3A_179 : vector<16xi32>
      %rem3A_183 = arith.constant 26 : i32
      %rem3A_184 = vector.broadcast %rem3A_183 : i32 to vector<16xi32>
      %rem3A_185 = arith.remsi %add3A_182, %rem3A_184 : vector<16xi32>
      %mul3A_186 = arith.constant 100000 : i32
      %mul3A_187 = vector.broadcast %mul3A_186 : i32 to vector<16xi32>
      %mul3A_188 = arith.muli %rem3A_185, %mul3A_187 : vector<16xi32>
      %add3A_189 = arith.constant 48 : i32
      %add3A_190 = arith.addi %multiple_of3A_116, %add3A_189 : i32
      %get3A_191 = arith.index_cast %add3A_190 : i32 to index
      %get3A_192 = tpu.vector_load %arg5[%get3A_191] {strides = array<i32>} : memref<13312xi32, #tpu.memory_space<vmem>>, vector<16xi32>,
      %get3A_193 = vector.shape_cast %get3A_192 : vector<16xi32> to vector<16xi32>
      %add3A_194 = arith.addi %get3A_193, %mul3A_188 : vector<16xi32>
      %add3A_195 = arith.constant 48 : i32
      %add3A_196 = arith.addi %multiple_of3A_116, %add3A_195 : i32
      %swap3A_197 = arith.index_cast %add3A_196 : i32 to index
      %swap3A_198 = tpu.vector_load %arg5[%swap3A_197] {strides = array<i32>} : memref<13312xi32, #tpu.memory_space<vmem>>, vector<16xi32>,
      %swap3A_199 = vector.shape_cast %swap3A_198 : vector<16xi32> to vector<16xi32>
      %swap3A_200 = vector.shape_cast %add3A_194 : vector<16xi32> to vector<16xi32>
      tpu.vector_store %arg5[%swap3A_197], %swap3A_200 {strides = array<i32>} : memref<13312xi32, #tpu.memory_space<vmem>>, vector<16xi32>,
      %iota3A_201 = tpu.iota {dimensions = array<i32: 0>} : vector<16xi32>
      %add3A_202 = arith.constant 64 : i32
      %add3A_203 = vector.broadcast %add3A_202 : i32 to vector<16xi32>
      %add3A_204 = arith.addi %add3A_203, %iota3A_201 : vector<16xi32>
      %rem3A_205 = arith.constant 26 : i32
      %rem3A_206 = vector.broadcast %rem3A_205 : i32 to vector<16xi32>
      %rem3A_207 = arith.remsi %add3A_204, %rem3A_206 : vector<16xi32>
      %mul3A_208 = arith.constant 100000 : i32
      %mul3A_209 = vector.broadcast %mul3A_208 : i32 to vector<16xi32>
      %mul3A_210 = arith.muli %rem3A_207, %mul3A_209 : vector<16xi32>
      %add3A_211 = arith.constant 64 : i32
      %add3A_212 = arith.addi %multiple_of3A_116, %add3A_211 : i32
      %get3A_213 = arith.index_cast %add3A_212 : i32 to index
      %get3A_214 = tpu.vector_load %arg5[%get3A_213] {strides = array<i32>} : memref<13312xi32, #tpu.memory_space<vmem>>, vector<16xi32>,
      %get3A_215 = vector.shape_cast %get3A_214 : vector<16xi32> to vector<16xi32>
      %add3A_216 = arith.addi %get3A_215, %mul3A_210 : vector<16xi32>
      %add3A_217 = arith.constant 64 : i32
      %add3A_218 = arith.addi %multiple_of3A_116, %add3A_217 : i32
      %swap3A_219 = arith.index_cast %add3A_218 : i32 to index
      %swap3A_220 = tpu.vector_load %arg5[%swap3A_219] {strides = array<i32>} : memref<13312xi32, #tpu.memory_space<vmem>>, vector<16xi32>,
      %swap3A_221 = vector.shape_cast %swap3A_220 : vector<16xi32> to vector<16xi32>
      %swap3A_222 = vector.shape_cast %add3A_216 : vector<16xi32> to vector<16xi32>
      tpu.vector_store %arg5[%swap3A_219], %swap3A_222 {strides = array<i32>} : memref<13312xi32, #tpu.memory_space<vmem>>, vector<16xi32>,
      %iota3A_223 = tpu.iota {dimensions = array<i32: 0>} : vector<16xi32>
      %add3A_224 = arith.constant 80 : i32
      %add3A_225 = vector.broadcast %add3A_224 : i32 to vector<16xi32>
      %add3A_226 = arith.addi %add3A_225, %iota3A_223 : vector<16xi32>
      %rem3A_227 = arith.constant 26 : i32
      %rem3A_228 = vector.broadcast %rem3A_227 : i32 to vector<16xi32>
      %rem3A_229 = arith.remsi %add3A_226, %rem3A_228 : vector<16xi32>
      %mul3A_230 = arith.constant 100000 : i32
      %mul3A_231 = vector.broadcast %mul3A_230 : i32 to vector<16xi32>
      %mul3A_232 = arith.muli %rem3A_229, %mul3A_231 : vector<16xi32>
      %add3A_233 = arith.constant 80 : i32
      %add3A_234 = arith.addi %multiple_of3A_116, %add3A_233 : i32
      %get3A_235 = arith.index_cast %add3A_234 : i32 to index
      %get3A_236 = tpu.vector_load %arg5[%get3A_235] {strides = array<i32>} : memref<13312xi32, #tpu.memory_space<vmem>>, vector<16xi32>,
      %get3A_237 = vector.shape_cast %get3A_236 : vector<16xi32> to vector<16xi32>
      %add3A_238 = arith.addi %get3A_237, %mul3A_232 : vector<16xi32>
      %add3A_239 = arith.constant 80 : i32
      %add3A_240 = arith.addi %multiple_of3A_116, %add3A_239 : i32
      %swap3A_241 = arith.index_cast %add3A_240 : i32 to index
      %swap3A_242 = tpu.vector_load %arg5[%swap3A_241] {strides = array<i32>} : memref<13312xi32, #tpu.memory_space<vmem>>, vector<16xi32>,
      %swap3A_243 = vector.shape_cast %swap3A_242 : vector<16xi32> to vector<16xi32>
      %swap3A_244 = vector.shape_cast %add3A_238 : vector<16xi32> to vector<16xi32>
      tpu.vector_store %arg5[%swap3A_241], %swap3A_244 {strides = array<i32>} : memref<13312xi32, #tpu.memory_space<vmem>>, vector<16xi32>,
      %iota3A_245 = tpu.iota {dimensions = array<i32: 0>} : vector<16xi32>
      %add3A_246 = arith.constant 96 : i32
      %add3A_247 = vector.broadcast %add3A_246 : i32 to vector<16xi32>
      %add3A_248 = arith.addi %add3A_247, %iota3A_245 : vector<16xi32>
      %rem3A_249 = arith.constant 26 : i32
      %rem3A_250 = vector.broadcast %rem3A_249 : i32 to vector<16xi32>
      %rem3A_251 = arith.remsi %add3A_248, %rem3A_250 : vector<16xi32>
      %mul3A_252 = arith.constant 100000 : i32
      %mul3A_253 = vector.broadcast %mul3A_252 : i32 to vector<16xi32>
      %mul3A_254 = arith.muli %rem3A_251, %mul3A_253 : vector<16xi32>
      %add3A_255 = arith.constant 96 : i32
      %add3A_256 = arith.addi %multiple_of3A_116, %add3A_255 : i32
      %get3A_257 = arith.index_cast %add3A_256 : i32 to index
      %get3A_258 = tpu.vector_load %arg5[%get3A_257] {strides = array<i32>} : memref<13312xi32, #tpu.memory_space<vmem>>, vector<16xi32>,
      %get3A_259 = vector.shape_cast %get3A_258 : vector<16xi32> to vector<16xi32>
      %add3A_260 = arith.addi %get3A_259, %mul3A_254 : vector<16xi32>
      %add3A_261 = arith.constant 96 : i32
      %add3A_262 = arith.addi %multiple_of3A_116, %add3A_261 : i32
      %swap3A_263 = arith.index_cast %add3A_262 : i32 to index
      %swap3A_264 = tpu.vector_load %arg5[%swap3A_263] {strides = array<i32>} : memref<13312xi32, #tpu.memory_space<vmem>>, vector<16xi32>,
      %swap3A_265 = vector.shape_cast %swap3A_264 : vector<16xi32> to vector<16xi32>
      %swap3A_266 = vector.shape_cast %add3A_260 : vector<16xi32> to vector<16xi32>
      tpu.vector_store %arg5[%swap3A_263], %swap3A_266 {strides = array<i32>} : memref<13312xi32, #tpu.memory_space<vmem>>, vector<16xi32>,
      %iota3A_267 = tpu.iota {dimensions = array<i32: 0>} : vector<16xi32>
      %add3A_268 = arith.constant 112 : i32
      %add3A_269 = vector.broadcast %add3A_268 : i32 to vector<16xi32>
      %add3A_270 = arith.addi %add3A_269, %iota3A_267 : vector<16xi32>
      %rem3A_271 = arith.constant 26 : i32
      %rem3A_272 = vector.broadcast %rem3A_271 : i32 to vector<16xi32>
      %rem3A_273 = arith.remsi %add3A_270, %rem3A_272 : vector<16xi32>
      %mul3A_274 = arith.constant 100000 : i32
      %mul3A_275 = vector.broadcast %mul3A_274 : i32 to vector<16xi32>
      %mul3A_276 = arith.muli %rem3A_273, %mul3A_275 : vector<16xi32>
      %add3A_277 = arith.constant 112 : i32
      %add3A_278 = arith.addi %multiple_of3A_116, %add3A_277 : i32
      %get3A_279 = arith.index_cast %add3A_278 : i32 to index
      %get3A_280 = tpu.vector_load %arg5[%get3A_279] {strides = array<i32>} : memref<13312xi32, #tpu.memory_space<vmem>>, vector<16xi32>,
      %get3A_281 = vector.shape_cast %get3A_280 : vector<16xi32> to vector<16xi32>
      %add3A_282 = arith.addi %get3A_281, %mul3A_276 : vector<16xi32>
      %add3A_283 = arith.constant 112 : i32
      %add3A_284 = arith.addi %multiple_of3A_116, %add3A_283 : i32
      %swap3A_285 = arith.index_cast %add3A_284 : i32 to index
      %swap3A_286 = tpu.vector_load %arg5[%swap3A_285] {strides = array<i32>} : memref<13312xi32, #tpu.memory_space<vmem>>, vector<16xi32>,
      %swap3A_287 = vector.shape_cast %swap3A_286 : vector<16xi32> to vector<16xi32>
      %swap3A_288 = vector.shape_cast %add3A_282 : vector<16xi32> to vector<16xi32>
      tpu.vector_store %arg5[%swap3A_285], %swap3A_288 {strides = array<i32>} : memref<13312xi32, #tpu.memory_space<vmem>>, vector<16xi32>,
      %iota3A_289 = tpu.iota {dimensions = array<i32: 0>} : vector<16xi32>
      %add3A_290 = arith.constant 128 : i32
      %add3A_291 = vector.broadcast %add3A_290 : i32 to vector<16xi32>
      %add3A_292 = arith.addi %add3A_291, %iota3A_289 : vector<16xi32>
      %rem3A_293 = arith.constant 26 : i32
      %rem3A_294 = vector.broadcast %rem3A_293 : i32 to vector<16xi32>
      %rem3A_295 = arith.remsi %add3A_292, %rem3A_294 : vector<16xi32>
      %mul3A_296 = arith.constant 100000 : i32
      %mul3A_297 = vector.broadcast %mul3A_296 : i32 to vector<16xi32>
      %mul3A_298 = arith.muli %rem3A_295, %mul3A_297 : vector<16xi32>
      %add3A_299 = arith.constant 128 : i32
      %add3A_300 = arith.addi %multiple_of3A_116, %add3A_299 : i32
      %get3A_301 = arith.index_cast %add3A_300 : i32 to index
      %get3A_302 = tpu.vector_load %arg5[%get3A_301] {strides = array<i32>} : memref<13312xi32, #tpu.memory_space<vmem>>, vector<16xi32>,
      %get3A_303 = vector.shape_cast %get3A_302 : vector<16xi32> to vector<16xi32>
      %add3A_304 = arith.addi %get3A_303, %mul3A_298 : vector<16xi32>
      %add3A_305 = arith.constant 128 : i32
      %add3A_306 = arith.addi %multiple_of3A_116, %add3A_305 : i32
      %swap3A_307 = arith.index_cast %add3A_306 : i32 to index
      %swap3A_308 = tpu.vector_load %arg5[%swap3A_307] {strides = array<i32>} : memref<13312xi32, #tpu.memory_space<vmem>>, vector<16xi32>,
      %swap3A_309 = vector.shape_cast %swap3A_308 : vector<16xi32> to vector<16xi32>
      %swap3A_310 = vector.shape_cast %add3A_304 : vector<16xi32> to vector<16xi32>
      tpu.vector_store %arg5[%swap3A_307], %swap3A_310 {strides = array<i32>} : memref<13312xi32, #tpu.memory_space<vmem>>, vector<16xi32>,
      %iota3A_311 = tpu.iota {dimensions = array<i32: 0>} : vector<16xi32>
      %add3A_312 = arith.constant 144 : i32
      %add3A_313 = vector.broadcast %add3A_312 : i32 to vector<16xi32>
      %add3A_314 = arith.addi %add3A_313, %iota3A_311 : vector<16xi32>
      %rem3A_315 = arith.constant 26 : i32
      %rem3A_316 = vector.broadcast %rem3A_315 : i32 to vector<16xi32>
      %rem3A_317 = arith.remsi %add3A_314, %rem3A_316 : vector<16xi32>
      %mul3A_318 = arith.constant 100000 : i32
      %mul3A_319 = vector.broadcast %mul3A_318 : i32 to vector<16xi32>
      %mul3A_320 = arith.muli %rem3A_317, %mul3A_319 : vector<16xi32>
      %add3A_321 = arith.constant 144 : i32
      %add3A_322 = arith.addi %multiple_of3A_116, %add3A_321 : i32
      %get3A_323 = arith.index_cast %add3A_322 : i32 to index
      %get3A_324 = tpu.vector_load %arg5[%get3A_323] {strides = array<i32>} : memref<13312xi32, #tpu.memory_space<vmem>>, vector<16xi32>,
      %get3A_325 = vector.shape_cast %get3A_324 : vector<16xi32> to vector<16xi32>
      %add3A_326 = arith.addi %get3A_325, %mul3A_320 : vector<16xi32>
      %add3A_327 = arith.constant 144 : i32
      %add3A_328 = arith.addi %multiple_of3A_116, %add3A_327 : i32
      %swap3A_329 = arith.index_cast %add3A_328 : i32 to index
      %swap3A_330 = tpu.vector_load %arg5[%swap3A_329] {strides = array<i32>} : memref<13312xi32, #tpu.memory_space<vmem>>, vector<16xi32>,
      %swap3A_331 = vector.shape_cast %swap3A_330 : vector<16xi32> to vector<16xi32>
      %swap3A_332 = vector.shape_cast %add3A_326 : vector<16xi32> to vector<16xi32>
      tpu.vector_store %arg5[%swap3A_329], %swap3A_332 {strides = array<i32>} : memref<13312xi32, #tpu.memory_space<vmem>>, vector<16xi32>,
      %iota3A_333 = tpu.iota {dimensions = array<i32: 0>} : vector<16xi32>
      %add3A_334 = arith.constant 160 : i32
      %add3A_335 = vector.broadcast %add3A_334 : i32 to vector<16xi32>
      %add3A_336 = arith.addi %add3A_335, %iota3A_333 : vector<16xi32>
      %rem3A_337 = arith.constant 26 : i32
      %rem3A_338 = vector.broadcast %rem3A_337 : i32 to vector<16xi32>
      %rem3A_339 = arith.remsi %add3A_336, %rem3A_338 : vector<16xi32>
      %mul3A_340 = arith.constant 100000 : i32
      %mul3A_341 = vector.broadcast %mul3A_340 : i32 to vector<16xi32>
      %mul3A_342 = arith.muli %rem3A_339, %mul3A_341 : vector<16xi32>
      %add3A_343 = arith.constant 160 : i32
      %add3A_344 = arith.addi %multiple_of3A_116, %add3A_343 : i32
      %get3A_345 = arith.index_cast %add3A_344 : i32 to index
      %get3A_346 = tpu.vector_load %arg5[%get3A_345] {strides = array<i32>} : memref<13312xi32, #tpu.memory_space<vmem>>, vector<16xi32>,
      %get3A_347 = vector.shape_cast %get3A_346 : vector<16xi32> to vector<16xi32>
      %add3A_348 = arith.addi %get3A_347, %mul3A_342 : vector<16xi32>
      %add3A_349 = arith.constant 160 : i32
      %add3A_350 = arith.addi %multiple_of3A_116, %add3A_349 : i32
      %swap3A_351 = arith.index_cast %add3A_350 : i32 to index
      %swap3A_352 = tpu.vector_load %arg5[%swap3A_351] {strides = array<i32>} : memref<13312xi32, #tpu.memory_space<vmem>>, vector<16xi32>,
      %swap3A_353 = vector.shape_cast %swap3A_352 : vector<16xi32> to vector<16xi32>
      %swap3A_354 = vector.shape_cast %add3A_348 : vector<16xi32> to vector<16xi32>
      tpu.vector_store %arg5[%swap3A_351], %swap3A_354 {strides = array<i32>} : memref<13312xi32, #tpu.memory_space<vmem>>, vector<16xi32>,
      %iota3A_355 = tpu.iota {dimensions = array<i32: 0>} : vector<16xi32>
      %add3A_356 = arith.constant 176 : i32
      %add3A_357 = vector.broadcast %add3A_356 : i32 to vector<16xi32>
      %add3A_358 = arith.addi %add3A_357, %iota3A_355 : vector<16xi32>
      %rem3A_359 = arith.constant 26 : i32
      %rem3A_360 = vector.broadcast %rem3A_359 : i32 to vector<16xi32>
      %rem3A_361 = arith.remsi %add3A_358, %rem3A_360 : vector<16xi32>
      %mul3A_362 = arith.constant 100000 : i32
      %mul3A_363 = vector.broadcast %mul3A_362 : i32 to vector<16xi32>
      %mul3A_364 = arith.muli %rem3A_361, %mul3A_363 : vector<16xi32>
      %add3A_365 = arith.constant 176 : i32
      %add3A_366 = arith.addi %multiple_of3A_116, %add3A_365 : i32
      %get3A_367 = arith.index_cast %add3A_366 : i32 to index
      %get3A_368 = tpu.vector_load %arg5[%get3A_367] {strides = array<i32>} : memref<13312xi32, #tpu.memory_space<vmem>>, vector<16xi32>,
      %get3A_369 = vector.shape_cast %get3A_368 : vector<16xi32> to vector<16xi32>
      %add3A_370 = arith.addi %get3A_369, %mul3A_364 : vector<16xi32>
      %add3A_371 = arith.constant 176 : i32
      %add3A_372 = arith.addi %multiple_of3A_116, %add3A_371 : i32
      %swap3A_373 = arith.index_cast %add3A_372 : i32 to index
      %swap3A_374 = tpu.vector_load %arg5[%swap3A_373] {strides = array<i32>} : memref<13312xi32, #tpu.memory_space<vmem>>, vector<16xi32>,
      %swap3A_375 = vector.shape_cast %swap3A_374 : vector<16xi32> to vector<16xi32>
      %swap3A_376 = vector.shape_cast %add3A_370 : vector<16xi32> to vector<16xi32>
      tpu.vector_store %arg5[%swap3A_373], %swap3A_376 {strides = array<i32>} : memref<13312xi32, #tpu.memory_space<vmem>>, vector<16xi32>,
      %iota3A_377 = tpu.iota {dimensions = array<i32: 0>} : vector<16xi32>
      %add3A_378 = arith.constant 192 : i32
      %add3A_379 = vector.broadcast %add3A_378 : i32 to vector<16xi32>
      %add3A_380 = arith.addi %add3A_379, %iota3A_377 : vector<16xi32>
      %rem3A_381 = arith.constant 26 : i32
      %rem3A_382 = vector.broadcast %rem3A_381 : i32 to vector<16xi32>
      %rem3A_383 = arith.remsi %add3A_380, %rem3A_382 : vector<16xi32>
      %mul3A_384 = arith.constant 100000 : i32
      %mul3A_385 = vector.broadcast %mul3A_384 : i32 to vector<16xi32>
      %mul3A_386 = arith.muli %rem3A_383, %mul3A_385 : vector<16xi32>
      %add3A_387 = arith.constant 192 : i32
      %add3A_388 = arith.addi %multiple_of3A_116, %add3A_387 : i32
      %get3A_389 = arith.index_cast %add3A_388 : i32 to index
      %get3A_390 = tpu.vector_load %arg5[%get3A_389] {strides = array<i32>} : memref<13312xi32, #tpu.memory_space<vmem>>, vector<16xi32>,
      %get3A_391 = vector.shape_cast %get3A_390 : vector<16xi32> to vector<16xi32>
      %add3A_392 = arith.addi %get3A_391, %mul3A_386 : vector<16xi32>
      %add3A_393 = arith.constant 192 : i32
      %add3A_394 = arith.addi %multiple_of3A_116, %add3A_393 : i32
      %swap3A_395 = arith.index_cast %add3A_394 : i32 to index
      %swap3A_396 = tpu.vector_load %arg5[%swap3A_395] {strides = array<i32>} : memref<13312xi32, #tpu.memory_space<vmem>>, vector<16xi32>,
      %swap3A_397 = vector.shape_cast %swap3A_396 : vector<16xi32> to vector<16xi32>
      %swap3A_398 = vector.shape_cast %add3A_392 : vector<16xi32> to vector<16xi32>
      tpu.vector_store %arg5[%swap3A_395], %swap3A_398 {strides = array<i32>} : memref<13312xi32, #tpu.memory_space<vmem>>, vector<16xi32>,
    }
    %scan3A_6 = arith.constant 64 : i32
    %multiple_of3A_7 = arith.constant 0 : i32
    %multiple_of3A_8 = tpu.assume_multiple %multiple_of3A_7, 416 : i32
    %parallel_loop3A = arith.constant 0 : i32
    %parallel_loop3A_9 = arith.constant 26 : i32
    %parallel_loop3A_10 = arith.constant 1 : i32
    %parallel_loop3A_11 = arith.constant 0 : i32
    scf.for %parallel_loop3A_113 = %parallel_loop3A to %parallel_loop3A_9 step %parallel_loop3A_10  : i32 {
      %parallel_loop3A_114 = arith.constant 16 : i32
      %parallel_loop3A_115 = arith.muli %parallel_loop3A_113, %parallel_loop3A_114 : i32
      %parallel_loop3A_116 = arith.addi %multiple_of3A_8, %parallel_loop3A_115 : i32
      %parallel_loop3A_117 = tpu.assume_multiple %parallel_loop3A_116, 16 : i32
      %parallel_loop3A_118 = arith.index_cast %parallel_loop3A_117 : i32 to index
      %parallel_loop3A_119 = tpu.vector_load %arg5[%parallel_loop3A_118] {strides = array<i32>} : memref<13312xi32, #tpu.memory_space<vmem>>, vector<16xi32>,
      %parallel_loop3A_120 = vector.shape_cast %parallel_loop3A_119 : vector<16xi32> to vector<16xi32>
      %parallel_loop3A_121 = arith.constant 16 : i32
      %parallel_loop3A_122 = arith.muli %parallel_loop3A_113, %parallel_loop3A_121 : i32
      %parallel_loop3A_123 = vector.extract_strided_slice %parallel_loop3A_120 {offsets = [0], sizes = [1], strides = [1]} : vector<16xi32> to vector<1xi32>
      %parallel_loop3A_124 = vector.extract %parallel_loop3A_123[0] : i32 from vector<1xi32>
      %parallel_loop3A_125 = arith.constant 0 : i32
      %parallel_loop3A_126 = arith.addi %parallel_loop3A_122, %parallel_loop3A_125 : i32
      %parallel_loop3A_127 = arith.constant 0 : i32
      %parallel_loop3A_128 = arith.constant 0 : i32
      %parallel_loop3A_129 = tpu.memref_slice %arg6[%parallel_loop3A_11, %parallel_loop3A_127, %parallel_loop3A_128] : memref<2x416x24xf32, #tpu.memory_space<vmem>> -> memref<1x416x24xf32, #tpu.memory_space<vmem>>
      %parallel_loop3A_130 = tpu.memref_squeeze %parallel_loop3A_129 : memref<1x416x24xf32, #tpu.memory_space<vmem>> -> memref<416x24xf32, #tpu.memory_space<vmem>>
      %parallel_loop3A_131 = arith.constant 0 : i32
      %parallel_loop3A_132 = tpu.memref_slice %parallel_loop3A_130[%parallel_loop3A_126, %parallel_loop3A_131] : memref<416x24xf32, #tpu.memory_space<vmem>> -> memref<1x24xf32, #tpu.memory_space<vmem>>
      %parallel_loop3A_133 = arith.constant 0 : i32
      %parallel_loop3A_134 = tpu.memref_slice %arg3[%parallel_loop3A_124, %parallel_loop3A_133] : memref<2600000x24xf32, #tpu.memory_space<hbm>> -> memref<1x24xf32, #tpu.memory_space<hbm>>
      %parallel_loop3A_135 = arith.constant 0 : i32
      %parallel_loop3A_136 = arith.constant 0 : i32
      %parallel_loop3A_137 = tpu.memref_slice %arg6[%parallel_loop3A_11, %parallel_loop3A_135, %parallel_loop3A_136] : memref<2x416x24xf32, #tpu.memory_space<vmem>> -> memref<1x416x24xf32, #tpu.memory_space<vmem>>
      %parallel_loop3A_138 = tpu.memref_squeeze %parallel_loop3A_137 : memref<1x416x24xf32, #tpu.memory_space<vmem>> -> memref<416x24xf32, #tpu.memory_space<vmem>>
      %parallel_loop3A_139 = arith.constant 0 : i32
      %parallel_loop3A_140 = tpu.memref_slice %parallel_loop3A_138[%parallel_loop3A_126, %parallel_loop3A_139] : memref<416x24xf32, #tpu.memory_space<vmem>> -> memref<1x24xf32, #tpu.memory_space<vmem>>
      %parallel_loop3A_141 = arith.constant 0 : i32
      %parallel_loop3A_142 = tpu.memref_slice %arg3[%parallel_loop3A_124, %parallel_loop3A_141] : memref<2600000x24xf32, #tpu.memory_space<hbm>> -> memref<1x24xf32, #tpu.memory_space<hbm>>
      tpu.enqueue_dma source(%parallel_loop3A_142 : memref<1x24xf32, #tpu.memory_space<hbm>>) target(%parallel_loop3A_140 : memref<1x24xf32, #tpu.memory_space<vmem>>) target_semaphore(%arg7 : memref<!tpu.dma_semaphore, #tpu.memory_space<semaphore_mem>>)
      %parallel_loop3A_143 = vector.extract_strided_slice %parallel_loop3A_120 {offsets = [1], sizes = [1], strides = [1]} : vector<16xi32> to vector<1xi32>
      %parallel_loop3A_144 = vector.extract %parallel_loop3A_143[0] : i32 from vector<1xi32>
      %parallel_loop3A_145 = arith.constant 1 : i32
      %parallel_loop3A_146 = arith.addi %parallel_loop3A_122, %parallel_loop3A_145 : i32
      %parallel_loop3A_147 = arith.constant 0 : i32
      %parallel_loop3A_148 = arith.constant 0 : i32
      %parallel_loop3A_149 = tpu.memref_slice %arg6[%parallel_loop3A_11, %parallel_loop3A_147, %parallel_loop3A_148] : memref<2x416x24xf32, #tpu.memory_space<vmem>> -> memref<1x416x24xf32, #tpu.memory_space<vmem>>
      %parallel_loop3A_150 = tpu.memref_squeeze %parallel_loop3A_149 : memref<1x416x24xf32, #tpu.memory_space<vmem>> -> memref<416x24xf32, #tpu.memory_space<vmem>>
      %parallel_loop3A_151 = arith.constant 0 : i32
      %parallel_loop3A_152 = tpu.memref_slice %parallel_loop3A_150[%parallel_loop3A_146, %parallel_loop3A_151] : memref<416x24xf32, #tpu.memory_space<vmem>> -> memref<1x24xf32, #tpu.memory_space<vmem>>
      %parallel_loop3A_153 = arith.constant 0 : i32
      %parallel_loop3A_154 = tpu.memref_slice %arg3[%parallel_loop3A_144, %parallel_loop3A_153] : memref<2600000x24xf32, #tpu.memory_space<hbm>> -> memref<1x24xf32, #tpu.memory_space<hbm>>
      %parallel_loop3A_155 = arith.constant 0 : i32
      %parallel_loop3A_156 = arith.constant 0 : i32
      %parallel_loop3A_157 = tpu.memref_slice %arg6[%parallel_loop3A_11, %parallel_loop3A_155, %parallel_loop3A_156] : memref<2x416x24xf32, #tpu.memory_space<vmem>> -> memref<1x416x24xf32, #tpu.memory_space<vmem>>
      %parallel_loop3A_158 = tpu.memref_squeeze %parallel_loop3A_157 : memref<1x416x24xf32, #tpu.memory_space<vmem>> -> memref<416x24xf32, #tpu.memory_space<vmem>>
      %parallel_loop3A_159 = arith.constant 0 : i32
      %parallel_loop3A_160 = tpu.memref_slice %parallel_loop3A_158[%parallel_loop3A_146, %parallel_loop3A_159] : memref<416x24xf32, #tpu.memory_space<vmem>> -> memref<1x24xf32, #tpu.memory_space<vmem>>
      %parallel_loop3A_161 = arith.constant 0 : i32
      %parallel_loop3A_162 = tpu.memref_slice %arg3[%parallel_loop3A_144, %parallel_loop3A_161] : memref<2600000x24xf32, #tpu.memory_space<hbm>> -> memref<1x24xf32, #tpu.memory_space<hbm>>
      tpu.enqueue_dma source(%parallel_loop3A_162 : memref<1x24xf32, #tpu.memory_space<hbm>>) target(%parallel_loop3A_160 : memref<1x24xf32, #tpu.memory_space<vmem>>) target_semaphore(%arg7 : memref<!tpu.dma_semaphore, #tpu.memory_space<semaphore_mem>>)
      %parallel_loop3A_163 = vector.extract_strided_slice %parallel_loop3A_120 {offsets = [2], sizes = [1], strides = [1]} : vector<16xi32> to vector<1xi32>
      %parallel_loop3A_164 = vector.extract %parallel_loop3A_163[0] : i32 from vector<1xi32>
      %parallel_loop3A_165 = arith.constant 2 : i32
      %parallel_loop3A_166 = arith.addi %parallel_loop3A_122, %parallel_loop3A_165 : i32
      %parallel_loop3A_167 = arith.constant 0 : i32
      %parallel_loop3A_168 = arith.constant 0 : i32
      %parallel_loop3A_169 = tpu.memref_slice %arg6[%parallel_loop3A_11, %parallel_loop3A_167, %parallel_loop3A_168] : memref<2x416x24xf32, #tpu.memory_space<vmem>> -> memref<1x416x24xf32, #tpu.memory_space<vmem>>
      %parallel_loop3A_170 = tpu.memref_squeeze %parallel_loop3A_169 : memref<1x416x24xf32, #tpu.memory_space<vmem>> -> memref<416x24xf32, #tpu.memory_space<vmem>>
      %parallel_loop3A_171 = arith.constant 0 : i32
      %parallel_loop3A_172 = tpu.memref_slice %parallel_loop3A_170[%parallel_loop3A_166, %parallel_loop3A_171] : memref<416x24xf32, #tpu.memory_space<vmem>> -> memref<1x24xf32, #tpu.memory_space<vmem>>
      %parallel_loop3A_173 = arith.constant 0 : i32
      %parallel_loop3A_174 = tpu.memref_slice %arg3[%parallel_loop3A_164, %parallel_loop3A_173] : memref<2600000x24xf32, #tpu.memory_space<hbm>> -> memref<1x24xf32, #tpu.memory_space<hbm>>
      %parallel_loop3A_175 = arith.constant 0 : i32
      %parallel_loop3A_176 = arith.constant 0 : i32
      %parallel_loop3A_177 = tpu.memref_slice %arg6[%parallel_loop3A_11, %parallel_loop3A_175, %parallel_loop3A_176] : memref<2x416x24xf32, #tpu.memory_space<vmem>> -> memref<1x416x24xf32, #tpu.memory_space<vmem>>
      %parallel_loop3A_178 = tpu.memref_squeeze %parallel_loop3A_177 : memref<1x416x24xf32, #tpu.memory_space<vmem>> -> memref<416x24xf32, #tpu.memory_space<vmem>>
      %parallel_loop3A_179 = arith.constant 0 : i32
      %parallel_loop3A_180 = tpu.memref_slice %parallel_loop3A_178[%parallel_loop3A_166, %parallel_loop3A_179] : memref<416x24xf32, #tpu.memory_space<vmem>> -> memref<1x24xf32, #tpu.memory_space<vmem>>
      %parallel_loop3A_181 = arith.constant 0 : i32
      %parallel_loop3A_182 = tpu.memref_slice %arg3[%parallel_loop3A_164, %parallel_loop3A_181] : memref<2600000x24xf32, #tpu.memory_space<hbm>> -> memref<1x24xf32, #tpu.memory_space<hbm>>
      tpu.enqueue_dma source(%parallel_loop3A_182 : memref<1x24xf32, #tpu.memory_space<hbm>>) target(%parallel_loop3A_180 : memref<1x24xf32, #tpu.memory_space<vmem>>) target_semaphore(%arg7 : memref<!tpu.dma_semaphore, #tpu.memory_space<semaphore_mem>>)
      %parallel_loop3A_183 = vector.extract_strided_slice %parallel_loop3A_120 {offsets = [3], sizes = [1], strides = [1]} : vector<16xi32> to vector<1xi32>
      %parallel_loop3A_184 = vector.extract %parallel_loop3A_183[0] : i32 from vector<1xi32>
      %parallel_loop3A_185 = arith.constant 3 : i32
      %parallel_loop3A_186 = arith.addi %parallel_loop3A_122, %parallel_loop3A_185 : i32
      %parallel_loop3A_187 = arith.constant 0 : i32
      %parallel_loop3A_188 = arith.constant 0 : i32
      %parallel_loop3A_189 = tpu.memref_slice %arg6[%parallel_loop3A_11, %parallel_loop3A_187, %parallel_loop3A_188] : memref<2x416x24xf32, #tpu.memory_space<vmem>> -> memref<1x416x24xf32, #tpu.memory_space<vmem>>
      %parallel_loop3A_190 = tpu.memref_squeeze %parallel_loop3A_189 : memref<1x416x24xf32, #tpu.memory_space<vmem>> -> memref<416x24xf32, #tpu.memory_space<vmem>>
      %parallel_loop3A_191 = arith.constant 0 : i32
      %parallel_loop3A_192 = tpu.memref_slice %parallel_loop3A_190[%parallel_loop3A_186, %parallel_loop3A_191] : memref<416x24xf32, #tpu.memory_space<vmem>> -> memref<1x24xf32, #tpu.memory_space<vmem>>
      %parallel_loop3A_193 = arith.constant 0 : i32
      %parallel_loop3A_194 = tpu.memref_slice %arg3[%parallel_loop3A_184, %parallel_loop3A_193] : memref<2600000x24xf32, #tpu.memory_space<hbm>> -> memref<1x24xf32, #tpu.memory_space<hbm>>
      %parallel_loop3A_195 = arith.constant 0 : i32
      %parallel_loop3A_196 = arith.constant 0 : i32
      %parallel_loop3A_197 = tpu.memref_slice %arg6[%parallel_loop3A_11, %parallel_loop3A_195, %parallel_loop3A_196] : memref<2x416x24xf32, #tpu.memory_space<vmem>> -> memref<1x416x24xf32, #tpu.memory_space<vmem>>
      %parallel_loop3A_198 = tpu.memref_squeeze %parallel_loop3A_197 : memref<1x416x24xf32, #tpu.memory_space<vmem>> -> memref<416x24xf32, #tpu.memory_space<vmem>>
      %parallel_loop3A_199 = arith.constant 0 : i32
      %parallel_loop3A_200 = tpu.memref_slice %parallel_loop3A_198[%parallel_loop3A_186, %parallel_loop3A_199] : memref<416x24xf32, #tpu.memory_space<vmem>> -> memref<1x24xf32, #tpu.memory_space<vmem>>
      %parallel_loop3A_201 = arith.constant 0 : i32
      %parallel_loop3A_202 = tpu.memref_slice %arg3[%parallel_loop3A_184, %parallel_loop3A_201] : memref<2600000x24xf32, #tpu.memory_space<hbm>> -> memref<1x24xf32, #tpu.memory_space<hbm>>
      tpu.enqueue_dma source(%parallel_loop3A_202 : memref<1x24xf32, #tpu.memory_space<hbm>>) target(%parallel_loop3A_200 : memref<1x24xf32, #tpu.memory_space<vmem>>) target_semaphore(%arg7 : memref<!tpu.dma_semaphore, #tpu.memory_space<semaphore_mem>>)
      %parallel_loop3A_203 = vector.extract_strided_slice %parallel_loop3A_120 {offsets = [4], sizes = [1], strides = [1]} : vector<16xi32> to vector<1xi32>
      %parallel_loop3A_204 = vector.extract %parallel_loop3A_203[0] : i32 from vector<1xi32>
      %parallel_loop3A_205 = arith.constant 4 : i32
      %parallel_loop3A_206 = arith.addi %parallel_loop3A_122, %parallel_loop3A_205 : i32
      %parallel_loop3A_207 = arith.constant 0 : i32
      %parallel_loop3A_208 = arith.constant 0 : i32
      %parallel_loop3A_209 = tpu.memref_slice %arg6[%parallel_loop3A_11, %parallel_loop3A_207, %parallel_loop3A_208] : memref<2x416x24xf32, #tpu.memory_space<vmem>> -> memref<1x416x24xf32, #tpu.memory_space<vmem>>
      %parallel_loop3A_210 = tpu.memref_squeeze %parallel_loop3A_209 : memref<1x416x24xf32, #tpu.memory_space<vmem>> -> memref<416x24xf32, #tpu.memory_space<vmem>>
      %parallel_loop3A_211 = arith.constant 0 : i32
      %parallel_loop3A_212 = tpu.memref_slice %parallel_loop3A_210[%parallel_loop3A_206, %parallel_loop3A_211] : memref<416x24xf32, #tpu.memory_space<vmem>> -> memref<1x24xf32, #tpu.memory_space<vmem>>
      %parallel_loop3A_213 = arith.constant 0 : i32
      %parallel_loop3A_214 = tpu.memref_slice %arg3[%parallel_loop3A_204, %parallel_loop3A_213] : memref<2600000x24xf32, #tpu.memory_space<hbm>> -> memref<1x24xf32, #tpu.memory_space<hbm>>
      %parallel_loop3A_215 = arith.constant 0 : i32
      %parallel_loop3A_216 = arith.constant 0 : i32
      %parallel_loop3A_217 = tpu.memref_slice %arg6[%parallel_loop3A_11, %parallel_loop3A_215, %parallel_loop3A_216] : memref<2x416x24xf32, #tpu.memory_space<vmem>> -> memref<1x416x24xf32, #tpu.memory_space<vmem>>
      %parallel_loop3A_218 = tpu.memref_squeeze %parallel_loop3A_217 : memref<1x416x24xf32, #tpu.memory_space<vmem>> -> memref<416x24xf32, #tpu.memory_space<vmem>>
      %parallel_loop3A_219 = arith.constant 0 : i32
      %parallel_loop3A_220 = tpu.memref_slice %parallel_loop3A_218[%parallel_loop3A_206, %parallel_loop3A_219] : memref<416x24xf32, #tpu.memory_space<vmem>> -> memref<1x24xf32, #tpu.memory_space<vmem>>
      %parallel_loop3A_221 = arith.constant 0 : i32
      %parallel_loop3A_222 = tpu.memref_slice %arg3[%parallel_loop3A_204, %parallel_loop3A_221] : memref<2600000x24xf32, #tpu.memory_space<hbm>> -> memref<1x24xf32, #tpu.memory_space<hbm>>
      tpu.enqueue_dma source(%parallel_loop3A_222 : memref<1x24xf32, #tpu.memory_space<hbm>>) target(%parallel_loop3A_220 : memref<1x24xf32, #tpu.memory_space<vmem>>) target_semaphore(%arg7 : memref<!tpu.dma_semaphore, #tpu.memory_space<semaphore_mem>>)
      %parallel_loop3A_223 = vector.extract_strided_slice %parallel_loop3A_120 {offsets = [5], sizes = [1], strides = [1]} : vector<16xi32> to vector<1xi32>
      %parallel_loop3A_224 = vector.extract %parallel_loop3A_223[0] : i32 from vector<1xi32>
      %parallel_loop3A_225 = arith.constant 5 : i32
      %parallel_loop3A_226 = arith.addi %parallel_loop3A_122, %parallel_loop3A_225 : i32
      %parallel_loop3A_227 = arith.constant 0 : i32
      %parallel_loop3A_228 = arith.constant 0 : i32
      %parallel_loop3A_229 = tpu.memref_slice %arg6[%parallel_loop3A_11, %parallel_loop3A_227, %parallel_loop3A_228] : memref<2x416x24xf32, #tpu.memory_space<vmem>> -> memref<1x416x24xf32, #tpu.memory_space<vmem>>
      %parallel_loop3A_230 = tpu.memref_squeeze %parallel_loop3A_229 : memref<1x416x24xf32, #tpu.memory_space<vmem>> -> memref<416x24xf32, #tpu.memory_space<vmem>>
      %parallel_loop3A_231 = arith.constant 0 : i32
      %parallel_loop3A_232 = tpu.memref_slice %parallel_loop3A_230[%parallel_loop3A_226, %parallel_loop3A_231] : memref<416x24xf32, #tpu.memory_space<vmem>> -> memref<1x24xf32, #tpu.memory_space<vmem>>
      %parallel_loop3A_233 = arith.constant 0 : i32
      %parallel_loop3A_234 = tpu.memref_slice %arg3[%parallel_loop3A_224, %parallel_loop3A_233] : memref<2600000x24xf32, #tpu.memory_space<hbm>> -> memref<1x24xf32, #tpu.memory_space<hbm>>
      %parallel_loop3A_235 = arith.constant 0 : i32
      %parallel_loop3A_236 = arith.constant 0 : i32
      %parallel_loop3A_237 = tpu.memref_slice %arg6[%parallel_loop3A_11, %parallel_loop3A_235, %parallel_loop3A_236] : memref<2x416x24xf32, #tpu.memory_space<vmem>> -> memref<1x416x24xf32, #tpu.memory_space<vmem>>
      %parallel_loop3A_238 = tpu.memref_squeeze %parallel_loop3A_237 : memref<1x416x24xf32, #tpu.memory_space<vmem>> -> memref<416x24xf32, #tpu.memory_space<vmem>>
      %parallel_loop3A_239 = arith.constant 0 : i32
      %parallel_loop3A_240 = tpu.memref_slice %parallel_loop3A_238[%parallel_loop3A_226, %parallel_loop3A_239] : memref<416x24xf32, #tpu.memory_space<vmem>> -> memref<1x24xf32, #tpu.memory_space<vmem>>
      %parallel_loop3A_241 = arith.constant 0 : i32
      %parallel_loop3A_242 = tpu.memref_slice %arg3[%parallel_loop3A_224, %parallel_loop3A_241] : memref<2600000x24xf32, #tpu.memory_space<hbm>> -> memref<1x24xf32, #tpu.memory_space<hbm>>
      tpu.enqueue_dma source(%parallel_loop3A_242 : memref<1x24xf32, #tpu.memory_space<hbm>>) target(%parallel_loop3A_240 : memref<1x24xf32, #tpu.memory_space<vmem>>) target_semaphore(%arg7 : memref<!tpu.dma_semaphore, #tpu.memory_space<semaphore_mem>>)
      %parallel_loop3A_243 = vector.extract_strided_slice %parallel_loop3A_120 {offsets = [6], sizes = [1], strides = [1]} : vector<16xi32> to vector<1xi32>
      %parallel_loop3A_244 = vector.extract %parallel_loop3A_243[0] : i32 from vector<1xi32>
      %parallel_loop3A_245 = arith.constant 6 : i32
      %parallel_loop3A_246 = arith.addi %parallel_loop3A_122, %parallel_loop3A_245 : i32
      %parallel_loop3A_247 = arith.constant 0 : i32
      %parallel_loop3A_248 = arith.constant 0 : i32
      %parallel_loop3A_249 = tpu.memref_slice %arg6[%parallel_loop3A_11, %parallel_loop3A_247, %parallel_loop3A_248] : memref<2x416x24xf32, #tpu.memory_space<vmem>> -> memref<1x416x24xf32, #tpu.memory_space<vmem>>
      %parallel_loop3A_250 = tpu.memref_squeeze %parallel_loop3A_249 : memref<1x416x24xf32, #tpu.memory_space<vmem>> -> memref<416x24xf32, #tpu.memory_space<vmem>>
      %parallel_loop3A_251 = arith.constant 0 : i32
      %parallel_loop3A_252 = tpu.memref_slice %parallel_loop3A_250[%parallel_loop3A_246, %parallel_loop3A_251] : memref<416x24xf32, #tpu.memory_space<vmem>> -> memref<1x24xf32, #tpu.memory_space<vmem>>
      %parallel_loop3A_253 = arith.constant 0 : i32
      %parallel_loop3A_254 = tpu.memref_slice %arg3[%parallel_loop3A_244, %parallel_loop3A_253] : memref<2600000x24xf32, #tpu.memory_space<hbm>> -> memref<1x24xf32, #tpu.memory_space<hbm>>
      %parallel_loop3A_255 = arith.constant 0 : i32
      %parallel_loop3A_256 = arith.constant 0 : i32
      %parallel_loop3A_257 = tpu.memref_slice %arg6[%parallel_loop3A_11, %parallel_loop3A_255, %parallel_loop3A_256] : memref<2x416x24xf32, #tpu.memory_space<vmem>> -> memref<1x416x24xf32, #tpu.memory_space<vmem>>
      %parallel_loop3A_258 = tpu.memref_squeeze %parallel_loop3A_257 : memref<1x416x24xf32, #tpu.memory_space<vmem>> -> memref<416x24xf32, #tpu.memory_space<vmem>>
      %parallel_loop3A_259 = arith.constant 0 : i32
      %parallel_loop3A_260 = tpu.memref_slice %parallel_loop3A_258[%parallel_loop3A_246, %parallel_loop3A_259] : memref<416x24xf32, #tpu.memory_space<vmem>> -> memref<1x24xf32, #tpu.memory_space<vmem>>
      %parallel_loop3A_261 = arith.constant 0 : i32
      %parallel_loop3A_262 = tpu.memref_slice %arg3[%parallel_loop3A_244, %parallel_loop3A_261] : memref<2600000x24xf32, #tpu.memory_space<hbm>> -> memref<1x24xf32, #tpu.memory_space<hbm>>
      tpu.enqueue_dma source(%parallel_loop3A_262 : memref<1x24xf32, #tpu.memory_space<hbm>>) target(%parallel_loop3A_260 : memref<1x24xf32, #tpu.memory_space<vmem>>) target_semaphore(%arg7 : memref<!tpu.dma_semaphore, #tpu.memory_space<semaphore_mem>>)
      %parallel_loop3A_263 = vector.extract_strided_slice %parallel_loop3A_120 {offsets = [7], sizes = [1], strides = [1]} : vector<16xi32> to vector<1xi32>
      %parallel_loop3A_264 = vector.extract %parallel_loop3A_263[0] : i32 from vector<1xi32>
      %parallel_loop3A_265 = arith.constant 7 : i32
      %parallel_loop3A_266 = arith.addi %parallel_loop3A_122, %parallel_loop3A_265 : i32
      %parallel_loop3A_267 = arith.constant 0 : i32
      %parallel_loop3A_268 = arith.constant 0 : i32
      %parallel_loop3A_269 = tpu.memref_slice %arg6[%parallel_loop3A_11, %parallel_loop3A_267, %parallel_loop3A_268] : memref<2x416x24xf32, #tpu.memory_space<vmem>> -> memref<1x416x24xf32, #tpu.memory_space<vmem>>
      %parallel_loop3A_270 = tpu.memref_squeeze %parallel_loop3A_269 : memref<1x416x24xf32, #tpu.memory_space<vmem>> -> memref<416x24xf32, #tpu.memory_space<vmem>>
      %parallel_loop3A_271 = arith.constant 0 : i32
      %parallel_loop3A_272 = tpu.memref_slice %parallel_loop3A_270[%parallel_loop3A_266, %parallel_loop3A_271] : memref<416x24xf32, #tpu.memory_space<vmem>> -> memref<1x24xf32, #tpu.memory_space<vmem>>
      %parallel_loop3A_273 = arith.constant 0 : i32
      %parallel_loop3A_274 = tpu.memref_slice %arg3[%parallel_loop3A_264, %parallel_loop3A_273] : memref<2600000x24xf32, #tpu.memory_space<hbm>> -> memref<1x24xf32, #tpu.memory_space<hbm>>
      %parallel_loop3A_275 = arith.constant 0 : i32
      %parallel_loop3A_276 = arith.constant 0 : i32
      %parallel_loop3A_277 = tpu.memref_slice %arg6[%parallel_loop3A_11, %parallel_loop3A_275, %parallel_loop3A_276] : memref<2x416x24xf32, #tpu.memory_space<vmem>> -> memref<1x416x24xf32, #tpu.memory_space<vmem>>
      %parallel_loop3A_278 = tpu.memref_squeeze %parallel_loop3A_277 : memref<1x416x24xf32, #tpu.memory_space<vmem>> -> memref<416x24xf32, #tpu.memory_space<vmem>>
      %parallel_loop3A_279 = arith.constant 0 : i32
      %parallel_loop3A_280 = tpu.memref_slice %parallel_loop3A_278[%parallel_loop3A_266, %parallel_loop3A_279] : memref<416x24xf32, #tpu.memory_space<vmem>> -> memref<1x24xf32, #tpu.memory_space<vmem>>
      %parallel_loop3A_281 = arith.constant 0 : i32
      %parallel_loop3A_282 = tpu.memref_slice %arg3[%parallel_loop3A_264, %parallel_loop3A_281] : memref<2600000x24xf32, #tpu.memory_space<hbm>> -> memref<1x24xf32, #tpu.memory_space<hbm>>
      tpu.enqueue_dma source(%parallel_loop3A_282 : memref<1x24xf32, #tpu.memory_space<hbm>>) target(%parallel_loop3A_280 : memref<1x24xf32, #tpu.memory_space<vmem>>) target_semaphore(%arg7 : memref<!tpu.dma_semaphore, #tpu.memory_space<semaphore_mem>>)
      %parallel_loop3A_283 = vector.extract_strided_slice %parallel_loop3A_120 {offsets = [8], sizes = [1], strides = [1]} : vector<16xi32> to vector<1xi32>
      %parallel_loop3A_284 = vector.extract %parallel_loop3A_283[0] : i32 from vector<1xi32>
      %parallel_loop3A_285 = arith.constant 8 : i32
      %parallel_loop3A_286 = arith.addi %parallel_loop3A_122, %parallel_loop3A_285 : i32
      %parallel_loop3A_287 = arith.constant 0 : i32
      %parallel_loop3A_288 = arith.constant 0 : i32
      %parallel_loop3A_289 = tpu.memref_slice %arg6[%parallel_loop3A_11, %parallel_loop3A_287, %parallel_loop3A_288] : memref<2x416x24xf32, #tpu.memory_space<vmem>> -> memref<1x416x24xf32, #tpu.memory_space<vmem>>
      %parallel_loop3A_290 = tpu.memref_squeeze %parallel_loop3A_289 : memref<1x416x24xf32, #tpu.memory_space<vmem>> -> memref<416x24xf32, #tpu.memory_space<vmem>>
      %parallel_loop3A_291 = arith.constant 0 : i32
      %parallel_loop3A_292 = tpu.memref_slice %parallel_loop3A_290[%parallel_loop3A_286, %parallel_loop3A_291] : memref<416x24xf32, #tpu.memory_space<vmem>> -> memref<1x24xf32, #tpu.memory_space<vmem>>
      %parallel_loop3A_293 = arith.constant 0 : i32
      %parallel_loop3A_294 = tpu.memref_slice %arg3[%parallel_loop3A_284, %parallel_loop3A_293] : memref<2600000x24xf32, #tpu.memory_space<hbm>> -> memref<1x24xf32, #tpu.memory_space<hbm>>
      %parallel_loop3A_295 = arith.constant 0 : i32
      %parallel_loop3A_296 = arith.constant 0 : i32
      %parallel_loop3A_297 = tpu.memref_slice %arg6[%parallel_loop3A_11, %parallel_loop3A_295, %parallel_loop3A_296] : memref<2x416x24xf32, #tpu.memory_space<vmem>> -> memref<1x416x24xf32, #tpu.memory_space<vmem>>
      %parallel_loop3A_298 = tpu.memref_squeeze %parallel_loop3A_297 : memref<1x416x24xf32, #tpu.memory_space<vmem>> -> memref<416x24xf32, #tpu.memory_space<vmem>>
      %parallel_loop3A_299 = arith.constant 0 : i32
      %parallel_loop3A_300 = tpu.memref_slice %parallel_loop3A_298[%parallel_loop3A_286, %parallel_loop3A_299] : memref<416x24xf32, #tpu.memory_space<vmem>> -> memref<1x24xf32, #tpu.memory_space<vmem>>
      %parallel_loop3A_301 = arith.constant 0 : i32
      %parallel_loop3A_302 = tpu.memref_slice %arg3[%parallel_loop3A_284, %parallel_loop3A_301] : memref<2600000x24xf32, #tpu.memory_space<hbm>> -> memref<1x24xf32, #tpu.memory_space<hbm>>
      tpu.enqueue_dma source(%parallel_loop3A_302 : memref<1x24xf32, #tpu.memory_space<hbm>>) target(%parallel_loop3A_300 : memref<1x24xf32, #tpu.memory_space<vmem>>) target_semaphore(%arg7 : memref<!tpu.dma_semaphore, #tpu.memory_space<semaphore_mem>>)
      %parallel_loop3A_303 = vector.extract_strided_slice %parallel_loop3A_120 {offsets = [9], sizes = [1], strides = [1]} : vector<16xi32> to vector<1xi32>
      %parallel_loop3A_304 = vector.extract %parallel_loop3A_303[0] : i32 from vector<1xi32>
      %parallel_loop3A_305 = arith.constant 9 : i32
      %parallel_loop3A_306 = arith.addi %parallel_loop3A_122, %parallel_loop3A_305 : i32
      %parallel_loop3A_307 = arith.constant 0 : i32
      %parallel_loop3A_308 = arith.constant 0 : i32
      %parallel_loop3A_309 = tpu.memref_slice %arg6[%parallel_loop3A_11, %parallel_loop3A_307, %parallel_loop3A_308] : memref<2x416x24xf32, #tpu.memory_space<vmem>> -> memref<1x416x24xf32, #tpu.memory_space<vmem>>
      %parallel_loop3A_310 = tpu.memref_squeeze %parallel_loop3A_309 : memref<1x416x24xf32, #tpu.memory_space<vmem>> -> memref<416x24xf32, #tpu.memory_space<vmem>>
      %parallel_loop3A_311 = arith.constant 0 : i32
      %parallel_loop3A_312 = tpu.memref_slice %parallel_loop3A_310[%parallel_loop3A_306, %parallel_loop3A_311] : memref<416x24xf32, #tpu.memory_space<vmem>> -> memref<1x24xf32, #tpu.memory_space<vmem>>
      %parallel_loop3A_313 = arith.constant 0 : i32
      %parallel_loop3A_314 = tpu.memref_slice %arg3[%parallel_loop3A_304, %parallel_loop3A_313] : memref<2600000x24xf32, #tpu.memory_space<hbm>> -> memref<1x24xf32, #tpu.memory_space<hbm>>
      %parallel_loop3A_315 = arith.constant 0 : i32
      %parallel_loop3A_316 = arith.constant 0 : i32
      %parallel_loop3A_317 = tpu.memref_slice %arg6[%parallel_loop3A_11, %parallel_loop3A_315, %parallel_loop3A_316] : memref<2x416x24xf32, #tpu.memory_space<vmem>> -> memref<1x416x24xf32, #tpu.memory_space<vmem>>
      %parallel_loop3A_318 = tpu.memref_squeeze %parallel_loop3A_317 : memref<1x416x24xf32, #tpu.memory_space<vmem>> -> memref<416x24xf32, #tpu.memory_space<vmem>>
      %parallel_loop3A_319 = arith.constant 0 : i32
      %parallel_loop3A_320 = tpu.memref_slice %parallel_loop3A_318[%parallel_loop3A_306, %parallel_loop3A_319] : memref<416x24xf32, #tpu.memory_space<vmem>> -> memref<1x24xf32, #tpu.memory_space<vmem>>
      %parallel_loop3A_321 = arith.constant 0 : i32
      %parallel_loop3A_322 = tpu.memref_slice %arg3[%parallel_loop3A_304, %parallel_loop3A_321] : memref<2600000x24xf32, #tpu.memory_space<hbm>> -> memref<1x24xf32, #tpu.memory_space<hbm>>
      tpu.enqueue_dma source(%parallel_loop3A_322 : memref<1x24xf32, #tpu.memory_space<hbm>>) target(%parallel_loop3A_320 : memref<1x24xf32, #tpu.memory_space<vmem>>) target_semaphore(%arg7 : memref<!tpu.dma_semaphore, #tpu.memory_space<semaphore_mem>>)
      %parallel_loop3A_323 = vector.extract_strided_slice %parallel_loop3A_120 {offsets = [10], sizes = [1], strides = [1]} : vector<16xi32> to vector<1xi32>
      %parallel_loop3A_324 = vector.extract %parallel_loop3A_323[0] : i32 from vector<1xi32>
      %parallel_loop3A_325 = arith.constant 10 : i32
      %parallel_loop3A_326 = arith.addi %parallel_loop3A_122, %parallel_loop3A_325 : i32
      %parallel_loop3A_327 = arith.constant 0 : i32
      %parallel_loop3A_328 = arith.constant 0 : i32
      %parallel_loop3A_329 = tpu.memref_slice %arg6[%parallel_loop3A_11, %parallel_loop3A_327, %parallel_loop3A_328] : memref<2x416x24xf32, #tpu.memory_space<vmem>> -> memref<1x416x24xf32, #tpu.memory_space<vmem>>
      %parallel_loop3A_330 = tpu.memref_squeeze %parallel_loop3A_329 : memref<1x416x24xf32, #tpu.memory_space<vmem>> -> memref<416x24xf32, #tpu.memory_space<vmem>>
      %parallel_loop3A_331 = arith.constant 0 : i32
      %parallel_loop3A_332 = tpu.memref_slice %parallel_loop3A_330[%parallel_loop3A_326, %parallel_loop3A_331] : memref<416x24xf32, #tpu.memory_space<vmem>> -> memref<1x24xf32, #tpu.memory_space<vmem>>
      %parallel_loop3A_333 = arith.constant 0 : i32
      %parallel_loop3A_334 = tpu.memref_slice %arg3[%parallel_loop3A_324, %parallel_loop3A_333] : memref<2600000x24xf32, #tpu.memory_space<hbm>> -> memref<1x24xf32, #tpu.memory_space<hbm>>
      %parallel_loop3A_335 = arith.constant 0 : i32
      %parallel_loop3A_336 = arith.constant 0 : i32
      %parallel_loop3A_337 = tpu.memref_slice %arg6[%parallel_loop3A_11, %parallel_loop3A_335, %parallel_loop3A_336] : memref<2x416x24xf32, #tpu.memory_space<vmem>> -> memref<1x416x24xf32, #tpu.memory_space<vmem>>
      %parallel_loop3A_338 = tpu.memref_squeeze %parallel_loop3A_337 : memref<1x416x24xf32, #tpu.memory_space<vmem>> -> memref<416x24xf32, #tpu.memory_space<vmem>>
      %parallel_loop3A_339 = arith.constant 0 : i32
      %parallel_loop3A_340 = tpu.memref_slice %parallel_loop3A_338[%parallel_loop3A_326, %parallel_loop3A_339] : memref<416x24xf32, #tpu.memory_space<vmem>> -> memref<1x24xf32, #tpu.memory_space<vmem>>
      %parallel_loop3A_341 = arith.constant 0 : i32
      %parallel_loop3A_342 = tpu.memref_slice %arg3[%parallel_loop3A_324, %parallel_loop3A_341] : memref<2600000x24xf32, #tpu.memory_space<hbm>> -> memref<1x24xf32, #tpu.memory_space<hbm>>
      tpu.enqueue_dma source(%parallel_loop3A_342 : memref<1x24xf32, #tpu.memory_space<hbm>>) target(%parallel_loop3A_340 : memref<1x24xf32, #tpu.memory_space<vmem>>) target_semaphore(%arg7 : memref<!tpu.dma_semaphore, #tpu.memory_space<semaphore_mem>>)
      %parallel_loop3A_343 = vector.extract_strided_slice %parallel_loop3A_120 {offsets = [11], sizes = [1], strides = [1]} : vector<16xi32> to vector<1xi32>
      %parallel_loop3A_344 = vector.extract %parallel_loop3A_343[0] : i32 from vector<1xi32>
      %parallel_loop3A_345 = arith.constant 11 : i32
      %parallel_loop3A_346 = arith.addi %parallel_loop3A_122, %parallel_loop3A_345 : i32
      %parallel_loop3A_347 = arith.constant 0 : i32
      %parallel_loop3A_348 = arith.constant 0 : i32
      %parallel_loop3A_349 = tpu.memref_slice %arg6[%parallel_loop3A_11, %parallel_loop3A_347, %parallel_loop3A_348] : memref<2x416x24xf32, #tpu.memory_space<vmem>> -> memref<1x416x24xf32, #tpu.memory_space<vmem>>
      %parallel_loop3A_350 = tpu.memref_squeeze %parallel_loop3A_349 : memref<1x416x24xf32, #tpu.memory_space<vmem>> -> memref<416x24xf32, #tpu.memory_space<vmem>>
      %parallel_loop3A_351 = arith.constant 0 : i32
      %parallel_loop3A_352 = tpu.memref_slice %parallel_loop3A_350[%parallel_loop3A_346, %parallel_loop3A_351] : memref<416x24xf32, #tpu.memory_space<vmem>> -> memref<1x24xf32, #tpu.memory_space<vmem>>
      %parallel_loop3A_353 = arith.constant 0 : i32
      %parallel_loop3A_354 = tpu.memref_slice %arg3[%parallel_loop3A_344, %parallel_loop3A_353] : memref<2600000x24xf32, #tpu.memory_space<hbm>> -> memref<1x24xf32, #tpu.memory_space<hbm>>
      %parallel_loop3A_355 = arith.constant 0 : i32
      %parallel_loop3A_356 = arith.constant 0 : i32
      %parallel_loop3A_357 = tpu.memref_slice %arg6[%parallel_loop3A_11, %parallel_loop3A_355, %parallel_loop3A_356] : memref<2x416x24xf32, #tpu.memory_space<vmem>> -> memref<1x416x24xf32, #tpu.memory_space<vmem>>
      %parallel_loop3A_358 = tpu.memref_squeeze %parallel_loop3A_357 : memref<1x416x24xf32, #tpu.memory_space<vmem>> -> memref<416x24xf32, #tpu.memory_space<vmem>>
      %parallel_loop3A_359 = arith.constant 0 : i32
      %parallel_loop3A_360 = tpu.memref_slice %parallel_loop3A_358[%parallel_loop3A_346, %parallel_loop3A_359] : memref<416x24xf32, #tpu.memory_space<vmem>> -> memref<1x24xf32, #tpu.memory_space<vmem>>
      %parallel_loop3A_361 = arith.constant 0 : i32
      %parallel_loop3A_362 = tpu.memref_slice %arg3[%parallel_loop3A_344, %parallel_loop3A_361] : memref<2600000x24xf32, #tpu.memory_space<hbm>> -> memref<1x24xf32, #tpu.memory_space<hbm>>
      tpu.enqueue_dma source(%parallel_loop3A_362 : memref<1x24xf32, #tpu.memory_space<hbm>>) target(%parallel_loop3A_360 : memref<1x24xf32, #tpu.memory_space<vmem>>) target_semaphore(%arg7 : memref<!tpu.dma_semaphore, #tpu.memory_space<semaphore_mem>>)
      %parallel_loop3A_363 = vector.extract_strided_slice %parallel_loop3A_120 {offsets = [12], sizes = [1], strides = [1]} : vector<16xi32> to vector<1xi32>
      %parallel_loop3A_364 = vector.extract %parallel_loop3A_363[0] : i32 from vector<1xi32>
      %parallel_loop3A_365 = arith.constant 12 : i32
      %parallel_loop3A_366 = arith.addi %parallel_loop3A_122, %parallel_loop3A_365 : i32
      %parallel_loop3A_367 = arith.constant 0 : i32
      %parallel_loop3A_368 = arith.constant 0 : i32
      %parallel_loop3A_369 = tpu.memref_slice %arg6[%parallel_loop3A_11, %parallel_loop3A_367, %parallel_loop3A_368] : memref<2x416x24xf32, #tpu.memory_space<vmem>> -> memref<1x416x24xf32, #tpu.memory_space<vmem>>
      %parallel_loop3A_370 = tpu.memref_squeeze %parallel_loop3A_369 : memref<1x416x24xf32, #tpu.memory_space<vmem>> -> memref<416x24xf32, #tpu.memory_space<vmem>>
      %parallel_loop3A_371 = arith.constant 0 : i32
      %parallel_loop3A_372 = tpu.memref_slice %parallel_loop3A_370[%parallel_loop3A_366, %parallel_loop3A_371] : memref<416x24xf32, #tpu.memory_space<vmem>> -> memref<1x24xf32, #tpu.memory_space<vmem>>
      %parallel_loop3A_373 = arith.constant 0 : i32
      %parallel_loop3A_374 = tpu.memref_slice %arg3[%parallel_loop3A_364, %parallel_loop3A_373] : memref<2600000x24xf32, #tpu.memory_space<hbm>> -> memref<1x24xf32, #tpu.memory_space<hbm>>
      %parallel_loop3A_375 = arith.constant 0 : i32
      %parallel_loop3A_376 = arith.constant 0 : i32
      %parallel_loop3A_377 = tpu.memref_slice %arg6[%parallel_loop3A_11, %parallel_loop3A_375, %parallel_loop3A_376] : memref<2x416x24xf32, #tpu.memory_space<vmem>> -> memref<1x416x24xf32, #tpu.memory_space<vmem>>
      %parallel_loop3A_378 = tpu.memref_squeeze %parallel_loop3A_377 : memref<1x416x24xf32, #tpu.memory_space<vmem>> -> memref<416x24xf32, #tpu.memory_space<vmem>>
      %parallel_loop3A_379 = arith.constant 0 : i32
      %parallel_loop3A_380 = tpu.memref_slice %parallel_loop3A_378[%parallel_loop3A_366, %parallel_loop3A_379] : memref<416x24xf32, #tpu.memory_space<vmem>> -> memref<1x24xf32, #tpu.memory_space<vmem>>
      %parallel_loop3A_381 = arith.constant 0 : i32
      %parallel_loop3A_382 = tpu.memref_slice %arg3[%parallel_loop3A_364, %parallel_loop3A_381] : memref<2600000x24xf32, #tpu.memory_space<hbm>> -> memref<1x24xf32, #tpu.memory_space<hbm>>
      tpu.enqueue_dma source(%parallel_loop3A_382 : memref<1x24xf32, #tpu.memory_space<hbm>>) target(%parallel_loop3A_380 : memref<1x24xf32, #tpu.memory_space<vmem>>) target_semaphore(%arg7 : memref<!tpu.dma_semaphore, #tpu.memory_space<semaphore_mem>>)
      %parallel_loop3A_383 = vector.extract_strided_slice %parallel_loop3A_120 {offsets = [13], sizes = [1], strides = [1]} : vector<16xi32> to vector<1xi32>
      %parallel_loop3A_384 = vector.extract %parallel_loop3A_383[0] : i32 from vector<1xi32>
      %parallel_loop3A_385 = arith.constant 13 : i32
      %parallel_loop3A_386 = arith.addi %parallel_loop3A_122, %parallel_loop3A_385 : i32
      %parallel_loop3A_387 = arith.constant 0 : i32
      %parallel_loop3A_388 = arith.constant 0 : i32
      %parallel_loop3A_389 = tpu.memref_slice %arg6[%parallel_loop3A_11, %parallel_loop3A_387, %parallel_loop3A_388] : memref<2x416x24xf32, #tpu.memory_space<vmem>> -> memref<1x416x24xf32, #tpu.memory_space<vmem>>
      %parallel_loop3A_390 = tpu.memref_squeeze %parallel_loop3A_389 : memref<1x416x24xf32, #tpu.memory_space<vmem>> -> memref<416x24xf32, #tpu.memory_space<vmem>>
      %parallel_loop3A_391 = arith.constant 0 : i32
      %parallel_loop3A_392 = tpu.memref_slice %parallel_loop3A_390[%parallel_loop3A_386, %parallel_loop3A_391] : memref<416x24xf32, #tpu.memory_space<vmem>> -> memref<1x24xf32, #tpu.memory_space<vmem>>
      %parallel_loop3A_393 = arith.constant 0 : i32
      %parallel_loop3A_394 = tpu.memref_slice %arg3[%parallel_loop3A_384, %parallel_loop3A_393] : memref<2600000x24xf32, #tpu.memory_space<hbm>> -> memref<1x24xf32, #tpu.memory_space<hbm>>
      %parallel_loop3A_395 = arith.constant 0 : i32
      %parallel_loop3A_396 = arith.constant 0 : i32
      %parallel_loop3A_397 = tpu.memref_slice %arg6[%parallel_loop3A_11, %parallel_loop3A_395, %parallel_loop3A_396] : memref<2x416x24xf32, #tpu.memory_space<vmem>> -> memref<1x416x24xf32, #tpu.memory_space<vmem>>
      %parallel_loop3A_398 = tpu.memref_squeeze %parallel_loop3A_397 : memref<1x416x24xf32, #tpu.memory_space<vmem>> -> memref<416x24xf32, #tpu.memory_space<vmem>>
      %parallel_loop3A_399 = arith.constant 0 : i32
      %parallel_loop3A_400 = tpu.memref_slice %parallel_loop3A_398[%parallel_loop3A_386, %parallel_loop3A_399] : memref<416x24xf32, #tpu.memory_space<vmem>> -> memref<1x24xf32, #tpu.memory_space<vmem>>
      %parallel_loop3A_401 = arith.constant 0 : i32
      %parallel_loop3A_402 = tpu.memref_slice %arg3[%parallel_loop3A_384, %parallel_loop3A_401] : memref<2600000x24xf32, #tpu.memory_space<hbm>> -> memref<1x24xf32, #tpu.memory_space<hbm>>
      tpu.enqueue_dma source(%parallel_loop3A_402 : memref<1x24xf32, #tpu.memory_space<hbm>>) target(%parallel_loop3A_400 : memref<1x24xf32, #tpu.memory_space<vmem>>) target_semaphore(%arg7 : memref<!tpu.dma_semaphore, #tpu.memory_space<semaphore_mem>>)
      %parallel_loop3A_403 = vector.extract_strided_slice %parallel_loop3A_120 {offsets = [14], sizes = [1], strides = [1]} : vector<16xi32> to vector<1xi32>
      %parallel_loop3A_404 = vector.extract %parallel_loop3A_403[0] : i32 from vector<1xi32>
      %parallel_loop3A_405 = arith.constant 14 : i32
      %parallel_loop3A_406 = arith.addi %parallel_loop3A_122, %parallel_loop3A_405 : i32
      %parallel_loop3A_407 = arith.constant 0 : i32
      %parallel_loop3A_408 = arith.constant 0 : i32
      %parallel_loop3A_409 = tpu.memref_slice %arg6[%parallel_loop3A_11, %parallel_loop3A_407, %parallel_loop3A_408] : memref<2x416x24xf32, #tpu.memory_space<vmem>> -> memref<1x416x24xf32, #tpu.memory_space<vmem>>
      %parallel_loop3A_410 = tpu.memref_squeeze %parallel_loop3A_409 : memref<1x416x24xf32, #tpu.memory_space<vmem>> -> memref<416x24xf32, #tpu.memory_space<vmem>>
      %parallel_loop3A_411 = arith.constant 0 : i32
      %parallel_loop3A_412 = tpu.memref_slice %parallel_loop3A_410[%parallel_loop3A_406, %parallel_loop3A_411] : memref<416x24xf32, #tpu.memory_space<vmem>> -> memref<1x24xf32, #tpu.memory_space<vmem>>
      %parallel_loop3A_413 = arith.constant 0 : i32
      %parallel_loop3A_414 = tpu.memref_slice %arg3[%parallel_loop3A_404, %parallel_loop3A_413] : memref<2600000x24xf32, #tpu.memory_space<hbm>> -> memref<1x24xf32, #tpu.memory_space<hbm>>
      %parallel_loop3A_415 = arith.constant 0 : i32
      %parallel_loop3A_416 = arith.constant 0 : i32
      %parallel_loop3A_417 = tpu.memref_slice %arg6[%parallel_loop3A_11, %parallel_loop3A_415, %parallel_loop3A_416] : memref<2x416x24xf32, #tpu.memory_space<vmem>> -> memref<1x416x24xf32, #tpu.memory_space<vmem>>
      %parallel_loop3A_418 = tpu.memref_squeeze %parallel_loop3A_417 : memref<1x416x24xf32, #tpu.memory_space<vmem>> -> memref<416x24xf32, #tpu.memory_space<vmem>>
      %parallel_loop3A_419 = arith.constant 0 : i32
      %parallel_loop3A_420 = tpu.memref_slice %parallel_loop3A_418[%parallel_loop3A_406, %parallel_loop3A_419] : memref<416x24xf32, #tpu.memory_space<vmem>> -> memref<1x24xf32, #tpu.memory_space<vmem>>
      %parallel_loop3A_421 = arith.constant 0 : i32
      %parallel_loop3A_422 = tpu.memref_slice %arg3[%parallel_loop3A_404, %parallel_loop3A_421] : memref<2600000x24xf32, #tpu.memory_space<hbm>> -> memref<1x24xf32, #tpu.memory_space<hbm>>
      tpu.enqueue_dma source(%parallel_loop3A_422 : memref<1x24xf32, #tpu.memory_space<hbm>>) target(%parallel_loop3A_420 : memref<1x24xf32, #tpu.memory_space<vmem>>) target_semaphore(%arg7 : memref<!tpu.dma_semaphore, #tpu.memory_space<semaphore_mem>>)
      %parallel_loop3A_423 = vector.extract_strided_slice %parallel_loop3A_120 {offsets = [15], sizes = [1], strides = [1]} : vector<16xi32> to vector<1xi32>
      %parallel_loop3A_424 = vector.extract %parallel_loop3A_423[0] : i32 from vector<1xi32>
      %parallel_loop3A_425 = arith.constant 15 : i32
      %parallel_loop3A_426 = arith.addi %parallel_loop3A_122, %parallel_loop3A_425 : i32
      %parallel_loop3A_427 = arith.constant 0 : i32
      %parallel_loop3A_428 = arith.constant 0 : i32
      %parallel_loop3A_429 = tpu.memref_slice %arg6[%parallel_loop3A_11, %parallel_loop3A_427, %parallel_loop3A_428] : memref<2x416x24xf32, #tpu.memory_space<vmem>> -> memref<1x416x24xf32, #tpu.memory_space<vmem>>
      %parallel_loop3A_430 = tpu.memref_squeeze %parallel_loop3A_429 : memref<1x416x24xf32, #tpu.memory_space<vmem>> -> memref<416x24xf32, #tpu.memory_space<vmem>>
      %parallel_loop3A_431 = arith.constant 0 : i32
      %parallel_loop3A_432 = tpu.memref_slice %parallel_loop3A_430[%parallel_loop3A_426, %parallel_loop3A_431] : memref<416x24xf32, #tpu.memory_space<vmem>> -> memref<1x24xf32, #tpu.memory_space<vmem>>
      %parallel_loop3A_433 = arith.constant 0 : i32
      %parallel_loop3A_434 = tpu.memref_slice %arg3[%parallel_loop3A_424, %parallel_loop3A_433] : memref<2600000x24xf32, #tpu.memory_space<hbm>> -> memref<1x24xf32, #tpu.memory_space<hbm>>
      %parallel_loop3A_435 = arith.constant 0 : i32
      %parallel_loop3A_436 = arith.constant 0 : i32
      %parallel_loop3A_437 = tpu.memref_slice %arg6[%parallel_loop3A_11, %parallel_loop3A_435, %parallel_loop3A_436] : memref<2x416x24xf32, #tpu.memory_space<vmem>> -> memref<1x416x24xf32, #tpu.memory_space<vmem>>
      %parallel_loop3A_438 = tpu.memref_squeeze %parallel_loop3A_437 : memref<1x416x24xf32, #tpu.memory_space<vmem>> -> memref<416x24xf32, #tpu.memory_space<vmem>>
      %parallel_loop3A_439 = arith.constant 0 : i32
      %parallel_loop3A_440 = tpu.memref_slice %parallel_loop3A_438[%parallel_loop3A_426, %parallel_loop3A_439] : memref<416x24xf32, #tpu.memory_space<vmem>> -> memref<1x24xf32, #tpu.memory_space<vmem>>
      %parallel_loop3A_441 = arith.constant 0 : i32
      %parallel_loop3A_442 = tpu.memref_slice %arg3[%parallel_loop3A_424, %parallel_loop3A_441] : memref<2600000x24xf32, #tpu.memory_space<hbm>> -> memref<1x24xf32, #tpu.memory_space<hbm>>
      tpu.enqueue_dma source(%parallel_loop3A_442 : memref<1x24xf32, #tpu.memory_space<hbm>>) target(%parallel_loop3A_440 : memref<1x24xf32, #tpu.memory_space<vmem>>) target_semaphore(%arg7 : memref<!tpu.dma_semaphore, #tpu.memory_space<semaphore_mem>>)
    } {sc.loop_unroll_factor = 1 : i64, sc.parallel_access}
    %multiple_of3A_12 = arith.constant 416 : i32
    %multiple_of3A_13 = tpu.assume_multiple %multiple_of3A_12, 416 : i32
    %parallel_loop3A_14 = arith.constant 0 : i32
    %parallel_loop3A_15 = arith.constant 26 : i32
    %parallel_loop3A_16 = arith.constant 1 : i32
    %parallel_loop3A_17 = arith.constant 1 : i32
    scf.for %parallel_loop3A_113 = %parallel_loop3A_14 to %parallel_loop3A_15 step %parallel_loop3A_16  : i32 {
      %parallel_loop3A_114 = arith.constant 16 : i32
      %parallel_loop3A_115 = arith.muli %parallel_loop3A_113, %parallel_loop3A_114 : i32
      %parallel_loop3A_116 = arith.addi %multiple_of3A_13, %parallel_loop3A_115 : i32
      %parallel_loop3A_117 = tpu.assume_multiple %parallel_loop3A_116, 16 : i32
      %parallel_loop3A_118 = arith.index_cast %parallel_loop3A_117 : i32 to index
      %parallel_loop3A_119 = tpu.vector_load %arg5[%parallel_loop3A_118] {strides = array<i32>} : memref<13312xi32, #tpu.memory_space<vmem>>, vector<16xi32>,
      %parallel_loop3A_120 = vector.shape_cast %parallel_loop3A_119 : vector<16xi32> to vector<16xi32>
      %parallel_loop3A_121 = arith.constant 16 : i32
      %parallel_loop3A_122 = arith.muli %parallel_loop3A_113, %parallel_loop3A_121 : i32
      %parallel_loop3A_123 = vector.extract_strided_slice %parallel_loop3A_120 {offsets = [0], sizes = [1], strides = [1]} : vector<16xi32> to vector<1xi32>
      %parallel_loop3A_124 = vector.extract %parallel_loop3A_123[0] : i32 from vector<1xi32>
      %parallel_loop3A_125 = arith.constant 0 : i32
      %parallel_loop3A_126 = arith.addi %parallel_loop3A_122, %parallel_loop3A_125 : i32
      %parallel_loop3A_127 = arith.constant 0 : i32
      %parallel_loop3A_128 = arith.constant 0 : i32
      %parallel_loop3A_129 = tpu.memref_slice %arg6[%parallel_loop3A_17, %parallel_loop3A_127, %parallel_loop3A_128] : memref<2x416x24xf32, #tpu.memory_space<vmem>> -> memref<1x416x24xf32, #tpu.memory_space<vmem>>
      %parallel_loop3A_130 = tpu.memref_squeeze %parallel_loop3A_129 : memref<1x416x24xf32, #tpu.memory_space<vmem>> -> memref<416x24xf32, #tpu.memory_space<vmem>>
      %parallel_loop3A_131 = arith.constant 0 : i32
      %parallel_loop3A_132 = tpu.memref_slice %parallel_loop3A_130[%parallel_loop3A_126, %parallel_loop3A_131] : memref<416x24xf32, #tpu.memory_space<vmem>> -> memref<1x24xf32, #tpu.memory_space<vmem>>
      %parallel_loop3A_133 = arith.constant 0 : i32
      %parallel_loop3A_134 = tpu.memref_slice %arg3[%parallel_loop3A_124, %parallel_loop3A_133] : memref<2600000x24xf32, #tpu.memory_space<hbm>> -> memref<1x24xf32, #tpu.memory_space<hbm>>
      %parallel_loop3A_135 = arith.constant 0 : i32
      %parallel_loop3A_136 = arith.constant 0 : i32
      %parallel_loop3A_137 = tpu.memref_slice %arg6[%parallel_loop3A_17, %parallel_loop3A_135, %parallel_loop3A_136] : memref<2x416x24xf32, #tpu.memory_space<vmem>> -> memref<1x416x24xf32, #tpu.memory_space<vmem>>
      %parallel_loop3A_138 = tpu.memref_squeeze %parallel_loop3A_137 : memref<1x416x24xf32, #tpu.memory_space<vmem>> -> memref<416x24xf32, #tpu.memory_space<vmem>>
      %parallel_loop3A_139 = arith.constant 0 : i32
      %parallel_loop3A_140 = tpu.memref_slice %parallel_loop3A_138[%parallel_loop3A_126, %parallel_loop3A_139] : memref<416x24xf32, #tpu.memory_space<vmem>> -> memref<1x24xf32, #tpu.memory_space<vmem>>
      %parallel_loop3A_141 = arith.constant 0 : i32
      %parallel_loop3A_142 = tpu.memref_slice %arg3[%parallel_loop3A_124, %parallel_loop3A_141] : memref<2600000x24xf32, #tpu.memory_space<hbm>> -> memref<1x24xf32, #tpu.memory_space<hbm>>
      tpu.enqueue_dma source(%parallel_loop3A_142 : memref<1x24xf32, #tpu.memory_space<hbm>>) target(%parallel_loop3A_140 : memref<1x24xf32, #tpu.memory_space<vmem>>) target_semaphore(%arg8 : memref<!tpu.dma_semaphore, #tpu.memory_space<semaphore_mem>>)
      %parallel_loop3A_143 = vector.extract_strided_slice %parallel_loop3A_120 {offsets = [1], sizes = [1], strides = [1]} : vector<16xi32> to vector<1xi32>
      %parallel_loop3A_144 = vector.extract %parallel_loop3A_143[0] : i32 from vector<1xi32>
      %parallel_loop3A_145 = arith.constant 1 : i32
      %parallel_loop3A_146 = arith.addi %parallel_loop3A_122, %parallel_loop3A_145 : i32
      %parallel_loop3A_147 = arith.constant 0 : i32
      %parallel_loop3A_148 = arith.constant 0 : i32
      %parallel_loop3A_149 = tpu.memref_slice %arg6[%parallel_loop3A_17, %parallel_loop3A_147, %parallel_loop3A_148] : memref<2x416x24xf32, #tpu.memory_space<vmem>> -> memref<1x416x24xf32, #tpu.memory_space<vmem>>
      %parallel_loop3A_150 = tpu.memref_squeeze %parallel_loop3A_149 : memref<1x416x24xf32, #tpu.memory_space<vmem>> -> memref<416x24xf32, #tpu.memory_space<vmem>>
      %parallel_loop3A_151 = arith.constant 0 : i32
      %parallel_loop3A_152 = tpu.memref_slice %parallel_loop3A_150[%parallel_loop3A_146, %parallel_loop3A_151] : memref<416x24xf32, #tpu.memory_space<vmem>> -> memref<1x24xf32, #tpu.memory_space<vmem>>
      %parallel_loop3A_153 = arith.constant 0 : i32
      %parallel_loop3A_154 = tpu.memref_slice %arg3[%parallel_loop3A_144, %parallel_loop3A_153] : memref<2600000x24xf32, #tpu.memory_space<hbm>> -> memref<1x24xf32, #tpu.memory_space<hbm>>
      %parallel_loop3A_155 = arith.constant 0 : i32
      %parallel_loop3A_156 = arith.constant 0 : i32
      %parallel_loop3A_157 = tpu.memref_slice %arg6[%parallel_loop3A_17, %parallel_loop3A_155, %parallel_loop3A_156] : memref<2x416x24xf32, #tpu.memory_space<vmem>> -> memref<1x416x24xf32, #tpu.memory_space<vmem>>
      %parallel_loop3A_158 = tpu.memref_squeeze %parallel_loop3A_157 : memref<1x416x24xf32, #tpu.memory_space<vmem>> -> memref<416x24xf32, #tpu.memory_space<vmem>>
      %parallel_loop3A_159 = arith.constant 0 : i32
      %parallel_loop3A_160 = tpu.memref_slice %parallel_loop3A_158[%parallel_loop3A_146, %parallel_loop3A_159] : memref<416x24xf32, #tpu.memory_space<vmem>> -> memref<1x24xf32, #tpu.memory_space<vmem>>
      %parallel_loop3A_161 = arith.constant 0 : i32
      %parallel_loop3A_162 = tpu.memref_slice %arg3[%parallel_loop3A_144, %parallel_loop3A_161] : memref<2600000x24xf32, #tpu.memory_space<hbm>> -> memref<1x24xf32, #tpu.memory_space<hbm>>
      tpu.enqueue_dma source(%parallel_loop3A_162 : memref<1x24xf32, #tpu.memory_space<hbm>>) target(%parallel_loop3A_160 : memref<1x24xf32, #tpu.memory_space<vmem>>) target_semaphore(%arg8 : memref<!tpu.dma_semaphore, #tpu.memory_space<semaphore_mem>>)
      %parallel_loop3A_163 = vector.extract_strided_slice %parallel_loop3A_120 {offsets = [2], sizes = [1], strides = [1]} : vector<16xi32> to vector<1xi32>
      %parallel_loop3A_164 = vector.extract %parallel_loop3A_163[0] : i32 from vector<1xi32>
      %parallel_loop3A_165 = arith.constant 2 : i32
      %parallel_loop3A_166 = arith.addi %parallel_loop3A_122, %parallel_loop3A_165 : i32
      %parallel_loop3A_167 = arith.constant 0 : i32
      %parallel_loop3A_168 = arith.constant 0 : i32
      %parallel_loop3A_169 = tpu.memref_slice %arg6[%parallel_loop3A_17, %parallel_loop3A_167, %parallel_loop3A_168] : memref<2x416x24xf32, #tpu.memory_space<vmem>> -> memref<1x416x24xf32, #tpu.memory_space<vmem>>
      %parallel_loop3A_170 = tpu.memref_squeeze %parallel_loop3A_169 : memref<1x416x24xf32, #tpu.memory_space<vmem>> -> memref<416x24xf32, #tpu.memory_space<vmem>>
      %parallel_loop3A_171 = arith.constant 0 : i32
      %parallel_loop3A_172 = tpu.memref_slice %parallel_loop3A_170[%parallel_loop3A_166, %parallel_loop3A_171] : memref<416x24xf32, #tpu.memory_space<vmem>> -> memref<1x24xf32, #tpu.memory_space<vmem>>
      %parallel_loop3A_173 = arith.constant 0 : i32
      %parallel_loop3A_174 = tpu.memref_slice %arg3[%parallel_loop3A_164, %parallel_loop3A_173] : memref<2600000x24xf32, #tpu.memory_space<hbm>> -> memref<1x24xf32, #tpu.memory_space<hbm>>
      %parallel_loop3A_175 = arith.constant 0 : i32
      %parallel_loop3A_176 = arith.constant 0 : i32
      %parallel_loop3A_177 = tpu.memref_slice %arg6[%parallel_loop3A_17, %parallel_loop3A_175, %parallel_loop3A_176] : memref<2x416x24xf32, #tpu.memory_space<vmem>> -> memref<1x416x24xf32, #tpu.memory_space<vmem>>
      %parallel_loop3A_178 = tpu.memref_squeeze %parallel_loop3A_177 : memref<1x416x24xf32, #tpu.memory_space<vmem>> -> memref<416x24xf32, #tpu.memory_space<vmem>>
      %parallel_loop3A_179 = arith.constant 0 : i32
      %parallel_loop3A_180 = tpu.memref_slice %parallel_loop3A_178[%parallel_loop3A_166, %parallel_loop3A_179] : memref<416x24xf32, #tpu.memory_space<vmem>> -> memref<1x24xf32, #tpu.memory_space<vmem>>
      %parallel_loop3A_181 = arith.constant 0 : i32
      %parallel_loop3A_182 = tpu.memref_slice %arg3[%parallel_loop3A_164, %parallel_loop3A_181] : memref<2600000x24xf32, #tpu.memory_space<hbm>> -> memref<1x24xf32, #tpu.memory_space<hbm>>
      tpu.enqueue_dma source(%parallel_loop3A_182 : memref<1x24xf32, #tpu.memory_space<hbm>>) target(%parallel_loop3A_180 : memref<1x24xf32, #tpu.memory_space<vmem>>) target_semaphore(%arg8 : memref<!tpu.dma_semaphore, #tpu.memory_space<semaphore_mem>>)
      %parallel_loop3A_183 = vector.extract_strided_slice %parallel_loop3A_120 {offsets = [3], sizes = [1], strides = [1]} : vector<16xi32> to vector<1xi32>
      %parallel_loop3A_184 = vector.extract %parallel_loop3A_183[0] : i32 from vector<1xi32>
      %parallel_loop3A_185 = arith.constant 3 : i32
      %parallel_loop3A_186 = arith.addi %parallel_loop3A_122, %parallel_loop3A_185 : i32
      %parallel_loop3A_187 = arith.constant 0 : i32
      %parallel_loop3A_188 = arith.constant 0 : i32
      %parallel_loop3A_189 = tpu.memref_slice %arg6[%parallel_loop3A_17, %parallel_loop3A_187, %parallel_loop3A_188] : memref<2x416x24xf32, #tpu.memory_space<vmem>> -> memref<1x416x24xf32, #tpu.memory_space<vmem>>
      %parallel_loop3A_190 = tpu.memref_squeeze %parallel_loop3A_189 : memref<1x416x24xf32, #tpu.memory_space<vmem>> -> memref<416x24xf32, #tpu.memory_space<vmem>>
      %parallel_loop3A_191 = arith.constant 0 : i32
      %parallel_loop3A_192 = tpu.memref_slice %parallel_loop3A_190[%parallel_loop3A_186, %parallel_loop3A_191] : memref<416x24xf32, #tpu.memory_space<vmem>> -> memref<1x24xf32, #tpu.memory_space<vmem>>
      %parallel_loop3A_193 = arith.constant 0 : i32
      %parallel_loop3A_194 = tpu.memref_slice %arg3[%parallel_loop3A_184, %parallel_loop3A_193] : memref<2600000x24xf32, #tpu.memory_space<hbm>> -> memref<1x24xf32, #tpu.memory_space<hbm>>
      %parallel_loop3A_195 = arith.constant 0 : i32
      %parallel_loop3A_196 = arith.constant 0 : i32
      %parallel_loop3A_197 = tpu.memref_slice %arg6[%parallel_loop3A_17, %parallel_loop3A_195, %parallel_loop3A_196] : memref<2x416x24xf32, #tpu.memory_space<vmem>> -> memref<1x416x24xf32, #tpu.memory_space<vmem>>
      %parallel_loop3A_198 = tpu.memref_squeeze %parallel_loop3A_197 : memref<1x416x24xf32, #tpu.memory_space<vmem>> -> memref<416x24xf32, #tpu.memory_space<vmem>>
      %parallel_loop3A_199 = arith.constant 0 : i32
      %parallel_loop3A_200 = tpu.memref_slice %parallel_loop3A_198[%parallel_loop3A_186, %parallel_loop3A_199] : memref<416x24xf32, #tpu.memory_space<vmem>> -> memref<1x24xf32, #tpu.memory_space<vmem>>
      %parallel_loop3A_201 = arith.constant 0 : i32
      %parallel_loop3A_202 = tpu.memref_slice %arg3[%parallel_loop3A_184, %parallel_loop3A_201] : memref<2600000x24xf32, #tpu.memory_space<hbm>> -> memref<1x24xf32, #tpu.memory_space<hbm>>
      tpu.enqueue_dma source(%parallel_loop3A_202 : memref<1x24xf32, #tpu.memory_space<hbm>>) target(%parallel_loop3A_200 : memref<1x24xf32, #tpu.memory_space<vmem>>) target_semaphore(%arg8 : memref<!tpu.dma_semaphore, #tpu.memory_space<semaphore_mem>>)
      %parallel_loop3A_203 = vector.extract_strided_slice %parallel_loop3A_120 {offsets = [4], sizes = [1], strides = [1]} : vector<16xi32> to vector<1xi32>
      %parallel_loop3A_204 = vector.extract %parallel_loop3A_203[0] : i32 from vector<1xi32>
      %parallel_loop3A_205 = arith.constant 4 : i32
      %parallel_loop3A_206 = arith.addi %parallel_loop3A_122, %parallel_loop3A_205 : i32
      %parallel_loop3A_207 = arith.constant 0 : i32
      %parallel_loop3A_208 = arith.constant 0 : i32
      %parallel_loop3A_209 = tpu.memref_slice %arg6[%parallel_loop3A_17, %parallel_loop3A_207, %parallel_loop3A_208] : memref<2x416x24xf32, #tpu.memory_space<vmem>> -> memref<1x416x24xf32, #tpu.memory_space<vmem>>
      %parallel_loop3A_210 = tpu.memref_squeeze %parallel_loop3A_209 : memref<1x416x24xf32, #tpu.memory_space<vmem>> -> memref<416x24xf32, #tpu.memory_space<vmem>>
      %parallel_loop3A_211 = arith.constant 0 : i32
      %parallel_loop3A_212 = tpu.memref_slice %parallel_loop3A_210[%parallel_loop3A_206, %parallel_loop3A_211] : memref<416x24xf32, #tpu.memory_space<vmem>> -> memref<1x24xf32, #tpu.memory_space<vmem>>
      %parallel_loop3A_213 = arith.constant 0 : i32
      %parallel_loop3A_214 = tpu.memref_slice %arg3[%parallel_loop3A_204, %parallel_loop3A_213] : memref<2600000x24xf32, #tpu.memory_space<hbm>> -> memref<1x24xf32, #tpu.memory_space<hbm>>
      %parallel_loop3A_215 = arith.constant 0 : i32
      %parallel_loop3A_216 = arith.constant 0 : i32
      %parallel_loop3A_217 = tpu.memref_slice %arg6[%parallel_loop3A_17, %parallel_loop3A_215, %parallel_loop3A_216] : memref<2x416x24xf32, #tpu.memory_space<vmem>> -> memref<1x416x24xf32, #tpu.memory_space<vmem>>
      %parallel_loop3A_218 = tpu.memref_squeeze %parallel_loop3A_217 : memref<1x416x24xf32, #tpu.memory_space<vmem>> -> memref<416x24xf32, #tpu.memory_space<vmem>>
      %parallel_loop3A_219 = arith.constant 0 : i32
      %parallel_loop3A_220 = tpu.memref_slice %parallel_loop3A_218[%parallel_loop3A_206, %parallel_loop3A_219] : memref<416x24xf32, #tpu.memory_space<vmem>> -> memref<1x24xf32, #tpu.memory_space<vmem>>
      %parallel_loop3A_221 = arith.constant 0 : i32
      %parallel_loop3A_222 = tpu.memref_slice %arg3[%parallel_loop3A_204, %parallel_loop3A_221] : memref<2600000x24xf32, #tpu.memory_space<hbm>> -> memref<1x24xf32, #tpu.memory_space<hbm>>
      tpu.enqueue_dma source(%parallel_loop3A_222 : memref<1x24xf32, #tpu.memory_space<hbm>>) target(%parallel_loop3A_220 : memref<1x24xf32, #tpu.memory_space<vmem>>) target_semaphore(%arg8 : memref<!tpu.dma_semaphore, #tpu.memory_space<semaphore_mem>>)
      %parallel_loop3A_223 = vector.extract_strided_slice %parallel_loop3A_120 {offsets = [5], sizes = [1], strides = [1]} : vector<16xi32> to vector<1xi32>
      %parallel_loop3A_224 = vector.extract %parallel_loop3A_223[0] : i32 from vector<1xi32>
      %parallel_loop3A_225 = arith.constant 5 : i32
      %parallel_loop3A_226 = arith.addi %parallel_loop3A_122, %parallel_loop3A_225 : i32
      %parallel_loop3A_227 = arith.constant 0 : i32
      %parallel_loop3A_228 = arith.constant 0 : i32
      %parallel_loop3A_229 = tpu.memref_slice %arg6[%parallel_loop3A_17, %parallel_loop3A_227, %parallel_loop3A_228] : memref<2x416x24xf32, #tpu.memory_space<vmem>> -> memref<1x416x24xf32, #tpu.memory_space<vmem>>
      %parallel_loop3A_230 = tpu.memref_squeeze %parallel_loop3A_229 : memref<1x416x24xf32, #tpu.memory_space<vmem>> -> memref<416x24xf32, #tpu.memory_space<vmem>>
      %parallel_loop3A_231 = arith.constant 0 : i32
      %parallel_loop3A_232 = tpu.memref_slice %parallel_loop3A_230[%parallel_loop3A_226, %parallel_loop3A_231] : memref<416x24xf32, #tpu.memory_space<vmem>> -> memref<1x24xf32, #tpu.memory_space<vmem>>
      %parallel_loop3A_233 = arith.constant 0 : i32
      %parallel_loop3A_234 = tpu.memref_slice %arg3[%parallel_loop3A_224, %parallel_loop3A_233] : memref<2600000x24xf32, #tpu.memory_space<hbm>> -> memref<1x24xf32, #tpu.memory_space<hbm>>
      %parallel_loop3A_235 = arith.constant 0 : i32
      %parallel_loop3A_236 = arith.constant 0 : i32
      %parallel_loop3A_237 = tpu.memref_slice %arg6[%parallel_loop3A_17, %parallel_loop3A_235, %parallel_loop3A_236] : memref<2x416x24xf32, #tpu.memory_space<vmem>> -> memref<1x416x24xf32, #tpu.memory_space<vmem>>
      %parallel_loop3A_238 = tpu.memref_squeeze %parallel_loop3A_237 : memref<1x416x24xf32, #tpu.memory_space<vmem>> -> memref<416x24xf32, #tpu.memory_space<vmem>>
      %parallel_loop3A_239 = arith.constant 0 : i32
      %parallel_loop3A_240 = tpu.memref_slice %parallel_loop3A_238[%parallel_loop3A_226, %parallel_loop3A_239] : memref<416x24xf32, #tpu.memory_space<vmem>> -> memref<1x24xf32, #tpu.memory_space<vmem>>
      %parallel_loop3A_241 = arith.constant 0 : i32
      %parallel_loop3A_242 = tpu.memref_slice %arg3[%parallel_loop3A_224, %parallel_loop3A_241] : memref<2600000x24xf32, #tpu.memory_space<hbm>> -> memref<1x24xf32, #tpu.memory_space<hbm>>
      tpu.enqueue_dma source(%parallel_loop3A_242 : memref<1x24xf32, #tpu.memory_space<hbm>>) target(%parallel_loop3A_240 : memref<1x24xf32, #tpu.memory_space<vmem>>) target_semaphore(%arg8 : memref<!tpu.dma_semaphore, #tpu.memory_space<semaphore_mem>>)
      %parallel_loop3A_243 = vector.extract_strided_slice %parallel_loop3A_120 {offsets = [6], sizes = [1], strides = [1]} : vector<16xi32> to vector<1xi32>
      %parallel_loop3A_244 = vector.extract %parallel_loop3A_243[0] : i32 from vector<1xi32>
      %parallel_loop3A_245 = arith.constant 6 : i32
      %parallel_loop3A_246 = arith.addi %parallel_loop3A_122, %parallel_loop3A_245 : i32
      %parallel_loop3A_247 = arith.constant 0 : i32
      %parallel_loop3A_248 = arith.constant 0 : i32
      %parallel_loop3A_249 = tpu.memref_slice %arg6[%parallel_loop3A_17, %parallel_loop3A_247, %parallel_loop3A_248] : memref<2x416x24xf32, #tpu.memory_space<vmem>> -> memref<1x416x24xf32, #tpu.memory_space<vmem>>
      %parallel_loop3A_250 = tpu.memref_squeeze %parallel_loop3A_249 : memref<1x416x24xf32, #tpu.memory_space<vmem>> -> memref<416x24xf32, #tpu.memory_space<vmem>>
      %parallel_loop3A_251 = arith.constant 0 : i32
      %parallel_loop3A_252 = tpu.memref_slice %parallel_loop3A_250[%parallel_loop3A_246, %parallel_loop3A_251] : memref<416x24xf32, #tpu.memory_space<vmem>> -> memref<1x24xf32, #tpu.memory_space<vmem>>
      %parallel_loop3A_253 = arith.constant 0 : i32
      %parallel_loop3A_254 = tpu.memref_slice %arg3[%parallel_loop3A_244, %parallel_loop3A_253] : memref<2600000x24xf32, #tpu.memory_space<hbm>> -> memref<1x24xf32, #tpu.memory_space<hbm>>
      %parallel_loop3A_255 = arith.constant 0 : i32
      %parallel_loop3A_256 = arith.constant 0 : i32
      %parallel_loop3A_257 = tpu.memref_slice %arg6[%parallel_loop3A_17, %parallel_loop3A_255, %parallel_loop3A_256] : memref<2x416x24xf32, #tpu.memory_space<vmem>> -> memref<1x416x24xf32, #tpu.memory_space<vmem>>
      %parallel_loop3A_258 = tpu.memref_squeeze %parallel_loop3A_257 : memref<1x416x24xf32, #tpu.memory_space<vmem>> -> memref<416x24xf32, #tpu.memory_space<vmem>>
      %parallel_loop3A_259 = arith.constant 0 : i32
      %parallel_loop3A_260 = tpu.memref_slice %parallel_loop3A_258[%parallel_loop3A_246, %parallel_loop3A_259] : memref<416x24xf32, #tpu.memory_space<vmem>> -> memref<1x24xf32, #tpu.memory_space<vmem>>
      %parallel_loop3A_261 = arith.constant 0 : i32
      %parallel_loop3A_262 = tpu.memref_slice %arg3[%parallel_loop3A_244, %parallel_loop3A_261] : memref<2600000x24xf32, #tpu.memory_space<hbm>> -> memref<1x24xf32, #tpu.memory_space<hbm>>
      tpu.enqueue_dma source(%parallel_loop3A_262 : memref<1x24xf32, #tpu.memory_space<hbm>>) target(%parallel_loop3A_260 : memref<1x24xf32, #tpu.memory_space<vmem>>) target_semaphore(%arg8 : memref<!tpu.dma_semaphore, #tpu.memory_space<semaphore_mem>>)
      %parallel_loop3A_263 = vector.extract_strided_slice %parallel_loop3A_120 {offsets = [7], sizes = [1], strides = [1]} : vector<16xi32> to vector<1xi32>
      %parallel_loop3A_264 = vector.extract %parallel_loop3A_263[0] : i32 from vector<1xi32>
      %parallel_loop3A_265 = arith.constant 7 : i32
      %parallel_loop3A_266 = arith.addi %parallel_loop3A_122, %parallel_loop3A_265 : i32
      %parallel_loop3A_267 = arith.constant 0 : i32
      %parallel_loop3A_268 = arith.constant 0 : i32
      %parallel_loop3A_269 = tpu.memref_slice %arg6[%parallel_loop3A_17, %parallel_loop3A_267, %parallel_loop3A_268] : memref<2x416x24xf32, #tpu.memory_space<vmem>> -> memref<1x416x24xf32, #tpu.memory_space<vmem>>
      %parallel_loop3A_270 = tpu.memref_squeeze %parallel_loop3A_269 : memref<1x416x24xf32, #tpu.memory_space<vmem>> -> memref<416x24xf32, #tpu.memory_space<vmem>>
      %parallel_loop3A_271 = arith.constant 0 : i32
      %parallel_loop3A_272 = tpu.memref_slice %parallel_loop3A_270[%parallel_loop3A_266, %parallel_loop3A_271] : memref<416x24xf32, #tpu.memory_space<vmem>> -> memref<1x24xf32, #tpu.memory_space<vmem>>
      %parallel_loop3A_273 = arith.constant 0 : i32
      %parallel_loop3A_274 = tpu.memref_slice %arg3[%parallel_loop3A_264, %parallel_loop3A_273] : memref<2600000x24xf32, #tpu.memory_space<hbm>> -> memref<1x24xf32, #tpu.memory_space<hbm>>
      %parallel_loop3A_275 = arith.constant 0 : i32
      %parallel_loop3A_276 = arith.constant 0 : i32
      %parallel_loop3A_277 = tpu.memref_slice %arg6[%parallel_loop3A_17, %parallel_loop3A_275, %parallel_loop3A_276] : memref<2x416x24xf32, #tpu.memory_space<vmem>> -> memref<1x416x24xf32, #tpu.memory_space<vmem>>
      %parallel_loop3A_278 = tpu.memref_squeeze %parallel_loop3A_277 : memref<1x416x24xf32, #tpu.memory_space<vmem>> -> memref<416x24xf32, #tpu.memory_space<vmem>>
      %parallel_loop3A_279 = arith.constant 0 : i32
      %parallel_loop3A_280 = tpu.memref_slice %parallel_loop3A_278[%parallel_loop3A_266, %parallel_loop3A_279] : memref<416x24xf32, #tpu.memory_space<vmem>> -> memref<1x24xf32, #tpu.memory_space<vmem>>
      %parallel_loop3A_281 = arith.constant 0 : i32
      %parallel_loop3A_282 = tpu.memref_slice %arg3[%parallel_loop3A_264, %parallel_loop3A_281] : memref<2600000x24xf32, #tpu.memory_space<hbm>> -> memref<1x24xf32, #tpu.memory_space<hbm>>
      tpu.enqueue_dma source(%parallel_loop3A_282 : memref<1x24xf32, #tpu.memory_space<hbm>>) target(%parallel_loop3A_280 : memref<1x24xf32, #tpu.memory_space<vmem>>) target_semaphore(%arg8 : memref<!tpu.dma_semaphore, #tpu.memory_space<semaphore_mem>>)
      %parallel_loop3A_283 = vector.extract_strided_slice %parallel_loop3A_120 {offsets = [8], sizes = [1], strides = [1]} : vector<16xi32> to vector<1xi32>
      %parallel_loop3A_284 = vector.extract %parallel_loop3A_283[0] : i32 from vector<1xi32>
      %parallel_loop3A_285 = arith.constant 8 : i32
      %parallel_loop3A_286 = arith.addi %parallel_loop3A_122, %parallel_loop3A_285 : i32
      %parallel_loop3A_287 = arith.constant 0 : i32
      %parallel_loop3A_288 = arith.constant 0 : i32
      %parallel_loop3A_289 = tpu.memref_slice %arg6[%parallel_loop3A_17, %parallel_loop3A_287, %parallel_loop3A_288] : memref<2x416x24xf32, #tpu.memory_space<vmem>> -> memref<1x416x24xf32, #tpu.memory_space<vmem>>
      %parallel_loop3A_290 = tpu.memref_squeeze %parallel_loop3A_289 : memref<1x416x24xf32, #tpu.memory_space<vmem>> -> memref<416x24xf32, #tpu.memory_space<vmem>>
      %parallel_loop3A_291 = arith.constant 0 : i32
      %parallel_loop3A_292 = tpu.memref_slice %parallel_loop3A_290[%parallel_loop3A_286, %parallel_loop3A_291] : memref<416x24xf32, #tpu.memory_space<vmem>> -> memref<1x24xf32, #tpu.memory_space<vmem>>
      %parallel_loop3A_293 = arith.constant 0 : i32
      %parallel_loop3A_294 = tpu.memref_slice %arg3[%parallel_loop3A_284, %parallel_loop3A_293] : memref<2600000x24xf32, #tpu.memory_space<hbm>> -> memref<1x24xf32, #tpu.memory_space<hbm>>
      %parallel_loop3A_295 = arith.constant 0 : i32
      %parallel_loop3A_296 = arith.constant 0 : i32
      %parallel_loop3A_297 = tpu.memref_slice %arg6[%parallel_loop3A_17, %parallel_loop3A_295, %parallel_loop3A_296] : memref<2x416x24xf32, #tpu.memory_space<vmem>> -> memref<1x416x24xf32, #tpu.memory_space<vmem>>
      %parallel_loop3A_298 = tpu.memref_squeeze %parallel_loop3A_297 : memref<1x416x24xf32, #tpu.memory_space<vmem>> -> memref<416x24xf32, #tpu.memory_space<vmem>>
      %parallel_loop3A_299 = arith.constant 0 : i32
      %parallel_loop3A_300 = tpu.memref_slice %parallel_loop3A_298[%parallel_loop3A_286, %parallel_loop3A_299] : memref<416x24xf32, #tpu.memory_space<vmem>> -> memref<1x24xf32, #tpu.memory_space<vmem>>
      %parallel_loop3A_301 = arith.constant 0 : i32
      %parallel_loop3A_302 = tpu.memref_slice %arg3[%parallel_loop3A_284, %parallel_loop3A_301] : memref<2600000x24xf32, #tpu.memory_space<hbm>> -> memref<1x24xf32, #tpu.memory_space<hbm>>
      tpu.enqueue_dma source(%parallel_loop3A_302 : memref<1x24xf32, #tpu.memory_space<hbm>>) target(%parallel_loop3A_300 : memref<1x24xf32, #tpu.memory_space<vmem>>) target_semaphore(%arg8 : memref<!tpu.dma_semaphore, #tpu.memory_space<semaphore_mem>>)
      %parallel_loop3A_303 = vector.extract_strided_slice %parallel_loop3A_120 {offsets = [9], sizes = [1], strides = [1]} : vector<16xi32> to vector<1xi32>
      %parallel_loop3A_304 = vector.extract %parallel_loop3A_303[0] : i32 from vector<1xi32>
      %parallel_loop3A_305 = arith.constant 9 : i32
      %parallel_loop3A_306 = arith.addi %parallel_loop3A_122, %parallel_loop3A_305 : i32
      %parallel_loop3A_307 = arith.constant 0 : i32
      %parallel_loop3A_308 = arith.constant 0 : i32
      %parallel_loop3A_309 = tpu.memref_slice %arg6[%parallel_loop3A_17, %parallel_loop3A_307, %parallel_loop3A_308] : memref<2x416x24xf32, #tpu.memory_space<vmem>> -> memref<1x416x24xf32, #tpu.memory_space<vmem>>
      %parallel_loop3A_310 = tpu.memref_squeeze %parallel_loop3A_309 : memref<1x416x24xf32, #tpu.memory_space<vmem>> -> memref<416x24xf32, #tpu.memory_space<vmem>>
      %parallel_loop3A_311 = arith.constant 0 : i32
      %parallel_loop3A_312 = tpu.memref_slice %parallel_loop3A_310[%parallel_loop3A_306, %parallel_loop3A_311] : memref<416x24xf32, #tpu.memory_space<vmem>> -> memref<1x24xf32, #tpu.memory_space<vmem>>
      %parallel_loop3A_313 = arith.constant 0 : i32
      %parallel_loop3A_314 = tpu.memref_slice %arg3[%parallel_loop3A_304, %parallel_loop3A_313] : memref<2600000x24xf32, #tpu.memory_space<hbm>> -> memref<1x24xf32, #tpu.memory_space<hbm>>
      %parallel_loop3A_315 = arith.constant 0 : i32
      %parallel_loop3A_316 = arith.constant 0 : i32
      %parallel_loop3A_317 = tpu.memref_slice %arg6[%parallel_loop3A_17, %parallel_loop3A_315, %parallel_loop3A_316] : memref<2x416x24xf32, #tpu.memory_space<vmem>> -> memref<1x416x24xf32, #tpu.memory_space<vmem>>
      %parallel_loop3A_318 = tpu.memref_squeeze %parallel_loop3A_317 : memref<1x416x24xf32, #tpu.memory_space<vmem>> -> memref<416x24xf32, #tpu.memory_space<vmem>>
      %parallel_loop3A_319 = arith.constant 0 : i32
      %parallel_loop3A_320 = tpu.memref_slice %parallel_loop3A_318[%parallel_loop3A_306, %parallel_loop3A_319] : memref<416x24xf32, #tpu.memory_space<vmem>> -> memref<1x24xf32, #tpu.memory_space<vmem>>
      %parallel_loop3A_321 = arith.constant 0 : i32
      %parallel_loop3A_322 = tpu.memref_slice %arg3[%parallel_loop3A_304, %parallel_loop3A_321] : memref<2600000x24xf32, #tpu.memory_space<hbm>> -> memref<1x24xf32, #tpu.memory_space<hbm>>
      tpu.enqueue_dma source(%parallel_loop3A_322 : memref<1x24xf32, #tpu.memory_space<hbm>>) target(%parallel_loop3A_320 : memref<1x24xf32, #tpu.memory_space<vmem>>) target_semaphore(%arg8 : memref<!tpu.dma_semaphore, #tpu.memory_space<semaphore_mem>>)
      %parallel_loop3A_323 = vector.extract_strided_slice %parallel_loop3A_120 {offsets = [10], sizes = [1], strides = [1]} : vector<16xi32> to vector<1xi32>
      %parallel_loop3A_324 = vector.extract %parallel_loop3A_323[0] : i32 from vector<1xi32>
      %parallel_loop3A_325 = arith.constant 10 : i32
      %parallel_loop3A_326 = arith.addi %parallel_loop3A_122, %parallel_loop3A_325 : i32
      %parallel_loop3A_327 = arith.constant 0 : i32
      %parallel_loop3A_328 = arith.constant 0 : i32
      %parallel_loop3A_329 = tpu.memref_slice %arg6[%parallel_loop3A_17, %parallel_loop3A_327, %parallel_loop3A_328] : memref<2x416x24xf32, #tpu.memory_space<vmem>> -> memref<1x416x24xf32, #tpu.memory_space<vmem>>
      %parallel_loop3A_330 = tpu.memref_squeeze %parallel_loop3A_329 : memref<1x416x24xf32, #tpu.memory_space<vmem>> -> memref<416x24xf32, #tpu.memory_space<vmem>>
      %parallel_loop3A_331 = arith.constant 0 : i32
      %parallel_loop3A_332 = tpu.memref_slice %parallel_loop3A_330[%parallel_loop3A_326, %parallel_loop3A_331] : memref<416x24xf32, #tpu.memory_space<vmem>> -> memref<1x24xf32, #tpu.memory_space<vmem>>
      %parallel_loop3A_333 = arith.constant 0 : i32
      %parallel_loop3A_334 = tpu.memref_slice %arg3[%parallel_loop3A_324, %parallel_loop3A_333] : memref<2600000x24xf32, #tpu.memory_space<hbm>> -> memref<1x24xf32, #tpu.memory_space<hbm>>
      %parallel_loop3A_335 = arith.constant 0 : i32
      %parallel_loop3A_336 = arith.constant 0 : i32
      %parallel_loop3A_337 = tpu.memref_slice %arg6[%parallel_loop3A_17, %parallel_loop3A_335, %parallel_loop3A_336] : memref<2x416x24xf32, #tpu.memory_space<vmem>> -> memref<1x416x24xf32, #tpu.memory_space<vmem>>
      %parallel_loop3A_338 = tpu.memref_squeeze %parallel_loop3A_337 : memref<1x416x24xf32, #tpu.memory_space<vmem>> -> memref<416x24xf32, #tpu.memory_space<vmem>>
      %parallel_loop3A_339 = arith.constant 0 : i32
      %parallel_loop3A_340 = tpu.memref_slice %parallel_loop3A_338[%parallel_loop3A_326, %parallel_loop3A_339] : memref<416x24xf32, #tpu.memory_space<vmem>> -> memref<1x24xf32, #tpu.memory_space<vmem>>
      %parallel_loop3A_341 = arith.constant 0 : i32
      %parallel_loop3A_342 = tpu.memref_slice %arg3[%parallel_loop3A_324, %parallel_loop3A_341] : memref<2600000x24xf32, #tpu.memory_space<hbm>> -> memref<1x24xf32, #tpu.memory_space<hbm>>
      tpu.enqueue_dma source(%parallel_loop3A_342 : memref<1x24xf32, #tpu.memory_space<hbm>>) target(%parallel_loop3A_340 : memref<1x24xf32, #tpu.memory_space<vmem>>) target_semaphore(%arg8 : memref<!tpu.dma_semaphore, #tpu.memory_space<semaphore_mem>>)
      %parallel_loop3A_343 = vector.extract_strided_slice %parallel_loop3A_120 {offsets = [11], sizes = [1], strides = [1]} : vector<16xi32> to vector<1xi32>
      %parallel_loop3A_344 = vector.extract %parallel_loop3A_343[0] : i32 from vector<1xi32>
      %parallel_loop3A_345 = arith.constant 11 : i32
      %parallel_loop3A_346 = arith.addi %parallel_loop3A_122, %parallel_loop3A_345 : i32
      %parallel_loop3A_347 = arith.constant 0 : i32
      %parallel_loop3A_348 = arith.constant 0 : i32
      %parallel_loop3A_349 = tpu.memref_slice %arg6[%parallel_loop3A_17, %parallel_loop3A_347, %parallel_loop3A_348] : memref<2x416x24xf32, #tpu.memory_space<vmem>> -> memref<1x416x24xf32, #tpu.memory_space<vmem>>
      %parallel_loop3A_350 = tpu.memref_squeeze %parallel_loop3A_349 : memref<1x416x24xf32, #tpu.memory_space<vmem>> -> memref<416x24xf32, #tpu.memory_space<vmem>>
      %parallel_loop3A_351 = arith.constant 0 : i32
      %parallel_loop3A_352 = tpu.memref_slice %parallel_loop3A_350[%parallel_loop3A_346, %parallel_loop3A_351] : memref<416x24xf32, #tpu.memory_space<vmem>> -> memref<1x24xf32, #tpu.memory_space<vmem>>
      %parallel_loop3A_353 = arith.constant 0 : i32
      %parallel_loop3A_354 = tpu.memref_slice %arg3[%parallel_loop3A_344, %parallel_loop3A_353] : memref<2600000x24xf32, #tpu.memory_space<hbm>> -> memref<1x24xf32, #tpu.memory_space<hbm>>
      %parallel_loop3A_355 = arith.constant 0 : i32
      %parallel_loop3A_356 = arith.constant 0 : i32
      %parallel_loop3A_357 = tpu.memref_slice %arg6[%parallel_loop3A_17, %parallel_loop3A_355, %parallel_loop3A_356] : memref<2x416x24xf32, #tpu.memory_space<vmem>> -> memref<1x416x24xf32, #tpu.memory_space<vmem>>
      %parallel_loop3A_358 = tpu.memref_squeeze %parallel_loop3A_357 : memref<1x416x24xf32, #tpu.memory_space<vmem>> -> memref<416x24xf32, #tpu.memory_space<vmem>>
      %parallel_loop3A_359 = arith.constant 0 : i32
      %parallel_loop3A_360 = tpu.memref_slice %parallel_loop3A_358[%parallel_loop3A_346, %parallel_loop3A_359] : memref<416x24xf32, #tpu.memory_space<vmem>> -> memref<1x24xf32, #tpu.memory_space<vmem>>
      %parallel_loop3A_361 = arith.constant 0 : i32
      %parallel_loop3A_362 = tpu.memref_slice %arg3[%parallel_loop3A_344, %parallel_loop3A_361] : memref<2600000x24xf32, #tpu.memory_space<hbm>> -> memref<1x24xf32, #tpu.memory_space<hbm>>
      tpu.enqueue_dma source(%parallel_loop3A_362 : memref<1x24xf32, #tpu.memory_space<hbm>>) target(%parallel_loop3A_360 : memref<1x24xf32, #tpu.memory_space<vmem>>) target_semaphore(%arg8 : memref<!tpu.dma_semaphore, #tpu.memory_space<semaphore_mem>>)
      %parallel_loop3A_363 = vector.extract_strided_slice %parallel_loop3A_120 {offsets = [12], sizes = [1], strides = [1]} : vector<16xi32> to vector<1xi32>
      %parallel_loop3A_364 = vector.extract %parallel_loop3A_363[0] : i32 from vector<1xi32>
      %parallel_loop3A_365 = arith.constant 12 : i32
      %parallel_loop3A_366 = arith.addi %parallel_loop3A_122, %parallel_loop3A_365 : i32
      %parallel_loop3A_367 = arith.constant 0 : i32
      %parallel_loop3A_368 = arith.constant 0 : i32
      %parallel_loop3A_369 = tpu.memref_slice %arg6[%parallel_loop3A_17, %parallel_loop3A_367, %parallel_loop3A_368] : memref<2x416x24xf32, #tpu.memory_space<vmem>> -> memref<1x416x24xf32, #tpu.memory_space<vmem>>
      %parallel_loop3A_370 = tpu.memref_squeeze %parallel_loop3A_369 : memref<1x416x24xf32, #tpu.memory_space<vmem>> -> memref<416x24xf32, #tpu.memory_space<vmem>>
      %parallel_loop3A_371 = arith.constant 0 : i32
      %parallel_loop3A_372 = tpu.memref_slice %parallel_loop3A_370[%parallel_loop3A_366, %parallel_loop3A_371] : memref<416x24xf32, #tpu.memory_space<vmem>> -> memref<1x24xf32, #tpu.memory_space<vmem>>
      %parallel_loop3A_373 = arith.constant 0 : i32
      %parallel_loop3A_374 = tpu.memref_slice %arg3[%parallel_loop3A_364, %parallel_loop3A_373] : memref<2600000x24xf32, #tpu.memory_space<hbm>> -> memref<1x24xf32, #tpu.memory_space<hbm>>
      %parallel_loop3A_375 = arith.constant 0 : i32
      %parallel_loop3A_376 = arith.constant 0 : i32
      %parallel_loop3A_377 = tpu.memref_slice %arg6[%parallel_loop3A_17, %parallel_loop3A_375, %parallel_loop3A_376] : memref<2x416x24xf32, #tpu.memory_space<vmem>> -> memref<1x416x24xf32, #tpu.memory_space<vmem>>
      %parallel_loop3A_378 = tpu.memref_squeeze %parallel_loop3A_377 : memref<1x416x24xf32, #tpu.memory_space<vmem>> -> memref<416x24xf32, #tpu.memory_space<vmem>>
      %parallel_loop3A_379 = arith.constant 0 : i32
      %parallel_loop3A_380 = tpu.memref_slice %parallel_loop3A_378[%parallel_loop3A_366, %parallel_loop3A_379] : memref<416x24xf32, #tpu.memory_space<vmem>> -> memref<1x24xf32, #tpu.memory_space<vmem>>
      %parallel_loop3A_381 = arith.constant 0 : i32
      %parallel_loop3A_382 = tpu.memref_slice %arg3[%parallel_loop3A_364, %parallel_loop3A_381] : memref<2600000x24xf32, #tpu.memory_space<hbm>> -> memref<1x24xf32, #tpu.memory_space<hbm>>
      tpu.enqueue_dma source(%parallel_loop3A_382 : memref<1x24xf32, #tpu.memory_space<hbm>>) target(%parallel_loop3A_380 : memref<1x24xf32, #tpu.memory_space<vmem>>) target_semaphore(%arg8 : memref<!tpu.dma_semaphore, #tpu.memory_space<semaphore_mem>>)
      %parallel_loop3A_383 = vector.extract_strided_slice %parallel_loop3A_120 {offsets = [13], sizes = [1], strides = [1]} : vector<16xi32> to vector<1xi32>
      %parallel_loop3A_384 = vector.extract %parallel_loop3A_383[0] : i32 from vector<1xi32>
      %parallel_loop3A_385 = arith.constant 13 : i32
      %parallel_loop3A_386 = arith.addi %parallel_loop3A_122, %parallel_loop3A_385 : i32
      %parallel_loop3A_387 = arith.constant 0 : i32
      %parallel_loop3A_388 = arith.constant 0 : i32
      %parallel_loop3A_389 = tpu.memref_slice %arg6[%parallel_loop3A_17, %parallel_loop3A_387, %parallel_loop3A_388] : memref<2x416x24xf32, #tpu.memory_space<vmem>> -> memref<1x416x24xf32, #tpu.memory_space<vmem>>
      %parallel_loop3A_390 = tpu.memref_squeeze %parallel_loop3A_389 : memref<1x416x24xf32, #tpu.memory_space<vmem>> -> memref<416x24xf32, #tpu.memory_space<vmem>>
      %parallel_loop3A_391 = arith.constant 0 : i32
      %parallel_loop3A_392 = tpu.memref_slice %parallel_loop3A_390[%parallel_loop3A_386, %parallel_loop3A_391] : memref<416x24xf32, #tpu.memory_space<vmem>> -> memref<1x24xf32, #tpu.memory_space<vmem>>
      %parallel_loop3A_393 = arith.constant 0 : i32
      %parallel_loop3A_394 = tpu.memref_slice %arg3[%parallel_loop3A_384, %parallel_loop3A_393] : memref<2600000x24xf32, #tpu.memory_space<hbm>> -> memref<1x24xf32, #tpu.memory_space<hbm>>
      %parallel_loop3A_395 = arith.constant 0 : i32
      %parallel_loop3A_396 = arith.constant 0 : i32
      %parallel_loop3A_397 = tpu.memref_slice %arg6[%parallel_loop3A_17, %parallel_loop3A_395, %parallel_loop3A_396] : memref<2x416x24xf32, #tpu.memory_space<vmem>> -> memref<1x416x24xf32, #tpu.memory_space<vmem>>
      %parallel_loop3A_398 = tpu.memref_squeeze %parallel_loop3A_397 : memref<1x416x24xf32, #tpu.memory_space<vmem>> -> memref<416x24xf32, #tpu.memory_space<vmem>>
      %parallel_loop3A_399 = arith.constant 0 : i32
      %parallel_loop3A_400 = tpu.memref_slice %parallel_loop3A_398[%parallel_loop3A_386, %parallel_loop3A_399] : memref<416x24xf32, #tpu.memory_space<vmem>> -> memref<1x24xf32, #tpu.memory_space<vmem>>
      %parallel_loop3A_401 = arith.constant 0 : i32
      %parallel_loop3A_402 = tpu.memref_slice %arg3[%parallel_loop3A_384, %parallel_loop3A_401] : memref<2600000x24xf32, #tpu.memory_space<hbm>> -> memref<1x24xf32, #tpu.memory_space<hbm>>
      tpu.enqueue_dma source(%parallel_loop3A_402 : memref<1x24xf32, #tpu.memory_space<hbm>>) target(%parallel_loop3A_400 : memref<1x24xf32, #tpu.memory_space<vmem>>) target_semaphore(%arg8 : memref<!tpu.dma_semaphore, #tpu.memory_space<semaphore_mem>>)
      %parallel_loop3A_403 = vector.extract_strided_slice %parallel_loop3A_120 {offsets = [14], sizes = [1], strides = [1]} : vector<16xi32> to vector<1xi32>
      %parallel_loop3A_404 = vector.extract %parallel_loop3A_403[0] : i32 from vector<1xi32>
      %parallel_loop3A_405 = arith.constant 14 : i32
      %parallel_loop3A_406 = arith.addi %parallel_loop3A_122, %parallel_loop3A_405 : i32
      %parallel_loop3A_407 = arith.constant 0 : i32
      %parallel_loop3A_408 = arith.constant 0 : i32
      %parallel_loop3A_409 = tpu.memref_slice %arg6[%parallel_loop3A_17, %parallel_loop3A_407, %parallel_loop3A_408] : memref<2x416x24xf32, #tpu.memory_space<vmem>> -> memref<1x416x24xf32, #tpu.memory_space<vmem>>
      %parallel_loop3A_410 = tpu.memref_squeeze %parallel_loop3A_409 : memref<1x416x24xf32, #tpu.memory_space<vmem>> -> memref<416x24xf32, #tpu.memory_space<vmem>>
      %parallel_loop3A_411 = arith.constant 0 : i32
      %parallel_loop3A_412 = tpu.memref_slice %parallel_loop3A_410[%parallel_loop3A_406, %parallel_loop3A_411] : memref<416x24xf32, #tpu.memory_space<vmem>> -> memref<1x24xf32, #tpu.memory_space<vmem>>
      %parallel_loop3A_413 = arith.constant 0 : i32
      %parallel_loop3A_414 = tpu.memref_slice %arg3[%parallel_loop3A_404, %parallel_loop3A_413] : memref<2600000x24xf32, #tpu.memory_space<hbm>> -> memref<1x24xf32, #tpu.memory_space<hbm>>
      %parallel_loop3A_415 = arith.constant 0 : i32
      %parallel_loop3A_416 = arith.constant 0 : i32
      %parallel_loop3A_417 = tpu.memref_slice %arg6[%parallel_loop3A_17, %parallel_loop3A_415, %parallel_loop3A_416] : memref<2x416x24xf32, #tpu.memory_space<vmem>> -> memref<1x416x24xf32, #tpu.memory_space<vmem>>
      %parallel_loop3A_418 = tpu.memref_squeeze %parallel_loop3A_417 : memref<1x416x24xf32, #tpu.memory_space<vmem>> -> memref<416x24xf32, #tpu.memory_space<vmem>>
      %parallel_loop3A_419 = arith.constant 0 : i32
      %parallel_loop3A_420 = tpu.memref_slice %parallel_loop3A_418[%parallel_loop3A_406, %parallel_loop3A_419] : memref<416x24xf32, #tpu.memory_space<vmem>> -> memref<1x24xf32, #tpu.memory_space<vmem>>
      %parallel_loop3A_421 = arith.constant 0 : i32
      %parallel_loop3A_422 = tpu.memref_slice %arg3[%parallel_loop3A_404, %parallel_loop3A_421] : memref<2600000x24xf32, #tpu.memory_space<hbm>> -> memref<1x24xf32, #tpu.memory_space<hbm>>
      tpu.enqueue_dma source(%parallel_loop3A_422 : memref<1x24xf32, #tpu.memory_space<hbm>>) target(%parallel_loop3A_420 : memref<1x24xf32, #tpu.memory_space<vmem>>) target_semaphore(%arg8 : memref<!tpu.dma_semaphore, #tpu.memory_space<semaphore_mem>>)
      %parallel_loop3A_423 = vector.extract_strided_slice %parallel_loop3A_120 {offsets = [15], sizes = [1], strides = [1]} : vector<16xi32> to vector<1xi32>
      %parallel_loop3A_424 = vector.extract %parallel_loop3A_423[0] : i32 from vector<1xi32>
      %parallel_loop3A_425 = arith.constant 15 : i32
      %parallel_loop3A_426 = arith.addi %parallel_loop3A_122, %parallel_loop3A_425 : i32
      %parallel_loop3A_427 = arith.constant 0 : i32
      %parallel_loop3A_428 = arith.constant 0 : i32
      %parallel_loop3A_429 = tpu.memref_slice %arg6[%parallel_loop3A_17, %parallel_loop3A_427, %parallel_loop3A_428] : memref<2x416x24xf32, #tpu.memory_space<vmem>> -> memref<1x416x24xf32, #tpu.memory_space<vmem>>
      %parallel_loop3A_430 = tpu.memref_squeeze %parallel_loop3A_429 : memref<1x416x24xf32, #tpu.memory_space<vmem>> -> memref<416x24xf32, #tpu.memory_space<vmem>>
      %parallel_loop3A_431 = arith.constant 0 : i32
      %parallel_loop3A_432 = tpu.memref_slice %parallel_loop3A_430[%parallel_loop3A_426, %parallel_loop3A_431] : memref<416x24xf32, #tpu.memory_space<vmem>> -> memref<1x24xf32, #tpu.memory_space<vmem>>
      %parallel_loop3A_433 = arith.constant 0 : i32
      %parallel_loop3A_434 = tpu.memref_slice %arg3[%parallel_loop3A_424, %parallel_loop3A_433] : memref<2600000x24xf32, #tpu.memory_space<hbm>> -> memref<1x24xf32, #tpu.memory_space<hbm>>
      %parallel_loop3A_435 = arith.constant 0 : i32
      %parallel_loop3A_436 = arith.constant 0 : i32
      %parallel_loop3A_437 = tpu.memref_slice %arg6[%parallel_loop3A_17, %parallel_loop3A_435, %parallel_loop3A_436] : memref<2x416x24xf32, #tpu.memory_space<vmem>> -> memref<1x416x24xf32, #tpu.memory_space<vmem>>
      %parallel_loop3A_438 = tpu.memref_squeeze %parallel_loop3A_437 : memref<1x416x24xf32, #tpu.memory_space<vmem>> -> memref<416x24xf32, #tpu.memory_space<vmem>>
      %parallel_loop3A_439 = arith.constant 0 : i32
      %parallel_loop3A_440 = tpu.memref_slice %parallel_loop3A_438[%parallel_loop3A_426, %parallel_loop3A_439] : memref<416x24xf32, #tpu.memory_space<vmem>> -> memref<1x24xf32, #tpu.memory_space<vmem>>
      %parallel_loop3A_441 = arith.constant 0 : i32
      %parallel_loop3A_442 = tpu.memref_slice %arg3[%parallel_loop3A_424, %parallel_loop3A_441] : memref<2600000x24xf32, #tpu.memory_space<hbm>> -> memref<1x24xf32, #tpu.memory_space<hbm>>
      tpu.enqueue_dma source(%parallel_loop3A_442 : memref<1x24xf32, #tpu.memory_space<hbm>>) target(%parallel_loop3A_440 : memref<1x24xf32, #tpu.memory_space<vmem>>) target_semaphore(%arg8 : memref<!tpu.dma_semaphore, #tpu.memory_space<semaphore_mem>>)
    } {sc.loop_unroll_factor = 1 : i64, sc.parallel_access}
    %dma_wait3A = arith.constant 0 : i32
    %dma_wait3A_18 = arith.constant 0 : i32
    %dma_wait3A_19 = arith.constant 0 : i32
    %dma_wait3A_20 = tpu.memref_slice %arg6[%dma_wait3A, %dma_wait3A_18, %dma_wait3A_19] : memref<2x416x24xf32, #tpu.memory_space<vmem>> -> memref<1x416x24xf32, #tpu.memory_space<vmem>>
    %dma_wait3A_21 = tpu.memref_squeeze %dma_wait3A_20 : memref<1x416x24xf32, #tpu.memory_space<vmem>> -> memref<416x24xf32, #tpu.memory_space<vmem>>
    %dma_wait3A_22 = arith.constant 0 : i32
    %dma_wait3A_23 = arith.constant 0 : i32
    %dma_wait3A_24 = tpu.memref_slice %arg4[%dma_wait3A_22, %dma_wait3A_23] : memref<425984x24xf32, #tpu.memory_space<hbm>> -> memref<416x24xf32, #tpu.memory_space<hbm>>
    %dma_wait3A_25 = arith.constant 0 : i32
    %dma_wait3A_26 = arith.constant 0 : i32
    %dma_wait3A_27 = tpu.memref_slice %arg6[%dma_wait3A, %dma_wait3A_25, %dma_wait3A_26] : memref<2x416x24xf32, #tpu.memory_space<vmem>> -> memref<1x416x24xf32, #tpu.memory_space<vmem>>
    %dma_wait3A_28 = tpu.memref_squeeze %dma_wait3A_27 : memref<1x416x24xf32, #tpu.memory_space<vmem>> -> memref<416x24xf32, #tpu.memory_space<vmem>>
    %dma_wait3A_29 = arith.constant 0 : i32
    %dma_wait3A_30 = arith.constant 0 : i32
    %dma_wait3A_31 = tpu.memref_slice %arg4[%dma_wait3A_29, %dma_wait3A_30] : memref<425984x24xf32, #tpu.memory_space<hbm>> -> memref<416x24xf32, #tpu.memory_space<hbm>>
    tpu.wait_dma2 semaphore(%arg7 : memref<!tpu.dma_semaphore, #tpu.memory_space<semaphore_mem>>) src(%dma_wait3A_31 : memref<416x24xf32, #tpu.memory_space<hbm>>) dst(%dma_wait3A_28 : memref<416x24xf32, #tpu.memory_space<vmem>>)
    %add3A_32 = arith.constant 0 : i32
    %add3A_33 = arith.addi %multiple_of3A, %add3A_32 : i32
    %multiple_of3A_34 = tpu.assume_multiple %add3A_33, 8 : i32
    %dma_start3A = arith.constant 0 : i32
    %dma_start3A_35 = arith.constant 0 : i32
    %dma_start3A_36 = arith.constant 0 : i32
    %dma_start3A_37 = tpu.memref_slice %arg6[%dma_start3A, %dma_start3A_35, %dma_start3A_36] : memref<2x416x24xf32, #tpu.memory_space<vmem>> -> memref<1x416x24xf32, #tpu.memory_space<vmem>>
    %dma_start3A_38 = tpu.memref_squeeze %dma_start3A_37 : memref<1x416x24xf32, #tpu.memory_space<vmem>> -> memref<416x24xf32, #tpu.memory_space<vmem>>
    %dma_start3A_39 = arith.constant 0 : i32
    %dma_start3A_40 = tpu.memref_slice %arg4[%multiple_of3A_34, %dma_start3A_39] : memref<425984x24xf32, #tpu.memory_space<hbm>> -> memref<416x24xf32, #tpu.memory_space<hbm>>
    %dma_start3A_41 = arith.constant 0 : i32
    %dma_start3A_42 = tpu.memref_slice %arg4[%multiple_of3A_34, %dma_start3A_41] : memref<425984x24xf32, #tpu.memory_space<hbm>> -> memref<416x24xf32, #tpu.memory_space<hbm>>
    %dma_start3A_43 = arith.constant 0 : i32
    %dma_start3A_44 = arith.constant 0 : i32
    %dma_start3A_45 = tpu.memref_slice %arg6[%dma_start3A, %dma_start3A_43, %dma_start3A_44] : memref<2x416x24xf32, #tpu.memory_space<vmem>> -> memref<1x416x24xf32, #tpu.memory_space<vmem>>
    %dma_start3A_46 = tpu.memref_squeeze %dma_start3A_45 : memref<1x416x24xf32, #tpu.memory_space<vmem>> -> memref<416x24xf32, #tpu.memory_space<vmem>>
    tpu.enqueue_dma source(%dma_start3A_46 : memref<416x24xf32, #tpu.memory_space<vmem>>) target(%dma_start3A_42 : memref<416x24xf32, #tpu.memory_space<hbm>>) target_semaphore(%arg9 : memref<!tpu.dma_semaphore, #tpu.memory_space<semaphore_mem>>)
    %scan3A_47 = arith.constant 1 : i32
    %scan3A_48 = arith.constant 15 : i32
    %scan3A_49 = arith.addi %scan3A_47, %scan3A_48 : i32
    %scan3A_50 = arith.constant 1 : i32
    scf.for %scan3A_113 = %scan3A_47 to %scan3A_49 step %scan3A_50  : i32 {
      %mul3A_114 = arith.constant 2 : i32
      %mul3A_115 = arith.muli %mul3A_114, %scan3A_113 : i32
      %dma_wait3A_116 = arith.constant 0 : i32
      %dma_wait3A_117 = arith.constant 0 : i32
      %dma_wait3A_118 = arith.constant 0 : i32
      %dma_wait3A_119 = tpu.memref_slice %arg6[%dma_wait3A_116, %dma_wait3A_117, %dma_wait3A_118] : memref<2x416x24xf32, #tpu.memory_space<vmem>> -> memref<1x416x24xf32, #tpu.memory_space<vmem>>
      %dma_wait3A_120 = tpu.memref_squeeze %dma_wait3A_119 : memref<1x416x24xf32, #tpu.memory_space<vmem>> -> memref<416x24xf32, #tpu.memory_space<vmem>>
      %dma_wait3A_121 = arith.constant 0 : i32
      %dma_wait3A_122 = arith.constant 0 : i32
      %dma_wait3A_123 = tpu.memref_slice %arg4[%dma_wait3A_121, %dma_wait3A_122] : memref<425984x24xf32, #tpu.memory_space<hbm>> -> memref<416x24xf32, #tpu.memory_space<hbm>>
      %dma_wait3A_124 = arith.constant 0 : i32
      %dma_wait3A_125 = arith.constant 0 : i32
      %dma_wait3A_126 = tpu.memref_slice %arg6[%dma_wait3A_116, %dma_wait3A_124, %dma_wait3A_125] : memref<2x416x24xf32, #tpu.memory_space<vmem>> -> memref<1x416x24xf32, #tpu.memory_space<vmem>>
      %dma_wait3A_127 = tpu.memref_squeeze %dma_wait3A_126 : memref<1x416x24xf32, #tpu.memory_space<vmem>> -> memref<416x24xf32, #tpu.memory_space<vmem>>
      %dma_wait3A_128 = arith.constant 0 : i32
      %dma_wait3A_129 = arith.constant 0 : i32
      %dma_wait3A_130 = tpu.memref_slice %arg4[%dma_wait3A_128, %dma_wait3A_129] : memref<425984x24xf32, #tpu.memory_space<hbm>> -> memref<416x24xf32, #tpu.memory_space<hbm>>
      tpu.wait_dma2 semaphore(%arg9 : memref<!tpu.dma_semaphore, #tpu.memory_space<semaphore_mem>>) src(%dma_wait3A_130 : memref<416x24xf32, #tpu.memory_space<hbm>>) dst(%dma_wait3A_127 : memref<416x24xf32, #tpu.memory_space<vmem>>)
      %mul3A_131 = arith.constant 416 : i32
      %mul3A_132 = arith.muli %mul3A_115, %mul3A_131 : i32
      %multiple_of3A_133 = tpu.assume_multiple %mul3A_132, 416 : i32
      %parallel_loop3A_134 = arith.constant 0 : i32
      %parallel_loop3A_135 = arith.constant 26 : i32
      %parallel_loop3A_136 = arith.constant 1 : i32
      %parallel_loop3A_137 = arith.constant 0 : i32
      scf.for %parallel_loop3A_227 = %parallel_loop3A_134 to %parallel_loop3A_135 step %parallel_loop3A_136  : i32 {
        %parallel_loop3A_228 = arith.constant 16 : i32
        %parallel_loop3A_229 = arith.muli %parallel_loop3A_227, %parallel_loop3A_228 : i32
        %parallel_loop3A_230 = arith.addi %multiple_of3A_133, %parallel_loop3A_229 : i32
        %parallel_loop3A_231 = tpu.assume_multiple %parallel_loop3A_230, 16 : i32
        %parallel_loop3A_232 = arith.index_cast %parallel_loop3A_231 : i32 to index
        %parallel_loop3A_233 = tpu.vector_load %arg5[%parallel_loop3A_232] {strides = array<i32>} : memref<13312xi32, #tpu.memory_space<vmem>>, vector<16xi32>,
        %parallel_loop3A_234 = vector.shape_cast %parallel_loop3A_233 : vector<16xi32> to vector<16xi32>
        %parallel_loop3A_235 = arith.constant 16 : i32
        %parallel_loop3A_236 = arith.muli %parallel_loop3A_227, %parallel_loop3A_235 : i32
        %parallel_loop3A_237 = vector.extract_strided_slice %parallel_loop3A_234 {offsets = [0], sizes = [1], strides = [1]} : vector<16xi32> to vector<1xi32>
        %parallel_loop3A_238 = vector.extract %parallel_loop3A_237[0] : i32 from vector<1xi32>
        %parallel_loop3A_239 = arith.constant 0 : i32
        %parallel_loop3A_240 = arith.addi %parallel_loop3A_236, %parallel_loop3A_239 : i32
        %parallel_loop3A_241 = arith.constant 0 : i32
        %parallel_loop3A_242 = arith.constant 0 : i32
        %parallel_loop3A_243 = tpu.memref_slice %arg6[%parallel_loop3A_137, %parallel_loop3A_241, %parallel_loop3A_242] : memref<2x416x24xf32, #tpu.memory_space<vmem>> -> memref<1x416x24xf32, #tpu.memory_space<vmem>>
        %parallel_loop3A_244 = tpu.memref_squeeze %parallel_loop3A_243 : memref<1x416x24xf32, #tpu.memory_space<vmem>> -> memref<416x24xf32, #tpu.memory_space<vmem>>
        %parallel_loop3A_245 = arith.constant 0 : i32
        %parallel_loop3A_246 = tpu.memref_slice %parallel_loop3A_244[%parallel_loop3A_240, %parallel_loop3A_245] : memref<416x24xf32, #tpu.memory_space<vmem>> -> memref<1x24xf32, #tpu.memory_space<vmem>>
        %parallel_loop3A_247 = arith.constant 0 : i32
        %parallel_loop3A_248 = tpu.memref_slice %arg3[%parallel_loop3A_238, %parallel_loop3A_247] : memref<2600000x24xf32, #tpu.memory_space<hbm>> -> memref<1x24xf32, #tpu.memory_space<hbm>>
        %parallel_loop3A_249 = arith.constant 0 : i32
        %parallel_loop3A_250 = arith.constant 0 : i32
        %parallel_loop3A_251 = tpu.memref_slice %arg6[%parallel_loop3A_137, %parallel_loop3A_249, %parallel_loop3A_250] : memref<2x416x24xf32, #tpu.memory_space<vmem>> -> memref<1x416x24xf32, #tpu.memory_space<vmem>>
        %parallel_loop3A_252 = tpu.memref_squeeze %parallel_loop3A_251 : memref<1x416x24xf32, #tpu.memory_space<vmem>> -> memref<416x24xf32, #tpu.memory_space<vmem>>
        %parallel_loop3A_253 = arith.constant 0 : i32
        %parallel_loop3A_254 = tpu.memref_slice %parallel_loop3A_252[%parallel_loop3A_240, %parallel_loop3A_253] : memref<416x24xf32, #tpu.memory_space<vmem>> -> memref<1x24xf32, #tpu.memory_space<vmem>>
        %parallel_loop3A_255 = arith.constant 0 : i32
        %parallel_loop3A_256 = tpu.memref_slice %arg3[%parallel_loop3A_238, %parallel_loop3A_255] : memref<2600000x24xf32, #tpu.memory_space<hbm>> -> memref<1x24xf32, #tpu.memory_space<hbm>>
        tpu.enqueue_dma source(%parallel_loop3A_256 : memref<1x24xf32, #tpu.memory_space<hbm>>) target(%parallel_loop3A_254 : memref<1x24xf32, #tpu.memory_space<vmem>>) target_semaphore(%arg7 : memref<!tpu.dma_semaphore, #tpu.memory_space<semaphore_mem>>)
        %parallel_loop3A_257 = vector.extract_strided_slice %parallel_loop3A_234 {offsets = [1], sizes = [1], strides = [1]} : vector<16xi32> to vector<1xi32>
        %parallel_loop3A_258 = vector.extract %parallel_loop3A_257[0] : i32 from vector<1xi32>
        %parallel_loop3A_259 = arith.constant 1 : i32
        %parallel_loop3A_260 = arith.addi %parallel_loop3A_236, %parallel_loop3A_259 : i32
        %parallel_loop3A_261 = arith.constant 0 : i32
        %parallel_loop3A_262 = arith.constant 0 : i32
        %parallel_loop3A_263 = tpu.memref_slice %arg6[%parallel_loop3A_137, %parallel_loop3A_261, %parallel_loop3A_262] : memref<2x416x24xf32, #tpu.memory_space<vmem>> -> memref<1x416x24xf32, #tpu.memory_space<vmem>>
        %parallel_loop3A_264 = tpu.memref_squeeze %parallel_loop3A_263 : memref<1x416x24xf32, #tpu.memory_space<vmem>> -> memref<416x24xf32, #tpu.memory_space<vmem>>
        %parallel_loop3A_265 = arith.constant 0 : i32
        %parallel_loop3A_266 = tpu.memref_slice %parallel_loop3A_264[%parallel_loop3A_260, %parallel_loop3A_265] : memref<416x24xf32, #tpu.memory_space<vmem>> -> memref<1x24xf32, #tpu.memory_space<vmem>>
        %parallel_loop3A_267 = arith.constant 0 : i32
        %parallel_loop3A_268 = tpu.memref_slice %arg3[%parallel_loop3A_258, %parallel_loop3A_267] : memref<2600000x24xf32, #tpu.memory_space<hbm>> -> memref<1x24xf32, #tpu.memory_space<hbm>>
        %parallel_loop3A_269 = arith.constant 0 : i32
        %parallel_loop3A_270 = arith.constant 0 : i32
        %parallel_loop3A_271 = tpu.memref_slice %arg6[%parallel_loop3A_137, %parallel_loop3A_269, %parallel_loop3A_270] : memref<2x416x24xf32, #tpu.memory_space<vmem>> -> memref<1x416x24xf32, #tpu.memory_space<vmem>>
        %parallel_loop3A_272 = tpu.memref_squeeze %parallel_loop3A_271 : memref<1x416x24xf32, #tpu.memory_space<vmem>> -> memref<416x24xf32, #tpu.memory_space<vmem>>
        %parallel_loop3A_273 = arith.constant 0 : i32
        %parallel_loop3A_274 = tpu.memref_slice %parallel_loop3A_272[%parallel_loop3A_260, %parallel_loop3A_273] : memref<416x24xf32, #tpu.memory_space<vmem>> -> memref<1x24xf32, #tpu.memory_space<vmem>>
        %parallel_loop3A_275 = arith.constant 0 : i32
        %parallel_loop3A_276 = tpu.memref_slice %arg3[%parallel_loop3A_258, %parallel_loop3A_275] : memref<2600000x24xf32, #tpu.memory_space<hbm>> -> memref<1x24xf32, #tpu.memory_space<hbm>>
        tpu.enqueue_dma source(%parallel_loop3A_276 : memref<1x24xf32, #tpu.memory_space<hbm>>) target(%parallel_loop3A_274 : memref<1x24xf32, #tpu.memory_space<vmem>>) target_semaphore(%arg7 : memref<!tpu.dma_semaphore, #tpu.memory_space<semaphore_mem>>)
        %parallel_loop3A_277 = vector.extract_strided_slice %parallel_loop3A_234 {offsets = [2], sizes = [1], strides = [1]} : vector<16xi32> to vector<1xi32>
        %parallel_loop3A_278 = vector.extract %parallel_loop3A_277[0] : i32 from vector<1xi32>
        %parallel_loop3A_279 = arith.constant 2 : i32
        %parallel_loop3A_280 = arith.addi %parallel_loop3A_236, %parallel_loop3A_279 : i32
        %parallel_loop3A_281 = arith.constant 0 : i32
        %parallel_loop3A_282 = arith.constant 0 : i32
        %parallel_loop3A_283 = tpu.memref_slice %arg6[%parallel_loop3A_137, %parallel_loop3A_281, %parallel_loop3A_282] : memref<2x416x24xf32, #tpu.memory_space<vmem>> -> memref<1x416x24xf32, #tpu.memory_space<vmem>>
        %parallel_loop3A_284 = tpu.memref_squeeze %parallel_loop3A_283 : memref<1x416x24xf32, #tpu.memory_space<vmem>> -> memref<416x24xf32, #tpu.memory_space<vmem>>
        %parallel_loop3A_285 = arith.constant 0 : i32
        %parallel_loop3A_286 = tpu.memref_slice %parallel_loop3A_284[%parallel_loop3A_280, %parallel_loop3A_285] : memref<416x24xf32, #tpu.memory_space<vmem>> -> memref<1x24xf32, #tpu.memory_space<vmem>>
        %parallel_loop3A_287 = arith.constant 0 : i32
        %parallel_loop3A_288 = tpu.memref_slice %arg3[%parallel_loop3A_278, %parallel_loop3A_287] : memref<2600000x24xf32, #tpu.memory_space<hbm>> -> memref<1x24xf32, #tpu.memory_space<hbm>>
        %parallel_loop3A_289 = arith.constant 0 : i32
        %parallel_loop3A_290 = arith.constant 0 : i32
        %parallel_loop3A_291 = tpu.memref_slice %arg6[%parallel_loop3A_137, %parallel_loop3A_289, %parallel_loop3A_290] : memref<2x416x24xf32, #tpu.memory_space<vmem>> -> memref<1x416x24xf32, #tpu.memory_space<vmem>>
        %parallel_loop3A_292 = tpu.memref_squeeze %parallel_loop3A_291 : memref<1x416x24xf32, #tpu.memory_space<vmem>> -> memref<416x24xf32, #tpu.memory_space<vmem>>
        %parallel_loop3A_293 = arith.constant 0 : i32
        %parallel_loop3A_294 = tpu.memref_slice %parallel_loop3A_292[%parallel_loop3A_280, %parallel_loop3A_293] : memref<416x24xf32, #tpu.memory_space<vmem>> -> memref<1x24xf32, #tpu.memory_space<vmem>>
        %parallel_loop3A_295 = arith.constant 0 : i32
        %parallel_loop3A_296 = tpu.memref_slice %arg3[%parallel_loop3A_278, %parallel_loop3A_295] : memref<2600000x24xf32, #tpu.memory_space<hbm>> -> memref<1x24xf32, #tpu.memory_space<hbm>>
        tpu.enqueue_dma source(%parallel_loop3A_296 : memref<1x24xf32, #tpu.memory_space<hbm>>) target(%parallel_loop3A_294 : memref<1x24xf32, #tpu.memory_space<vmem>>) target_semaphore(%arg7 : memref<!tpu.dma_semaphore, #tpu.memory_space<semaphore_mem>>)
        %parallel_loop3A_297 = vector.extract_strided_slice %parallel_loop3A_234 {offsets = [3], sizes = [1], strides = [1]} : vector<16xi32> to vector<1xi32>
        %parallel_loop3A_298 = vector.extract %parallel_loop3A_297[0] : i32 from vector<1xi32>
        %parallel_loop3A_299 = arith.constant 3 : i32
        %parallel_loop3A_300 = arith.addi %parallel_loop3A_236, %parallel_loop3A_299 : i32
        %parallel_loop3A_301 = arith.constant 0 : i32
        %parallel_loop3A_302 = arith.constant 0 : i32
        %parallel_loop3A_303 = tpu.memref_slice %arg6[%parallel_loop3A_137, %parallel_loop3A_301, %parallel_loop3A_302] : memref<2x416x24xf32, #tpu.memory_space<vmem>> -> memref<1x416x24xf32, #tpu.memory_space<vmem>>
        %parallel_loop3A_304 = tpu.memref_squeeze %parallel_loop3A_303 : memref<1x416x24xf32, #tpu.memory_space<vmem>> -> memref<416x24xf32, #tpu.memory_space<vmem>>
        %parallel_loop3A_305 = arith.constant 0 : i32
        %parallel_loop3A_306 = tpu.memref_slice %parallel_loop3A_304[%parallel_loop3A_300, %parallel_loop3A_305] : memref<416x24xf32, #tpu.memory_space<vmem>> -> memref<1x24xf32, #tpu.memory_space<vmem>>
        %parallel_loop3A_307 = arith.constant 0 : i32
        %parallel_loop3A_308 = tpu.memref_slice %arg3[%parallel_loop3A_298, %parallel_loop3A_307] : memref<2600000x24xf32, #tpu.memory_space<hbm>> -> memref<1x24xf32, #tpu.memory_space<hbm>>
        %parallel_loop3A_309 = arith.constant 0 : i32
        %parallel_loop3A_310 = arith.constant 0 : i32
        %parallel_loop3A_311 = tpu.memref_slice %arg6[%parallel_loop3A_137, %parallel_loop3A_309, %parallel_loop3A_310] : memref<2x416x24xf32, #tpu.memory_space<vmem>> -> memref<1x416x24xf32, #tpu.memory_space<vmem>>
        %parallel_loop3A_312 = tpu.memref_squeeze %parallel_loop3A_311 : memref<1x416x24xf32, #tpu.memory_space<vmem>> -> memref<416x24xf32, #tpu.memory_space<vmem>>
        %parallel_loop3A_313 = arith.constant 0 : i32
        %parallel_loop3A_314 = tpu.memref_slice %parallel_loop3A_312[%parallel_loop3A_300, %parallel_loop3A_313] : memref<416x24xf32, #tpu.memory_space<vmem>> -> memref<1x24xf32, #tpu.memory_space<vmem>>
        %parallel_loop3A_315 = arith.constant 0 : i32
        %parallel_loop3A_316 = tpu.memref_slice %arg3[%parallel_loop3A_298, %parallel_loop3A_315] : memref<2600000x24xf32, #tpu.memory_space<hbm>> -> memref<1x24xf32, #tpu.memory_space<hbm>>
        tpu.enqueue_dma source(%parallel_loop3A_316 : memref<1x24xf32, #tpu.memory_space<hbm>>) target(%parallel_loop3A_314 : memref<1x24xf32, #tpu.memory_space<vmem>>) target_semaphore(%arg7 : memref<!tpu.dma_semaphore, #tpu.memory_space<semaphore_mem>>)
        %parallel_loop3A_317 = vector.extract_strided_slice %parallel_loop3A_234 {offsets = [4], sizes = [1], strides = [1]} : vector<16xi32> to vector<1xi32>
        %parallel_loop3A_318 = vector.extract %parallel_loop3A_317[0] : i32 from vector<1xi32>
        %parallel_loop3A_319 = arith.constant 4 : i32
        %parallel_loop3A_320 = arith.addi %parallel_loop3A_236, %parallel_loop3A_319 : i32
        %parallel_loop3A_321 = arith.constant 0 : i32
        %parallel_loop3A_322 = arith.constant 0 : i32
        %parallel_loop3A_323 = tpu.memref_slice %arg6[%parallel_loop3A_137, %parallel_loop3A_321, %parallel_loop3A_322] : memref<2x416x24xf32, #tpu.memory_space<vmem>> -> memref<1x416x24xf32, #tpu.memory_space<vmem>>
        %parallel_loop3A_324 = tpu.memref_squeeze %parallel_loop3A_323 : memref<1x416x24xf32, #tpu.memory_space<vmem>> -> memref<416x24xf32, #tpu.memory_space<vmem>>
        %parallel_loop3A_325 = arith.constant 0 : i32
        %parallel_loop3A_326 = tpu.memref_slice %parallel_loop3A_324[%parallel_loop3A_320, %parallel_loop3A_325] : memref<416x24xf32, #tpu.memory_space<vmem>> -> memref<1x24xf32, #tpu.memory_space<vmem>>
        %parallel_loop3A_327 = arith.constant 0 : i32
        %parallel_loop3A_328 = tpu.memref_slice %arg3[%parallel_loop3A_318, %parallel_loop3A_327] : memref<2600000x24xf32, #tpu.memory_space<hbm>> -> memref<1x24xf32, #tpu.memory_space<hbm>>
        %parallel_loop3A_329 = arith.constant 0 : i32
        %parallel_loop3A_330 = arith.constant 0 : i32
        %parallel_loop3A_331 = tpu.memref_slice %arg6[%parallel_loop3A_137, %parallel_loop3A_329, %parallel_loop3A_330] : memref<2x416x24xf32, #tpu.memory_space<vmem>> -> memref<1x416x24xf32, #tpu.memory_space<vmem>>
        %parallel_loop3A_332 = tpu.memref_squeeze %parallel_loop3A_331 : memref<1x416x24xf32, #tpu.memory_space<vmem>> -> memref<416x24xf32, #tpu.memory_space<vmem>>
        %parallel_loop3A_333 = arith.constant 0 : i32
        %parallel_loop3A_334 = tpu.memref_slice %parallel_loop3A_332[%parallel_loop3A_320, %parallel_loop3A_333] : memref<416x24xf32, #tpu.memory_space<vmem>> -> memref<1x24xf32, #tpu.memory_space<vmem>>
        %parallel_loop3A_335 = arith.constant 0 : i32
        %parallel_loop3A_336 = tpu.memref_slice %arg3[%parallel_loop3A_318, %parallel_loop3A_335] : memref<2600000x24xf32, #tpu.memory_space<hbm>> -> memref<1x24xf32, #tpu.memory_space<hbm>>
        tpu.enqueue_dma source(%parallel_loop3A_336 : memref<1x24xf32, #tpu.memory_space<hbm>>) target(%parallel_loop3A_334 : memref<1x24xf32, #tpu.memory_space<vmem>>) target_semaphore(%arg7 : memref<!tpu.dma_semaphore, #tpu.memory_space<semaphore_mem>>)
        %parallel_loop3A_337 = vector.extract_strided_slice %parallel_loop3A_234 {offsets = [5], sizes = [1], strides = [1]} : vector<16xi32> to vector<1xi32>
        %parallel_loop3A_338 = vector.extract %parallel_loop3A_337[0] : i32 from vector<1xi32>
        %parallel_loop3A_339 = arith.constant 5 : i32
        %parallel_loop3A_340 = arith.addi %parallel_loop3A_236, %parallel_loop3A_339 : i32
        %parallel_loop3A_341 = arith.constant 0 : i32
        %parallel_loop3A_342 = arith.constant 0 : i32
        %parallel_loop3A_343 = tpu.memref_slice %arg6[%parallel_loop3A_137, %parallel_loop3A_341, %parallel_loop3A_342] : memref<2x416x24xf32, #tpu.memory_space<vmem>> -> memref<1x416x24xf32, #tpu.memory_space<vmem>>
        %parallel_loop3A_344 = tpu.memref_squeeze %parallel_loop3A_343 : memref<1x416x24xf32, #tpu.memory_space<vmem>> -> memref<416x24xf32, #tpu.memory_space<vmem>>
        %parallel_loop3A_345 = arith.constant 0 : i32
        %parallel_loop3A_346 = tpu.memref_slice %parallel_loop3A_344[%parallel_loop3A_340, %parallel_loop3A_345] : memref<416x24xf32, #tpu.memory_space<vmem>> -> memref<1x24xf32, #tpu.memory_space<vmem>>
        %parallel_loop3A_347 = arith.constant 0 : i32
        %parallel_loop3A_348 = tpu.memref_slice %arg3[%parallel_loop3A_338, %parallel_loop3A_347] : memref<2600000x24xf32, #tpu.memory_space<hbm>> -> memref<1x24xf32, #tpu.memory_space<hbm>>
        %parallel_loop3A_349 = arith.constant 0 : i32
        %parallel_loop3A_350 = arith.constant 0 : i32
        %parallel_loop3A_351 = tpu.memref_slice %arg6[%parallel_loop3A_137, %parallel_loop3A_349, %parallel_loop3A_350] : memref<2x416x24xf32, #tpu.memory_space<vmem>> -> memref<1x416x24xf32, #tpu.memory_space<vmem>>
        %parallel_loop3A_352 = tpu.memref_squeeze %parallel_loop3A_351 : memref<1x416x24xf32, #tpu.memory_space<vmem>> -> memref<416x24xf32, #tpu.memory_space<vmem>>
        %parallel_loop3A_353 = arith.constant 0 : i32
        %parallel_loop3A_354 = tpu.memref_slice %parallel_loop3A_352[%parallel_loop3A_340, %parallel_loop3A_353] : memref<416x24xf32, #tpu.memory_space<vmem>> -> memref<1x24xf32, #tpu.memory_space<vmem>>
        %parallel_loop3A_355 = arith.constant 0 : i32
        %parallel_loop3A_356 = tpu.memref_slice %arg3[%parallel_loop3A_338, %parallel_loop3A_355] : memref<2600000x24xf32, #tpu.memory_space<hbm>> -> memref<1x24xf32, #tpu.memory_space<hbm>>
        tpu.enqueue_dma source(%parallel_loop3A_356 : memref<1x24xf32, #tpu.memory_space<hbm>>) target(%parallel_loop3A_354 : memref<1x24xf32, #tpu.memory_space<vmem>>) target_semaphore(%arg7 : memref<!tpu.dma_semaphore, #tpu.memory_space<semaphore_mem>>)
        %parallel_loop3A_357 = vector.extract_strided_slice %parallel_loop3A_234 {offsets = [6], sizes = [1], strides = [1]} : vector<16xi32> to vector<1xi32>
        %parallel_loop3A_358 = vector.extract %parallel_loop3A_357[0] : i32 from vector<1xi32>
        %parallel_loop3A_359 = arith.constant 6 : i32
        %parallel_loop3A_360 = arith.addi %parallel_loop3A_236, %parallel_loop3A_359 : i32
        %parallel_loop3A_361 = arith.constant 0 : i32
        %parallel_loop3A_362 = arith.constant 0 : i32
        %parallel_loop3A_363 = tpu.memref_slice %arg6[%parallel_loop3A_137, %parallel_loop3A_361, %parallel_loop3A_362] : memref<2x416x24xf32, #tpu.memory_space<vmem>> -> memref<1x416x24xf32, #tpu.memory_space<vmem>>
        %parallel_loop3A_364 = tpu.memref_squeeze %parallel_loop3A_363 : memref<1x416x24xf32, #tpu.memory_space<vmem>> -> memref<416x24xf32, #tpu.memory_space<vmem>>
        %parallel_loop3A_365 = arith.constant 0 : i32
        %parallel_loop3A_366 = tpu.memref_slice %parallel_loop3A_364[%parallel_loop3A_360, %parallel_loop3A_365] : memref<416x24xf32, #tpu.memory_space<vmem>> -> memref<1x24xf32, #tpu.memory_space<vmem>>
        %parallel_loop3A_367 = arith.constant 0 : i32
        %parallel_loop3A_368 = tpu.memref_slice %arg3[%parallel_loop3A_358, %parallel_loop3A_367] : memref<2600000x24xf32, #tpu.memory_space<hbm>> -> memref<1x24xf32, #tpu.memory_space<hbm>>
        %parallel_loop3A_369 = arith.constant 0 : i32
        %parallel_loop3A_370 = arith.constant 0 : i32
        %parallel_loop3A_371 = tpu.memref_slice %arg6[%parallel_loop3A_137, %parallel_loop3A_369, %parallel_loop3A_370] : memref<2x416x24xf32, #tpu.memory_space<vmem>> -> memref<1x416x24xf32, #tpu.memory_space<vmem>>
        %parallel_loop3A_372 = tpu.memref_squeeze %parallel_loop3A_371 : memref<1x416x24xf32, #tpu.memory_space<vmem>> -> memref<416x24xf32, #tpu.memory_space<vmem>>
        %parallel_loop3A_373 = arith.constant 0 : i32
        %parallel_loop3A_374 = tpu.memref_slice %parallel_loop3A_372[%parallel_loop3A_360, %parallel_loop3A_373] : memref<416x24xf32, #tpu.memory_space<vmem>> -> memref<1x24xf32, #tpu.memory_space<vmem>>
        %parallel_loop3A_375 = arith.constant 0 : i32
        %parallel_loop3A_376 = tpu.memref_slice %arg3[%parallel_loop3A_358, %parallel_loop3A_375] : memref<2600000x24xf32, #tpu.memory_space<hbm>> -> memref<1x24xf32, #tpu.memory_space<hbm>>
        tpu.enqueue_dma source(%parallel_loop3A_376 : memref<1x24xf32, #tpu.memory_space<hbm>>) target(%parallel_loop3A_374 : memref<1x24xf32, #tpu.memory_space<vmem>>) target_semaphore(%arg7 : memref<!tpu.dma_semaphore, #tpu.memory_space<semaphore_mem>>)
        %parallel_loop3A_377 = vector.extract_strided_slice %parallel_loop3A_234 {offsets = [7], sizes = [1], strides = [1]} : vector<16xi32> to vector<1xi32>
        %parallel_loop3A_378 = vector.extract %parallel_loop3A_377[0] : i32 from vector<1xi32>
        %parallel_loop3A_379 = arith.constant 7 : i32
        %parallel_loop3A_380 = arith.addi %parallel_loop3A_236, %parallel_loop3A_379 : i32
        %parallel_loop3A_381 = arith.constant 0 : i32
        %parallel_loop3A_382 = arith.constant 0 : i32
        %parallel_loop3A_383 = tpu.memref_slice %arg6[%parallel_loop3A_137, %parallel_loop3A_381, %parallel_loop3A_382] : memref<2x416x24xf32, #tpu.memory_space<vmem>> -> memref<1x416x24xf32, #tpu.memory_space<vmem>>
        %parallel_loop3A_384 = tpu.memref_squeeze %parallel_loop3A_383 : memref<1x416x24xf32, #tpu.memory_space<vmem>> -> memref<416x24xf32, #tpu.memory_space<vmem>>
        %parallel_loop3A_385 = arith.constant 0 : i32
        %parallel_loop3A_386 = tpu.memref_slice %parallel_loop3A_384[%parallel_loop3A_380, %parallel_loop3A_385] : memref<416x24xf32, #tpu.memory_space<vmem>> -> memref<1x24xf32, #tpu.memory_space<vmem>>
        %parallel_loop3A_387 = arith.constant 0 : i32
        %parallel_loop3A_388 = tpu.memref_slice %arg3[%parallel_loop3A_378, %parallel_loop3A_387] : memref<2600000x24xf32, #tpu.memory_space<hbm>> -> memref<1x24xf32, #tpu.memory_space<hbm>>
        %parallel_loop3A_389 = arith.constant 0 : i32
        %parallel_loop3A_390 = arith.constant 0 : i32
        %parallel_loop3A_391 = tpu.memref_slice %arg6[%parallel_loop3A_137, %parallel_loop3A_389, %parallel_loop3A_390] : memref<2x416x24xf32, #tpu.memory_space<vmem>> -> memref<1x416x24xf32, #tpu.memory_space<vmem>>
        %parallel_loop3A_392 = tpu.memref_squeeze %parallel_loop3A_391 : memref<1x416x24xf32, #tpu.memory_space<vmem>> -> memref<416x24xf32, #tpu.memory_space<vmem>>
        %parallel_loop3A_393 = arith.constant 0 : i32
        %parallel_loop3A_394 = tpu.memref_slice %parallel_loop3A_392[%parallel_loop3A_380, %parallel_loop3A_393] : memref<416x24xf32, #tpu.memory_space<vmem>> -> memref<1x24xf32, #tpu.memory_space<vmem>>
        %parallel_loop3A_395 = arith.constant 0 : i32
        %parallel_loop3A_396 = tpu.memref_slice %arg3[%parallel_loop3A_378, %parallel_loop3A_395] : memref<2600000x24xf32, #tpu.memory_space<hbm>> -> memref<1x24xf32, #tpu.memory_space<hbm>>
        tpu.enqueue_dma source(%parallel_loop3A_396 : memref<1x24xf32, #tpu.memory_space<hbm>>) target(%parallel_loop3A_394 : memref<1x24xf32, #tpu.memory_space<vmem>>) target_semaphore(%arg7 : memref<!tpu.dma_semaphore, #tpu.memory_space<semaphore_mem>>)
        %parallel_loop3A_397 = vector.extract_strided_slice %parallel_loop3A_234 {offsets = [8], sizes = [1], strides = [1]} : vector<16xi32> to vector<1xi32>
        %parallel_loop3A_398 = vector.extract %parallel_loop3A_397[0] : i32 from vector<1xi32>
        %parallel_loop3A_399 = arith.constant 8 : i32
        %parallel_loop3A_400 = arith.addi %parallel_loop3A_236, %parallel_loop3A_399 : i32
        %parallel_loop3A_401 = arith.constant 0 : i32
        %parallel_loop3A_402 = arith.constant 0 : i32
        %parallel_loop3A_403 = tpu.memref_slice %arg6[%parallel_loop3A_137, %parallel_loop3A_401, %parallel_loop3A_402] : memref<2x416x24xf32, #tpu.memory_space<vmem>> -> memref<1x416x24xf32, #tpu.memory_space<vmem>>
        %parallel_loop3A_404 = tpu.memref_squeeze %parallel_loop3A_403 : memref<1x416x24xf32, #tpu.memory_space<vmem>> -> memref<416x24xf32, #tpu.memory_space<vmem>>
        %parallel_loop3A_405 = arith.constant 0 : i32
        %parallel_loop3A_406 = tpu.memref_slice %parallel_loop3A_404[%parallel_loop3A_400, %parallel_loop3A_405] : memref<416x24xf32, #tpu.memory_space<vmem>> -> memref<1x24xf32, #tpu.memory_space<vmem>>
        %parallel_loop3A_407 = arith.constant 0 : i32
        %parallel_loop3A_408 = tpu.memref_slice %arg3[%parallel_loop3A_398, %parallel_loop3A_407] : memref<2600000x24xf32, #tpu.memory_space<hbm>> -> memref<1x24xf32, #tpu.memory_space<hbm>>
        %parallel_loop3A_409 = arith.constant 0 : i32
        %parallel_loop3A_410 = arith.constant 0 : i32
        %parallel_loop3A_411 = tpu.memref_slice %arg6[%parallel_loop3A_137, %parallel_loop3A_409, %parallel_loop3A_410] : memref<2x416x24xf32, #tpu.memory_space<vmem>> -> memref<1x416x24xf32, #tpu.memory_space<vmem>>
        %parallel_loop3A_412 = tpu.memref_squeeze %parallel_loop3A_411 : memref<1x416x24xf32, #tpu.memory_space<vmem>> -> memref<416x24xf32, #tpu.memory_space<vmem>>
        %parallel_loop3A_413 = arith.constant 0 : i32
        %parallel_loop3A_414 = tpu.memref_slice %parallel_loop3A_412[%parallel_loop3A_400, %parallel_loop3A_413] : memref<416x24xf32, #tpu.memory_space<vmem>> -> memref<1x24xf32, #tpu.memory_space<vmem>>
        %parallel_loop3A_415 = arith.constant 0 : i32
        %parallel_loop3A_416 = tpu.memref_slice %arg3[%parallel_loop3A_398, %parallel_loop3A_415] : memref<2600000x24xf32, #tpu.memory_space<hbm>> -> memref<1x24xf32, #tpu.memory_space<hbm>>
        tpu.enqueue_dma source(%parallel_loop3A_416 : memref<1x24xf32, #tpu.memory_space<hbm>>) target(%parallel_loop3A_414 : memref<1x24xf32, #tpu.memory_space<vmem>>) target_semaphore(%arg7 : memref<!tpu.dma_semaphore, #tpu.memory_space<semaphore_mem>>)
        %parallel_loop3A_417 = vector.extract_strided_slice %parallel_loop3A_234 {offsets = [9], sizes = [1], strides = [1]} : vector<16xi32> to vector<1xi32>
        %parallel_loop3A_418 = vector.extract %parallel_loop3A_417[0] : i32 from vector<1xi32>
        %parallel_loop3A_419 = arith.constant 9 : i32
        %parallel_loop3A_420 = arith.addi %parallel_loop3A_236, %parallel_loop3A_419 : i32
        %parallel_loop3A_421 = arith.constant 0 : i32
        %parallel_loop3A_422 = arith.constant 0 : i32
        %parallel_loop3A_423 = tpu.memref_slice %arg6[%parallel_loop3A_137, %parallel_loop3A_421, %parallel_loop3A_422] : memref<2x416x24xf32, #tpu.memory_space<vmem>> -> memref<1x416x24xf32, #tpu.memory_space<vmem>>
        %parallel_loop3A_424 = tpu.memref_squeeze %parallel_loop3A_423 : memref<1x416x24xf32, #tpu.memory_space<vmem>> -> memref<416x24xf32, #tpu.memory_space<vmem>>
        %parallel_loop3A_425 = arith.constant 0 : i32
        %parallel_loop3A_426 = tpu.memref_slice %parallel_loop3A_424[%parallel_loop3A_420, %parallel_loop3A_425] : memref<416x24xf32, #tpu.memory_space<vmem>> -> memref<1x24xf32, #tpu.memory_space<vmem>>
        %parallel_loop3A_427 = arith.constant 0 : i32
        %parallel_loop3A_428 = tpu.memref_slice %arg3[%parallel_loop3A_418, %parallel_loop3A_427] : memref<2600000x24xf32, #tpu.memory_space<hbm>> -> memref<1x24xf32, #tpu.memory_space<hbm>>
        %parallel_loop3A_429 = arith.constant 0 : i32
        %parallel_loop3A_430 = arith.constant 0 : i32
        %parallel_loop3A_431 = tpu.memref_slice %arg6[%parallel_loop3A_137, %parallel_loop3A_429, %parallel_loop3A_430] : memref<2x416x24xf32, #tpu.memory_space<vmem>> -> memref<1x416x24xf32, #tpu.memory_space<vmem>>
        %parallel_loop3A_432 = tpu.memref_squeeze %parallel_loop3A_431 : memref<1x416x24xf32, #tpu.memory_space<vmem>> -> memref<416x24xf32, #tpu.memory_space<vmem>>
        %parallel_loop3A_433 = arith.constant 0 : i32
        %parallel_loop3A_434 = tpu.memref_slice %parallel_loop3A_432[%parallel_loop3A_420, %parallel_loop3A_433] : memref<416x24xf32, #tpu.memory_space<vmem>> -> memref<1x24xf32, #tpu.memory_space<vmem>>
        %parallel_loop3A_435 = arith.constant 0 : i32
        %parallel_loop3A_436 = tpu.memref_slice %arg3[%parallel_loop3A_418, %parallel_loop3A_435] : memref<2600000x24xf32, #tpu.memory_space<hbm>> -> memref<1x24xf32, #tpu.memory_space<hbm>>
        tpu.enqueue_dma source(%parallel_loop3A_436 : memref<1x24xf32, #tpu.memory_space<hbm>>) target(%parallel_loop3A_434 : memref<1x24xf32, #tpu.memory_space<vmem>>) target_semaphore(%arg7 : memref<!tpu.dma_semaphore, #tpu.memory_space<semaphore_mem>>)
        %parallel_loop3A_437 = vector.extract_strided_slice %parallel_loop3A_234 {offsets = [10], sizes = [1], strides = [1]} : vector<16xi32> to vector<1xi32>
        %parallel_loop3A_438 = vector.extract %parallel_loop3A_437[0] : i32 from vector<1xi32>
        %parallel_loop3A_439 = arith.constant 10 : i32
        %parallel_loop3A_440 = arith.addi %parallel_loop3A_236, %parallel_loop3A_439 : i32
        %parallel_loop3A_441 = arith.constant 0 : i32
        %parallel_loop3A_442 = arith.constant 0 : i32
        %parallel_loop3A_443 = tpu.memref_slice %arg6[%parallel_loop3A_137, %parallel_loop3A_441, %parallel_loop3A_442] : memref<2x416x24xf32, #tpu.memory_space<vmem>> -> memref<1x416x24xf32, #tpu.memory_space<vmem>>
        %parallel_loop3A_444 = tpu.memref_squeeze %parallel_loop3A_443 : memref<1x416x24xf32, #tpu.memory_space<vmem>> -> memref<416x24xf32, #tpu.memory_space<vmem>>
        %parallel_loop3A_445 = arith.constant 0 : i32
        %parallel_loop3A_446 = tpu.memref_slice %parallel_loop3A_444[%parallel_loop3A_440, %parallel_loop3A_445] : memref<416x24xf32, #tpu.memory_space<vmem>> -> memref<1x24xf32, #tpu.memory_space<vmem>>
        %parallel_loop3A_447 = arith.constant 0 : i32
        %parallel_loop3A_448 = tpu.memref_slice %arg3[%parallel_loop3A_438, %parallel_loop3A_447] : memref<2600000x24xf32, #tpu.memory_space<hbm>> -> memref<1x24xf32, #tpu.memory_space<hbm>>
        %parallel_loop3A_449 = arith.constant 0 : i32
        %parallel_loop3A_450 = arith.constant 0 : i32
        %parallel_loop3A_451 = tpu.memref_slice %arg6[%parallel_loop3A_137, %parallel_loop3A_449, %parallel_loop3A_450] : memref<2x416x24xf32, #tpu.memory_space<vmem>> -> memref<1x416x24xf32, #tpu.memory_space<vmem>>
        %parallel_loop3A_452 = tpu.memref_squeeze %parallel_loop3A_451 : memref<1x416x24xf32, #tpu.memory_space<vmem>> -> memref<416x24xf32, #tpu.memory_space<vmem>>
        %parallel_loop3A_453 = arith.constant 0 : i32
        %parallel_loop3A_454 = tpu.memref_slice %parallel_loop3A_452[%parallel_loop3A_440, %parallel_loop3A_453] : memref<416x24xf32, #tpu.memory_space<vmem>> -> memref<1x24xf32, #tpu.memory_space<vmem>>
        %parallel_loop3A_455 = arith.constant 0 : i32
        %parallel_loop3A_456 = tpu.memref_slice %arg3[%parallel_loop3A_438, %parallel_loop3A_455] : memref<2600000x24xf32, #tpu.memory_space<hbm>> -> memref<1x24xf32, #tpu.memory_space<hbm>>
        tpu.enqueue_dma source(%parallel_loop3A_456 : memref<1x24xf32, #tpu.memory_space<hbm>>) target(%parallel_loop3A_454 : memref<1x24xf32, #tpu.memory_space<vmem>>) target_semaphore(%arg7 : memref<!tpu.dma_semaphore, #tpu.memory_space<semaphore_mem>>)
        %parallel_loop3A_457 = vector.extract_strided_slice %parallel_loop3A_234 {offsets = [11], sizes = [1], strides = [1]} : vector<16xi32> to vector<1xi32>
        %parallel_loop3A_458 = vector.extract %parallel_loop3A_457[0] : i32 from vector<1xi32>
        %parallel_loop3A_459 = arith.constant 11 : i32
        %parallel_loop3A_460 = arith.addi %parallel_loop3A_236, %parallel_loop3A_459 : i32
        %parallel_loop3A_461 = arith.constant 0 : i32
        %parallel_loop3A_462 = arith.constant 0 : i32
        %parallel_loop3A_463 = tpu.memref_slice %arg6[%parallel_loop3A_137, %parallel_loop3A_461, %parallel_loop3A_462] : memref<2x416x24xf32, #tpu.memory_space<vmem>> -> memref<1x416x24xf32, #tpu.memory_space<vmem>>
        %parallel_loop3A_464 = tpu.memref_squeeze %parallel_loop3A_463 : memref<1x416x24xf32, #tpu.memory_space<vmem>> -> memref<416x24xf32, #tpu.memory_space<vmem>>
        %parallel_loop3A_465 = arith.constant 0 : i32
        %parallel_loop3A_466 = tpu.memref_slice %parallel_loop3A_464[%parallel_loop3A_460, %parallel_loop3A_465] : memref<416x24xf32, #tpu.memory_space<vmem>> -> memref<1x24xf32, #tpu.memory_space<vmem>>
        %parallel_loop3A_467 = arith.constant 0 : i32
        %parallel_loop3A_468 = tpu.memref_slice %arg3[%parallel_loop3A_458, %parallel_loop3A_467] : memref<2600000x24xf32, #tpu.memory_space<hbm>> -> memref<1x24xf32, #tpu.memory_space<hbm>>
        %parallel_loop3A_469 = arith.constant 0 : i32
        %parallel_loop3A_470 = arith.constant 0 : i32
        %parallel_loop3A_471 = tpu.memref_slice %arg6[%parallel_loop3A_137, %parallel_loop3A_469, %parallel_loop3A_470] : memref<2x416x24xf32, #tpu.memory_space<vmem>> -> memref<1x416x24xf32, #tpu.memory_space<vmem>>
        %parallel_loop3A_472 = tpu.memref_squeeze %parallel_loop3A_471 : memref<1x416x24xf32, #tpu.memory_space<vmem>> -> memref<416x24xf32, #tpu.memory_space<vmem>>
        %parallel_loop3A_473 = arith.constant 0 : i32
        %parallel_loop3A_474 = tpu.memref_slice %parallel_loop3A_472[%parallel_loop3A_460, %parallel_loop3A_473] : memref<416x24xf32, #tpu.memory_space<vmem>> -> memref<1x24xf32, #tpu.memory_space<vmem>>
        %parallel_loop3A_475 = arith.constant 0 : i32
        %parallel_loop3A_476 = tpu.memref_slice %arg3[%parallel_loop3A_458, %parallel_loop3A_475] : memref<2600000x24xf32, #tpu.memory_space<hbm>> -> memref<1x24xf32, #tpu.memory_space<hbm>>
        tpu.enqueue_dma source(%parallel_loop3A_476 : memref<1x24xf32, #tpu.memory_space<hbm>>) target(%parallel_loop3A_474 : memref<1x24xf32, #tpu.memory_space<vmem>>) target_semaphore(%arg7 : memref<!tpu.dma_semaphore, #tpu.memory_space<semaphore_mem>>)
        %parallel_loop3A_477 = vector.extract_strided_slice %parallel_loop3A_234 {offsets = [12], sizes = [1], strides = [1]} : vector<16xi32> to vector<1xi32>
        %parallel_loop3A_478 = vector.extract %parallel_loop3A_477[0] : i32 from vector<1xi32>
        %parallel_loop3A_479 = arith.constant 12 : i32
        %parallel_loop3A_480 = arith.addi %parallel_loop3A_236, %parallel_loop3A_479 : i32
        %parallel_loop3A_481 = arith.constant 0 : i32
        %parallel_loop3A_482 = arith.constant 0 : i32
        %parallel_loop3A_483 = tpu.memref_slice %arg6[%parallel_loop3A_137, %parallel_loop3A_481, %parallel_loop3A_482] : memref<2x416x24xf32, #tpu.memory_space<vmem>> -> memref<1x416x24xf32, #tpu.memory_space<vmem>>
        %parallel_loop3A_484 = tpu.memref_squeeze %parallel_loop3A_483 : memref<1x416x24xf32, #tpu.memory_space<vmem>> -> memref<416x24xf32, #tpu.memory_space<vmem>>
        %parallel_loop3A_485 = arith.constant 0 : i32
        %parallel_loop3A_486 = tpu.memref_slice %parallel_loop3A_484[%parallel_loop3A_480, %parallel_loop3A_485] : memref<416x24xf32, #tpu.memory_space<vmem>> -> memref<1x24xf32, #tpu.memory_space<vmem>>
        %parallel_loop3A_487 = arith.constant 0 : i32
        %parallel_loop3A_488 = tpu.memref_slice %arg3[%parallel_loop3A_478, %parallel_loop3A_487] : memref<2600000x24xf32, #tpu.memory_space<hbm>> -> memref<1x24xf32, #tpu.memory_space<hbm>>
        %parallel_loop3A_489 = arith.constant 0 : i32
        %parallel_loop3A_490 = arith.constant 0 : i32
        %parallel_loop3A_491 = tpu.memref_slice %arg6[%parallel_loop3A_137, %parallel_loop3A_489, %parallel_loop3A_490] : memref<2x416x24xf32, #tpu.memory_space<vmem>> -> memref<1x416x24xf32, #tpu.memory_space<vmem>>
        %parallel_loop3A_492 = tpu.memref_squeeze %parallel_loop3A_491 : memref<1x416x24xf32, #tpu.memory_space<vmem>> -> memref<416x24xf32, #tpu.memory_space<vmem>>
        %parallel_loop3A_493 = arith.constant 0 : i32
        %parallel_loop3A_494 = tpu.memref_slice %parallel_loop3A_492[%parallel_loop3A_480, %parallel_loop3A_493] : memref<416x24xf32, #tpu.memory_space<vmem>> -> memref<1x24xf32, #tpu.memory_space<vmem>>
        %parallel_loop3A_495 = arith.constant 0 : i32
        %parallel_loop3A_496 = tpu.memref_slice %arg3[%parallel_loop3A_478, %parallel_loop3A_495] : memref<2600000x24xf32, #tpu.memory_space<hbm>> -> memref<1x24xf32, #tpu.memory_space<hbm>>
        tpu.enqueue_dma source(%parallel_loop3A_496 : memref<1x24xf32, #tpu.memory_space<hbm>>) target(%parallel_loop3A_494 : memref<1x24xf32, #tpu.memory_space<vmem>>) target_semaphore(%arg7 : memref<!tpu.dma_semaphore, #tpu.memory_space<semaphore_mem>>)
        %parallel_loop3A_497 = vector.extract_strided_slice %parallel_loop3A_234 {offsets = [13], sizes = [1], strides = [1]} : vector<16xi32> to vector<1xi32>
        %parallel_loop3A_498 = vector.extract %parallel_loop3A_497[0] : i32 from vector<1xi32>
        %parallel_loop3A_499 = arith.constant 13 : i32
        %parallel_loop3A_500 = arith.addi %parallel_loop3A_236, %parallel_loop3A_499 : i32
        %parallel_loop3A_501 = arith.constant 0 : i32
        %parallel_loop3A_502 = arith.constant 0 : i32
        %parallel_loop3A_503 = tpu.memref_slice %arg6[%parallel_loop3A_137, %parallel_loop3A_501, %parallel_loop3A_502] : memref<2x416x24xf32, #tpu.memory_space<vmem>> -> memref<1x416x24xf32, #tpu.memory_space<vmem>>
        %parallel_loop3A_504 = tpu.memref_squeeze %parallel_loop3A_503 : memref<1x416x24xf32, #tpu.memory_space<vmem>> -> memref<416x24xf32, #tpu.memory_space<vmem>>
        %parallel_loop3A_505 = arith.constant 0 : i32
        %parallel_loop3A_506 = tpu.memref_slice %parallel_loop3A_504[%parallel_loop3A_500, %parallel_loop3A_505] : memref<416x24xf32, #tpu.memory_space<vmem>> -> memref<1x24xf32, #tpu.memory_space<vmem>>
        %parallel_loop3A_507 = arith.constant 0 : i32
        %parallel_loop3A_508 = tpu.memref_slice %arg3[%parallel_loop3A_498, %parallel_loop3A_507] : memref<2600000x24xf32, #tpu.memory_space<hbm>> -> memref<1x24xf32, #tpu.memory_space<hbm>>
        %parallel_loop3A_509 = arith.constant 0 : i32
        %parallel_loop3A_510 = arith.constant 0 : i32
        %parallel_loop3A_511 = tpu.memref_slice %arg6[%parallel_loop3A_137, %parallel_loop3A_509, %parallel_loop3A_510] : memref<2x416x24xf32, #tpu.memory_space<vmem>> -> memref<1x416x24xf32, #tpu.memory_space<vmem>>
        %parallel_loop3A_512 = tpu.memref_squeeze %parallel_loop3A_511 : memref<1x416x24xf32, #tpu.memory_space<vmem>> -> memref<416x24xf32, #tpu.memory_space<vmem>>
        %parallel_loop3A_513 = arith.constant 0 : i32
        %parallel_loop3A_514 = tpu.memref_slice %parallel_loop3A_512[%parallel_loop3A_500, %parallel_loop3A_513] : memref<416x24xf32, #tpu.memory_space<vmem>> -> memref<1x24xf32, #tpu.memory_space<vmem>>
        %parallel_loop3A_515 = arith.constant 0 : i32
        %parallel_loop3A_516 = tpu.memref_slice %arg3[%parallel_loop3A_498, %parallel_loop3A_515] : memref<2600000x24xf32, #tpu.memory_space<hbm>> -> memref<1x24xf32, #tpu.memory_space<hbm>>
        tpu.enqueue_dma source(%parallel_loop3A_516 : memref<1x24xf32, #tpu.memory_space<hbm>>) target(%parallel_loop3A_514 : memref<1x24xf32, #tpu.memory_space<vmem>>) target_semaphore(%arg7 : memref<!tpu.dma_semaphore, #tpu.memory_space<semaphore_mem>>)
        %parallel_loop3A_517 = vector.extract_strided_slice %parallel_loop3A_234 {offsets = [14], sizes = [1], strides = [1]} : vector<16xi32> to vector<1xi32>
        %parallel_loop3A_518 = vector.extract %parallel_loop3A_517[0] : i32 from vector<1xi32>
        %parallel_loop3A_519 = arith.constant 14 : i32
        %parallel_loop3A_520 = arith.addi %parallel_loop3A_236, %parallel_loop3A_519 : i32
        %parallel_loop3A_521 = arith.constant 0 : i32
        %parallel_loop3A_522 = arith.constant 0 : i32
        %parallel_loop3A_523 = tpu.memref_slice %arg6[%parallel_loop3A_137, %parallel_loop3A_521, %parallel_loop3A_522] : memref<2x416x24xf32, #tpu.memory_space<vmem>> -> memref<1x416x24xf32, #tpu.memory_space<vmem>>
        %parallel_loop3A_524 = tpu.memref_squeeze %parallel_loop3A_523 : memref<1x416x24xf32, #tpu.memory_space<vmem>> -> memref<416x24xf32, #tpu.memory_space<vmem>>
        %parallel_loop3A_525 = arith.constant 0 : i32
        %parallel_loop3A_526 = tpu.memref_slice %parallel_loop3A_524[%parallel_loop3A_520, %parallel_loop3A_525] : memref<416x24xf32, #tpu.memory_space<vmem>> -> memref<1x24xf32, #tpu.memory_space<vmem>>
        %parallel_loop3A_527 = arith.constant 0 : i32
        %parallel_loop3A_528 = tpu.memref_slice %arg3[%parallel_loop3A_518, %parallel_loop3A_527] : memref<2600000x24xf32, #tpu.memory_space<hbm>> -> memref<1x24xf32, #tpu.memory_space<hbm>>
        %parallel_loop3A_529 = arith.constant 0 : i32
        %parallel_loop3A_530 = arith.constant 0 : i32
        %parallel_loop3A_531 = tpu.memref_slice %arg6[%parallel_loop3A_137, %parallel_loop3A_529, %parallel_loop3A_530] : memref<2x416x24xf32, #tpu.memory_space<vmem>> -> memref<1x416x24xf32, #tpu.memory_space<vmem>>
        %parallel_loop3A_532 = tpu.memref_squeeze %parallel_loop3A_531 : memref<1x416x24xf32, #tpu.memory_space<vmem>> -> memref<416x24xf32, #tpu.memory_space<vmem>>
        %parallel_loop3A_533 = arith.constant 0 : i32
        %parallel_loop3A_534 = tpu.memref_slice %parallel_loop3A_532[%parallel_loop3A_520, %parallel_loop3A_533] : memref<416x24xf32, #tpu.memory_space<vmem>> -> memref<1x24xf32, #tpu.memory_space<vmem>>
        %parallel_loop3A_535 = arith.constant 0 : i32
        %parallel_loop3A_536 = tpu.memref_slice %arg3[%parallel_loop3A_518, %parallel_loop3A_535] : memref<2600000x24xf32, #tpu.memory_space<hbm>> -> memref<1x24xf32, #tpu.memory_space<hbm>>
        tpu.enqueue_dma source(%parallel_loop3A_536 : memref<1x24xf32, #tpu.memory_space<hbm>>) target(%parallel_loop3A_534 : memref<1x24xf32, #tpu.memory_space<vmem>>) target_semaphore(%arg7 : memref<!tpu.dma_semaphore, #tpu.memory_space<semaphore_mem>>)
        %parallel_loop3A_537 = vector.extract_strided_slice %parallel_loop3A_234 {offsets = [15], sizes = [1], strides = [1]} : vector<16xi32> to vector<1xi32>
        %parallel_loop3A_538 = vector.extract %parallel_loop3A_537[0] : i32 from vector<1xi32>
        %parallel_loop3A_539 = arith.constant 15 : i32
        %parallel_loop3A_540 = arith.addi %parallel_loop3A_236, %parallel_loop3A_539 : i32
        %parallel_loop3A_541 = arith.constant 0 : i32
        %parallel_loop3A_542 = arith.constant 0 : i32
        %parallel_loop3A_543 = tpu.memref_slice %arg6[%parallel_loop3A_137, %parallel_loop3A_541, %parallel_loop3A_542] : memref<2x416x24xf32, #tpu.memory_space<vmem>> -> memref<1x416x24xf32, #tpu.memory_space<vmem>>
        %parallel_loop3A_544 = tpu.memref_squeeze %parallel_loop3A_543 : memref<1x416x24xf32, #tpu.memory_space<vmem>> -> memref<416x24xf32, #tpu.memory_space<vmem>>
        %parallel_loop3A_545 = arith.constant 0 : i32
        %parallel_loop3A_546 = tpu.memref_slice %parallel_loop3A_544[%parallel_loop3A_540, %parallel_loop3A_545] : memref<416x24xf32, #tpu.memory_space<vmem>> -> memref<1x24xf32, #tpu.memory_space<vmem>>
        %parallel_loop3A_547 = arith.constant 0 : i32
        %parallel_loop3A_548 = tpu.memref_slice %arg3[%parallel_loop3A_538, %parallel_loop3A_547] : memref<2600000x24xf32, #tpu.memory_space<hbm>> -> memref<1x24xf32, #tpu.memory_space<hbm>>
        %parallel_loop3A_549 = arith.constant 0 : i32
        %parallel_loop3A_550 = arith.constant 0 : i32
        %parallel_loop3A_551 = tpu.memref_slice %arg6[%parallel_loop3A_137, %parallel_loop3A_549, %parallel_loop3A_550] : memref<2x416x24xf32, #tpu.memory_space<vmem>> -> memref<1x416x24xf32, #tpu.memory_space<vmem>>
        %parallel_loop3A_552 = tpu.memref_squeeze %parallel_loop3A_551 : memref<1x416x24xf32, #tpu.memory_space<vmem>> -> memref<416x24xf32, #tpu.memory_space<vmem>>
        %parallel_loop3A_553 = arith.constant 0 : i32
        %parallel_loop3A_554 = tpu.memref_slice %parallel_loop3A_552[%parallel_loop3A_540, %parallel_loop3A_553] : memref<416x24xf32, #tpu.memory_space<vmem>> -> memref<1x24xf32, #tpu.memory_space<vmem>>
        %parallel_loop3A_555 = arith.constant 0 : i32
        %parallel_loop3A_556 = tpu.memref_slice %arg3[%parallel_loop3A_538, %parallel_loop3A_555] : memref<2600000x24xf32, #tpu.memory_space<hbm>> -> memref<1x24xf32, #tpu.memory_space<hbm>>
        tpu.enqueue_dma source(%parallel_loop3A_556 : memref<1x24xf32, #tpu.memory_space<hbm>>) target(%parallel_loop3A_554 : memref<1x24xf32, #tpu.memory_space<vmem>>) target_semaphore(%arg7 : memref<!tpu.dma_semaphore, #tpu.memory_space<semaphore_mem>>)
      } {sc.loop_unroll_factor = 1 : i64, sc.parallel_access}
      %sub3A = arith.constant 1 : i32
      %sub3A_138 = arith.subi %mul3A_115, %sub3A : i32
      %dma_wait3A_139 = arith.constant 1 : i32
      %dma_wait3A_140 = arith.constant 0 : i32
      %dma_wait3A_141 = arith.constant 0 : i32
      %dma_wait3A_142 = tpu.memref_slice %arg6[%dma_wait3A_139, %dma_wait3A_140, %dma_wait3A_141] : memref<2x416x24xf32, #tpu.memory_space<vmem>> -> memref<1x416x24xf32, #tpu.memory_space<vmem>>
      %dma_wait3A_143 = tpu.memref_squeeze %dma_wait3A_142 : memref<1x416x24xf32, #tpu.memory_space<vmem>> -> memref<416x24xf32, #tpu.memory_space<vmem>>
      %dma_wait3A_144 = arith.constant 0 : i32
      %dma_wait3A_145 = arith.constant 0 : i32
      %dma_wait3A_146 = tpu.memref_slice %arg4[%dma_wait3A_144, %dma_wait3A_145] : memref<425984x24xf32, #tpu.memory_space<hbm>> -> memref<416x24xf32, #tpu.memory_space<hbm>>
      %dma_wait3A_147 = arith.constant 0 : i32
      %dma_wait3A_148 = arith.constant 0 : i32
      %dma_wait3A_149 = tpu.memref_slice %arg6[%dma_wait3A_139, %dma_wait3A_147, %dma_wait3A_148] : memref<2x416x24xf32, #tpu.memory_space<vmem>> -> memref<1x416x24xf32, #tpu.memory_space<vmem>>
      %dma_wait3A_150 = tpu.memref_squeeze %dma_wait3A_149 : memref<1x416x24xf32, #tpu.memory_space<vmem>> -> memref<416x24xf32, #tpu.memory_space<vmem>>
      %dma_wait3A_151 = arith.constant 0 : i32
      %dma_wait3A_152 = arith.constant 0 : i32
      %dma_wait3A_153 = tpu.memref_slice %arg4[%dma_wait3A_151, %dma_wait3A_152] : memref<425984x24xf32, #tpu.memory_space<hbm>> -> memref<416x24xf32, #tpu.memory_space<hbm>>
      tpu.wait_dma2 semaphore(%arg8 : memref<!tpu.dma_semaphore, #tpu.memory_space<semaphore_mem>>) src(%dma_wait3A_153 : memref<416x24xf32, #tpu.memory_space<hbm>>) dst(%dma_wait3A_150 : memref<416x24xf32, #tpu.memory_space<vmem>>)
      %mul3A_154 = arith.constant 416 : i32
      %mul3A_155 = arith.muli %sub3A_138, %mul3A_154 : i32
      %add3A_156 = arith.addi %multiple_of3A, %mul3A_155 : i32
      %multiple_of3A_157 = tpu.assume_multiple %add3A_156, 8 : i32
      %dma_start3A_158 = arith.constant 1 : i32
      %dma_start3A_159 = arith.constant 0 : i32
      %dma_start3A_160 = arith.constant 0 : i32
      %dma_start3A_161 = tpu.memref_slice %arg6[%dma_start3A_158, %dma_start3A_159, %dma_start3A_160] : memref<2x416x24xf32, #tpu.memory_space<vmem>> -> memref<1x416x24xf32, #tpu.memory_space<vmem>>
      %dma_start3A_162 = tpu.memref_squeeze %dma_start3A_161 : memref<1x416x24xf32, #tpu.memory_space<vmem>> -> memref<416x24xf32, #tpu.memory_space<vmem>>
      %dma_start3A_163 = arith.constant 0 : i32
      %dma_start3A_164 = tpu.memref_slice %arg4[%multiple_of3A_157, %dma_start3A_163] : memref<425984x24xf32, #tpu.memory_space<hbm>> -> memref<416x24xf32, #tpu.memory_space<hbm>>
      %dma_start3A_165 = arith.constant 0 : i32
      %dma_start3A_166 = tpu.memref_slice %arg4[%multiple_of3A_157, %dma_start3A_165] : memref<425984x24xf32, #tpu.memory_space<hbm>> -> memref<416x24xf32, #tpu.memory_space<hbm>>
      %dma_start3A_167 = arith.constant 0 : i32
      %dma_start3A_168 = arith.constant 0 : i32
      %dma_start3A_169 = tpu.memref_slice %arg6[%dma_start3A_158, %dma_start3A_167, %dma_start3A_168] : memref<2x416x24xf32, #tpu.memory_space<vmem>> -> memref<1x416x24xf32, #tpu.memory_space<vmem>>
      %dma_start3A_170 = tpu.memref_squeeze %dma_start3A_169 : memref<1x416x24xf32, #tpu.memory_space<vmem>> -> memref<416x24xf32, #tpu.memory_space<vmem>>
      tpu.enqueue_dma source(%dma_start3A_170 : memref<416x24xf32, #tpu.memory_space<vmem>>) target(%dma_start3A_166 : memref<416x24xf32, #tpu.memory_space<hbm>>) target_semaphore(%arg9 : memref<!tpu.dma_semaphore, #tpu.memory_space<semaphore_mem>>)
      %dma_wait3A_171 = arith.constant 1 : i32
      %dma_wait3A_172 = arith.constant 0 : i32
      %dma_wait3A_173 = arith.constant 0 : i32
      %dma_wait3A_174 = tpu.memref_slice %arg6[%dma_wait3A_171, %dma_wait3A_172, %dma_wait3A_173] : memref<2x416x24xf32, #tpu.memory_space<vmem>> -> memref<1x416x24xf32, #tpu.memory_space<vmem>>
      %dma_wait3A_175 = tpu.memref_squeeze %dma_wait3A_174 : memref<1x416x24xf32, #tpu.memory_space<vmem>> -> memref<416x24xf32, #tpu.memory_space<vmem>>
      %dma_wait3A_176 = arith.constant 0 : i32
      %dma_wait3A_177 = arith.constant 0 : i32
      %dma_wait3A_178 = tpu.memref_slice %arg4[%dma_wait3A_176, %dma_wait3A_177] : memref<425984x24xf32, #tpu.memory_space<hbm>> -> memref<416x24xf32, #tpu.memory_space<hbm>>
      %dma_wait3A_179 = arith.constant 0 : i32
      %dma_wait3A_180 = arith.constant 0 : i32
      %dma_wait3A_181 = tpu.memref_slice %arg6[%dma_wait3A_171, %dma_wait3A_179, %dma_wait3A_180] : memref<2x416x24xf32, #tpu.memory_space<vmem>> -> memref<1x416x24xf32, #tpu.memory_space<vmem>>
      %dma_wait3A_182 = tpu.memref_squeeze %dma_wait3A_181 : memref<1x416x24xf32, #tpu.memory_space<vmem>> -> memref<416x24xf32, #tpu.memory_space<vmem>>
      %dma_wait3A_183 = arith.constant 0 : i32
      %dma_wait3A_184 = arith.constant 0 : i32
      %dma_wait3A_185 = tpu.memref_slice %arg4[%dma_wait3A_183, %dma_wait3A_184] : memref<425984x24xf32, #tpu.memory_space<hbm>> -> memref<416x24xf32, #tpu.memory_space<hbm>>
      tpu.wait_dma2 semaphore(%arg9 : memref<!tpu.dma_semaphore, #tpu.memory_space<semaphore_mem>>) src(%dma_wait3A_185 : memref<416x24xf32, #tpu.memory_space<hbm>>) dst(%dma_wait3A_182 : memref<416x24xf32, #tpu.memory_space<vmem>>)
      %add3A_186 = arith.constant 1 : i32
      %add3A_187 = arith.addi %mul3A_115, %add3A_186 : i32
      %mul3A_188 = arith.constant 416 : i32
      %mul3A_189 = arith.muli %add3A_187, %mul3A_188 : i32
      %multiple_of3A_190 = tpu.assume_multiple %mul3A_189, 416 : i32
      %parallel_loop3A_191 = arith.constant 0 : i32
      %parallel_loop3A_192 = arith.constant 26 : i32
      %parallel_loop3A_193 = arith.constant 1 : i32
      %parallel_loop3A_194 = arith.constant 1 : i32
      scf.for %parallel_loop3A_227 = %parallel_loop3A_191 to %parallel_loop3A_192 step %parallel_loop3A_193  : i32 {
        %parallel_loop3A_228 = arith.constant 16 : i32
        %parallel_loop3A_229 = arith.muli %parallel_loop3A_227, %parallel_loop3A_228 : i32
        %parallel_loop3A_230 = arith.addi %multiple_of3A_190, %parallel_loop3A_229 : i32
        %parallel_loop3A_231 = tpu.assume_multiple %parallel_loop3A_230, 16 : i32
        %parallel_loop3A_232 = arith.index_cast %parallel_loop3A_231 : i32 to index
        %parallel_loop3A_233 = tpu.vector_load %arg5[%parallel_loop3A_232] {strides = array<i32>} : memref<13312xi32, #tpu.memory_space<vmem>>, vector<16xi32>,
        %parallel_loop3A_234 = vector.shape_cast %parallel_loop3A_233 : vector<16xi32> to vector<16xi32>
        %parallel_loop3A_235 = arith.constant 16 : i32
        %parallel_loop3A_236 = arith.muli %parallel_loop3A_227, %parallel_loop3A_235 : i32
        %parallel_loop3A_237 = vector.extract_strided_slice %parallel_loop3A_234 {offsets = [0], sizes = [1], strides = [1]} : vector<16xi32> to vector<1xi32>
        %parallel_loop3A_238 = vector.extract %parallel_loop3A_237[0] : i32 from vector<1xi32>
        %parallel_loop3A_239 = arith.constant 0 : i32
        %parallel_loop3A_240 = arith.addi %parallel_loop3A_236, %parallel_loop3A_239 : i32
        %parallel_loop3A_241 = arith.constant 0 : i32
        %parallel_loop3A_242 = arith.constant 0 : i32
        %parallel_loop3A_243 = tpu.memref_slice %arg6[%parallel_loop3A_194, %parallel_loop3A_241, %parallel_loop3A_242] : memref<2x416x24xf32, #tpu.memory_space<vmem>> -> memref<1x416x24xf32, #tpu.memory_space<vmem>>
        %parallel_loop3A_244 = tpu.memref_squeeze %parallel_loop3A_243 : memref<1x416x24xf32, #tpu.memory_space<vmem>> -> memref<416x24xf32, #tpu.memory_space<vmem>>
        %parallel_loop3A_245 = arith.constant 0 : i32
        %parallel_loop3A_246 = tpu.memref_slice %parallel_loop3A_244[%parallel_loop3A_240, %parallel_loop3A_245] : memref<416x24xf32, #tpu.memory_space<vmem>> -> memref<1x24xf32, #tpu.memory_space<vmem>>
        %parallel_loop3A_247 = arith.constant 0 : i32
        %parallel_loop3A_248 = tpu.memref_slice %arg3[%parallel_loop3A_238, %parallel_loop3A_247] : memref<2600000x24xf32, #tpu.memory_space<hbm>> -> memref<1x24xf32, #tpu.memory_space<hbm>>
        %parallel_loop3A_249 = arith.constant 0 : i32
        %parallel_loop3A_250 = arith.constant 0 : i32
        %parallel_loop3A_251 = tpu.memref_slice %arg6[%parallel_loop3A_194, %parallel_loop3A_249, %parallel_loop3A_250] : memref<2x416x24xf32, #tpu.memory_space<vmem>> -> memref<1x416x24xf32, #tpu.memory_space<vmem>>
        %parallel_loop3A_252 = tpu.memref_squeeze %parallel_loop3A_251 : memref<1x416x24xf32, #tpu.memory_space<vmem>> -> memref<416x24xf32, #tpu.memory_space<vmem>>
        %parallel_loop3A_253 = arith.constant 0 : i32
        %parallel_loop3A_254 = tpu.memref_slice %parallel_loop3A_252[%parallel_loop3A_240, %parallel_loop3A_253] : memref<416x24xf32, #tpu.memory_space<vmem>> -> memref<1x24xf32, #tpu.memory_space<vmem>>
        %parallel_loop3A_255 = arith.constant 0 : i32
        %parallel_loop3A_256 = tpu.memref_slice %arg3[%parallel_loop3A_238, %parallel_loop3A_255] : memref<2600000x24xf32, #tpu.memory_space<hbm>> -> memref<1x24xf32, #tpu.memory_space<hbm>>
        tpu.enqueue_dma source(%parallel_loop3A_256 : memref<1x24xf32, #tpu.memory_space<hbm>>) target(%parallel_loop3A_254 : memref<1x24xf32, #tpu.memory_space<vmem>>) target_semaphore(%arg8 : memref<!tpu.dma_semaphore, #tpu.memory_space<semaphore_mem>>)
        %parallel_loop3A_257 = vector.extract_strided_slice %parallel_loop3A_234 {offsets = [1], sizes = [1], strides = [1]} : vector<16xi32> to vector<1xi32>
        %parallel_loop3A_258 = vector.extract %parallel_loop3A_257[0] : i32 from vector<1xi32>
        %parallel_loop3A_259 = arith.constant 1 : i32
        %parallel_loop3A_260 = arith.addi %parallel_loop3A_236, %parallel_loop3A_259 : i32
        %parallel_loop3A_261 = arith.constant 0 : i32
        %parallel_loop3A_262 = arith.constant 0 : i32
        %parallel_loop3A_263 = tpu.memref_slice %arg6[%parallel_loop3A_194, %parallel_loop3A_261, %parallel_loop3A_262] : memref<2x416x24xf32, #tpu.memory_space<vmem>> -> memref<1x416x24xf32, #tpu.memory_space<vmem>>
        %parallel_loop3A_264 = tpu.memref_squeeze %parallel_loop3A_263 : memref<1x416x24xf32, #tpu.memory_space<vmem>> -> memref<416x24xf32, #tpu.memory_space<vmem>>
        %parallel_loop3A_265 = arith.constant 0 : i32
        %parallel_loop3A_266 = tpu.memref_slice %parallel_loop3A_264[%parallel_loop3A_260, %parallel_loop3A_265] : memref<416x24xf32, #tpu.memory_space<vmem>> -> memref<1x24xf32, #tpu.memory_space<vmem>>
        %parallel_loop3A_267 = arith.constant 0 : i32
        %parallel_loop3A_268 = tpu.memref_slice %arg3[%parallel_loop3A_258, %parallel_loop3A_267] : memref<2600000x24xf32, #tpu.memory_space<hbm>> -> memref<1x24xf32, #tpu.memory_space<hbm>>
        %parallel_loop3A_269 = arith.constant 0 : i32
        %parallel_loop3A_270 = arith.constant 0 : i32
        %parallel_loop3A_271 = tpu.memref_slice %arg6[%parallel_loop3A_194, %parallel_loop3A_269, %parallel_loop3A_270] : memref<2x416x24xf32, #tpu.memory_space<vmem>> -> memref<1x416x24xf32, #tpu.memory_space<vmem>>
        %parallel_loop3A_272 = tpu.memref_squeeze %parallel_loop3A_271 : memref<1x416x24xf32, #tpu.memory_space<vmem>> -> memref<416x24xf32, #tpu.memory_space<vmem>>
        %parallel_loop3A_273 = arith.constant 0 : i32
        %parallel_loop3A_274 = tpu.memref_slice %parallel_loop3A_272[%parallel_loop3A_260, %parallel_loop3A_273] : memref<416x24xf32, #tpu.memory_space<vmem>> -> memref<1x24xf32, #tpu.memory_space<vmem>>
        %parallel_loop3A_275 = arith.constant 0 : i32
        %parallel_loop3A_276 = tpu.memref_slice %arg3[%parallel_loop3A_258, %parallel_loop3A_275] : memref<2600000x24xf32, #tpu.memory_space<hbm>> -> memref<1x24xf32, #tpu.memory_space<hbm>>
        tpu.enqueue_dma source(%parallel_loop3A_276 : memref<1x24xf32, #tpu.memory_space<hbm>>) target(%parallel_loop3A_274 : memref<1x24xf32, #tpu.memory_space<vmem>>) target_semaphore(%arg8 : memref<!tpu.dma_semaphore, #tpu.memory_space<semaphore_mem>>)
        %parallel_loop3A_277 = vector.extract_strided_slice %parallel_loop3A_234 {offsets = [2], sizes = [1], strides = [1]} : vector<16xi32> to vector<1xi32>
        %parallel_loop3A_278 = vector.extract %parallel_loop3A_277[0] : i32 from vector<1xi32>
        %parallel_loop3A_279 = arith.constant 2 : i32
        %parallel_loop3A_280 = arith.addi %parallel_loop3A_236, %parallel_loop3A_279 : i32
        %parallel_loop3A_281 = arith.constant 0 : i32
        %parallel_loop3A_282 = arith.constant 0 : i32
        %parallel_loop3A_283 = tpu.memref_slice %arg6[%parallel_loop3A_194, %parallel_loop3A_281, %parallel_loop3A_282] : memref<2x416x24xf32, #tpu.memory_space<vmem>> -> memref<1x416x24xf32, #tpu.memory_space<vmem>>
        %parallel_loop3A_284 = tpu.memref_squeeze %parallel_loop3A_283 : memref<1x416x24xf32, #tpu.memory_space<vmem>> -> memref<416x24xf32, #tpu.memory_space<vmem>>
        %parallel_loop3A_285 = arith.constant 0 : i32
        %parallel_loop3A_286 = tpu.memref_slice %parallel_loop3A_284[%parallel_loop3A_280, %parallel_loop3A_285] : memref<416x24xf32, #tpu.memory_space<vmem>> -> memref<1x24xf32, #tpu.memory_space<vmem>>
        %parallel_loop3A_287 = arith.constant 0 : i32
        %parallel_loop3A_288 = tpu.memref_slice %arg3[%parallel_loop3A_278, %parallel_loop3A_287] : memref<2600000x24xf32, #tpu.memory_space<hbm>> -> memref<1x24xf32, #tpu.memory_space<hbm>>
        %parallel_loop3A_289 = arith.constant 0 : i32
        %parallel_loop3A_290 = arith.constant 0 : i32
        %parallel_loop3A_291 = tpu.memref_slice %arg6[%parallel_loop3A_194, %parallel_loop3A_289, %parallel_loop3A_290] : memref<2x416x24xf32, #tpu.memory_space<vmem>> -> memref<1x416x24xf32, #tpu.memory_space<vmem>>
        %parallel_loop3A_292 = tpu.memref_squeeze %parallel_loop3A_291 : memref<1x416x24xf32, #tpu.memory_space<vmem>> -> memref<416x24xf32, #tpu.memory_space<vmem>>
        %parallel_loop3A_293 = arith.constant 0 : i32
        %parallel_loop3A_294 = tpu.memref_slice %parallel_loop3A_292[%parallel_loop3A_280, %parallel_loop3A_293] : memref<416x24xf32, #tpu.memory_space<vmem>> -> memref<1x24xf32, #tpu.memory_space<vmem>>
        %parallel_loop3A_295 = arith.constant 0 : i32
        %parallel_loop3A_296 = tpu.memref_slice %arg3[%parallel_loop3A_278, %parallel_loop3A_295] : memref<2600000x24xf32, #tpu.memory_space<hbm>> -> memref<1x24xf32, #tpu.memory_space<hbm>>
        tpu.enqueue_dma source(%parallel_loop3A_296 : memref<1x24xf32, #tpu.memory_space<hbm>>) target(%parallel_loop3A_294 : memref<1x24xf32, #tpu.memory_space<vmem>>) target_semaphore(%arg8 : memref<!tpu.dma_semaphore, #tpu.memory_space<semaphore_mem>>)
        %parallel_loop3A_297 = vector.extract_strided_slice %parallel_loop3A_234 {offsets = [3], sizes = [1], strides = [1]} : vector<16xi32> to vector<1xi32>
        %parallel_loop3A_298 = vector.extract %parallel_loop3A_297[0] : i32 from vector<1xi32>
        %parallel_loop3A_299 = arith.constant 3 : i32
        %parallel_loop3A_300 = arith.addi %parallel_loop3A_236, %parallel_loop3A_299 : i32
        %parallel_loop3A_301 = arith.constant 0 : i32
        %parallel_loop3A_302 = arith.constant 0 : i32
        %parallel_loop3A_303 = tpu.memref_slice %arg6[%parallel_loop3A_194, %parallel_loop3A_301, %parallel_loop3A_302] : memref<2x416x24xf32, #tpu.memory_space<vmem>> -> memref<1x416x24xf32, #tpu.memory_space<vmem>>
        %parallel_loop3A_304 = tpu.memref_squeeze %parallel_loop3A_303 : memref<1x416x24xf32, #tpu.memory_space<vmem>> -> memref<416x24xf32, #tpu.memory_space<vmem>>
        %parallel_loop3A_305 = arith.constant 0 : i32
        %parallel_loop3A_306 = tpu.memref_slice %parallel_loop3A_304[%parallel_loop3A_300, %parallel_loop3A_305] : memref<416x24xf32, #tpu.memory_space<vmem>> -> memref<1x24xf32, #tpu.memory_space<vmem>>
        %parallel_loop3A_307 = arith.constant 0 : i32
        %parallel_loop3A_308 = tpu.memref_slice %arg3[%parallel_loop3A_298, %parallel_loop3A_307] : memref<2600000x24xf32, #tpu.memory_space<hbm>> -> memref<1x24xf32, #tpu.memory_space<hbm>>
        %parallel_loop3A_309 = arith.constant 0 : i32
        %parallel_loop3A_310 = arith.constant 0 : i32
        %parallel_loop3A_311 = tpu.memref_slice %arg6[%parallel_loop3A_194, %parallel_loop3A_309, %parallel_loop3A_310] : memref<2x416x24xf32, #tpu.memory_space<vmem>> -> memref<1x416x24xf32, #tpu.memory_space<vmem>>
        %parallel_loop3A_312 = tpu.memref_squeeze %parallel_loop3A_311 : memref<1x416x24xf32, #tpu.memory_space<vmem>> -> memref<416x24xf32, #tpu.memory_space<vmem>>
        %parallel_loop3A_313 = arith.constant 0 : i32
        %parallel_loop3A_314 = tpu.memref_slice %parallel_loop3A_312[%parallel_loop3A_300, %parallel_loop3A_313] : memref<416x24xf32, #tpu.memory_space<vmem>> -> memref<1x24xf32, #tpu.memory_space<vmem>>
        %parallel_loop3A_315 = arith.constant 0 : i32
        %parallel_loop3A_316 = tpu.memref_slice %arg3[%parallel_loop3A_298, %parallel_loop3A_315] : memref<2600000x24xf32, #tpu.memory_space<hbm>> -> memref<1x24xf32, #tpu.memory_space<hbm>>
        tpu.enqueue_dma source(%parallel_loop3A_316 : memref<1x24xf32, #tpu.memory_space<hbm>>) target(%parallel_loop3A_314 : memref<1x24xf32, #tpu.memory_space<vmem>>) target_semaphore(%arg8 : memref<!tpu.dma_semaphore, #tpu.memory_space<semaphore_mem>>)
        %parallel_loop3A_317 = vector.extract_strided_slice %parallel_loop3A_234 {offsets = [4], sizes = [1], strides = [1]} : vector<16xi32> to vector<1xi32>
        %parallel_loop3A_318 = vector.extract %parallel_loop3A_317[0] : i32 from vector<1xi32>
        %parallel_loop3A_319 = arith.constant 4 : i32
        %parallel_loop3A_320 = arith.addi %parallel_loop3A_236, %parallel_loop3A_319 : i32
        %parallel_loop3A_321 = arith.constant 0 : i32
        %parallel_loop3A_322 = arith.constant 0 : i32
        %parallel_loop3A_323 = tpu.memref_slice %arg6[%parallel_loop3A_194, %parallel_loop3A_321, %parallel_loop3A_322] : memref<2x416x24xf32, #tpu.memory_space<vmem>> -> memref<1x416x24xf32, #tpu.memory_space<vmem>>
        %parallel_loop3A_324 = tpu.memref_squeeze %parallel_loop3A_323 : memref<1x416x24xf32, #tpu.memory_space<vmem>> -> memref<416x24xf32, #tpu.memory_space<vmem>>
        %parallel_loop3A_325 = arith.constant 0 : i32
        %parallel_loop3A_326 = tpu.memref_slice %parallel_loop3A_324[%parallel_loop3A_320, %parallel_loop3A_325] : memref<416x24xf32, #tpu.memory_space<vmem>> -> memref<1x24xf32, #tpu.memory_space<vmem>>
        %parallel_loop3A_327 = arith.constant 0 : i32
        %parallel_loop3A_328 = tpu.memref_slice %arg3[%parallel_loop3A_318, %parallel_loop3A_327] : memref<2600000x24xf32, #tpu.memory_space<hbm>> -> memref<1x24xf32, #tpu.memory_space<hbm>>
        %parallel_loop3A_329 = arith.constant 0 : i32
        %parallel_loop3A_330 = arith.constant 0 : i32
        %parallel_loop3A_331 = tpu.memref_slice %arg6[%parallel_loop3A_194, %parallel_loop3A_329, %parallel_loop3A_330] : memref<2x416x24xf32, #tpu.memory_space<vmem>> -> memref<1x416x24xf32, #tpu.memory_space<vmem>>
        %parallel_loop3A_332 = tpu.memref_squeeze %parallel_loop3A_331 : memref<1x416x24xf32, #tpu.memory_space<vmem>> -> memref<416x24xf32, #tpu.memory_space<vmem>>
        %parallel_loop3A_333 = arith.constant 0 : i32
        %parallel_loop3A_334 = tpu.memref_slice %parallel_loop3A_332[%parallel_loop3A_320, %parallel_loop3A_333] : memref<416x24xf32, #tpu.memory_space<vmem>> -> memref<1x24xf32, #tpu.memory_space<vmem>>
        %parallel_loop3A_335 = arith.constant 0 : i32
        %parallel_loop3A_336 = tpu.memref_slice %arg3[%parallel_loop3A_318, %parallel_loop3A_335] : memref<2600000x24xf32, #tpu.memory_space<hbm>> -> memref<1x24xf32, #tpu.memory_space<hbm>>
        tpu.enqueue_dma source(%parallel_loop3A_336 : memref<1x24xf32, #tpu.memory_space<hbm>>) target(%parallel_loop3A_334 : memref<1x24xf32, #tpu.memory_space<vmem>>) target_semaphore(%arg8 : memref<!tpu.dma_semaphore, #tpu.memory_space<semaphore_mem>>)
        %parallel_loop3A_337 = vector.extract_strided_slice %parallel_loop3A_234 {offsets = [5], sizes = [1], strides = [1]} : vector<16xi32> to vector<1xi32>
        %parallel_loop3A_338 = vector.extract %parallel_loop3A_337[0] : i32 from vector<1xi32>
        %parallel_loop3A_339 = arith.constant 5 : i32
        %parallel_loop3A_340 = arith.addi %parallel_loop3A_236, %parallel_loop3A_339 : i32
        %parallel_loop3A_341 = arith.constant 0 : i32
        %parallel_loop3A_342 = arith.constant 0 : i32
        %parallel_loop3A_343 = tpu.memref_slice %arg6[%parallel_loop3A_194, %parallel_loop3A_341, %parallel_loop3A_342] : memref<2x416x24xf32, #tpu.memory_space<vmem>> -> memref<1x416x24xf32, #tpu.memory_space<vmem>>
        %parallel_loop3A_344 = tpu.memref_squeeze %parallel_loop3A_343 : memref<1x416x24xf32, #tpu.memory_space<vmem>> -> memref<416x24xf32, #tpu.memory_space<vmem>>
        %parallel_loop3A_345 = arith.constant 0 : i32
        %parallel_loop3A_346 = tpu.memref_slice %parallel_loop3A_344[%parallel_loop3A_340, %parallel_loop3A_345] : memref<416x24xf32, #tpu.memory_space<vmem>> -> memref<1x24xf32, #tpu.memory_space<vmem>>
        %parallel_loop3A_347 = arith.constant 0 : i32
        %parallel_loop3A_348 = tpu.memref_slice %arg3[%parallel_loop3A_338, %parallel_loop3A_347] : memref<2600000x24xf32, #tpu.memory_space<hbm>> -> memref<1x24xf32, #tpu.memory_space<hbm>>
        %parallel_loop3A_349 = arith.constant 0 : i32
        %parallel_loop3A_350 = arith.constant 0 : i32
        %parallel_loop3A_351 = tpu.memref_slice %arg6[%parallel_loop3A_194, %parallel_loop3A_349, %parallel_loop3A_350] : memref<2x416x24xf32, #tpu.memory_space<vmem>> -> memref<1x416x24xf32, #tpu.memory_space<vmem>>
        %parallel_loop3A_352 = tpu.memref_squeeze %parallel_loop3A_351 : memref<1x416x24xf32, #tpu.memory_space<vmem>> -> memref<416x24xf32, #tpu.memory_space<vmem>>
        %parallel_loop3A_353 = arith.constant 0 : i32
        %parallel_loop3A_354 = tpu.memref_slice %parallel_loop3A_352[%parallel_loop3A_340, %parallel_loop3A_353] : memref<416x24xf32, #tpu.memory_space<vmem>> -> memref<1x24xf32, #tpu.memory_space<vmem>>
        %parallel_loop3A_355 = arith.constant 0 : i32
        %parallel_loop3A_356 = tpu.memref_slice %arg3[%parallel_loop3A_338, %parallel_loop3A_355] : memref<2600000x24xf32, #tpu.memory_space<hbm>> -> memref<1x24xf32, #tpu.memory_space<hbm>>
        tpu.enqueue_dma source(%parallel_loop3A_356 : memref<1x24xf32, #tpu.memory_space<hbm>>) target(%parallel_loop3A_354 : memref<1x24xf32, #tpu.memory_space<vmem>>) target_semaphore(%arg8 : memref<!tpu.dma_semaphore, #tpu.memory_space<semaphore_mem>>)
        %parallel_loop3A_357 = vector.extract_strided_slice %parallel_loop3A_234 {offsets = [6], sizes = [1], strides = [1]} : vector<16xi32> to vector<1xi32>
        %parallel_loop3A_358 = vector.extract %parallel_loop3A_357[0] : i32 from vector<1xi32>
        %parallel_loop3A_359 = arith.constant 6 : i32
        %parallel_loop3A_360 = arith.addi %parallel_loop3A_236, %parallel_loop3A_359 : i32
        %parallel_loop3A_361 = arith.constant 0 : i32
        %parallel_loop3A_362 = arith.constant 0 : i32
        %parallel_loop3A_363 = tpu.memref_slice %arg6[%parallel_loop3A_194, %parallel_loop3A_361, %parallel_loop3A_362] : memref<2x416x24xf32, #tpu.memory_space<vmem>> -> memref<1x416x24xf32, #tpu.memory_space<vmem>>
        %parallel_loop3A_364 = tpu.memref_squeeze %parallel_loop3A_363 : memref<1x416x24xf32, #tpu.memory_space<vmem>> -> memref<416x24xf32, #tpu.memory_space<vmem>>
        %parallel_loop3A_365 = arith.constant 0 : i32
        %parallel_loop3A_366 = tpu.memref_slice %parallel_loop3A_364[%parallel_loop3A_360, %parallel_loop3A_365] : memref<416x24xf32, #tpu.memory_space<vmem>> -> memref<1x24xf32, #tpu.memory_space<vmem>>
        %parallel_loop3A_367 = arith.constant 0 : i32
        %parallel_loop3A_368 = tpu.memref_slice %arg3[%parallel_loop3A_358, %parallel_loop3A_367] : memref<2600000x24xf32, #tpu.memory_space<hbm>> -> memref<1x24xf32, #tpu.memory_space<hbm>>
        %parallel_loop3A_369 = arith.constant 0 : i32
        %parallel_loop3A_370 = arith.constant 0 : i32
        %parallel_loop3A_371 = tpu.memref_slice %arg6[%parallel_loop3A_194, %parallel_loop3A_369, %parallel_loop3A_370] : memref<2x416x24xf32, #tpu.memory_space<vmem>> -> memref<1x416x24xf32, #tpu.memory_space<vmem>>
        %parallel_loop3A_372 = tpu.memref_squeeze %parallel_loop3A_371 : memref<1x416x24xf32, #tpu.memory_space<vmem>> -> memref<416x24xf32, #tpu.memory_space<vmem>>
        %parallel_loop3A_373 = arith.constant 0 : i32
        %parallel_loop3A_374 = tpu.memref_slice %parallel_loop3A_372[%parallel_loop3A_360, %parallel_loop3A_373] : memref<416x24xf32, #tpu.memory_space<vmem>> -> memref<1x24xf32, #tpu.memory_space<vmem>>
        %parallel_loop3A_375 = arith.constant 0 : i32
        %parallel_loop3A_376 = tpu.memref_slice %arg3[%parallel_loop3A_358, %parallel_loop3A_375] : memref<2600000x24xf32, #tpu.memory_space<hbm>> -> memref<1x24xf32, #tpu.memory_space<hbm>>
        tpu.enqueue_dma source(%parallel_loop3A_376 : memref<1x24xf32, #tpu.memory_space<hbm>>) target(%parallel_loop3A_374 : memref<1x24xf32, #tpu.memory_space<vmem>>) target_semaphore(%arg8 : memref<!tpu.dma_semaphore, #tpu.memory_space<semaphore_mem>>)
        %parallel_loop3A_377 = vector.extract_strided_slice %parallel_loop3A_234 {offsets = [7], sizes = [1], strides = [1]} : vector<16xi32> to vector<1xi32>
        %parallel_loop3A_378 = vector.extract %parallel_loop3A_377[0] : i32 from vector<1xi32>
        %parallel_loop3A_379 = arith.constant 7 : i32
        %parallel_loop3A_380 = arith.addi %parallel_loop3A_236, %parallel_loop3A_379 : i32
        %parallel_loop3A_381 = arith.constant 0 : i32
        %parallel_loop3A_382 = arith.constant 0 : i32
        %parallel_loop3A_383 = tpu.memref_slice %arg6[%parallel_loop3A_194, %parallel_loop3A_381, %parallel_loop3A_382] : memref<2x416x24xf32, #tpu.memory_space<vmem>> -> memref<1x416x24xf32, #tpu.memory_space<vmem>>
        %parallel_loop3A_384 = tpu.memref_squeeze %parallel_loop3A_383 : memref<1x416x24xf32, #tpu.memory_space<vmem>> -> memref<416x24xf32, #tpu.memory_space<vmem>>
        %parallel_loop3A_385 = arith.constant 0 : i32
        %parallel_loop3A_386 = tpu.memref_slice %parallel_loop3A_384[%parallel_loop3A_380, %parallel_loop3A_385] : memref<416x24xf32, #tpu.memory_space<vmem>> -> memref<1x24xf32, #tpu.memory_space<vmem>>
        %parallel_loop3A_387 = arith.constant 0 : i32
        %parallel_loop3A_388 = tpu.memref_slice %arg3[%parallel_loop3A_378, %parallel_loop3A_387] : memref<2600000x24xf32, #tpu.memory_space<hbm>> -> memref<1x24xf32, #tpu.memory_space<hbm>>
        %parallel_loop3A_389 = arith.constant 0 : i32
        %parallel_loop3A_390 = arith.constant 0 : i32
        %parallel_loop3A_391 = tpu.memref_slice %arg6[%parallel_loop3A_194, %parallel_loop3A_389, %parallel_loop3A_390] : memref<2x416x24xf32, #tpu.memory_space<vmem>> -> memref<1x416x24xf32, #tpu.memory_space<vmem>>
        %parallel_loop3A_392 = tpu.memref_squeeze %parallel_loop3A_391 : memref<1x416x24xf32, #tpu.memory_space<vmem>> -> memref<416x24xf32, #tpu.memory_space<vmem>>
        %parallel_loop3A_393 = arith.constant 0 : i32
        %parallel_loop3A_394 = tpu.memref_slice %parallel_loop3A_392[%parallel_loop3A_380, %parallel_loop3A_393] : memref<416x24xf32, #tpu.memory_space<vmem>> -> memref<1x24xf32, #tpu.memory_space<vmem>>
        %parallel_loop3A_395 = arith.constant 0 : i32
        %parallel_loop3A_396 = tpu.memref_slice %arg3[%parallel_loop3A_378, %parallel_loop3A_395] : memref<2600000x24xf32, #tpu.memory_space<hbm>> -> memref<1x24xf32, #tpu.memory_space<hbm>>
        tpu.enqueue_dma source(%parallel_loop3A_396 : memref<1x24xf32, #tpu.memory_space<hbm>>) target(%parallel_loop3A_394 : memref<1x24xf32, #tpu.memory_space<vmem>>) target_semaphore(%arg8 : memref<!tpu.dma_semaphore, #tpu.memory_space<semaphore_mem>>)
        %parallel_loop3A_397 = vector.extract_strided_slice %parallel_loop3A_234 {offsets = [8], sizes = [1], strides = [1]} : vector<16xi32> to vector<1xi32>
        %parallel_loop3A_398 = vector.extract %parallel_loop3A_397[0] : i32 from vector<1xi32>
        %parallel_loop3A_399 = arith.constant 8 : i32
        %parallel_loop3A_400 = arith.addi %parallel_loop3A_236, %parallel_loop3A_399 : i32
        %parallel_loop3A_401 = arith.constant 0 : i32
        %parallel_loop3A_402 = arith.constant 0 : i32
        %parallel_loop3A_403 = tpu.memref_slice %arg6[%parallel_loop3A_194, %parallel_loop3A_401, %parallel_loop3A_402] : memref<2x416x24xf32, #tpu.memory_space<vmem>> -> memref<1x416x24xf32, #tpu.memory_space<vmem>>
        %parallel_loop3A_404 = tpu.memref_squeeze %parallel_loop3A_403 : memref<1x416x24xf32, #tpu.memory_space<vmem>> -> memref<416x24xf32, #tpu.memory_space<vmem>>
        %parallel_loop3A_405 = arith.constant 0 : i32
        %parallel_loop3A_406 = tpu.memref_slice %parallel_loop3A_404[%parallel_loop3A_400, %parallel_loop3A_405] : memref<416x24xf32, #tpu.memory_space<vmem>> -> memref<1x24xf32, #tpu.memory_space<vmem>>
        %parallel_loop3A_407 = arith.constant 0 : i32
        %parallel_loop3A_408 = tpu.memref_slice %arg3[%parallel_loop3A_398, %parallel_loop3A_407] : memref<2600000x24xf32, #tpu.memory_space<hbm>> -> memref<1x24xf32, #tpu.memory_space<hbm>>
        %parallel_loop3A_409 = arith.constant 0 : i32
        %parallel_loop3A_410 = arith.constant 0 : i32
        %parallel_loop3A_411 = tpu.memref_slice %arg6[%parallel_loop3A_194, %parallel_loop3A_409, %parallel_loop3A_410] : memref<2x416x24xf32, #tpu.memory_space<vmem>> -> memref<1x416x24xf32, #tpu.memory_space<vmem>>
        %parallel_loop3A_412 = tpu.memref_squeeze %parallel_loop3A_411 : memref<1x416x24xf32, #tpu.memory_space<vmem>> -> memref<416x24xf32, #tpu.memory_space<vmem>>
        %parallel_loop3A_413 = arith.constant 0 : i32
        %parallel_loop3A_414 = tpu.memref_slice %parallel_loop3A_412[%parallel_loop3A_400, %parallel_loop3A_413] : memref<416x24xf32, #tpu.memory_space<vmem>> -> memref<1x24xf32, #tpu.memory_space<vmem>>
        %parallel_loop3A_415 = arith.constant 0 : i32
        %parallel_loop3A_416 = tpu.memref_slice %arg3[%parallel_loop3A_398, %parallel_loop3A_415] : memref<2600000x24xf32, #tpu.memory_space<hbm>> -> memref<1x24xf32, #tpu.memory_space<hbm>>
        tpu.enqueue_dma source(%parallel_loop3A_416 : memref<1x24xf32, #tpu.memory_space<hbm>>) target(%parallel_loop3A_414 : memref<1x24xf32, #tpu.memory_space<vmem>>) target_semaphore(%arg8 : memref<!tpu.dma_semaphore, #tpu.memory_space<semaphore_mem>>)
        %parallel_loop3A_417 = vector.extract_strided_slice %parallel_loop3A_234 {offsets = [9], sizes = [1], strides = [1]} : vector<16xi32> to vector<1xi32>
        %parallel_loop3A_418 = vector.extract %parallel_loop3A_417[0] : i32 from vector<1xi32>
        %parallel_loop3A_419 = arith.constant 9 : i32
        %parallel_loop3A_420 = arith.addi %parallel_loop3A_236, %parallel_loop3A_419 : i32
        %parallel_loop3A_421 = arith.constant 0 : i32
        %parallel_loop3A_422 = arith.constant 0 : i32
        %parallel_loop3A_423 = tpu.memref_slice %arg6[%parallel_loop3A_194, %parallel_loop3A_421, %parallel_loop3A_422] : memref<2x416x24xf32, #tpu.memory_space<vmem>> -> memref<1x416x24xf32, #tpu.memory_space<vmem>>
        %parallel_loop3A_424 = tpu.memref_squeeze %parallel_loop3A_423 : memref<1x416x24xf32, #tpu.memory_space<vmem>> -> memref<416x24xf32, #tpu.memory_space<vmem>>
        %parallel_loop3A_425 = arith.constant 0 : i32
        %parallel_loop3A_426 = tpu.memref_slice %parallel_loop3A_424[%parallel_loop3A_420, %parallel_loop3A_425] : memref<416x24xf32, #tpu.memory_space<vmem>> -> memref<1x24xf32, #tpu.memory_space<vmem>>
        %parallel_loop3A_427 = arith.constant 0 : i32
        %parallel_loop3A_428 = tpu.memref_slice %arg3[%parallel_loop3A_418, %parallel_loop3A_427] : memref<2600000x24xf32, #tpu.memory_space<hbm>> -> memref<1x24xf32, #tpu.memory_space<hbm>>
        %parallel_loop3A_429 = arith.constant 0 : i32
        %parallel_loop3A_430 = arith.constant 0 : i32
        %parallel_loop3A_431 = tpu.memref_slice %arg6[%parallel_loop3A_194, %parallel_loop3A_429, %parallel_loop3A_430] : memref<2x416x24xf32, #tpu.memory_space<vmem>> -> memref<1x416x24xf32, #tpu.memory_space<vmem>>
        %parallel_loop3A_432 = tpu.memref_squeeze %parallel_loop3A_431 : memref<1x416x24xf32, #tpu.memory_space<vmem>> -> memref<416x24xf32, #tpu.memory_space<vmem>>
        %parallel_loop3A_433 = arith.constant 0 : i32
        %parallel_loop3A_434 = tpu.memref_slice %parallel_loop3A_432[%parallel_loop3A_420, %parallel_loop3A_433] : memref<416x24xf32, #tpu.memory_space<vmem>> -> memref<1x24xf32, #tpu.memory_space<vmem>>
        %parallel_loop3A_435 = arith.constant 0 : i32
        %parallel_loop3A_436 = tpu.memref_slice %arg3[%parallel_loop3A_418, %parallel_loop3A_435] : memref<2600000x24xf32, #tpu.memory_space<hbm>> -> memref<1x24xf32, #tpu.memory_space<hbm>>
        tpu.enqueue_dma source(%parallel_loop3A_436 : memref<1x24xf32, #tpu.memory_space<hbm>>) target(%parallel_loop3A_434 : memref<1x24xf32, #tpu.memory_space<vmem>>) target_semaphore(%arg8 : memref<!tpu.dma_semaphore, #tpu.memory_space<semaphore_mem>>)
        %parallel_loop3A_437 = vector.extract_strided_slice %parallel_loop3A_234 {offsets = [10], sizes = [1], strides = [1]} : vector<16xi32> to vector<1xi32>
        %parallel_loop3A_438 = vector.extract %parallel_loop3A_437[0] : i32 from vector<1xi32>
        %parallel_loop3A_439 = arith.constant 10 : i32
        %parallel_loop3A_440 = arith.addi %parallel_loop3A_236, %parallel_loop3A_439 : i32
        %parallel_loop3A_441 = arith.constant 0 : i32
        %parallel_loop3A_442 = arith.constant 0 : i32
        %parallel_loop3A_443 = tpu.memref_slice %arg6[%parallel_loop3A_194, %parallel_loop3A_441, %parallel_loop3A_442] : memref<2x416x24xf32, #tpu.memory_space<vmem>> -> memref<1x416x24xf32, #tpu.memory_space<vmem>>
        %parallel_loop3A_444 = tpu.memref_squeeze %parallel_loop3A_443 : memref<1x416x24xf32, #tpu.memory_space<vmem>> -> memref<416x24xf32, #tpu.memory_space<vmem>>
        %parallel_loop3A_445 = arith.constant 0 : i32
        %parallel_loop3A_446 = tpu.memref_slice %parallel_loop3A_444[%parallel_loop3A_440, %parallel_loop3A_445] : memref<416x24xf32, #tpu.memory_space<vmem>> -> memref<1x24xf32, #tpu.memory_space<vmem>>
        %parallel_loop3A_447 = arith.constant 0 : i32
        %parallel_loop3A_448 = tpu.memref_slice %arg3[%parallel_loop3A_438, %parallel_loop3A_447] : memref<2600000x24xf32, #tpu.memory_space<hbm>> -> memref<1x24xf32, #tpu.memory_space<hbm>>
        %parallel_loop3A_449 = arith.constant 0 : i32
        %parallel_loop3A_450 = arith.constant 0 : i32
        %parallel_loop3A_451 = tpu.memref_slice %arg6[%parallel_loop3A_194, %parallel_loop3A_449, %parallel_loop3A_450] : memref<2x416x24xf32, #tpu.memory_space<vmem>> -> memref<1x416x24xf32, #tpu.memory_space<vmem>>
        %parallel_loop3A_452 = tpu.memref_squeeze %parallel_loop3A_451 : memref<1x416x24xf32, #tpu.memory_space<vmem>> -> memref<416x24xf32, #tpu.memory_space<vmem>>
        %parallel_loop3A_453 = arith.constant 0 : i32
        %parallel_loop3A_454 = tpu.memref_slice %parallel_loop3A_452[%parallel_loop3A_440, %parallel_loop3A_453] : memref<416x24xf32, #tpu.memory_space<vmem>> -> memref<1x24xf32, #tpu.memory_space<vmem>>
        %parallel_loop3A_455 = arith.constant 0 : i32
        %parallel_loop3A_456 = tpu.memref_slice %arg3[%parallel_loop3A_438, %parallel_loop3A_455] : memref<2600000x24xf32, #tpu.memory_space<hbm>> -> memref<1x24xf32, #tpu.memory_space<hbm>>
        tpu.enqueue_dma source(%parallel_loop3A_456 : memref<1x24xf32, #tpu.memory_space<hbm>>) target(%parallel_loop3A_454 : memref<1x24xf32, #tpu.memory_space<vmem>>) target_semaphore(%arg8 : memref<!tpu.dma_semaphore, #tpu.memory_space<semaphore_mem>>)
        %parallel_loop3A_457 = vector.extract_strided_slice %parallel_loop3A_234 {offsets = [11], sizes = [1], strides = [1]} : vector<16xi32> to vector<1xi32>
        %parallel_loop3A_458 = vector.extract %parallel_loop3A_457[0] : i32 from vector<1xi32>
        %parallel_loop3A_459 = arith.constant 11 : i32
        %parallel_loop3A_460 = arith.addi %parallel_loop3A_236, %parallel_loop3A_459 : i32
        %parallel_loop3A_461 = arith.constant 0 : i32
        %parallel_loop3A_462 = arith.constant 0 : i32
        %parallel_loop3A_463 = tpu.memref_slice %arg6[%parallel_loop3A_194, %parallel_loop3A_461, %parallel_loop3A_462] : memref<2x416x24xf32, #tpu.memory_space<vmem>> -> memref<1x416x24xf32, #tpu.memory_space<vmem>>
        %parallel_loop3A_464 = tpu.memref_squeeze %parallel_loop3A_463 : memref<1x416x24xf32, #tpu.memory_space<vmem>> -> memref<416x24xf32, #tpu.memory_space<vmem>>
        %parallel_loop3A_465 = arith.constant 0 : i32
        %parallel_loop3A_466 = tpu.memref_slice %parallel_loop3A_464[%parallel_loop3A_460, %parallel_loop3A_465] : memref<416x24xf32, #tpu.memory_space<vmem>> -> memref<1x24xf32, #tpu.memory_space<vmem>>
        %parallel_loop3A_467 = arith.constant 0 : i32
        %parallel_loop3A_468 = tpu.memref_slice %arg3[%parallel_loop3A_458, %parallel_loop3A_467] : memref<2600000x24xf32, #tpu.memory_space<hbm>> -> memref<1x24xf32, #tpu.memory_space<hbm>>
        %parallel_loop3A_469 = arith.constant 0 : i32
        %parallel_loop3A_470 = arith.constant 0 : i32
        %parallel_loop3A_471 = tpu.memref_slice %arg6[%parallel_loop3A_194, %parallel_loop3A_469, %parallel_loop3A_470] : memref<2x416x24xf32, #tpu.memory_space<vmem>> -> memref<1x416x24xf32, #tpu.memory_space<vmem>>
        %parallel_loop3A_472 = tpu.memref_squeeze %parallel_loop3A_471 : memref<1x416x24xf32, #tpu.memory_space<vmem>> -> memref<416x24xf32, #tpu.memory_space<vmem>>
        %parallel_loop3A_473 = arith.constant 0 : i32
        %parallel_loop3A_474 = tpu.memref_slice %parallel_loop3A_472[%parallel_loop3A_460, %parallel_loop3A_473] : memref<416x24xf32, #tpu.memory_space<vmem>> -> memref<1x24xf32, #tpu.memory_space<vmem>>
        %parallel_loop3A_475 = arith.constant 0 : i32
        %parallel_loop3A_476 = tpu.memref_slice %arg3[%parallel_loop3A_458, %parallel_loop3A_475] : memref<2600000x24xf32, #tpu.memory_space<hbm>> -> memref<1x24xf32, #tpu.memory_space<hbm>>
        tpu.enqueue_dma source(%parallel_loop3A_476 : memref<1x24xf32, #tpu.memory_space<hbm>>) target(%parallel_loop3A_474 : memref<1x24xf32, #tpu.memory_space<vmem>>) target_semaphore(%arg8 : memref<!tpu.dma_semaphore, #tpu.memory_space<semaphore_mem>>)
        %parallel_loop3A_477 = vector.extract_strided_slice %parallel_loop3A_234 {offsets = [12], sizes = [1], strides = [1]} : vector<16xi32> to vector<1xi32>
        %parallel_loop3A_478 = vector.extract %parallel_loop3A_477[0] : i32 from vector<1xi32>
        %parallel_loop3A_479 = arith.constant 12 : i32
        %parallel_loop3A_480 = arith.addi %parallel_loop3A_236, %parallel_loop3A_479 : i32
        %parallel_loop3A_481 = arith.constant 0 : i32
        %parallel_loop3A_482 = arith.constant 0 : i32
        %parallel_loop3A_483 = tpu.memref_slice %arg6[%parallel_loop3A_194, %parallel_loop3A_481, %parallel_loop3A_482] : memref<2x416x24xf32, #tpu.memory_space<vmem>> -> memref<1x416x24xf32, #tpu.memory_space<vmem>>
        %parallel_loop3A_484 = tpu.memref_squeeze %parallel_loop3A_483 : memref<1x416x24xf32, #tpu.memory_space<vmem>> -> memref<416x24xf32, #tpu.memory_space<vmem>>
        %parallel_loop3A_485 = arith.constant 0 : i32
        %parallel_loop3A_486 = tpu.memref_slice %parallel_loop3A_484[%parallel_loop3A_480, %parallel_loop3A_485] : memref<416x24xf32, #tpu.memory_space<vmem>> -> memref<1x24xf32, #tpu.memory_space<vmem>>
        %parallel_loop3A_487 = arith.constant 0 : i32
        %parallel_loop3A_488 = tpu.memref_slice %arg3[%parallel_loop3A_478, %parallel_loop3A_487] : memref<2600000x24xf32, #tpu.memory_space<hbm>> -> memref<1x24xf32, #tpu.memory_space<hbm>>
        %parallel_loop3A_489 = arith.constant 0 : i32
        %parallel_loop3A_490 = arith.constant 0 : i32
        %parallel_loop3A_491 = tpu.memref_slice %arg6[%parallel_loop3A_194, %parallel_loop3A_489, %parallel_loop3A_490] : memref<2x416x24xf32, #tpu.memory_space<vmem>> -> memref<1x416x24xf32, #tpu.memory_space<vmem>>
        %parallel_loop3A_492 = tpu.memref_squeeze %parallel_loop3A_491 : memref<1x416x24xf32, #tpu.memory_space<vmem>> -> memref<416x24xf32, #tpu.memory_space<vmem>>
        %parallel_loop3A_493 = arith.constant 0 : i32
        %parallel_loop3A_494 = tpu.memref_slice %parallel_loop3A_492[%parallel_loop3A_480, %parallel_loop3A_493] : memref<416x24xf32, #tpu.memory_space<vmem>> -> memref<1x24xf32, #tpu.memory_space<vmem>>
        %parallel_loop3A_495 = arith.constant 0 : i32
        %parallel_loop3A_496 = tpu.memref_slice %arg3[%parallel_loop3A_478, %parallel_loop3A_495] : memref<2600000x24xf32, #tpu.memory_space<hbm>> -> memref<1x24xf32, #tpu.memory_space<hbm>>
        tpu.enqueue_dma source(%parallel_loop3A_496 : memref<1x24xf32, #tpu.memory_space<hbm>>) target(%parallel_loop3A_494 : memref<1x24xf32, #tpu.memory_space<vmem>>) target_semaphore(%arg8 : memref<!tpu.dma_semaphore, #tpu.memory_space<semaphore_mem>>)
        %parallel_loop3A_497 = vector.extract_strided_slice %parallel_loop3A_234 {offsets = [13], sizes = [1], strides = [1]} : vector<16xi32> to vector<1xi32>
        %parallel_loop3A_498 = vector.extract %parallel_loop3A_497[0] : i32 from vector<1xi32>
        %parallel_loop3A_499 = arith.constant 13 : i32
        %parallel_loop3A_500 = arith.addi %parallel_loop3A_236, %parallel_loop3A_499 : i32
        %parallel_loop3A_501 = arith.constant 0 : i32
        %parallel_loop3A_502 = arith.constant 0 : i32
        %parallel_loop3A_503 = tpu.memref_slice %arg6[%parallel_loop3A_194, %parallel_loop3A_501, %parallel_loop3A_502] : memref<2x416x24xf32, #tpu.memory_space<vmem>> -> memref<1x416x24xf32, #tpu.memory_space<vmem>>
        %parallel_loop3A_504 = tpu.memref_squeeze %parallel_loop3A_503 : memref<1x416x24xf32, #tpu.memory_space<vmem>> -> memref<416x24xf32, #tpu.memory_space<vmem>>
        %parallel_loop3A_505 = arith.constant 0 : i32
        %parallel_loop3A_506 = tpu.memref_slice %parallel_loop3A_504[%parallel_loop3A_500, %parallel_loop3A_505] : memref<416x24xf32, #tpu.memory_space<vmem>> -> memref<1x24xf32, #tpu.memory_space<vmem>>
        %parallel_loop3A_507 = arith.constant 0 : i32
        %parallel_loop3A_508 = tpu.memref_slice %arg3[%parallel_loop3A_498, %parallel_loop3A_507] : memref<2600000x24xf32, #tpu.memory_space<hbm>> -> memref<1x24xf32, #tpu.memory_space<hbm>>
        %parallel_loop3A_509 = arith.constant 0 : i32
        %parallel_loop3A_510 = arith.constant 0 : i32
        %parallel_loop3A_511 = tpu.memref_slice %arg6[%parallel_loop3A_194, %parallel_loop3A_509, %parallel_loop3A_510] : memref<2x416x24xf32, #tpu.memory_space<vmem>> -> memref<1x416x24xf32, #tpu.memory_space<vmem>>
        %parallel_loop3A_512 = tpu.memref_squeeze %parallel_loop3A_511 : memref<1x416x24xf32, #tpu.memory_space<vmem>> -> memref<416x24xf32, #tpu.memory_space<vmem>>
        %parallel_loop3A_513 = arith.constant 0 : i32
        %parallel_loop3A_514 = tpu.memref_slice %parallel_loop3A_512[%parallel_loop3A_500, %parallel_loop3A_513] : memref<416x24xf32, #tpu.memory_space<vmem>> -> memref<1x24xf32, #tpu.memory_space<vmem>>
        %parallel_loop3A_515 = arith.constant 0 : i32
        %parallel_loop3A_516 = tpu.memref_slice %arg3[%parallel_loop3A_498, %parallel_loop3A_515] : memref<2600000x24xf32, #tpu.memory_space<hbm>> -> memref<1x24xf32, #tpu.memory_space<hbm>>
        tpu.enqueue_dma source(%parallel_loop3A_516 : memref<1x24xf32, #tpu.memory_space<hbm>>) target(%parallel_loop3A_514 : memref<1x24xf32, #tpu.memory_space<vmem>>) target_semaphore(%arg8 : memref<!tpu.dma_semaphore, #tpu.memory_space<semaphore_mem>>)
        %parallel_loop3A_517 = vector.extract_strided_slice %parallel_loop3A_234 {offsets = [14], sizes = [1], strides = [1]} : vector<16xi32> to vector<1xi32>
        %parallel_loop3A_518 = vector.extract %parallel_loop3A_517[0] : i32 from vector<1xi32>
        %parallel_loop3A_519 = arith.constant 14 : i32
        %parallel_loop3A_520 = arith.addi %parallel_loop3A_236, %parallel_loop3A_519 : i32
        %parallel_loop3A_521 = arith.constant 0 : i32
        %parallel_loop3A_522 = arith.constant 0 : i32
        %parallel_loop3A_523 = tpu.memref_slice %arg6[%parallel_loop3A_194, %parallel_loop3A_521, %parallel_loop3A_522] : memref<2x416x24xf32, #tpu.memory_space<vmem>> -> memref<1x416x24xf32, #tpu.memory_space<vmem>>
        %parallel_loop3A_524 = tpu.memref_squeeze %parallel_loop3A_523 : memref<1x416x24xf32, #tpu.memory_space<vmem>> -> memref<416x24xf32, #tpu.memory_space<vmem>>
        %parallel_loop3A_525 = arith.constant 0 : i32
        %parallel_loop3A_526 = tpu.memref_slice %parallel_loop3A_524[%parallel_loop3A_520, %parallel_loop3A_525] : memref<416x24xf32, #tpu.memory_space<vmem>> -> memref<1x24xf32, #tpu.memory_space<vmem>>
        %parallel_loop3A_527 = arith.constant 0 : i32
        %parallel_loop3A_528 = tpu.memref_slice %arg3[%parallel_loop3A_518, %parallel_loop3A_527] : memref<2600000x24xf32, #tpu.memory_space<hbm>> -> memref<1x24xf32, #tpu.memory_space<hbm>>
        %parallel_loop3A_529 = arith.constant 0 : i32
        %parallel_loop3A_530 = arith.constant 0 : i32
        %parallel_loop3A_531 = tpu.memref_slice %arg6[%parallel_loop3A_194, %parallel_loop3A_529, %parallel_loop3A_530] : memref<2x416x24xf32, #tpu.memory_space<vmem>> -> memref<1x416x24xf32, #tpu.memory_space<vmem>>
        %parallel_loop3A_532 = tpu.memref_squeeze %parallel_loop3A_531 : memref<1x416x24xf32, #tpu.memory_space<vmem>> -> memref<416x24xf32, #tpu.memory_space<vmem>>
        %parallel_loop3A_533 = arith.constant 0 : i32
        %parallel_loop3A_534 = tpu.memref_slice %parallel_loop3A_532[%parallel_loop3A_520, %parallel_loop3A_533] : memref<416x24xf32, #tpu.memory_space<vmem>> -> memref<1x24xf32, #tpu.memory_space<vmem>>
        %parallel_loop3A_535 = arith.constant 0 : i32
        %parallel_loop3A_536 = tpu.memref_slice %arg3[%parallel_loop3A_518, %parallel_loop3A_535] : memref<2600000x24xf32, #tpu.memory_space<hbm>> -> memref<1x24xf32, #tpu.memory_space<hbm>>
        tpu.enqueue_dma source(%parallel_loop3A_536 : memref<1x24xf32, #tpu.memory_space<hbm>>) target(%parallel_loop3A_534 : memref<1x24xf32, #tpu.memory_space<vmem>>) target_semaphore(%arg8 : memref<!tpu.dma_semaphore, #tpu.memory_space<semaphore_mem>>)
        %parallel_loop3A_537 = vector.extract_strided_slice %parallel_loop3A_234 {offsets = [15], sizes = [1], strides = [1]} : vector<16xi32> to vector<1xi32>
        %parallel_loop3A_538 = vector.extract %parallel_loop3A_537[0] : i32 from vector<1xi32>
        %parallel_loop3A_539 = arith.constant 15 : i32
        %parallel_loop3A_540 = arith.addi %parallel_loop3A_236, %parallel_loop3A_539 : i32
        %parallel_loop3A_541 = arith.constant 0 : i32
        %parallel_loop3A_542 = arith.constant 0 : i32
        %parallel_loop3A_543 = tpu.memref_slice %arg6[%parallel_loop3A_194, %parallel_loop3A_541, %parallel_loop3A_542] : memref<2x416x24xf32, #tpu.memory_space<vmem>> -> memref<1x416x24xf32, #tpu.memory_space<vmem>>
        %parallel_loop3A_544 = tpu.memref_squeeze %parallel_loop3A_543 : memref<1x416x24xf32, #tpu.memory_space<vmem>> -> memref<416x24xf32, #tpu.memory_space<vmem>>
        %parallel_loop3A_545 = arith.constant 0 : i32
        %parallel_loop3A_546 = tpu.memref_slice %parallel_loop3A_544[%parallel_loop3A_540, %parallel_loop3A_545] : memref<416x24xf32, #tpu.memory_space<vmem>> -> memref<1x24xf32, #tpu.memory_space<vmem>>
        %parallel_loop3A_547 = arith.constant 0 : i32
        %parallel_loop3A_548 = tpu.memref_slice %arg3[%parallel_loop3A_538, %parallel_loop3A_547] : memref<2600000x24xf32, #tpu.memory_space<hbm>> -> memref<1x24xf32, #tpu.memory_space<hbm>>
        %parallel_loop3A_549 = arith.constant 0 : i32
        %parallel_loop3A_550 = arith.constant 0 : i32
        %parallel_loop3A_551 = tpu.memref_slice %arg6[%parallel_loop3A_194, %parallel_loop3A_549, %parallel_loop3A_550] : memref<2x416x24xf32, #tpu.memory_space<vmem>> -> memref<1x416x24xf32, #tpu.memory_space<vmem>>
        %parallel_loop3A_552 = tpu.memref_squeeze %parallel_loop3A_551 : memref<1x416x24xf32, #tpu.memory_space<vmem>> -> memref<416x24xf32, #tpu.memory_space<vmem>>
        %parallel_loop3A_553 = arith.constant 0 : i32
        %parallel_loop3A_554 = tpu.memref_slice %parallel_loop3A_552[%parallel_loop3A_540, %parallel_loop3A_553] : memref<416x24xf32, #tpu.memory_space<vmem>> -> memref<1x24xf32, #tpu.memory_space<vmem>>
        %parallel_loop3A_555 = arith.constant 0 : i32
        %parallel_loop3A_556 = tpu.memref_slice %arg3[%parallel_loop3A_538, %parallel_loop3A_555] : memref<2600000x24xf32, #tpu.memory_space<hbm>> -> memref<1x24xf32, #tpu.memory_space<hbm>>
        tpu.enqueue_dma source(%parallel_loop3A_556 : memref<1x24xf32, #tpu.memory_space<hbm>>) target(%parallel_loop3A_554 : memref<1x24xf32, #tpu.memory_space<vmem>>) target_semaphore(%arg8 : memref<!tpu.dma_semaphore, #tpu.memory_space<semaphore_mem>>)
      } {sc.loop_unroll_factor = 1 : i64, sc.parallel_access}
      %dma_wait3A_195 = arith.constant 0 : i32
      %dma_wait3A_196 = arith.constant 0 : i32
      %dma_wait3A_197 = arith.constant 0 : i32
      %dma_wait3A_198 = tpu.memref_slice %arg6[%dma_wait3A_195, %dma_wait3A_196, %dma_wait3A_197] : memref<2x416x24xf32, #tpu.memory_space<vmem>> -> memref<1x416x24xf32, #tpu.memory_space<vmem>>
      %dma_wait3A_199 = tpu.memref_squeeze %dma_wait3A_198 : memref<1x416x24xf32, #tpu.memory_space<vmem>> -> memref<416x24xf32, #tpu.memory_space<vmem>>
      %dma_wait3A_200 = arith.constant 0 : i32
      %dma_wait3A_201 = arith.constant 0 : i32
      %dma_wait3A_202 = tpu.memref_slice %arg4[%dma_wait3A_200, %dma_wait3A_201] : memref<425984x24xf32, #tpu.memory_space<hbm>> -> memref<416x24xf32, #tpu.memory_space<hbm>>
      %dma_wait3A_203 = arith.constant 0 : i32
      %dma_wait3A_204 = arith.constant 0 : i32
      %dma_wait3A_205 = tpu.memref_slice %arg6[%dma_wait3A_195, %dma_wait3A_203, %dma_wait3A_204] : memref<2x416x24xf32, #tpu.memory_space<vmem>> -> memref<1x416x24xf32, #tpu.memory_space<vmem>>
      %dma_wait3A_206 = tpu.memref_squeeze %dma_wait3A_205 : memref<1x416x24xf32, #tpu.memory_space<vmem>> -> memref<416x24xf32, #tpu.memory_space<vmem>>
      %dma_wait3A_207 = arith.constant 0 : i32
      %dma_wait3A_208 = arith.constant 0 : i32
      %dma_wait3A_209 = tpu.memref_slice %arg4[%dma_wait3A_207, %dma_wait3A_208] : memref<425984x24xf32, #tpu.memory_space<hbm>> -> memref<416x24xf32, #tpu.memory_space<hbm>>
      tpu.wait_dma2 semaphore(%arg7 : memref<!tpu.dma_semaphore, #tpu.memory_space<semaphore_mem>>) src(%dma_wait3A_209 : memref<416x24xf32, #tpu.memory_space<hbm>>) dst(%dma_wait3A_206 : memref<416x24xf32, #tpu.memory_space<vmem>>)
      %mul3A_210 = arith.constant 416 : i32
      %mul3A_211 = arith.muli %mul3A_115, %mul3A_210 : i32
      %add3A_212 = arith.addi %multiple_of3A, %mul3A_211 : i32
      %multiple_of3A_213 = tpu.assume_multiple %add3A_212, 8 : i32
      %dma_start3A_214 = arith.constant 0 : i32
      %dma_start3A_215 = arith.constant 0 : i32
      %dma_start3A_216 = arith.constant 0 : i32
      %dma_start3A_217 = tpu.memref_slice %arg6[%dma_start3A_214, %dma_start3A_215, %dma_start3A_216] : memref<2x416x24xf32, #tpu.memory_space<vmem>> -> memref<1x416x24xf32, #tpu.memory_space<vmem>>
      %dma_start3A_218 = tpu.memref_squeeze %dma_start3A_217 : memref<1x416x24xf32, #tpu.memory_space<vmem>> -> memref<416x24xf32, #tpu.memory_space<vmem>>
      %dma_start3A_219 = arith.constant 0 : i32
      %dma_start3A_220 = tpu.memref_slice %arg4[%multiple_of3A_213, %dma_start3A_219] : memref<425984x24xf32, #tpu.memory_space<hbm>> -> memref<416x24xf32, #tpu.memory_space<hbm>>
      %dma_start3A_221 = arith.constant 0 : i32
      %dma_start3A_222 = tpu.memref_slice %arg4[%multiple_of3A_213, %dma_start3A_221] : memref<425984x24xf32, #tpu.memory_space<hbm>> -> memref<416x24xf32, #tpu.memory_space<hbm>>
      %dma_start3A_223 = arith.constant 0 : i32
      %dma_start3A_224 = arith.constant 0 : i32
      %dma_start3A_225 = tpu.memref_slice %arg6[%dma_start3A_214, %dma_start3A_223, %dma_start3A_224] : memref<2x416x24xf32, #tpu.memory_space<vmem>> -> memref<1x416x24xf32, #tpu.memory_space<vmem>>
      %dma_start3A_226 = tpu.memref_squeeze %dma_start3A_225 : memref<1x416x24xf32, #tpu.memory_space<vmem>> -> memref<416x24xf32, #tpu.memory_space<vmem>>
      tpu.enqueue_dma source(%dma_start3A_226 : memref<416x24xf32, #tpu.memory_space<vmem>>) target(%dma_start3A_222 : memref<416x24xf32, #tpu.memory_space<hbm>>) target_semaphore(%arg9 : memref<!tpu.dma_semaphore, #tpu.memory_space<semaphore_mem>>)
    }
    %scan3A_51 = arith.constant 15 : i32
    %dma_wait3A_52 = arith.constant 1 : i32
    %dma_wait3A_53 = arith.constant 0 : i32
    %dma_wait3A_54 = arith.constant 0 : i32
    %dma_wait3A_55 = tpu.memref_slice %arg6[%dma_wait3A_52, %dma_wait3A_53, %dma_wait3A_54] : memref<2x416x24xf32, #tpu.memory_space<vmem>> -> memref<1x416x24xf32, #tpu.memory_space<vmem>>
    %dma_wait3A_56 = tpu.memref_squeeze %dma_wait3A_55 : memref<1x416x24xf32, #tpu.memory_space<vmem>> -> memref<416x24xf32, #tpu.memory_space<vmem>>
    %dma_wait3A_57 = arith.constant 0 : i32
    %dma_wait3A_58 = arith.constant 0 : i32
    %dma_wait3A_59 = tpu.memref_slice %arg4[%dma_wait3A_57, %dma_wait3A_58] : memref<425984x24xf32, #tpu.memory_space<hbm>> -> memref<416x24xf32, #tpu.memory_space<hbm>>
    %dma_wait3A_60 = arith.constant 0 : i32
    %dma_wait3A_61 = arith.constant 0 : i32
    %dma_wait3A_62 = tpu.memref_slice %arg6[%dma_wait3A_52, %dma_wait3A_60, %dma_wait3A_61] : memref<2x416x24xf32, #tpu.memory_space<vmem>> -> memref<1x416x24xf32, #tpu.memory_space<vmem>>
    %dma_wait3A_63 = tpu.memref_squeeze %dma_wait3A_62 : memref<1x416x24xf32, #tpu.memory_space<vmem>> -> memref<416x24xf32, #tpu.memory_space<vmem>>
    %dma_wait3A_64 = arith.constant 0 : i32
    %dma_wait3A_65 = arith.constant 0 : i32
    %dma_wait3A_66 = tpu.memref_slice %arg4[%dma_wait3A_64, %dma_wait3A_65] : memref<425984x24xf32, #tpu.memory_space<hbm>> -> memref<416x24xf32, #tpu.memory_space<hbm>>
    tpu.wait_dma2 semaphore(%arg8 : memref<!tpu.dma_semaphore, #tpu.memory_space<semaphore_mem>>) src(%dma_wait3A_66 : memref<416x24xf32, #tpu.memory_space<hbm>>) dst(%dma_wait3A_63 : memref<416x24xf32, #tpu.memory_space<vmem>>)
    %add3A_67 = arith.constant 12896 : i32
    %add3A_68 = arith.addi %multiple_of3A, %add3A_67 : i32
    %multiple_of3A_69 = tpu.assume_multiple %add3A_68, 8 : i32
    %dma_start3A_70 = arith.constant 1 : i32
    %dma_start3A_71 = arith.constant 0 : i32
    %dma_start3A_72 = arith.constant 0 : i32
    %dma_start3A_73 = tpu.memref_slice %arg6[%dma_start3A_70, %dma_start3A_71, %dma_start3A_72] : memref<2x416x24xf32, #tpu.memory_space<vmem>> -> memref<1x416x24xf32, #tpu.memory_space<vmem>>
    %dma_start3A_74 = tpu.memref_squeeze %dma_start3A_73 : memref<1x416x24xf32, #tpu.memory_space<vmem>> -> memref<416x24xf32, #tpu.memory_space<vmem>>
    %dma_start3A_75 = arith.constant 0 : i32
    %dma_start3A_76 = tpu.memref_slice %arg4[%multiple_of3A_69, %dma_start3A_75] : memref<425984x24xf32, #tpu.memory_space<hbm>> -> memref<416x24xf32, #tpu.memory_space<hbm>>
    %dma_start3A_77 = arith.constant 0 : i32
    %dma_start3A_78 = tpu.memref_slice %arg4[%multiple_of3A_69, %dma_start3A_77] : memref<425984x24xf32, #tpu.memory_space<hbm>> -> memref<416x24xf32, #tpu.memory_space<hbm>>
    %dma_start3A_79 = arith.constant 0 : i32
    %dma_start3A_80 = arith.constant 0 : i32
    %dma_start3A_81 = tpu.memref_slice %arg6[%dma_start3A_70, %dma_start3A_79, %dma_start3A_80] : memref<2x416x24xf32, #tpu.memory_space<vmem>> -> memref<1x416x24xf32, #tpu.memory_space<vmem>>
    %dma_start3A_82 = tpu.memref_squeeze %dma_start3A_81 : memref<1x416x24xf32, #tpu.memory_space<vmem>> -> memref<416x24xf32, #tpu.memory_space<vmem>>
    tpu.enqueue_dma source(%dma_start3A_82 : memref<416x24xf32, #tpu.memory_space<vmem>>) target(%dma_start3A_78 : memref<416x24xf32, #tpu.memory_space<hbm>>) target_semaphore(%arg9 : memref<!tpu.dma_semaphore, #tpu.memory_space<semaphore_mem>>)
    %dma_wait3A_83 = arith.constant 0 : i32
    %dma_wait3A_84 = arith.constant 0 : i32
    %dma_wait3A_85 = arith.constant 0 : i32
    %dma_wait3A_86 = tpu.memref_slice %arg6[%dma_wait3A_83, %dma_wait3A_84, %dma_wait3A_85] : memref<2x416x24xf32, #tpu.memory_space<vmem>> -> memref<1x416x24xf32, #tpu.memory_space<vmem>>
    %dma_wait3A_87 = tpu.memref_squeeze %dma_wait3A_86 : memref<1x416x24xf32, #tpu.memory_space<vmem>> -> memref<416x24xf32, #tpu.memory_space<vmem>>
    %dma_wait3A_88 = arith.constant 0 : i32
    %dma_wait3A_89 = arith.constant 0 : i32
    %dma_wait3A_90 = tpu.memref_slice %arg4[%dma_wait3A_88, %dma_wait3A_89] : memref<425984x24xf32, #tpu.memory_space<hbm>> -> memref<416x24xf32, #tpu.memory_space<hbm>>
    %dma_wait3A_91 = arith.constant 0 : i32
    %dma_wait3A_92 = arith.constant 0 : i32
    %dma_wait3A_93 = tpu.memref_slice %arg6[%dma_wait3A_83, %dma_wait3A_91, %dma_wait3A_92] : memref<2x416x24xf32, #tpu.memory_space<vmem>> -> memref<1x416x24xf32, #tpu.memory_space<vmem>>
    %dma_wait3A_94 = tpu.memref_squeeze %dma_wait3A_93 : memref<1x416x24xf32, #tpu.memory_space<vmem>> -> memref<416x24xf32, #tpu.memory_space<vmem>>
    %dma_wait3A_95 = arith.constant 0 : i32
    %dma_wait3A_96 = arith.constant 0 : i32
    %dma_wait3A_97 = tpu.memref_slice %arg4[%dma_wait3A_95, %dma_wait3A_96] : memref<425984x24xf32, #tpu.memory_space<hbm>> -> memref<416x24xf32, #tpu.memory_space<hbm>>
    tpu.wait_dma2 semaphore(%arg9 : memref<!tpu.dma_semaphore, #tpu.memory_space<semaphore_mem>>) src(%dma_wait3A_97 : memref<416x24xf32, #tpu.memory_space<hbm>>) dst(%dma_wait3A_94 : memref<416x24xf32, #tpu.memory_space<vmem>>)
    %dma_wait3A_98 = arith.constant 1 : i32
    %dma_wait3A_99 = arith.constant 0 : i32
    %dma_wait3A_100 = arith.constant 0 : i32
    %dma_wait3A_101 = tpu.memref_slice %arg6[%dma_wait3A_98, %dma_wait3A_99, %dma_wait3A_100] : memref<2x416x24xf32, #tpu.memory_space<vmem>> -> memref<1x416x24xf32, #tpu.memory_space<vmem>>
    %dma_wait3A_102 = tpu.memref_squeeze %dma_wait3A_101 : memref<1x416x24xf32, #tpu.memory_space<vmem>> -> memref<416x24xf32, #tpu.memory_space<vmem>>
    %dma_wait3A_103 = arith.constant 0 : i32
    %dma_wait3A_104 = arith.constant 0 : i32
    %dma_wait3A_105 = tpu.memref_slice %arg4[%dma_wait3A_103, %dma_wait3A_104] : memref<425984x24xf32, #tpu.memory_space<hbm>> -> memref<416x24xf32, #tpu.memory_space<hbm>>
    %dma_wait3A_106 = arith.constant 0 : i32
    %dma_wait3A_107 = arith.constant 0 : i32
    %dma_wait3A_108 = tpu.memref_slice %arg6[%dma_wait3A_98, %dma_wait3A_106, %dma_wait3A_107] : memref<2x416x24xf32, #tpu.memory_space<vmem>> -> memref<1x416x24xf32, #tpu.memory_space<vmem>>
    %dma_wait3A_109 = tpu.memref_squeeze %dma_wait3A_108 : memref<1x416x24xf32, #tpu.memory_space<vmem>> -> memref<416x24xf32, #tpu.memory_space<vmem>>
    %dma_wait3A_110 = arith.constant 0 : i32
    %dma_wait3A_111 = arith.constant 0 : i32
    %dma_wait3A_112 = tpu.memref_slice %arg4[%dma_wait3A_110, %dma_wait3A_111] : memref<425984x24xf32, #tpu.memory_space<hbm>> -> memref<416x24xf32, #tpu.memory_space<hbm>>
    tpu.wait_dma2 semaphore(%arg9 : memref<!tpu.dma_semaphore, #tpu.memory_space<semaphore_mem>>) src(%dma_wait3A_112 : memref<416x24xf32, #tpu.memory_space<hbm>>) dst(%dma_wait3A_109 : memref<416x24xf32, #tpu.memory_space<vmem>>)
    return
  }
}

</mosaic_0001>

<sc_bundles>
// kernel: kernel.3.cloned.1.call-start
scs
__scs_entry_jumppad:
0x0: {  	(pc) =	sbr.rel $0x88, $3  }
0x1: {  	(tag) =	ssettag $0x0;
	lr =	simm.s32 $0x1  }
0x2: {  	[smem:$0x3F9F] =	sst lr;
	_ =	strace $0xD0000000  }
0x3: {  	_ = 	snop  }
0x4: {  	_ = 	snop  }
0x5: {  	_ = 	snop  }
0x6: {  	_ = 	snop  }
0x7: {  	_ = 	snop  }
__scs_overlays_trampoline_lowered:
0x8: {  	[smem:$0x3FAE] =	sst s0  }
0x9: {  	[smem:$0x3FAF] =	sst s1  }
0xa: {  	[smem:$0x3FB0] =	sst s2  }
0xb: {  	[smem:$0x3FB1] =	sst s3  }
0xc: {  	[smem:$0x3FB2] =	sst s4  }
0xd: {  	[smem:$0x3FB3] =	sst s5  }
0xe: {  	[smem:$0x3FB4] =	sst s6  }
0xf: {  	[smem:$0x3FB5] =	sst s7  }
0x10: {  	[smem:$0x3FB6] =	sst s8  }
0x11: {  	[smem:$0x3FB7] =	sst s9;
	s0 =	simm.s32 @!p0 $0x0  }
0x12: {  	s1 =	sld [smem:$0x3F9D];
	s0 =	simm.s32 @p0 $0x1  }
0x13: {  	[smem:$0x3FB8] =	sst s0;
	s0 =	simm.s32 @!p1 $0x0  }
0x14: {  	s2 =	sld [smem:$0x3F9C];
	s0 =	simm.s32 @p1 $0x1  }
0x15: {  	[smem:$0x3FB9] =	sst s0;
	s0 =	simm.s32 @!p2 $0x0  }
0x16: {  	s3 =	sld [smem:$0x3FDB];
	s0 =	simm.s32 @p2 $0x1  }
0x17: {  	s4 =	simm.s32 $0x1BF5;
	[smem:$0x3FBB] =	sst s0  }
0x18: {  	s0 =	sld [smem:$0x3F9E];
	_ =	swait.ge [sflag:s4], $0x0  }
0x19: {  	s7 =	sld [smem:$0x3F9F]  }
0x1a: {  	s8 =	sadd.s32 $0xFFFFE003, lr  }
0x1b: {  	s9 =	sadd.s32 $0xFFFFFEF7, lr;
	s5 =	simm.s32 $0xFFFFFFFF;
	p2 =	slt.u32 s8, $0xFFFFF086  }
0x1c: {  	p1 =	slt.u32 s9, $0xF7A;
	s5 =	simm.s32 @!p2 $0x0  }
0x1d: {  	s5 =	simm.s32 @p1 $0x1;
	p0 =	seq.s32 s7, s2  }
0x1e: {  	s7 =	smul.u32 @!p0 $0xF7A, s2;
	p2 =	seq.s32 @!p0 s5, $0x0  }
0x1f: {  	s9 =	smul.u32 $0xF7A, s1;
	s8 =	simm.s32 @!p0 $0x1BF5;
	p2 =	por !p2, p0  }
0x20: {  	[sflag:s8] =	ssyncset.s32 @!p0 $0xFFFFF086;
	s6 =	sadd.s32 @!p0 s3, s7;
	s7 =	simm.s32 @!p0 $0x108  }
0x21: {  	s3 =	sadd.s32 s3, s9;
	s6 =	sadd.s32 @!p0 $0x88, s6;
	s7 =	simm.s32 @p2 $0x1082  }
0x22: {  	[simem:s7], [sflag:s8] =	dma.local @!p0 [hbm:s6], $0xF7A  }
0x23: {  	s9 =	sor.u32 $0xD0000000, s2;
	s6 =	simm.s32 $0x108;
	_ =	swait.ge @!p0 [sflag:s8], $0x0  }
0x24: {  	s3 =	sadd.s32 $0x88, s3;
	s6 =	simm.s32 @!p1 $0x1082;
	[sflag:s4] =	ssyncset.s32 $0xFFFFF086  }
0x25: {  	[simem:s6], [sflag:s4] =	dma.local [hbm:s3], $0xF7A  }
0x26: {  	[smem:$0x3F9F] =	sst s1;
	(tag) =	ssettag s2;
	_ =	strace s9  }
0x27: {  	s1 =	sld [smem:$0x3FAF]  }
0x28: {  	s2 =	sld [smem:$0x3FB0]  }
0x29: {  	s4 =	sld [smem:$0x3FB2]  }
0x2a: {  	p0 =	seq.s32 s5, $0x0;
	s5 =	sld [smem:$0x3FB3]  }
0x2b: {  	s6 =	sld [smem:$0x3FB4]  }
0x2c: {  	s7 =	sld [smem:$0x3FB5]  }
0x2d: {  	s3 =	simm.s32 $0x108;
	s8 =	sld [smem:$0x3FB6]  }
0x2e: {  	s3 =	simm.s32 @!p0 $0x1082;
	s9 =	sld [smem:$0x3FB7]  }
0x2f: {  	lr =	sadd.s32 s0, s3;
	s0 =	sld [smem:$0x3FAE]  }
0x30: {  	s3 =	sld [smem:$0x3FB1]  }
0x31: {  	[smem:$0x3FBA] =	sst s10  }
0x32: {  	s10 =	sld [smem:$0x3FB8];
	_ =	sdelay $0x3  }
0x33: {  	p0 =	seq.s32 s10, $0x1;
	s10 =	sld [smem:$0x3FBA];
	_ =	sdelay $0x3  }
0x34: {  	[smem:$0x3FBA] =	sst s10  }
0x35: {  	s10 =	sld [smem:$0x3FB9];
	_ =	sdelay $0x3  }
0x36: {  	p1 =	seq.s32 s10, $0x1;
	s10 =	sld [smem:$0x3FBA];
	_ =	sdelay $0x3  }
0x37: {  	[smem:$0x3FBA] =	sst s10  }
0x38: {  	s10 =	sld [smem:$0x3FBB]  }
0x39: {  	_ = 	snop;
	(pc) =	sbr.ind lr, $3  }
0x3a: {  	_ = 	snop  }
0x3b: {  	_ = 	snop  }
0x3c: {  	p2 =	seq.s32 s10, $0x1;
	s10 =	sld [smem:$0x3FBA]  }
0x3d: {  	_ =	shalt  }
0x3e: {  	_ =	shalt  }
0x3f: {  	_ =	shalt  }
0x40: {  	_ =	shalt  }
0x41: {  	_ =	shalt  }
0x42: {  	_ =	shalt  }
0x43: {  	_ =	shalt  }
0x44: {  	_ =	shalt  }
0x45: {  	_ =	shalt  }
0x46: {  	_ =	shalt  }
0x47: {  	_ =	shalt  }
0x48: {  	_ =	shalt  }
0x49: {  	_ =	shalt  }
0x4a: {  	_ =	shalt  }
0x4b: {  	_ =	shalt  }
0x4c: {  	_ =	shalt  }
0x4d: {  	_ =	shalt  }
0x4e: {  	_ =	shalt  }
0x4f: {  	_ =	shalt  }
0x50: {  	_ =	shalt  }
0x51: {  	_ =	shalt  }
0x52: {  	_ =	shalt  }
0x53: {  	_ =	shalt  }
0x54: {  	_ =	shalt  }
0x55: {  	_ =	shalt  }
0x56: {  	_ =	shalt  }
0x57: {  	_ =	shalt  }
0x58: {  	_ =	shalt  }
0x59: {  	_ =	shalt  }
0x5a: {  	_ =	shalt  }
0x5b: {  	_ =	shalt  }
0x5c: {  	_ =	shalt  }
0x5d: {  	_ =	shalt  }
0x5e: {  	_ =	shalt  }
0x5f: {  	_ =	shalt  }
0x60: {  	_ =	shalt  }
0x61: {  	_ =	shalt  }
0x62: {  	_ =	shalt  }
0x63: {  	_ =	shalt  }
0x64: {  	_ =	shalt  }
0x65: {  	_ =	shalt  }
0x66: {  	_ =	shalt  }
0x67: {  	_ =	shalt  }
0x68: {  	_ =	shalt  }
0x69: {  	_ =	shalt  }
0x6a: {  	_ =	shalt  }
0x6b: {  	_ =	shalt  }
0x6c: {  	_ =	shalt  }
0x6d: {  	_ =	shalt  }
0x6e: {  	_ =	shalt  }
0x6f: {  	_ =	shalt  }
0x70: {  	_ =	shalt  }
0x71: {  	_ =	shalt  }
0x72: {  	_ =	shalt  }
0x73: {  	_ =	shalt  }
0x74: {  	_ =	shalt  }
0x75: {  	_ =	shalt  }
0x76: {  	_ =	shalt  }
0x77: {  	_ =	shalt  }
0x78: {  	_ =	shalt  }
0x79: {  	_ =	shalt  }
0x7a: {  	_ =	shalt  }
0x7b: {  	_ =	shalt  }
0x7c: {  	_ =	shalt  }
0x7d: {  	_ =	shalt  }
0x7e: {  	_ =	shalt  }
0x7f: {  	_ =	shalt  }
0x80: {  	_ =	shalt  }
0x81: {  	_ =	shalt  }
0x82: {  	_ =	shalt  }
0x83: {  	_ =	shalt  }
0x84: {  	_ =	shalt  }
0x85: {  	_ =	shalt  }
0x86: {  	_ =	shalt  }
0x87: {  	_ =	shalt  }
.Lfunc_end0:
.L_simem_size_0:
called_computation.1_lowered:
.L_overlay_start_0:
0x88: {  	s2 =	sld [smem:$0x3FD9]  }
0x89: {  	s3 =	sld [smem:$0x3FFE];
	_ =	sdelay $0x1  }
0x8a: {  	s1 =	srdreg.scid  }
0x8b: {  	s0 =	sand.u32 $0x1, s1  }
0x8c: {  	s17 =	sshll.u32 s0, $0xA;
	s2 =	sadd.s32 s3, s2  }
0x8d: {  	s2 =	sadd.s32 s2, s17  }
0x8e: {  	[smem:$0x3FC6] =	sst s2  }
0x8f: {  	_ = 	snop  }
0x90: {  	s2 =	sld [smem:$0x3FD0];
	(tm) =	ssettm $0x1  }
0x91: {  	s18 =	sld [smem:$0x3FFB];
	_ =	sdelay $0x3  }
0x92: {  	_ =	strace s18  }
0x93: {  	s3 =	sld [smem:$0x3FFC];
	_ =	sdelay $0x3  }
0x94: {  	_ =	strace s3  }
0x95: {  	s3 =	sld [smem:$0x3FFD];
	_ =	sdelay $0x3  }
0x96: {  	_ =	strace s3  }
0x97: {  	_ =	strace $0x8FFFFFFF  }
0x98: {  	s19 =	sld [smem:$0x3FDB];
	_ =	sdelay $0x1  }
0x99: {  	s4 =	simm.s32 $_scs_section_size  }
0x9a: {  	s5 =	simm.s32 $_size__tile_overlayer_lowered;
	s6 =	simm.s32 $_tile_overlayer_lowered  }
0x9b: {  	s22 =	simm.s32 $0x1BFF;
	s21 =	sshll.u32 s6, $0x1;
	s3 =	sadd.s32 s4, s19  }
0x9c: {  	s7 =	simm.s32 $0x0;
	s20 =	sshll.u32 s5, $0x1;
	s5 =	sadd.s32 s21, s3  }
0x9d: {  	[timem:s7], [sflag:s22] =	dma.local [hbm:s5], s20  }
0x9e: {  	_ =	swait.ge [sflag:s22], s20  }
0x9f: {  	s4 =	ssub.s32 $0x0, s20;
	[sflag:s22] =	ssyncset.done $0x0  }
0xa0: {  	[sflag:s22] =	ssyncadd.s32 s4;
	_ =	sdelay $0x1  }
0xa1: {  	s23 =	simm.s32 $0x1B8B  }
0xa2: {  	_ =	swait.ge [sflag:s23], $0x1  }
0xa3: {  	[sflag:s23] =	ssyncset.done $0x0  }
0xa4: {  	s25 =	simm.s32 $0x1B8E;
	s24 =	sld [smem:$0x3FFE];
	[sflag:s23] =	ssyncadd.s32 $0xFFFFFFFF  }
0xa5: {  	s26 =	simm.s32 $execute0_lowered;
	[smem:$0x3FD2] =	sst s25  }
0xa6: {  	s5 =	sshll.u32 s26, $0x1;
	_ =	strace $0x80000046;
	[dreg:$0x1] =	wrdreg $0xFFFFFFFF  }
0xa7: {  	s28 =	simm.s32 $_size_execute0_lowered;
	s3 =	sadd.s32 s3, s5;
	[dreg:$0x0] =	wrdreg $0x0  }
0xa8: {  	s5 =	sshll.u32 s28, $0x1;
	[dreg:$0x2] =	wrdreg s3  }
0xa9: {  	[dreg:$0x3] =	wrdreg s5  }
0xaa: {  	[dreg:$0x4] =	wrdreg $0xC0  }
0xab: {  	_ =	task [dreg:s7], $0x5FFFF  }
0xac: {  	[dreg:$0x1] =	wrdreg $0xFFFFFFFF  }
0xad: {  	[dreg:$0x0] =	wrdreg $0x60  }
0xae: {  	[dreg:$0x2] =	wrdreg s2  }
0xaf: {  	[dreg:$0x3] =	wrdreg s24  }
0xb0: {  	[dreg:$0x4] =	wrdreg $0x9  }
0xb1: {  	_ =	task.clear_ibuf [dreg:s7], $0x5FFFF;
	_ =	strace $0x90000046  }
0xb2: {  	s29 =	simm.s32 $0x9;
	_ =	strace $0x80000048  }
0xb3: {  	_ =	swait.ge [sflag:s29], $0x1  }
0xb4: {  	[sflag:s29] =	ssyncadd.s32 $0xFFFFFFFF  }
0xb5: {  	_ =	strace $0x90000048  }
0xb6: {  	_ =	sfence  }
0xb7: {  	s30 =	sld [smem:$0x0];
	_ =	sdelay $0x2  }
0xb8: {  	s31 =	sshll.u32 s1, $0xD;
	s1 =	sshrl.u32 s1, $0x2  }
0xb9: {  	s3 =	sand.u32 $0x4000, s31;
	s1 =	sadd.s32 s1, s30  }
0xba: {  	s0 =	sor.u32 s3, s0;
	s1 =	sshll.u32 s1, $0x11  }
0xbb: {  	s0 =	sor.u32 s1, s0  }
0xbc: {  	s0 =	sadd.s32 $0x8F2B, s0  }
0xbd: {  	[sflag:s0] =	ssyncadd.remote.s32 $0x1  }
0xbe: {  	_ =	sfence.sel $0xFFFF  }
0xbf: {  	[dreg:$0x0] =	wrdreg $0xFFFFFFFF;
	(pc) =	sbr.abs _section_cstart, $3  }
0xc0: {  	[dreg:$0x1] =	wrdreg $0xFFFFFFFF  }
0xc1: {  	_ =	task.clear_ibuf [dreg:s7], $0x2FFFF;
	_ =	strace $0x9FFFFFFF  }
0xc2: {  	(tm) =	ssettm $0x7FFFFFFF  }
0xc3: {  	_ =	shalt  }
tec
execute0_lowered:
.L_overlay_start_1:
0x0: {  	(tag) =	ssettag $0x1  }
0x1: {  	vm14 =	vcmask $0x300;
	v0 =	vimm.s32 $0x7A120  }
0x2: {  	vm13 =	vcmask $0x704;
	vm12 =	vcmask $0xB08;
	vm11 =	vcmask $0xF0C  }
0x3: {  	vm10 =	vcmask $0x1310;
	vm9 =	vcmask $0x1714;
	vm8 =	vcmask $0x1B18  }
0x4: {  	vm7 =	vcmask $0x1F1C;
	vm6 =	vcmask $0x2320;
	vm5 =	vcmask $0x2724  }
0x5: {  	vm4 =	vcmask $0x2B28;
	vm3 =	vcmask $0x2F2C;
	v1 =	vlaneseq.u32  }
0x6: {  	vm1 =	vcmask $0x3330;
	vm2 =	vcmask $0x3734;
	vm0 =	vcmask $0x3B38  }
0x7: {  	v3 =	vimm.s32 $0x10C8E0;
	v4 =	vimm.s32 $0x186A0;
	v5 =	vimm.s32 $0xAAE60  }
0x8: {  	v8 =	vimm.s32 $0x13D620;
	v9 =	vimm.s32 $0x493E0;
	v10 =	vimm.s32 $0xDBBA0  }
0x9: {  	v0 =	vsel vm14, $0x186A00, v0;
	v3 =	vsel vm14, $0x2191C0, v3;
	v4 =	vsel vm14, $0x124F80, v4  }
0xa: {  	v5 =	vsel vm14, $0x1B7740, v5;
	v8 =	vsel vm14, $0x249F00, v8;
	v9 =	vsel vm14, $0x155CC0, v9  }
0xb: {  	v10 =	vsel vm14, $0x1E8480, v10;
	v0 =	vsel vm13, $0x19F0A0, v0;
	v3 =	vsel vm13, $0x231860, v3  }
0xc: {  	v4 =	vsel vm13, $0x13D620, v4;
	v5 =	vsel vm13, $0x1CFDE0, v5;
	v8 =	vsel vm13, $0x2625A0, v8  }
0xd: {  	v9 =	vsel vm13, $0x16E360, v9;
	v10 =	vsel vm13, $0x200B20, v10;
	v0 =	vsel vm12, $0x1B7740, v0  }
0xe: {  	v3 =	vsel vm12, $0x249F00, v3;
	v4 =	vsel vm12, $0x155CC0, v4;
	v5 =	vsel vm12, $0x1E8480, v5  }
0xf: {  	v8 =	vsel vm12, $0x0, v8;
	v9 =	vsel vm12, $0x186A00, v9;
	v10 =	vsel vm12, $0x2191C0, v10  }
0x10: {  	v0 =	vsel vm11, $0x1CFDE0, v0;
	v3 =	vsel vm11, $0x2625A0, v3;
	v4 =	vsel vm11, $0x16E360, v4  }
0x11: {  	v5 =	vsel vm11, $0x200B20, v5;
	v8 =	vsel vm11, $0x186A0, v8;
	v9 =	vsel vm11, $0x19F0A0, v9  }
0x12: {  	v10 =	vsel vm11, $0x231860, v10;
	v0 =	vsel vm10, $0x1E8480, v0;
	v3 =	vsel vm10, $0x0, v3  }
0x13: {  	v4 =	vsel vm10, $0x186A00, v4;
	v5 =	vsel vm10, $0x2191C0, v5;
	v8 =	vsel vm10, $0x30D40, v8  }
0x14: {  	v9 =	vsel vm10, $0x1B7740, v9;
	v10 =	vsel vm10, $0x249F00, v10;
	v0 =	vsel vm9, $0x200B20, v0  }
0x15: {  	v3 =	vsel vm9, $0x186A0, v3;
	v4 =	vsel vm9, $0x19F0A0, v4;
	v5 =	vsel vm9, $0x231860, v5  }
0x16: {  	v8 =	vsel vm9, $0x493E0, v8;
	v9 =	vsel vm9, $0x1CFDE0, v9;
	v10 =	vsel vm9, $0x2625A0, v10  }
0x17: {  	v0 =	vsel vm8, $0x2191C0, v0;
	v3 =	vsel vm8, $0x30D40, v3;
	v4 =	vsel vm8, $0x1B7740, v4  }
0x18: {  	v5 =	vsel vm8, $0x249F00, v5;
	v8 =	vsel vm8, $0x61A80, v8;
	v9 =	vsel vm8, $0x1E8480, v9  }
0x19: {  	v10 =	vsel vm8, $0x0, v10;
	v0 =	vsel vm7, $0x231860, v0;
	v3 =	vsel vm7, $0x493E0, v3  }
0x1a: {  	v4 =	vsel vm7, $0x1CFDE0, v4;
	v5 =	vsel vm7, $0x2625A0, v5;
	v8 =	vsel vm7, $0x7A120, v8  }
0x1b: {  	v9 =	vsel vm7, $0x200B20, v9;
	v10 =	vsel vm7, $0x186A0, v10;
	v0 =	vsel vm6, $0x249F00, v0  }
0x1c: {  	v3 =	vsel vm6, $0x61A80, v3;
	v4 =	vsel vm6, $0x1E8480, v4;
	v5 =	vsel vm6, $0x0, v5  }
0x1d: {  	v8 =	vsel vm6, $0x927C0, v8;
	v9 =	vsel vm6, $0x2191C0, v9;
	v10 =	vsel vm6, $0x30D40, v10  }
0x1e: {  	v0 =	vsel vm5, $0x2625A0, v0;
	v3 =	vsel vm5, $0x7A120, v3;
	v4 =	vsel vm5, $0x200B20, v4  }
0x1f: {  	v5 =	vsel vm5, $0x186A0, v5;
	v8 =	vsel vm5, $0xAAE60, v8;
	v9 =	vsel vm5, $0x231860, v9  }
0x20: {  	v10 =	vsel vm5, $0x493E0, v10;
	v0 =	vsel vm4, $0x0, v0;
	v3 =	vsel vm4, $0x927C0, v3  }
0x21: {  	s1 =	rddreg [dreg:$0x0];
	v4 =	vsel vm4, $0x2191C0, v4;
	v5 =	vsel vm4, $0x30D40, v5;
	v8 =	vsel vm4, $0xC3500, v8  }
0x22: {  	s3 =	srdreg.scid;
	s2 =	stileid.u32;
	v9 =	vsel vm4, $0x249F00, v9;
	v10 =	vsel vm4, $0x61A80, v10;
	v2 =	vsel vm3, $0x186A0, v0  }
0x23: {  	s0 =	simm.s32 $0x0;
	s6 =	sand.u32 $0x1, s3;
	s4 =	sshll.u32 s2, $0x1;
	v0 =	vmul.u32 $0x186A0, v1;
	v3 =	vsel vm3, $0xAAE60, v3;
	v4 =	vsel vm3, $0x231860, v4  }
0x24: {  	s5 =	rddreg [dreg:$0x1];
	s12 =	simm.s32 $0x3400;
	s7 =	sor.u32 s6, s4;
	v5 =	vsel vm3, $0x493E0, v5;
	v8 =	vsel vm3, $0xDBBA0, v8;
	v9 =	vsel vm3, $0x2625A0, v9  }
0x25: {  	s13 =	simm.s32 $0x3;
	s15 =	simm.s32 $0x10400;
	s4 =	smul.u32 $0x3400, s7;
	v10 =	vsel vm3, $0x7A120, v10;
	v1 =	vsel vm1, $0x30D40, v2;
	v3 =	vsel vm1, $0xC3500, v3  }
0x26: {  	s14 =	simm.s32 $0x2;
	[smem:$0x7FF] =	sst s0;
	s8 =	smul.u32 $0x1A0000, s7;
	v4 =	vsel vm1, $0x249F00, v4;
	v5 =	vsel vm1, $0x61A80, v5;
	v8 =	vsel vm1, $0xF4240, v8  }
0x27: {  	s3 =	sadd.s32 $0x27ACC00, s5;
	s6 =	ssub.s32 $0x2, s6;
	s7 =	smul.u32 $0x34000, s7;
	v9 =	vsel vm1, $0x0, v9;
	v10 =	vsel vm1, $0x927C0, v10;
	v1 =	vsel vm2, $0x493E0, v1  }
0x28: {  	s16 =	simm.s32 $0x1;
	_ =	strace $0x80000047;
	s9 =	sshrl.u32 s6, $0x1;
	v2 =	vadd.s32 $0x927C0, v0;
	v3 =	vsel vm2, $0xDBBA0, v3;
	v4 =	vsel vm2, $0x2625A0, v4  }
0x29: {  	s11 =	ssub.s32 s6, s9;
	s10 =	sshrl.u32 s4, $0x3;
	s30 =	sadd.s32 s3, s7;
	v6 =	vsel vm2, $0x7A120, v5;
	v5 =	vadd.s32 $0x30D40, v0;
	v7 =	vadd.s32 $0xC3500, v0  }
0x2a: {  	s29 =	sshrl.u32 s8, $0x3;
	s1 =	sadd.s32 s1, s10;
	[dreg:$0x4] =	wrdreg s30;
	v8 =	vsel vm2, $0x10C8E0, v8;
	v9 =	vsel vm2, $0x186A0, v9;
	v11 =	vsel vm2, $0xAAE60, v10  }
0x2b: {  	s31 =	smax.u32 s11, $0x1;
	[dreg:$0x3] =	wrdreg s1;
	s1 =	sadd.s32 s3, s29;
	v10 =	vadd.s32 $0x61A80, v0;
	v12 =	vadd.s32 $0xF4240, v0;
	v1 =	vsel vm0, $0x61A80, v1  }
0x2c: {  	s5 =	sadd.s32 $0x800, s5;
	[dreg:$0x6] =	wrdreg s31;
	s1 =	sadd.s32 $0x32600, s1;
	v3 =	vsel vm0, $0xF4240, v3;
	v4 =	vsel vm0, $0x0, v4;
	v6 =	vsel vm0, $0x927C0, v6  }
0x2d: {  	s2 =	simm.s32 $0x0;
	s8 =	sadd.s32 $0xFFFFFE60, s4;
	[dreg:$0x5] =	wrdreg s1;
	v8 =	vsel vm0, $0x124F80, v8;
	v9 =	vsel vm0, $0x30D40, v9;
	v11 =	vsel vm0, $0xC3500, v11  }
.LBB2_1:
0x2e: {  	[dreg:$0x7] =	wrdreg s2  }
0x2f: {  	s1 =	rddreg [dreg:$0x3];
	s31 =	simm.s32 $0x4  }
0x30: {  	[tilespmem:s0], [sflag:$0x4] =	stream.linear.gather [hbm4b:s1+s0], $0x3400, $0x38;
	[tilespmem:$0x1D400] =	vst v63  }
0x31: {  	_ =	swait.ge [sflag:s31], $0x3400  }
0x32: {  	[sflag:s31] =	ssyncset.done $0x0  }
0x33: {  	s18 =	simm.s32 $0x60;
	[sflag:s31] =	ssyncadd.s32 $0xFFFFCC00  }
0x34: {  	v13 =	vld [tilespmem:s18+$0xFFFFFFB0]  }
0x35: {  	v14 =	vld [tilespmem:s18+$0xFFFFFFA0]  }
0x36: {  	v15 =	vld [tilespmem:s18+$0xFFFFFFD0]  }
0x37: {  	v18 =	vld [tilespmem:s18+$0xFFFFFFF0]  }
0x38: {  	v16 =	vld [tilespmem:s18+$0xFFFFFFE0]  }
0x39: {  	v17 =	vld [tilespmem:s18+$0x0];
	v13 =	vadd.s32 v1, v13  }
0x3a: {  	[tilespmem:s18+$0xFFFFFFB0] =	vst v13;
	v13 =	vadd.s32 v0, v14;
	v14 =	vld [tilespmem:s18+$0xFFFFFFC0]  }
0x3b: {  	v15 =	vadd.s32 v3, v15;
	[tilespmem:s18+$0xFFFFFFA0] =	vst v13;
	v13 =	vld [tilespmem:s18+$0x10]  }
0x3c: {  	v63 =	vadd.s32 v5, v18;
	[tilespmem:s18+$0xFFFFFFD0] =	vst v15  }
0x3d: {  	v15 =	vadd.s32 v4, v16;
	[tilespmem:s18+$0xFFFFFFF0] =	vst v63  }
0x3e: {  	[tilespmem:s18+$0xFFFFFFE0] =	vst v15;
	v15 =	vadd.s32 v6, v17  }
0x3f: {  	s19 =	simm.s32 $0xD0;
	s21 =	simm.s32 $0x130;
	s20 =	simm.s32 $0x0;
	[tilespmem:s18+$0x0] =	vst v15;
	v14 =	vadd.s32 v2, v14  }
.LBB2_2:
0x40: {  	p0 =	sne.s32 s19, $0x3330;
	[tilespmem:s18+$0xFFFFFFC0] =	vst v14;
	v13 =	vadd.s32 v7, v13;
	s1 =	smov.u32 s19;
	s19 =	sadd.s32 $0xD0, s19  }
0x41: {  	s22 =	sand.u32 $0x3FF0, s20;
	[tilespmem:s18+$0x10] =	vst v13;
	s20 =	smov.u32 s1  }
0x42: {  	v13 =	vld [tilespmem:s22+$0x80];
	_ =	sdelay $0x4  }
0x43: {  	v13 =	vadd.s32 v8, v13  }
0x44: {  	[tilespmem:s22+$0x80] =	vst v13  }
0x45: {  	v13 =	vld [tilespmem:s18+$0x30]  }
0x46: {  	v14 =	vld [tilespmem:s18+$0x40]  }
0x47: {  	v15 =	vld [tilespmem:s18+$0x50]  }
0x48: {  	v16 =	vld [tilespmem:s18+$0x60]  }
0x49: {  	v17 =	vld [tilespmem:s21+$0xFFFFFFB0]  }
0x4a: {  	v18 =	vld [tilespmem:s21+$0xFFFFFFA0];
	v13 =	vadd.s32 v9, v13  }
0x4b: {  	v19 =	vld [tilespmem:s21+$0xFFFFFFD0];
	[tilespmem:s18+$0x30] =	vst v13;
	v13 =	vadd.s32 v10, v14  }
0x4c: {  	v14 =	vld [tilespmem:s21+$0xFFFFFFE0];
	[tilespmem:s18+$0x40] =	vst v13;
	v13 =	vadd.s32 v11, v15  }
0x4d: {  	v15 =	vld [tilespmem:s21+$0x0];
	[tilespmem:s18+$0x50] =	vst v13;
	v13 =	vadd.s32 v12, v16  }
0x4e: {  	v16 =	vadd.s32 v1, v17;
	v17 =	vld [tilespmem:s21+$0xFFFFFFF0];
	[tilespmem:s18+$0x60] =	vst v13;
	s18 =	smov.u32 s21  }
0x4f: {  	v13 =	vadd.s32 v0, v18;
	[tilespmem:s21+$0xFFFFFFB0] =	vst v16;
	v16 =	vld [tilespmem:s21+$0xFFFFFFC0]  }
.Ltmp0:
0x50: {  	[tilespmem:s21+$0xFFFFFFA0] =	vst v13;
	v18 =	vadd.s32 v3, v19;
	v13 =	vld [tilespmem:s21+$0x10];
	(pc) =	sbr.rel @p0 .LBB2_2-.Ltmp0, $4  }
0x51: {  	[tilespmem:s21+$0xFFFFFFD0] =	vst v18;
	v14 =	vadd.s32 v4, v14  }
0x52: {  	[tilespmem:s21+$0xFFFFFFE0] =	vst v14;
	v14 =	vadd.s32 v6, v15  }
0x53: {  	v15 =	vadd.s32 v5, v17;
	[tilespmem:s21+$0x0] =	vst v14  }
0x54: {  	s21 =	sadd.s32 $0xD0, s21;
	v14 =	vadd.s32 v2, v16;
	[tilespmem:s18+$0xFFFFFFF0] =	vst v15  }
0x55: {  	[tilespmem:s18+$0xFFFFFFC0] =	vst v14;
	v13 =	vadd.s32 v7, v13  }
0x56: {  	s1 =	sand.u32 $0x3FF0, s20;
	[tilespmem:s18+$0x10] =	vst v13  }
0x57: {  	v13 =	vld [tilespmem:s1+$0x80];
	_ =	sdelay $0x4  }
0x58: {  	v13 =	vadd.s32 v8, v13  }
0x59: {  	[tilespmem:s1+$0x80] =	vst v13  }
0x5a: {  	v13 =	vld [tilespmem:s18+$0x30]  }
0x5b: {  	v14 =	vld [tilespmem:s18+$0x40]  }
0x5c: {  	v15 =	vld [tilespmem:s18+$0x50]  }
0x5d: {  	v16 =	vld [tilespmem:s18+$0x60];
	_ =	sdelay $0x1  }
0x5e: {  	v13 =	vadd.s32 v9, v13  }
0x5f: {  	[tilespmem:s18+$0x30] =	vst v13;
	v13 =	vadd.s32 v10, v14  }
0x60: {  	[tilespmem:s18+$0x40] =	vst v13;
	v13 =	vadd.s32 v11, v15  }
0x61: {  	[tilespmem:s18+$0x50] =	vst v13;
	v13 =	vadd.s32 v12, v16  }
0x62: {  	s19 =	simm.s32 $0x0;
	[tilespmem:s18+$0x60] =	vst v13  }
0x63: {  	v13 =	vld [tilespmem:s19+$0x0];
	_ =	sdelay $0x4  }
0x64: {  	v13 =	vshll.u32 v13, $0x4  }
0x65: {  	(v2sf) =	vpush v13, $0x0  }
0x66: {  	(v2sf) =	vpush v13, $0x1  }
0x67: {  	(v2sf) =	vpush v13, $0x2;
	_ =	sdelay $0x1  }
0x68: {  	(v2sf) =	vpush v13, $0x3;
	_ =	sdelay $0x1  }
0x69: {  	(v2sf) =	vpush v13, $0x4;
	_ =	sdelay $0x1  }
0x6a: {  	(v2sf) =	vpush v13, $0x5;
	_ =	sdelay $0x2  }
0x6b: {  	(v2sf) =	vpush v13, $0x6  }
0x6c: {  	s20 =	simm.s32 $0x0;
	s21 =	simm.s32 $0x3A80  }
0x6d: {  	s22 =	simm.s32 $0x10;
	s23 =	simm.s32 $0x3580;
	s24 =	simm.s32 $0x3600;
	(v2sf) =	vpush v13, $0x7  }
0x6e: {  	s25 =	simm.s32 $0x3680;
	s26 =	simm.s32 $0x3480;
	s28 =	simm.s32 $0x3500  }
0x6f: {  	s30 =	simm.s32 $0x3400;
	s1 =	simm.s32 $0x3700;
	(v2sf) =	vpush v13, $0x8;
	s29 =	spop (v2sf)  }
0x70: {  	s18 =	simm.s32 $0x2000;
	s29 =	sand.u32 $0x1FFFFFF0, s29;
	s31 =	spop (v2sf)  }
0x71: {  	s29 =	sadd.s32 s5, s29;
	s31 =	sand.u32 $0x1FFFFFF0, s31;
	s2 =	spop (v2sf)  }
0x72: {  	[tilespmem:s30], [sflag:$0x1] =	stream.linear.gather [hbm4b:s29+s19], $0x80, $0x38;
	[tilespmem:$0x1D400] =	vst v63  }
0x73: {  	(v2sf) =	vpush v13, $0x9;
	s29 =	sadd.s32 s5, s31;
	s2 =	sand.u32 $0x1FFFFFF0, s2;
	s30 =	spop (v2sf)  }
0x74: {  	[tilespmem:s26], [sflag:$0x1] =	stream.linear.gather [hbm4b:s29+s19], $0x80, $0x38;
	[tilespmem:$0x1D400] =	vst v63  }
0x75: {  	s2 =	sadd.s32 s5, s2;
	s6 =	sand.u32 $0x1FFFFFF0, s30;
	s29 =	spop (v2sf)  }
0x76: {  	(v2sf) =	vpush v13, $0xA;
	[tilespmem:s28], [sflag:$0x1] =	stream.linear.gather [hbm4b:s2+s19], $0x80, $0x38;
	[tilespmem:$0x1D400] =	vst v63  }
0x77: {  	s7 =	sadd.s32 s5, s6;
	s9 =	sand.u32 $0x1FFFFFF0, s29;
	s28 =	spop (v2sf);
	(v2sf) =	vpush v13, $0xB  }
0x78: {  	s26 =	simm.s32 $0x3980;
	s29 =	simm.s32 $0x3880;
	s10 =	sadd.s32 s5, s9  }
0x79: {  	(v2sf) =	vpush v13, $0xC;
	[tilespmem:s23], [sflag:$0x1] =	stream.linear.gather [hbm4b:s7+s19], $0x80, $0x38;
	[tilespmem:$0x1D400] =	vst v63  }
0x7a: {  	s11 =	sand.u32 $0x1FFFFFF0, s28;
	s17 =	spop (v2sf);
	s28 =	simm.s32 $0x3900  }
0x7b: {  	(v2sf) =	vpush v13, $0xD;
	[tilespmem:s24], [sflag:$0x1] =	stream.linear.gather [hbm4b:s10+s19], $0x80, $0x38;
	[tilespmem:$0x1D400] =	vst v63  }
0x7c: {  	s31 =	sadd.s32 s5, s11;
	s6 =	sand.u32 $0x1FFFFFF0, s17;
	s7 =	spop (v2sf)  }
0x7d: {  	(v2sf) =	vpush v13, $0xE;
	[tilespmem:s25], [sflag:$0x1] =	stream.linear.gather [hbm4b:s31+s19], $0x80, $0x38;
	[tilespmem:$0x1D400] =	vst v63  }
0x7e: {  	s9 =	sadd.s32 s5, s6;
	s11 =	spop (v2sf);
	s10 =	sand.u32 $0x1FFFFFF0, s7  }
0x7f: {  	(v2sf) =	vpush v13, $0xF;
	[tilespmem:s1], [sflag:$0x1] =	stream.linear.gather [hbm4b:s9+s19], $0x80, $0x38;
	[tilespmem:$0x1D400] =	vst v63  }
0x80: {  	s17 =	simm.s32 $0x3780;
	s24 =	sand.u32 $0x1FFFFFF0, s11;
	s23 =	sadd.s32 s5, s10  }
0x81: {  	[tilespmem:s17], [sflag:$0x1] =	stream.linear.gather [hbm4b:s23+s19], $0x80, $0x38;
	[tilespmem:$0x1D400] =	vst v63  }
0x82: {  	v13 =	vld [tilespmem:s22+$0x0];
	s30 =	spop (v2sf);
	s25 =	simm.s32 $0x3800;
	s31 =	sadd.s32 s5, s24  }
0x83: {  	[tilespmem:s25], [sflag:$0x1] =	stream.linear.gather [hbm4b:s31+s19], $0x80, $0x38;
	[tilespmem:$0x1D400] =	vst v63  }
0x84: {  	s24 =	simm.s32 $0x4000;
	s23 =	simm.s32 $0x2000;
	s25 =	simm.s32 $0x3A00  }
.LBB2_4:
0x85: {  	p0 =	sne.s32 s24, $0x32000;
	s1 =	sand.u32 $0x1FFFFFF0, s30;
	s2 =	spop (v2sf)  }
0x86: {  	s1 =	sadd.s32 s5, s1;
	s2 =	sand.u32 $0x1FFFFFF0, s2;
	s30 =	spop (v2sf)  }
0x87: {  	v13 =	vshll.u32 v13, $0x4;
	[tilespmem:s29], [sflag:$0x1] =	stream.linear.gather [hbm4b:s1+s19], $0x80, $0x38;
	[tilespmem:$0x1D400] =	vst v63  }
0x88: {  	s1 =	sadd.s32 s5, s2;
	s2 =	sand.u32 $0x1FFFFFF0, s30;
	(v2sf) =	vpush v13, $0x0;
	s29 =	spop (v2sf)  }
0x89: {  	(v2sf) =	vpush v13, $0x1;
	[tilespmem:s28], [sflag:$0x1] =	stream.linear.gather [hbm4b:s1+s19], $0x80, $0x38;
	[tilespmem:$0x1D400] =	vst v63  }
0x8a: {  	s1 =	sadd.s32 s5, s2;
	s2 =	sand.u32 $0x1FFFFFF0, s29;
	(v2sf) =	vpush v13, $0x2;
	s28 =	spop (v2sf)  }
0x8b: {  	[tilespmem:s26], [sflag:$0x1] =	stream.linear.gather [hbm4b:s1+s19], $0x80, $0x38;
	[tilespmem:$0x1D400] =	vst v63  }
0x8c: {  	s1 =	sadd.s32 s5, s2;
	s2 =	sand.u32 $0x1FFFFFF0, s28;
	(v2sf) =	vpush v13, $0x3;
	s26 =	spop (v2sf)  }
0x8d: {  	[tilespmem:s25], [sflag:$0x1] =	stream.linear.gather [hbm4b:s1+s19], $0x80, $0x38;
	[tilespmem:$0x1D400] =	vst v63  }
0x8e: {  	s1 =	sadd.s32 s5, s2;
	s2 =	sand.u32 $0x1FFFFFF0, s26;
	(v2sf) =	vpush v13, $0x4;
	s25 =	spop (v2sf)  }
0x8f: {  	[tilespmem:s21], [sflag:$0x1] =	stream.linear.gather [hbm4b:s1+s19], $0x80, $0x38;
	[tilespmem:$0x1D400] =	vst v63  }
0x90: {  	s2 =	sadd.s32 s5, s2;
	s1 =	sadd.s32 $0x3B00, s20;
	s21 =	sand.u32 $0x1FFFFFF0, s25;
	(v2sf) =	vpush v13, $0x5  }
0x91: {  	[tilespmem:s1], [sflag:$0x1] =	stream.linear.gather [hbm4b:s2+s19], $0x80, $0x38;
	[tilespmem:$0x1D400] =	vst v63  }
0x92: {  	s1 =	sadd.s32 $0x3B80, s20;
	s20 =	sshra.s32 s23, $0x2;
	s2 =	sadd.s32 s5, s21;
	(v2sf) =	vpush v13, $0x6  }
0x93: {  	[tilespmem:s1], [sflag:$0x1] =	stream.linear.gather [hbm4b:s2+s19], $0x80, $0x38;
	[tilespmem:$0x1D400] =	vst v63  }
0x94: {  	s22 =	sadd.s32 $0x10, s22;
	s23 =	smov.u32 s24;
	s21 =	sadd.s32 $0x3A80, s20;
	(v2sf) =	vpush v13, $0x7  }
0x95: {  	s28 =	sadd.s32 $0x3700, s20;
	s26 =	sadd.s32 $0x3980, s20;
	s25 =	sadd.s32 $0x3A00, s20  }
0x96: {  	s29 =	sadd.s32 $0x3680, s20;
	s1 =	sadd.s32 $0x3580, s20;
	s2 =	sadd.s32 $0x3600, s20;
	(v2sf) =	vpush v13, $0x8  }
0x97: {  	s30 =	sadd.s32 $0x3480, s20;
	s31 =	sadd.s32 $0x3500, s20;
	s6 =	spop (v2sf)  }
0x98: {  	s7 =	sadd.s32 $0x3400, s20;
	s6 =	sand.u32 $0x1FFFFFF0, s6;
	s9 =	spop (v2sf)  }
0x99: {  	s6 =	sadd.s32 s5, s6;
	s9 =	sand.u32 $0x1FFFFFF0, s9;
	s10 =	spop (v2sf)  }
0x9a: {  	[tilespmem:s7], [sflag:$0x1] =	stream.linear.gather [hbm4b:s6+s19], $0x80, $0x38;
	[tilespmem:$0x1D400] =	vst v63  }
0x9b: {  	s6 =	sadd.s32 s5, s9;
	s7 =	sand.u32 $0x1FFFFFF0, s10;
	s9 =	spop (v2sf)  }
0x9c: {  	[tilespmem:s30], [sflag:$0x1] =	stream.linear.gather [hbm4b:s6+s19], $0x80, $0x38;
	(v2sf) =	vpush v13, $0x9;
	[tilespmem:$0x1D400] =	vst v63  }
0x9d: {  	s6 =	sadd.s32 s5, s7;
	s7 =	sand.u32 $0x1FFFFFF0, s9;
	s9 =	spop (v2sf);
	(v2sf) =	vpush v13, $0xA  }
0x9e: {  	[tilespmem:s31], [sflag:$0x1] =	stream.linear.gather [hbm4b:s6+s19], $0x80, $0x38;
	(v2sf) =	vpush v13, $0xB;
	[tilespmem:$0x1D400] =	vst v63  }
0x9f: {  	s6 =	sadd.s32 s5, s7;
	s7 =	sand.u32 $0x1FFFFFF0, s9;
	s9 =	spop (v2sf)  }
0xa0: {  	[tilespmem:s1], [sflag:$0x1] =	stream.linear.gather [hbm4b:s6+s19], $0x80, $0x38;
	(v2sf) =	vpush v13, $0xC;
	[tilespmem:$0x1D400] =	vst v63  }
0xa1: {  	s1 =	sadd.s32 s5, s7;
	s6 =	sand.u32 $0x1FFFFFF0, s9;
	s7 =	spop (v2sf)  }
0xa2: {  	[tilespmem:s2], [sflag:$0x1] =	stream.linear.gather [hbm4b:s1+s19], $0x80, $0x38;
	(v2sf) =	vpush v13, $0xD;
	[tilespmem:$0x1D400] =	vst v63  }
0xa3: {  	s1 =	sadd.s32 s5, s6;
	s2 =	sand.u32 $0x1FFFFFF0, s7;
	s6 =	spop (v2sf)  }
0xa4: {  	[tilespmem:s29], [sflag:$0x1] =	stream.linear.gather [hbm4b:s1+s19], $0x80, $0x38;
	[tilespmem:$0x1D400] =	vst v63  }
0xa5: {  	(v2sf) =	vpush v13, $0xE;
	s1 =	sadd.s32 s5, s2;
	s2 =	sand.u32 $0x1FFFFFF0, s6  }
0xa6: {  	s6 =	spop (v2sf);
	s2 =	sadd.s32 s5, s2  }
0xa7: {  	[tilespmem:s28], [sflag:$0x1] =	stream.linear.gather [hbm4b:s1+s19], $0x80, $0x38;
	(v2sf) =	vpush v13, $0xF;
	[tilespmem:$0x1D400] =	vst v63  }
.Ltmp1:
0xa8: {  	s1 =	sadd.s32 $0x3780, s20;
	s6 =	sand.u32 $0x1FFFFFF0, s6;
	(pc) =	sbr.rel @p0 .LBB2_4-.Ltmp1, $4  }
0xa9: {  	[tilespmem:s1], [sflag:$0x1] =	stream.linear.gather [hbm4b:s2+s19], $0x80, $0x38;
	[tilespmem:$0x1D400] =	vst v63  }
0xaa: {  	s28 =	sadd.s32 $0x3900, s20;
	s1 =	sadd.s32 $0x3800, s20;
	s2 =	sadd.s32 s5, s6;
	v13 =	vld [tilespmem:s22+$0x0]  }
0xab: {  	[tilespmem:s1], [sflag:$0x1] =	stream.linear.gather [hbm4b:s2+s19], $0x80, $0x38;
	[tilespmem:$0x1D400] =	vst v63  }
0xac: {  	s24 =	sadd.s32 $0x2000, s24;
	s29 =	sadd.s32 $0x3880, s20;
	s30 =	spop (v2sf)  }
0xad: {  	_ = 	snop  }
0xae: {  	s1 =	sand.u32 $0x1FFFFFF0, s30;
	s2 =	spop (v2sf)  }
0xaf: {  	s1 =	sadd.s32 s5, s1;
	s2 =	sand.u32 $0x1FFFFFF0, s2;
	s6 =	spop (v2sf);
	v13 =	vshll.u32 v13, $0x4  }
0xb0: {  	[tilespmem:s29], [sflag:$0x1] =	stream.linear.gather [hbm4b:s1+s19], $0x80, $0x38;
	(v2sf) =	vpush v13, $0x0;
	[tilespmem:$0x1D400] =	vst v63  }
0xb1: {  	s9 =	sadd.s32 s5, s2;
	s10 =	sand.u32 $0x1FFFFFF0, s6;
	s11 =	spop (v2sf);
	(v2sf) =	vpush v13, $0x1  }
0xb2: {  	[tilespmem:s28], [sflag:$0x1] =	stream.linear.gather [hbm4b:s9+s19], $0x80, $0x38;
	(v2sf) =	vpush v13, $0x2;
	[tilespmem:$0x1D400] =	vst v63  }
0xb3: {  	s17 =	sadd.s32 s5, s10;
	s24 =	spop (v2sf)  }
0xb4: {  	[tilespmem:s26], [sflag:$0x1] =	stream.linear.gather [hbm4b:s17+s19], $0x80, $0x38;
	(v2sf) =	vpush v13, $0x3;
	[tilespmem:$0x1D400] =	vst v63  }
0xb5: {  	s22 =	sand.u32 $0x1FFFFFF0, s11;
	s10 =	sadd.s32 $0x3B80, s20;
	s31 =	spop (v2sf);
	(v2sf) =	vpush v13, $0x4  }
0xb6: {  	s29 =	sadd.s32 s5, s22;
	s9 =	sadd.s32 $0x3B00, s20;
	s30 =	sand.u32 $0x1FFFFFF0, s24  }
0xb7: {  	[tilespmem:s25], [sflag:$0x1] =	stream.linear.gather [hbm4b:s29+s19], $0x80, $0x38;
	(v2sf) =	vpush v13, $0x5;
	[tilespmem:$0x1D400] =	vst v63  }
0xb8: {  	s2 =	sadd.s32 s5, s30;
	s6 =	sand.u32 $0x1FFFFFF0, s31;
	s7 =	spop (v2sf)  }
0xb9: {  	[tilespmem:s21], [sflag:$0x1] =	stream.linear.gather [hbm4b:s2+s19], $0x80, $0x38;
	[tilespmem:$0x1D400] =	vst v63  }
0xba: {  	s2 =	sadd.s32 s5, s6;
	s6 =	sand.u32 $0x1FFFFFF0, s7;
	s21 =	sshra.s32 s23, $0x2  }
0xbb: {  	(v2sf) =	vpush v13, $0x6;
	s11 =	sadd.s32 s5, s6;
	s20 =	sadd.s32 $0x3A80, s21;
	s1 =	sadd.s32 $0x3700, s21  }
0xbc: {  	[tilespmem:s9], [sflag:$0x1] =	stream.linear.gather [hbm4b:s2+s19], $0x80, $0x38;
	[tilespmem:$0x1D400] =	vst v63  }
0xbd: {  	(v2sf) =	vpush v13, $0x7;
	s6 =	sadd.s32 $0x3600, s21;
	s7 =	sadd.s32 $0x3680, s21;
	s23 =	sadd.s32 $0x3400, s21  }
0xbe: {  	[tilespmem:s10], [sflag:$0x1] =	stream.linear.gather [hbm4b:s11+s19], $0x80, $0x38;
	[tilespmem:$0x1D400] =	vst v63  }
0xbf: {  	(v2sf) =	vpush v13, $0x8;
	s2 =	sadd.s32 $0x3580, s21;
	s9 =	sadd.s32 $0x3480, s21;
	s22 =	spop (v2sf)  }
0xc0: {  	s10 =	sadd.s32 $0x3500, s21;
	s22 =	sand.u32 $0x1FFFFFF0, s22;
	s24 =	spop (v2sf)  }
0xc1: {  	s22 =	sadd.s32 s5, s22;
	s24 =	sand.u32 $0x1FFFFFF0, s24;
	s17 =	spop (v2sf)  }
0xc2: {  	[tilespmem:s23], [sflag:$0x1] =	stream.linear.gather [hbm4b:s22+s19], $0x80, $0x38;
	[tilespmem:$0x1D400] =	vst v63  }
0xc3: {  	s26 =	sadd.s32 s5, s24;
	s29 =	sand.u32 $0x1FFFFFF0, s17;
	s30 =	spop (v2sf);
	(v2sf) =	vpush v13, $0x9  }
0xc4: {  	s31 =	sadd.s32 s5, s29;
	s11 =	sand.u32 $0x1FFFFFF0, s30;
	s17 =	spop (v2sf)  }
0xc5: {  	(v2sf) =	vpush v13, $0xA;
	[tilespmem:s9], [sflag:$0x1] =	stream.linear.gather [hbm4b:s26+s19], $0x80, $0x38;
	[tilespmem:$0x1D400] =	vst v63  }
0xc6: {  	(v2sf) =	vpush v13, $0xB;
	s24 =	sadd.s32 s5, s11;
	s25 =	sand.u32 $0x1FFFFFF0, s17;
	s26 =	spop (v2sf)  }
0xc7: {  	[tilespmem:s10], [sflag:$0x1] =	stream.linear.gather [hbm4b:s31+s19], $0x80, $0x38;
	[tilespmem:$0x1D400] =	vst v63  }
0xc8: {  	(v2sf) =	vpush v13, $0xC;
	s29 =	sadd.s32 s5, s25;
	s30 =	sand.u32 $0x1FFFFFF0, s26;
	s25 =	sadd.s32 $0x3780, s21  }
0xc9: {  	[tilespmem:s2], [sflag:$0x1] =	stream.linear.gather [hbm4b:s24+s19], $0x80, $0x38;
	[tilespmem:$0x1D400] =	vst v63  }
0xca: {  	s31 =	spop (v2sf);
	(v2sf) =	vpush v13, $0xD;
	s9 =	sadd.s32 s5, s30;
	s30 =	sadd.s32 $0x3800, s21  }
0xcb: {  	[tilespmem:s6], [sflag:$0x1] =	stream.linear.gather [hbm4b:s29+s19], $0x80, $0x38;
	[tilespmem:$0x1D400] =	vst v63  }
0xcc: {  	s11 =	sand.u32 $0x1FFFFFF0, s31;
	s17 =	spop (v2sf);
	(v2sf) =	vpush v13, $0xE;
	s31 =	sadd.s32 $0x3900, s21  }
0xcd: {  	[tilespmem:s7], [sflag:$0x1] =	stream.linear.gather [hbm4b:s9+s19], $0x80, $0x38;
	[tilespmem:$0x1D400] =	vst v63  }
0xce: {  	s22 =	sadd.s32 s5, s11;
	s23 =	sand.u32 $0x1FFFFFF0, s17;
	s24 =	spop (v2sf);
	(v2sf) =	vpush v13, $0xF  }
0xcf: {  	[tilespmem:s1], [sflag:$0x1] =	stream.linear.gather [hbm4b:s22+s19], $0x80, $0x38;
	[tilespmem:$0x1D400] =	vst v63  }
0xd0: {  	s2 =	sadd.s32 $0x3A00, s21;
	s26 =	sadd.s32 s5, s23;
	s29 =	sand.u32 $0x1FFFFFF0, s24  }
0xd1: {  	[tilespmem:s25], [sflag:$0x1] =	stream.linear.gather [hbm4b:s26+s19], $0x80, $0x38;
	[tilespmem:$0x1D400] =	vst v63  }
0xd2: {  	s17 =	sadd.s32 $0x3880, s21;
	s6 =	sadd.s32 s5, s29;
	s11 =	spop (v2sf)  }
0xd3: {  	[tilespmem:s30], [sflag:$0x1] =	stream.linear.gather [hbm4b:s6+s19], $0x80, $0x38;
	[tilespmem:$0x1D400] =	vst v63  }
0xd4: {  	s1 =	sadd.s32 $0x3980, s21;
	s7 =	sand.u32 $0x1FFFFFF0, s11;
	s22 =	spop (v2sf)  }
0xd5: {  	s7 =	sadd.s32 s5, s7;
	s10 =	sand.u32 $0x1FFFFFF0, s22;
	s23 =	spop (v2sf)  }
0xd6: {  	[tilespmem:s17], [sflag:$0x1] =	stream.linear.gather [hbm4b:s7+s19], $0x80, $0x38;
	[tilespmem:$0x1D400] =	vst v63  }
0xd7: {  	s24 =	sadd.s32 s5, s10;
	s25 =	sand.u32 $0x1FFFFFF0, s23;
	s26 =	spop (v2sf)  }
0xd8: {  	[tilespmem:s31], [sflag:$0x1] =	stream.linear.gather [hbm4b:s24+s19], $0x80, $0x38;
	[tilespmem:$0x1D400] =	vst v63  }
0xd9: {  	s29 =	sadd.s32 s5, s25;
	s30 =	sand.u32 $0x1FFFFFF0, s26;
	s31 =	spop (v2sf)  }
0xda: {  	[tilespmem:s1], [sflag:$0x1] =	stream.linear.gather [hbm4b:s29+s19], $0x80, $0x38;
	[tilespmem:$0x1D400] =	vst v63  }
0xdb: {  	s6 =	sadd.s32 s5, s30;
	s7 =	sand.u32 $0x1FFFFFF0, s31;
	s9 =	spop (v2sf)  }
0xdc: {  	[tilespmem:s2], [sflag:$0x1] =	stream.linear.gather [hbm4b:s6+s19], $0x80, $0x38;
	[tilespmem:$0x1D400] =	vst v63  }
0xdd: {  	s10 =	sadd.s32 s5, s7;
	s11 =	sand.u32 $0x1FFFFFF0, s9;
	s17 =	spop (v2sf)  }
0xde: {  	[tilespmem:s20], [sflag:$0x1] =	stream.linear.gather [hbm4b:s10+s19], $0x80, $0x38;
	[tilespmem:$0x1D400] =	vst v63  }
0xdf: {  	s2 =	sadd.s32 s5, s11;
	s6 =	sand.u32 $0x1FFFFFF0, s17;
	s20 =	sadd.s32 $0x3B00, s21  }
0xe0: {  	[tilespmem:s20], [sflag:$0x1] =	stream.linear.gather [hbm4b:s2+s19], $0x80, $0x38;
	[tilespmem:$0x1D400] =	vst v63  }
0xe1: {  	s22 =	sadd.s32 $0x3B80, s21;
	s24 =	simm.s32 $0x1A0;
	s23 =	sadd.s32 s5, s6  }
0xe2: {  	[tilespmem:s22], [sflag:$0x1] =	stream.linear.gather [hbm4b:s23+s19], $0x80, $0x38;
	[tilespmem:$0x1D400] =	vst v63  }
0xe3: {  	v13 =	vld [tilespmem:s24+$0x0];
	_ =	sdelay $0x4  }
0xe4: {  	v13 =	vshll.u32 v13, $0x4  }
0xe5: {  	(v2sf) =	vpush v13, $0x0  }
0xe6: {  	(v2sf) =	vpush v13, $0x1  }
0xe7: {  	(v2sf) =	vpush v13, $0x2;
	_ =	sdelay $0x1  }
0xe8: {  	(v2sf) =	vpush v13, $0x3  }
0xe9: {  	(v2sf) =	vpush v13, $0x4;
	_ =	sdelay $0x1  }
0xea: {  	(v2sf) =	vpush v13, $0x5  }
0xeb: {  	(v2sf) =	vpush v13, $0x6;
	_ =	sdelay $0x3  }
0xec: {  	(v2sf) =	vpush v13, $0x7  }
0xed: {  	s26 =	simm.s32 $0x10400;
	s1 =	simm.s32 $0x10700;
	s7 =	simm.s32 $0x10680  }
0xee: {  	s9 =	simm.s32 $0x10480;
	s6 =	simm.s32 $0x10600;
	s10 =	simm.s32 $0x10500;
	(v2sf) =	vpush v13, $0x8  }
0xef: {  	s20 =	simm.s32 $0x10A80;
	s2 =	simm.s32 $0x10580;
	s25 =	spop (v2sf)  }
0xf0: {  	s19 =	simm.s32 $0x0;
	s21 =	sand.u32 $0x1FFFFFF0, s25;
	s29 =	spop (v2sf)  }
0xf1: {  	s21 =	sadd.s32 s5, s21;
	s23 =	sand.u32 $0x1FFFFFF0, s29;
	s30 =	spop (v2sf)  }
0xf2: {  	[tilespmem:s26], [sflag:$0x2] =	stream.linear.gather [hbm4b:s21+s0], $0x80, $0x38;
	[tilespmem:$0x1D400] =	vst v63  }
0xf3: {  	s31 =	sadd.s32 s5, s23;
	s11 =	sand.u32 $0x1FFFFFF0, s30;
	s17 =	spop (v2sf)  }
0xf4: {  	(v2sf) =	vpush v13, $0x9;
	s21 =	sadd.s32 s5, s11;
	s22 =	sand.u32 $0x1FFFFFF0, s17;
	s23 =	spop (v2sf)  }
0xf5: {  	[tilespmem:s9], [sflag:$0x2] =	stream.linear.gather [hbm4b:s31+s0], $0x80, $0x38;
	[tilespmem:$0x1D400] =	vst v63  }
0xf6: {  	(v2sf) =	vpush v13, $0xA;
	s24 =	sadd.s32 s5, s22;
	s25 =	sand.u32 $0x1FFFFFF0, s23;
	s26 =	spop (v2sf)  }
0xf7: {  	(v2sf) =	vpush v13, $0xB;
	s29 =	sadd.s32 s5, s25;
	s30 =	sand.u32 $0x1FFFFFF0, s26;
	s31 =	spop (v2sf)  }
0xf8: {  	[tilespmem:s10], [sflag:$0x2] =	stream.linear.gather [hbm4b:s21+s0], $0x80, $0x38;
	[tilespmem:$0x1D400] =	vst v63  }
0xf9: {  	s25 =	simm.s32 $0x10780;
	(v2sf) =	vpush v13, $0xC;
	s11 =	sadd.s32 s5, s30;
	s17 =	sand.u32 $0x1FFFFFF0, s31  }
0xfa: {  	[tilespmem:s2], [sflag:$0x2] =	stream.linear.gather [hbm4b:s24+s0], $0x80, $0x38;
	[tilespmem:$0x1D400] =	vst v63  }
0xfb: {  	s21 =	spop (v2sf);
	s30 =	simm.s32 $0x10800;
	(v2sf) =	vpush v13, $0xD;
	s22 =	sadd.s32 s5, s17  }
0xfc: {  	[tilespmem:s6], [sflag:$0x2] =	stream.linear.gather [hbm4b:s29+s0], $0x80, $0x38;
	[tilespmem:$0x1D400] =	vst v63  }
0xfd: {  	s23 =	sand.u32 $0x1FFFFFF0, s21;
	s21 =	simm.s32 $0x1B0;
	(v2sf) =	vpush v13, $0xE;
	s24 =	spop (v2sf)  }
0xfe: {  	[tilespmem:s7], [sflag:$0x2] =	stream.linear.gather [hbm4b:s11+s0], $0x80, $0x38;
	[tilespmem:$0x1D400] =	vst v63  }
0xff: {  	s26 =	sadd.s32 s5, s23;
	s23 =	simm.s32 $0x10A00;
	(v2sf) =	vpush v13, $0xF;
	s29 =	sand.u32 $0x1FFFFFF0, s24  }
0x100: {  	[tilespmem:s1], [sflag:$0x2] =	stream.linear.gather [hbm4b:s22+s0], $0x80, $0x38;
	[tilespmem:$0x1D400] =	vst v63  }
0x101: {  	s24 =	simm.s32 $0x10980;
	s31 =	sadd.s32 s5, s29;
	s22 =	simm.s32 $0x4000  }
0x102: {  	v13 =	vld [tilespmem:s21+$0x0];
	[tilespmem:s25], [sflag:$0x2] =	stream.linear.gather [hbm4b:s26+s0], $0x80, $0x38  }
0x103: {  	s25 =	simm.s32 $0x10900;
	s26 =	simm.s32 $0x10880;
	s28 =	spop (v2sf)  }
0x104: {  	[tilespmem:s30], [sflag:$0x2] =	stream.linear.gather [hbm4b:s31+s0], $0x80, $0x38;
	[tilespmem:$0x1D400] =	vst v63  }
.LBB2_6:
0x105: {  	p0 =	sne.s32 s22, $0x32000;
	s1 =	sand.u32 $0x1FFFFFF0, s28;
	s2 =	spop (v2sf)  }
0x106: {  	s1 =	sadd.s32 s5, s1;
	s2 =	sand.u32 $0x1FFFFFF0, s2;
	s6 =	spop (v2sf)  }
0x107: {  	v13 =	vshll.u32 v13, $0x4;
	[tilespmem:s26], [sflag:$0x2] =	stream.linear.gather [hbm4b:s1+s0], $0x80, $0x38;
	[tilespmem:$0x1D400] =	vst v63  }
0x108: {  	s1 =	sadd.s32 s5, s2;
	s2 =	sand.u32 $0x1FFFFFF0, s6;
	(v2sf) =	vpush v13, $0x0;
	s6 =	spop (v2sf)  }
0x109: {  	(v2sf) =	vpush v13, $0x1;
	[tilespmem:s25], [sflag:$0x2] =	stream.linear.gather [hbm4b:s1+s0], $0x80, $0x38;
	[tilespmem:$0x1D400] =	vst v63  }
0x10a: {  	s1 =	sadd.s32 s5, s2;
	s2 =	sand.u32 $0x1FFFFFF0, s6;
	(v2sf) =	vpush v13, $0x2;
	s6 =	spop (v2sf)  }
0x10b: {  	[tilespmem:s24], [sflag:$0x2] =	stream.linear.gather [hbm4b:s1+s0], $0x80, $0x38;
	[tilespmem:$0x1D400] =	vst v63  }
0x10c: {  	s1 =	sadd.s32 s5, s2;
	s2 =	sand.u32 $0x1FFFFFF0, s6;
	(v2sf) =	vpush v13, $0x3;
	s6 =	spop (v2sf)  }
0x10d: {  	[tilespmem:s23], [sflag:$0x2] =	stream.linear.gather [hbm4b:s1+s0], $0x80, $0x38;
	[tilespmem:$0x1D400] =	vst v63  }
0x10e: {  	s1 =	sadd.s32 s5, s2;
	s2 =	sand.u32 $0x1FFFFFF0, s6;
	(v2sf) =	vpush v13, $0x4;
	s6 =	spop (v2sf)  }
0x10f: {  	[tilespmem:s20], [sflag:$0x2] =	stream.linear.gather [hbm4b:s1+s0], $0x80, $0x38;
	[tilespmem:$0x1D400] =	vst v63  }
0x110: {  	s2 =	sadd.s32 s5, s2;
	s1 =	sadd.s32 $0x10B00, s19;
	s6 =	sand.u32 $0x1FFFFFF0, s6;
	(v2sf) =	vpush v13, $0x5  }
0x111: {  	[tilespmem:s1], [sflag:$0x2] =	stream.linear.gather [hbm4b:s2+s0], $0x80, $0x38;
	[tilespmem:$0x1D400] =	vst v63  }
0x112: {  	s1 =	sadd.s32 $0x10B80, s19;
	s19 =	sshra.s32 s18, $0x2;
	s2 =	sadd.s32 s5, s6;
	(v2sf) =	vpush v13, $0x6  }
0x113: {  	[tilespmem:s1], [sflag:$0x2] =	stream.linear.gather [hbm4b:s2+s0], $0x80, $0x38;
	[tilespmem:$0x1D400] =	vst v63  }
0x114: {  	s21 =	sadd.s32 $0x10, s21;
	s18 =	smov.u32 s22;
	s20 =	sadd.s32 $0x10A80, s19;
	(v2sf) =	vpush v13, $0x7  }
0x115: {  	s25 =	sadd.s32 $0x10700, s19;
	s24 =	sadd.s32 $0x10980, s19;
	s23 =	sadd.s32 $0x10A00, s19  }
0x116: {  	s6 =	sadd.s32 $0x10680, s19;
	s1 =	sadd.s32 $0x10580, s19;
	s2 =	sadd.s32 $0x10600, s19;
	(v2sf) =	vpush v13, $0x8  }
0x117: {  	s7 =	sadd.s32 $0x10480, s19;
	s9 =	sadd.s32 $0x10500, s19;
	s10 =	spop (v2sf)  }
0x118: {  	s26 =	sadd.s32 $0x10400, s19;
	s10 =	sand.u32 $0x1FFFFFF0, s10;
	s28 =	spop (v2sf)  }
0x119: {  	s10 =	sadd.s32 s5, s10;
	s28 =	sand.u32 $0x1FFFFFF0, s28;
	s29 =	spop (v2sf)  }
0x11a: {  	[tilespmem:s26], [sflag:$0x2] =	stream.linear.gather [hbm4b:s10+s0], $0x80, $0x38;
	[tilespmem:$0x1D400] =	vst v63  }
0x11b: {  	s10 =	sadd.s32 s5, s28;
	s26 =	sand.u32 $0x1FFFFFF0, s29;
	s28 =	spop (v2sf)  }
0x11c: {  	[tilespmem:s7], [sflag:$0x2] =	stream.linear.gather [hbm4b:s10+s0], $0x80, $0x38;
	(v2sf) =	vpush v13, $0x9;
	[tilespmem:$0x1D400] =	vst v63  }
0x11d: {  	s7 =	sadd.s32 s5, s26;
	s10 =	sand.u32 $0x1FFFFFF0, s28;
	s26 =	spop (v2sf);
	(v2sf) =	vpush v13, $0xA  }
0x11e: {  	[tilespmem:s9], [sflag:$0x2] =	stream.linear.gather [hbm4b:s7+s0], $0x80, $0x38;
	(v2sf) =	vpush v13, $0xB;
	[tilespmem:$0x1D400] =	vst v63  }
0x11f: {  	s7 =	sadd.s32 s5, s10;
	s9 =	sand.u32 $0x1FFFFFF0, s26;
	s10 =	spop (v2sf)  }
0x120: {  	[tilespmem:s1], [sflag:$0x2] =	stream.linear.gather [hbm4b:s7+s0], $0x80, $0x38;
	(v2sf) =	vpush v13, $0xC;
	[tilespmem:$0x1D400] =	vst v63  }
0x121: {  	s1 =	sadd.s32 s5, s9;
	s7 =	sand.u32 $0x1FFFFFF0, s10;
	s9 =	spop (v2sf)  }
0x122: {  	[tilespmem:s2], [sflag:$0x2] =	stream.linear.gather [hbm4b:s1+s0], $0x80, $0x38;
	(v2sf) =	vpush v13, $0xD;
	[tilespmem:$0x1D400] =	vst v63  }
0x123: {  	s1 =	sadd.s32 s5, s7;
	s2 =	sand.u32 $0x1FFFFFF0, s9;
	s7 =	spop (v2sf)  }
0x124: {  	[tilespmem:s6], [sflag:$0x2] =	stream.linear.gather [hbm4b:s1+s0], $0x80, $0x38;
	[tilespmem:$0x1D400] =	vst v63  }
0x125: {  	(v2sf) =	vpush v13, $0xE;
	s1 =	sadd.s32 s5, s2;
	s2 =	sand.u32 $0x1FFFFFF0, s7  }
0x126: {  	s6 =	spop (v2sf);
	s2 =	sadd.s32 s5, s2  }
0x127: {  	[tilespmem:s25], [sflag:$0x2] =	stream.linear.gather [hbm4b:s1+s0], $0x80, $0x38;
	(v2sf) =	vpush v13, $0xF;
	[tilespmem:$0x1D400] =	vst v63  }
.Ltmp2:
0x128: {  	s1 =	sadd.s32 $0x10780, s19;
	s6 =	sand.u32 $0x1FFFFFF0, s6;
	(pc) =	sbr.rel @p0 .LBB2_6-.Ltmp2, $4  }
0x129: {  	[tilespmem:s1], [sflag:$0x2] =	stream.linear.gather [hbm4b:s2+s0], $0x80, $0x38;
	[tilespmem:$0x1D400] =	vst v63  }
0x12a: {  	s25 =	sadd.s32 $0x10900, s19;
	s1 =	sadd.s32 $0x10800, s19;
	s2 =	sadd.s32 s5, s6;
	v13 =	vld [tilespmem:s21+$0x0]  }
0x12b: {  	[tilespmem:s1], [sflag:$0x2] =	stream.linear.gather [hbm4b:s2+s0], $0x80, $0x38;
	[tilespmem:$0x1D400] =	vst v63  }
0x12c: {  	s22 =	sadd.s32 $0x2000, s22;
	s26 =	sadd.s32 $0x10880, s19;
	s28 =	spop (v2sf)  }
0x12d: {  	_ = 	snop  }
0x12e: {  	s1 =	sand.u32 $0x1FFFFFF0, s28;
	s2 =	spop (v2sf)  }
0x12f: {  	s1 =	sadd.s32 s5, s1;
	s6 =	spop (v2sf);
	v13 =	vshll.u32 v13, $0x4  }
0x130: {  	[tilespmem:s26], [sflag:$0x2] =	stream.linear.gather [hbm4b:s1+s0], $0x80, $0x38;
	(v2sf) =	vpush v13, $0x0;
	[tilespmem:$0x1D400] =	vst v63  }
0x131: {  	s18 =	sshra.s32 s18, $0x2;
	s2 =	sand.u32 $0x1FFFFFF0, s2;
	s28 =	spop (v2sf);
	(v2sf) =	vpush v13, $0x1  }
0x132: {  	s22 =	sadd.s32 s5, s2;
	s26 =	sand.u32 $0x1FFFFFF0, s6;
	s1 =	sadd.s32 $0x10700, s18;
	(v2sf) =	vpush v13, $0x2  }
0x133: {  	[tilespmem:s25], [sflag:$0x2] =	stream.linear.gather [hbm4b:s22+s0], $0x80, $0x38;
	[tilespmem:$0x1D400] =	vst v63  }
0x134: {  	s29 =	sadd.s32 s5, s26;
	s30 =	sand.u32 $0x1FFFFFF0, s28;
	s31 =	spop (v2sf);
	(v2sf) =	vpush v13, $0x3  }
0x135: {  	s7 =	sadd.s32 s5, s30;
	s9 =	sand.u32 $0x1FFFFFF0, s31;
	s10 =	spop (v2sf);
	(v2sf) =	vpush v13, $0x4  }
0x136: {  	[tilespmem:s24], [sflag:$0x2] =	stream.linear.gather [hbm4b:s29+s0], $0x80, $0x38;
	[tilespmem:$0x1D400] =	vst v63  }
0x137: {  	s22 =	sadd.s32 $0x10B00, s19;
	s11 =	sadd.s32 s5, s9;
	s9 =	sadd.s32 $0x10480, s18  }
0x138: {  	[tilespmem:s23], [sflag:$0x2] =	stream.linear.gather [hbm4b:s7+s0], $0x80, $0x38;
	[tilespmem:$0x1D400] =	vst v63  }
0x139: {  	s17 =	sand.u32 $0x1FFFFFF0, s10;
	s23 =	sadd.s32 $0x10B80, s19;
	s21 =	spop (v2sf);
	(v2sf) =	vpush v13, $0x5  }
0x13a: {  	[tilespmem:s20], [sflag:$0x2] =	stream.linear.gather [hbm4b:s11+s0], $0x80, $0x38;
	[tilespmem:$0x1D400] =	vst v63  }
0x13b: {  	s19 =	sadd.s32 $0x10A80, s18;
	s2 =	sadd.s32 s5, s17;
	s6 =	sand.u32 $0x1FFFFFF0, s21;
	(v2sf) =	vpush v13, $0x6  }
0x13c: {  	[tilespmem:s22], [sflag:$0x2] =	stream.linear.gather [hbm4b:s2+s0], $0x80, $0x38;
	[tilespmem:$0x1D400] =	vst v63  }
0x13d: {  	s7 =	sadd.s32 $0x10680, s18;
	s10 =	sadd.s32 $0x10500, s18;
	s24 =	sadd.s32 s5, s6;
	(v2sf) =	vpush v13, $0x7  }
0x13e: {  	[tilespmem:s23], [sflag:$0x2] =	stream.linear.gather [hbm4b:s24+s0], $0x80, $0x38;
	[tilespmem:$0x1D400] =	vst v63  }
0x13f: {  	s21 =	sadd.s32 $0x10400, s18;
	s6 =	sadd.s32 $0x10600, s18;
	(v2sf) =	vpush v13, $0x8;
	s25 =	spop (v2sf)  }
0x140: {  	s2 =	sadd.s32 $0x10580, s18;
	s20 =	sand.u32 $0x1FFFFFF0, s25;
	s22 =	spop (v2sf)  }
0x141: {  	s20 =	sadd.s32 s5, s20;
	s22 =	sand.u32 $0x1FFFFFF0, s22;
	s26 =	spop (v2sf)  }
0x142: {  	[tilespmem:s21], [sflag:$0x2] =	stream.linear.gather [hbm4b:s20+s0], $0x80, $0x38;
	[tilespmem:$0x1D400] =	vst v63  }
0x143: {  	s28 =	sadd.s32 s5, s22;
	s29 =	sand.u32 $0x1FFFFFF0, s26;
	s30 =	spop (v2sf);
	(v2sf) =	vpush v13, $0x9  }
0x144: {  	s21 =	sadd.s32 $0x10980, s18;
	s11 =	sand.u32 $0x1FFFFFF0, s30;
	s17 =	spop (v2sf)  }
0x145: {  	(v2sf) =	vpush v13, $0xA;
	[tilespmem:s9], [sflag:$0x2] =	stream.linear.gather [hbm4b:s28+s0], $0x80, $0x38;
	[tilespmem:$0x1D400] =	vst v63  }
0x146: {  	s31 =	sadd.s32 s5, s29;
	(v2sf) =	vpush v13, $0xB;
	s22 =	sadd.s32 s5, s11;
	s23 =	sand.u32 $0x1FFFFFF0, s17  }
0x147: {  	[tilespmem:s10], [sflag:$0x2] =	stream.linear.gather [hbm4b:s31+s0], $0x80, $0x38;
	[tilespmem:$0x1D400] =	vst v63  }
0x148: {  	s11 =	sadd.s32 $0x10780, s18;
	s24 =	spop (v2sf);
	(v2sf) =	vpush v13, $0xC;
	s25 =	sadd.s32 s5, s23  }
0x149: {  	[tilespmem:s2], [sflag:$0x2] =	stream.linear.gather [hbm4b:s22+s0], $0x80, $0x38;
	[tilespmem:$0x1D400] =	vst v63  }
0x14a: {  	s23 =	sadd.s32 $0x10900, s18;
	s26 =	sand.u32 $0x1FFFFFF0, s24;
	s28 =	spop (v2sf);
	(v2sf) =	vpush v13, $0xD  }
0x14b: {  	[tilespmem:s6], [sflag:$0x2] =	stream.linear.gather [hbm4b:s25+s0], $0x80, $0x38;
	[tilespmem:$0x1D400] =	vst v63  }
0x14c: {  	s29 =	sadd.s32 s5, s26;
	s30 =	sand.u32 $0x1FFFFFF0, s28;
	s31 =	spop (v2sf);
	(v2sf) =	vpush v13, $0xE  }
0x14d: {  	[tilespmem:s7], [sflag:$0x2] =	stream.linear.gather [hbm4b:s29+s0], $0x80, $0x38;
	[tilespmem:$0x1D400] =	vst v63  }
0x14e: {  	s9 =	sand.u32 $0x1FFFFFF0, s31;
	s10 =	spop (v2sf);
	(v2sf) =	vpush v13, $0xF;
	s7 =	sadd.s32 s5, s30  }
0x14f: {  	[tilespmem:s1], [sflag:$0x2] =	stream.linear.gather [hbm4b:s7+s0], $0x80, $0x38;
	[tilespmem:$0x1D400] =	vst v63  }
0x150: {  	s22 =	sadd.s32 $0x10800, s18;
	s17 =	sadd.s32 s5, s9;
	s20 =	sand.u32 $0x1FFFFFF0, s10  }
0x151: {  	[tilespmem:s11], [sflag:$0x2] =	stream.linear.gather [hbm4b:s17+s0], $0x80, $0x38;
	[tilespmem:$0x1D400] =	vst v63  }
0x152: {  	s2 =	sadd.s32 $0x10A00, s18;
	s6 =	sadd.s32 s5, s20;
	s24 =	spop (v2sf)  }
0x153: {  	[tilespmem:s22], [sflag:$0x2] =	stream.linear.gather [hbm4b:s6+s0], $0x80, $0x38;
	[tilespmem:$0x1D400] =	vst v63  }
0x154: {  	s25 =	sadd.s32 $0x10880, s18;
	s7 =	sand.u32 $0x1FFFFFF0, s24;
	s26 =	spop (v2sf)  }
0x155: {  	s7 =	sadd.s32 s5, s7;
	s10 =	sand.u32 $0x1FFFFFF0, s26;
	s28 =	spop (v2sf)  }
0x156: {  	[tilespmem:s25], [sflag:$0x2] =	stream.linear.gather [hbm4b:s7+s0], $0x80, $0x38;
	[tilespmem:$0x1D400] =	vst v63  }
0x157: {  	s29 =	sadd.s32 s5, s10;
	s30 =	sand.u32 $0x1FFFFFF0, s28;
	s31 =	spop (v2sf)  }
0x158: {  	[tilespmem:s23], [sflag:$0x2] =	stream.linear.gather [hbm4b:s29+s0], $0x80, $0x38;
	[tilespmem:$0x1D400] =	vst v63  }
0x159: {  	s11 =	sadd.s32 s5, s30;
	s17 =	sand.u32 $0x1FFFFFF0, s31;
	s20 =	spop (v2sf)  }
0x15a: {  	[tilespmem:s21], [sflag:$0x2] =	stream.linear.gather [hbm4b:s11+s0], $0x80, $0x38;
	[tilespmem:$0x1D400] =	vst v63  }
0x15b: {  	s22 =	sand.u32 $0x1FFFFFF0, s20;
	s23 =	spop (v2sf);
	s21 =	sadd.s32 s5, s17  }
0x15c: {  	[tilespmem:s2], [sflag:$0x2] =	stream.linear.gather [hbm4b:s21+s0], $0x80, $0x38;
	[tilespmem:$0x1D400] =	vst v63  }
0x15d: {  	s24 =	sadd.s32 s5, s22;
	s25 =	sand.u32 $0x1FFFFFF0, s23;
	s26 =	spop (v2sf)  }
0x15e: {  	[tilespmem:s19], [sflag:$0x2] =	stream.linear.gather [hbm4b:s24+s0], $0x80, $0x38;
	[tilespmem:$0x1D400] =	vst v63  }
0x15f: {  	s28 =	sadd.s32 $0x10B00, s18;
	s6 =	sand.u32 $0x1FFFFFF0, s26;
	s2 =	sadd.s32 s5, s25  }
0x160: {  	[tilespmem:s28], [sflag:$0x2] =	stream.linear.gather [hbm4b:s2+s0], $0x80, $0x38;
	[tilespmem:$0x1D400] =	vst v63  }
0x161: {  	s29 =	sadd.s32 $0x10B80, s18;
	s18 =	simm.s32 $0x1;
	s30 =	sadd.s32 s5, s6  }
0x162: {  	[tilespmem:s29], [sflag:$0x2] =	stream.linear.gather [hbm4b:s30+s0], $0x80, $0x38;
	[tilespmem:$0x1D400] =	vst v63  }
0x163: {  	_ =	swait.ge [sflag:s18], $0xD000  }
0x164: {  	s20 =	simm.s32 $0x4E0;
	[sflag:s18] =	ssyncset.done $0x0  }
0x165: {  	s19 =	simm.s32 $0x340;
	s31 =	rddreg [dreg:$0x4];
	[sflag:s18] =	ssyncadd.s32 $0xFFFF3000  }
0x166: {  	[hbm4b:s31+s0] =	stream.linear.scatter [tilespmem:s12], [sflag:$0x3], $0xD000, $0x38;
	[tilespmem:$0x1D400] =	vst v63  }
.LBB2_8:
0x167: {  	_ =	swait.ge [sflag:s13], $0xD000  }
0x168: {  	[sflag:s13] =	ssyncset.done $0x0  }
0x169: {  	[sflag:s13] =	ssyncadd.s32 $0xFFFF3000  }
0x16a: {  	v13 =	vld [tilespmem:s19+$0x0];
	_ =	sdelay $0x4  }
0x16b: {  	v13 =	vshll.u32 v13, $0x4  }
0x16c: {  	(v2sf) =	vpush v13, $0x0  }
0x16d: {  	(v2sf) =	vpush v13, $0x1  }
0x16e: {  	(v2sf) =	vpush v13, $0x2;
	_ =	sdelay $0x1  }
0x16f: {  	(v2sf) =	vpush v13, $0x3;
	_ =	sdelay $0x1  }
0x170: {  	(v2sf) =	vpush v13, $0x4;
	_ =	sdelay $0x1  }
0x171: {  	(v2sf) =	vpush v13, $0x5  }
0x172: {  	(v2sf) =	vpush v13, $0x6;
	_ =	sdelay $0x1  }
0x173: {  	(v2sf) =	vpush v13, $0x7  }
0x174: {  	s21 =	smul.u32 $0x340, s18;
	s23 =	simm.s32 $0x2000  }
0x175: {  	s22 =	simm.s32 $0x0;
	s24 =	simm.s32 $0x3A80;
	s1 =	simm.s32 $0x3700  }
0x176: {  	s2 =	simm.s32 $0x3580;
	s6 =	simm.s32 $0x3600;
	s7 =	simm.s32 $0x3680  }
0x177: {  	s9 =	simm.s32 $0x3480;
	s10 =	simm.s32 $0x3500;
	(v2sf) =	vpush v13, $0x8;
	s25 =	spop (v2sf)  }
0x178: {  	s26 =	simm.s32 $0x3400;
	s25 =	sand.u32 $0x1FFFFFF0, s25;
	s28 =	spop (v2sf)  }
0x179: {  	s25 =	sadd.s32 s5, s25;
	s28 =	sand.u32 $0x1FFFFFF0, s28;
	s29 =	spop (v2sf)  }
0x17a: {  	[tilespmem:s26], [sflag:$0x1] =	stream.linear.gather [hbm4b:s25+s0], $0x80, $0x38;
	[tilespmem:$0x1D400] =	vst v63  }
0x17b: {  	s11 =	sadd.s32 s5, s28;
	s17 =	sand.u32 $0x1FFFFFF0, s29;
	s28 =	spop (v2sf)  }
0x17c: {  	[tilespmem:s9], [sflag:$0x1] =	stream.linear.gather [hbm4b:s11+s0], $0x80, $0x38;
	[tilespmem:$0x1D400] =	vst v63  }
0x17d: {  	(v2sf) =	vpush v13, $0x9;
	s26 =	sadd.s32 s5, s17;
	s17 =	spop (v2sf);
	s11 =	sand.u32 $0x1FFFFFF0, s28  }
0x17e: {  	(v2sf) =	vpush v13, $0xA;
	[tilespmem:s10], [sflag:$0x1] =	stream.linear.gather [hbm4b:s26+s0], $0x80, $0x38;
	[tilespmem:$0x1D400] =	vst v63  }
0x17f: {  	s25 =	sadd.s32 s5, s11;
	s11 =	spop (v2sf);
	(v2sf) =	vpush v13, $0xB;
	s26 =	sand.u32 $0x1FFFFFF0, s17  }
0x180: {  	s30 =	simm.s32 $0x3900;
	s17 =	sadd.s32 s5, s26;
	s26 =	spop (v2sf)  }
0x181: {  	(v2sf) =	vpush v13, $0xC;
	[tilespmem:s2], [sflag:$0x1] =	stream.linear.gather [hbm4b:s25+s0], $0x80, $0x38;
	[tilespmem:$0x1D400] =	vst v63  }
0x182: {  	s31 =	simm.s32 $0x3880;
	s25 =	sand.u32 $0x1FFFFFF0, s11;
	s11 =	spop (v2sf)  }
0x183: {  	(v2sf) =	vpush v13, $0xD;
	[tilespmem:s6], [sflag:$0x1] =	stream.linear.gather [hbm4b:s17+s0], $0x80, $0x38;
	[tilespmem:$0x1D400] =	vst v63  }
0x184: {  	s10 =	sand.u32 $0x1FFFFFF0, s26;
	s9 =	sadd.s32 s5, s25;
	s25 =	sand.u32 $0x1FFFFFF0, s11  }
0x185: {  	(v2sf) =	vpush v13, $0xE;
	[tilespmem:s7], [sflag:$0x1] =	stream.linear.gather [hbm4b:s9+s0], $0x80, $0x38;
	[tilespmem:$0x1D400] =	vst v63  }
0x186: {  	s26 =	spop (v2sf);
	s17 =	sadd.s32 s5, s10;
	s10 =	sadd.s32 s5, s25  }
0x187: {  	(v2sf) =	vpush v13, $0xF;
	[tilespmem:s1], [sflag:$0x1] =	stream.linear.gather [hbm4b:s17+s0], $0x80, $0x38;
	[tilespmem:$0x1D400] =	vst v63  }
0x188: {  	s11 =	sand.u32 $0x1FFFFFF0, s26;
	s25 =	sadd.s32 $0x10, s19;
	s9 =	simm.s32 $0x3780  }
0x189: {  	[tilespmem:s9], [sflag:$0x1] =	stream.linear.gather [hbm4b:s10+s0], $0x80, $0x38;
	[tilespmem:$0x1D400] =	vst v63  }
0x18a: {  	s29 =	simm.s32 $0x3980;
	s26 =	sadd.s32 s5, s11;
	v13 =	vld [tilespmem:s25+$0x0];
	s17 =	simm.s32 $0x3800  }
0x18b: {  	[tilespmem:s17], [sflag:$0x1] =	stream.linear.gather [hbm4b:s26+s0], $0x80, $0x38;
	[tilespmem:$0x1D400] =	vst v63  }
0x18c: {  	s28 =	simm.s32 $0x3A00;
	s1 =	spop (v2sf);
	s26 =	simm.s32 $0x4000  }
.LBB2_9:
0x18d: {  	p0 =	sne.s32 s26, $0x32000;
	s1 =	sand.u32 $0x1FFFFFF0, s1;
	s2 =	spop (v2sf)  }
0x18e: {  	s1 =	sadd.s32 s5, s1;
	s2 =	sand.u32 $0x1FFFFFF0, s2;
	s6 =	spop (v2sf)  }
0x18f: {  	v13 =	vshll.u32 v13, $0x4;
	[tilespmem:s31], [sflag:$0x1] =	stream.linear.gather [hbm4b:s1+s0], $0x80, $0x38;
	[tilespmem:$0x1D400] =	vst v63  }
0x190: {  	s1 =	sadd.s32 s5, s2;
	s2 =	sand.u32 $0x1FFFFFF0, s6;
	(v2sf) =	vpush v13, $0x0;
	s6 =	spop (v2sf)  }
0x191: {  	(v2sf) =	vpush v13, $0x1;
	[tilespmem:s30], [sflag:$0x1] =	stream.linear.gather [hbm4b:s1+s0], $0x80, $0x38;
	[tilespmem:$0x1D400] =	vst v63  }
0x192: {  	s1 =	sadd.s32 s5, s2;
	s2 =	sand.u32 $0x1FFFFFF0, s6;
	(v2sf) =	vpush v13, $0x2;
	s6 =	spop (v2sf)  }
0x193: {  	[tilespmem:s29], [sflag:$0x1] =	stream.linear.gather [hbm4b:s1+s0], $0x80, $0x38;
	[tilespmem:$0x1D400] =	vst v63  }
0x194: {  	s1 =	sadd.s32 s5, s2;
	s2 =	sand.u32 $0x1FFFFFF0, s6;
	(v2sf) =	vpush v13, $0x3;
	s6 =	spop (v2sf)  }
0x195: {  	[tilespmem:s28], [sflag:$0x1] =	stream.linear.gather [hbm4b:s1+s0], $0x80, $0x38;
	[tilespmem:$0x1D400] =	vst v63  }
0x196: {  	s1 =	sadd.s32 s5, s2;
	s2 =	sand.u32 $0x1FFFFFF0, s6;
	(v2sf) =	vpush v13, $0x4;
	s6 =	spop (v2sf)  }
0x197: {  	[tilespmem:s24], [sflag:$0x1] =	stream.linear.gather [hbm4b:s1+s0], $0x80, $0x38;
	[tilespmem:$0x1D400] =	vst v63  }
0x198: {  	s2 =	sadd.s32 s5, s2;
	s1 =	sadd.s32 $0x3B00, s22;
	s6 =	sand.u32 $0x1FFFFFF0, s6;
	(v2sf) =	vpush v13, $0x5  }
0x199: {  	[tilespmem:s1], [sflag:$0x1] =	stream.linear.gather [hbm4b:s2+s0], $0x80, $0x38;
	[tilespmem:$0x1D400] =	vst v63  }
0x19a: {  	s1 =	sadd.s32 $0x3B80, s22;
	s22 =	sshra.s32 s23, $0x2;
	s2 =	sadd.s32 s5, s6;
	(v2sf) =	vpush v13, $0x6  }
0x19b: {  	[tilespmem:s1], [sflag:$0x1] =	stream.linear.gather [hbm4b:s2+s0], $0x80, $0x38;
	[tilespmem:$0x1D400] =	vst v63  }
0x19c: {  	s25 =	sadd.s32 $0x10, s25;
	s23 =	smov.u32 s26;
	s24 =	sadd.s32 $0x3A80, s22;
	(v2sf) =	vpush v13, $0x7  }
0x19d: {  	s30 =	sadd.s32 $0x3700, s22;
	s29 =	sadd.s32 $0x3980, s22;
	s28 =	sadd.s32 $0x3A00, s22  }
0x19e: {  	s6 =	sadd.s32 $0x3680, s22;
	s1 =	sadd.s32 $0x3580, s22;
	s2 =	sadd.s32 $0x3600, s22;
	(v2sf) =	vpush v13, $0x8  }
0x19f: {  	s7 =	sadd.s32 $0x3480, s22;
	s9 =	sadd.s32 $0x3500, s22;
	s10 =	spop (v2sf)  }
0x1a0: {  	s31 =	sadd.s32 $0x3400, s22;
	s10 =	sand.u32 $0x1FFFFFF0, s10;
	s11 =	spop (v2sf)  }
0x1a1: {  	s10 =	sadd.s32 s5, s10;
	s11 =	sand.u32 $0x1FFFFFF0, s11;
	s17 =	spop (v2sf)  }
0x1a2: {  	[tilespmem:s31], [sflag:$0x1] =	stream.linear.gather [hbm4b:s10+s0], $0x80, $0x38;
	[tilespmem:$0x1D400] =	vst v63  }
0x1a3: {  	s10 =	sadd.s32 s5, s11;
	s11 =	sand.u32 $0x1FFFFFF0, s17;
	s17 =	spop (v2sf)  }
0x1a4: {  	[tilespmem:s7], [sflag:$0x1] =	stream.linear.gather [hbm4b:s10+s0], $0x80, $0x38;
	(v2sf) =	vpush v13, $0x9;
	[tilespmem:$0x1D400] =	vst v63  }
0x1a5: {  	s7 =	sadd.s32 s5, s11;
	s10 =	sand.u32 $0x1FFFFFF0, s17;
	s11 =	spop (v2sf);
	(v2sf) =	vpush v13, $0xA  }
0x1a6: {  	[tilespmem:s9], [sflag:$0x1] =	stream.linear.gather [hbm4b:s7+s0], $0x80, $0x38;
	(v2sf) =	vpush v13, $0xB;
	[tilespmem:$0x1D400] =	vst v63  }
0x1a7: {  	s7 =	sadd.s32 s5, s10;
	s9 =	sand.u32 $0x1FFFFFF0, s11;
	s10 =	spop (v2sf)  }
0x1a8: {  	[tilespmem:s1], [sflag:$0x1] =	stream.linear.gather [hbm4b:s7+s0], $0x80, $0x38;
	(v2sf) =	vpush v13, $0xC;
	[tilespmem:$0x1D400] =	vst v63  }
0x1a9: {  	s1 =	sadd.s32 s5, s9;
	s7 =	sand.u32 $0x1FFFFFF0, s10;
	s9 =	spop (v2sf)  }
0x1aa: {  	[tilespmem:s2], [sflag:$0x1] =	stream.linear.gather [hbm4b:s1+s0], $0x80, $0x38;
	(v2sf) =	vpush v13, $0xD;
	[tilespmem:$0x1D400] =	vst v63  }
0x1ab: {  	s1 =	sadd.s32 s5, s7;
	s2 =	sand.u32 $0x1FFFFFF0, s9;
	s7 =	spop (v2sf)  }
0x1ac: {  	[tilespmem:s6], [sflag:$0x1] =	stream.linear.gather [hbm4b:s1+s0], $0x80, $0x38;
	[tilespmem:$0x1D400] =	vst v63  }
0x1ad: {  	(v2sf) =	vpush v13, $0xE;
	s1 =	sadd.s32 s5, s2;
	s2 =	sand.u32 $0x1FFFFFF0, s7  }
0x1ae: {  	s6 =	spop (v2sf);
	s2 =	sadd.s32 s5, s2  }
0x1af: {  	[tilespmem:s30], [sflag:$0x1] =	stream.linear.gather [hbm4b:s1+s0], $0x80, $0x38;
	(v2sf) =	vpush v13, $0xF;
	[tilespmem:$0x1D400] =	vst v63  }
.Ltmp3:
0x1b0: {  	s1 =	sadd.s32 $0x3780, s22;
	s6 =	sand.u32 $0x1FFFFFF0, s6;
	(pc) =	sbr.rel @p0 .LBB2_9-.Ltmp3, $4  }
0x1b1: {  	[tilespmem:s1], [sflag:$0x1] =	stream.linear.gather [hbm4b:s2+s0], $0x80, $0x38;
	[tilespmem:$0x1D400] =	vst v63  }
0x1b2: {  	s30 =	sadd.s32 $0x3900, s22;
	s1 =	sadd.s32 $0x3800, s22;
	s2 =	sadd.s32 s5, s6;
	v13 =	vld [tilespmem:s25+$0x0]  }
0x1b3: {  	[tilespmem:s1], [sflag:$0x1] =	stream.linear.gather [hbm4b:s2+s0], $0x80, $0x38;
	[tilespmem:$0x1D400] =	vst v63  }
0x1b4: {  	s26 =	sadd.s32 $0x2000, s26;
	s31 =	sadd.s32 $0x3880, s22;
	s1 =	spop (v2sf)  }
0x1b5: {  	_ = 	snop  }
0x1b6: {  	s1 =	sand.u32 $0x1FFFFFF0, s1;
	s2 =	spop (v2sf)  }
0x1b7: {  	s1 =	sadd.s32 s5, s1;
	s6 =	spop (v2sf);
	v13 =	vshll.u32 v13, $0x4  }
0x1b8: {  	[tilespmem:s31], [sflag:$0x1] =	stream.linear.gather [hbm4b:s1+s0], $0x80, $0x38;
	(v2sf) =	vpush v13, $0x0;
	[tilespmem:$0x1D400] =	vst v63  }
0x1b9: {  	s2 =	sand.u32 $0x1FFFFFF0, s2;
	s11 =	spop (v2sf);
	(v2sf) =	vpush v13, $0x1  }
0x1ba: {  	s9 =	sadd.s32 s5, s2;
	(v2sf) =	vpush v13, $0x2  }
0x1bb: {  	[tilespmem:s30], [sflag:$0x1] =	stream.linear.gather [hbm4b:s9+s0], $0x80, $0x38;
	[tilespmem:$0x1D400] =	vst v63  }
0x1bc: {  	s23 =	sshra.s32 s23, $0x2;
	s10 =	sand.u32 $0x1FFFFFF0, s6;
	s26 =	spop (v2sf);
	(v2sf) =	vpush v13, $0x3  }
0x1bd: {  	s17 =	sadd.s32 s5, s10;
	s25 =	sand.u32 $0x1FFFFFF0, s11;
	s7 =	spop (v2sf);
	(v2sf) =	vpush v13, $0x4  }
0x1be: {  	[tilespmem:s29], [sflag:$0x1] =	stream.linear.gather [hbm4b:s17+s0], $0x80, $0x38;
	[tilespmem:$0x1D400] =	vst v63  }
0x1bf: {  	s1 =	sadd.s32 $0x3700, s23;
	s2 =	sadd.s32 s5, s25;
	s6 =	sand.u32 $0x1FFFFFF0, s26;
	(v2sf) =	vpush v13, $0x5  }
0x1c0: {  	[tilespmem:s28], [sflag:$0x1] =	stream.linear.gather [hbm4b:s2+s0], $0x80, $0x38;
	[tilespmem:$0x1D400] =	vst v63  }
0x1c1: {  	s9 =	sadd.s32 s5, s6;
	s10 =	sand.u32 $0x1FFFFFF0, s7;
	s11 =	spop (v2sf);
	(v2sf) =	vpush v13, $0x6  }
0x1c2: {  	[tilespmem:s24], [sflag:$0x1] =	stream.linear.gather [hbm4b:s9+s0], $0x80, $0x38;
	(v2sf) =	vpush v13, $0x7;
	[tilespmem:$0x1D400] =	vst v63  }
0x1c3: {  	s17 =	sadd.s32 $0x3B00, s22;
	s2 =	sadd.s32 s5, s10;
	s6 =	sand.u32 $0x1FFFFFF0, s11  }
0x1c4: {  	(v2sf) =	vpush v13, $0x8;
	[tilespmem:s17], [sflag:$0x1] =	stream.linear.gather [hbm4b:s2+s0], $0x80, $0x38;
	[tilespmem:$0x1D400] =	vst v63  }
0x1c5: {  	s7 =	sadd.s32 $0x3680, s23;
	s24 =	sadd.s32 $0x3B80, s22;
	s25 =	sadd.s32 s5, s6  }
0x1c6: {  	[tilespmem:s24], [sflag:$0x1] =	stream.linear.gather [hbm4b:s25+s0], $0x80, $0x38;
	[tilespmem:$0x1D400] =	vst v63  }
0x1c7: {  	s10 =	sadd.s32 $0x3500, s23;
	s9 =	sadd.s32 $0x3480, s23;
	s11 =	spop (v2sf)  }
0x1c8: {  	s17 =	sadd.s32 $0x3400, s23;
	s11 =	sand.u32 $0x1FFFFFF0, s11;
	s26 =	spop (v2sf)  }
0x1c9: {  	s11 =	sadd.s32 s5, s11;
	s24 =	sand.u32 $0x1FFFFFF0, s26;
	s25 =	spop (v2sf)  }
0x1ca: {  	[tilespmem:s17], [sflag:$0x1] =	stream.linear.gather [hbm4b:s11+s0], $0x80, $0x38;
	[tilespmem:$0x1D400] =	vst v63  }
0x1cb: {  	s24 =	sadd.s32 s5, s24;
	s25 =	sand.u32 $0x1FFFFFF0, s25;
	s26 =	spop (v2sf)  }
0x1cc: {  	(v2sf) =	vpush v13, $0x9;
	s17 =	sadd.s32 s5, s25;
	s25 =	sand.u32 $0x1FFFFFF0, s26;
	s26 =	spop (v2sf)  }
0x1cd: {  	[tilespmem:s9], [sflag:$0x1] =	stream.linear.gather [hbm4b:s24+s0], $0x80, $0x38;
	[tilespmem:$0x1D400] =	vst v63  }
0x1ce: {  	(v2sf) =	vpush v13, $0xA;
	s24 =	sadd.s32 s5, s25;
	s25 =	sand.u32 $0x1FFFFFF0, s26;
	s26 =	spop (v2sf)  }
0x1cf: {  	(v2sf) =	vpush v13, $0xB;
	[tilespmem:s10], [sflag:$0x1] =	stream.linear.gather [hbm4b:s17+s0], $0x80, $0x38;
	[tilespmem:$0x1D400] =	vst v63  }
0x1d0: {  	s22 =	sadd.s32 $0x3A80, s23;
	s6 =	sadd.s32 $0x3600, s23;
	s17 =	spop (v2sf)  }
0x1d1: {  	s2 =	sadd.s32 $0x3580, s23;
	(v2sf) =	vpush v13, $0xC;
	s11 =	sand.u32 $0x1FFFFFF0, s26;
	s26 =	spop (v2sf)  }
0x1d2: {  	[tilespmem:s2], [sflag:$0x1] =	stream.linear.gather [hbm4b:s24+s0], $0x80, $0x38;
	[tilespmem:$0x1D400] =	vst v63  }
0x1d3: {  	s10 =	sadd.s32 s5, s25;
	(v2sf) =	vpush v13, $0xD;
	s25 =	sand.u32 $0x1FFFFFF0, s17;
	s9 =	spop (v2sf)  }
0x1d4: {  	[tilespmem:s6], [sflag:$0x1] =	stream.linear.gather [hbm4b:s10+s0], $0x80, $0x38;
	[tilespmem:$0x1D400] =	vst v63  }
0x1d5: {  	(v2sf) =	vpush v13, $0xE;
	s24 =	sadd.s32 s5, s11;
	s2 =	sadd.s32 $0x3A00, s23;
	s17 =	sand.u32 $0x1FFFFFF0, s9  }
0x1d6: {  	[tilespmem:s7], [sflag:$0x1] =	stream.linear.gather [hbm4b:s24+s0], $0x80, $0x38;
	[tilespmem:$0x1D400] =	vst v63  }
0x1d7: {  	(v2sf) =	vpush v13, $0xF;
	s6 =	sadd.s32 s5, s25;
	s10 =	sadd.s32 $0x3780, s23;
	s7 =	sand.u32 $0x1FFFFFF0, s26  }
0x1d8: {  	[tilespmem:s1], [sflag:$0x1] =	stream.linear.gather [hbm4b:s6+s0], $0x80, $0x38;
	[tilespmem:$0x1D400] =	vst v63  }
0x1d9: {  	s24 =	sadd.s32 $0x3800, s23;
	s26 =	sadd.s32 $0x3880, s23;
	s11 =	sadd.s32 s5, s7  }
0x1da: {  	[tilespmem:s10], [sflag:$0x1] =	stream.linear.gather [hbm4b:s11+s0], $0x80, $0x38;
	[tilespmem:$0x1D400] =	vst v63  }
0x1db: {  	s1 =	sadd.s32 $0x3980, s23;
	s6 =	sadd.s32 s5, s17;
	s25 =	spop (v2sf)  }
0x1dc: {  	[tilespmem:s24], [sflag:$0x1] =	stream.linear.gather [hbm4b:s6+s0], $0x80, $0x38;
	[tilespmem:$0x1D400] =	vst v63  }
0x1dd: {  	s6 =	sadd.s32 $0x3900, s23;
	s7 =	sand.u32 $0x1FFFFFF0, s25;
	s11 =	spop (v2sf)  }
0x1de: {  	s7 =	sadd.s32 s5, s7;
	s10 =	sand.u32 $0x1FFFFFF0, s11;
	s17 =	spop (v2sf)  }
0x1df: {  	[tilespmem:s26], [sflag:$0x1] =	stream.linear.gather [hbm4b:s7+s0], $0x80, $0x38;
	[tilespmem:$0x1D400] =	vst v63  }
0x1e0: {  	s24 =	sadd.s32 s5, s10;
	s25 =	sand.u32 $0x1FFFFFF0, s17;
	s26 =	spop (v2sf)  }
0x1e1: {  	[tilespmem:s6], [sflag:$0x1] =	stream.linear.gather [hbm4b:s24+s0], $0x80, $0x38;
	[tilespmem:$0x1D400] =	vst v63  }
0x1e2: {  	s9 =	sadd.s32 s5, s25;
	s11 =	sand.u32 $0x1FFFFFF0, s26;
	s17 =	spop (v2sf)  }
0x1e3: {  	[tilespmem:s1], [sflag:$0x1] =	stream.linear.gather [hbm4b:s9+s0], $0x80, $0x38;
	[tilespmem:$0x1D400] =	vst v63  }
0x1e4: {  	s24 =	sadd.s32 s5, s11;
	s25 =	sand.u32 $0x1FFFFFF0, s17;
	s26 =	spop (v2sf)  }
0x1e5: {  	[tilespmem:s2], [sflag:$0x1] =	stream.linear.gather [hbm4b:s24+s0], $0x80, $0x38;
	[tilespmem:$0x1D400] =	vst v63  }
0x1e6: {  	s6 =	sadd.s32 s5, s25;
	s10 =	spop (v2sf);
	s9 =	sand.u32 $0x1FFFFFF0, s26  }
0x1e7: {  	[tilespmem:s22], [sflag:$0x1] =	stream.linear.gather [hbm4b:s6+s0], $0x80, $0x38;
	[tilespmem:$0x1D400] =	vst v63  }
0x1e8: {  	s11 =	sadd.s32 $0x3B00, s23;
	s2 =	sadd.s32 s5, s9;
	s6 =	sand.u32 $0x1FFFFFF0, s10  }
0x1e9: {  	[tilespmem:s11], [sflag:$0x1] =	stream.linear.gather [hbm4b:s2+s0], $0x80, $0x38;
	[tilespmem:$0x1D400] =	vst v63  }
0x1ea: {  	s17 =	sadd.s32 $0x3B80, s23;
	s22 =	sadd.s32 s5, s6  }
0x1eb: {  	[tilespmem:s17], [sflag:$0x1] =	stream.linear.gather [hbm4b:s22+s0], $0x80, $0x38;
	[tilespmem:$0x1D400] =	vst v63  }
0x1ec: {  	s23 =	sadd.s32 s21, s8;
	_ =	swait.ge [sflag:s14], $0xD000  }
0x1ed: {  	s1 =	sshll.u32 s23, $0x4;
	[sflag:s14] =	ssyncset.done $0x0  }
0x1ee: {  	s1 =	sadd.s32 s3, s1;
	s24 =	simm.s32 $0x0;
	[sflag:s14] =	ssyncadd.s32 $0xFFFF3000  }
0x1ef: {  	[hbm4b:s1+s24] =	stream.linear.scatter [tilespmem:s15], [sflag:$0x3], $0xD000, $0x38;
	[tilespmem:$0x1D400] =	vst v63  }
0x1f0: {  	_ =	swait.ge [sflag:s13], $0xD000  }
0x1f1: {  	[sflag:s13] =	ssyncset.done $0x0  }
0x1f2: {  	[sflag:s13] =	ssyncadd.s32 $0xFFFF3000  }
0x1f3: {  	v13 =	vld [tilespmem:s20+$0x0];
	_ =	sdelay $0x4  }
0x1f4: {  	v13 =	vshll.u32 v13, $0x4  }
0x1f5: {  	(v2sf) =	vpush v13, $0x0  }
0x1f6: {  	(v2sf) =	vpush v13, $0x1  }
0x1f7: {  	(v2sf) =	vpush v13, $0x2;
	_ =	sdelay $0x1  }
0x1f8: {  	(v2sf) =	vpush v13, $0x3;
	_ =	sdelay $0x1  }
0x1f9: {  	(v2sf) =	vpush v13, $0x4  }
0x1fa: {  	(v2sf) =	vpush v13, $0x5;
	_ =	sdelay $0x1  }
0x1fb: {  	(v2sf) =	vpush v13, $0x6;
	_ =	sdelay $0x1  }
0x1fc: {  	(v2sf) =	vpush v13, $0x7  }
0x1fd: {  	s31 =	simm.s32 $0x10880  }
0x1fe: {  	s30 =	simm.s32 $0x10900;
	s29 =	simm.s32 $0x10980;
	s28 =	simm.s32 $0x10A00  }
0x1ff: {  	s7 =	simm.s32 $0x10680;
	s23 =	simm.s32 $0x2000;
	s9 =	simm.s32 $0x10480  }
0x200: {  	s10 =	simm.s32 $0x10500;
	s2 =	simm.s32 $0x10580;
	(v2sf) =	vpush v13, $0x8;
	s25 =	spop (v2sf)  }
0x201: {  	s17 =	simm.s32 $0x10400;
	s11 =	sand.u32 $0x1FFFFFF0, s25;
	s26 =	spop (v2sf)  }
0x202: {  	s11 =	sadd.s32 s5, s11;
	s25 =	sand.u32 $0x1FFFFFF0, s26;
	s26 =	spop (v2sf)  }
0x203: {  	[tilespmem:s17], [sflag:$0x2] =	stream.linear.gather [hbm4b:s11+s0], $0x80, $0x38;
	[tilespmem:$0x1D400] =	vst v63  }
0x204: {  	s17 =	sadd.s32 s5, s25;
	s25 =	sand.u32 $0x1FFFFFF0, s26;
	s26 =	spop (v2sf)  }
0x205: {  	[tilespmem:s9], [sflag:$0x2] =	stream.linear.gather [hbm4b:s17+s0], $0x80, $0x38;
	[tilespmem:$0x1D400] =	vst v63  }
0x206: {  	(v2sf) =	vpush v13, $0x9;
	s17 =	sadd.s32 s5, s25;
	s25 =	sand.u32 $0x1FFFFFF0, s26;
	s26 =	spop (v2sf)  }
0x207: {  	(v2sf) =	vpush v13, $0xA;
	s11 =	sadd.s32 s5, s25;
	s25 =	sand.u32 $0x1FFFFFF0, s26;
	s26 =	spop (v2sf)  }
0x208: {  	(v2sf) =	vpush v13, $0xB;
	[tilespmem:s10], [sflag:$0x2] =	stream.linear.gather [hbm4b:s17+s0], $0x80, $0x38;
	[tilespmem:$0x1D400] =	vst v63  }
0x209: {  	s17 =	sadd.s32 s5, s25;
	s25 =	sand.u32 $0x1FFFFFF0, s26;
	s26 =	spop (v2sf)  }
0x20a: {  	(v2sf) =	vpush v13, $0xC;
	[tilespmem:s2], [sflag:$0x2] =	stream.linear.gather [hbm4b:s11+s0], $0x80, $0x38;
	[tilespmem:$0x1D400] =	vst v63  }
0x20b: {  	s6 =	simm.s32 $0x10600;
	s1 =	simm.s32 $0x10700;
	s11 =	spop (v2sf)  }
0x20c: {  	(v2sf) =	vpush v13, $0xD;
	[tilespmem:s6], [sflag:$0x2] =	stream.linear.gather [hbm4b:s17+s0], $0x80, $0x38;
	[tilespmem:$0x1D400] =	vst v63  }
0x20d: {  	s9 =	sadd.s32 s5, s25;
	s10 =	sand.u32 $0x1FFFFFF0, s26;
	s25 =	sand.u32 $0x1FFFFFF0, s11  }
0x20e: {  	(v2sf) =	vpush v13, $0xE;
	[tilespmem:s7], [sflag:$0x2] =	stream.linear.gather [hbm4b:s9+s0], $0x80, $0x38;
	[tilespmem:$0x1D400] =	vst v63  }
0x20f: {  	s26 =	spop (v2sf);
	s17 =	sadd.s32 s5, s10;
	s10 =	sadd.s32 s5, s25  }
0x210: {  	(v2sf) =	vpush v13, $0xF;
	[tilespmem:s1], [sflag:$0x2] =	stream.linear.gather [hbm4b:s17+s0], $0x80, $0x38;
	[tilespmem:$0x1D400] =	vst v63  }
0x211: {  	s11 =	sand.u32 $0x1FFFFFF0, s26;
	s25 =	sadd.s32 $0x10, s20;
	s9 =	simm.s32 $0x10780  }
0x212: {  	[tilespmem:s9], [sflag:$0x2] =	stream.linear.gather [hbm4b:s10+s0], $0x80, $0x38;
	[tilespmem:$0x1D400] =	vst v63  }
0x213: {  	s22 =	simm.s32 $0x0;
	s26 =	sadd.s32 s5, s11;
	v13 =	vld [tilespmem:s25+$0x0];
	s17 =	simm.s32 $0x10800  }
0x214: {  	[tilespmem:s17], [sflag:$0x2] =	stream.linear.gather [hbm4b:s26+s0], $0x80, $0x38;
	[tilespmem:$0x1D400] =	vst v63  }
0x215: {  	s24 =	simm.s32 $0x10A80;
	s1 =	spop (v2sf);
	s26 =	simm.s32 $0x4000  }
.LBB2_11:
0x216: {  	p0 =	sne.s32 s26, $0x32000;
	s1 =	sand.u32 $0x1FFFFFF0, s1;
	s2 =	spop (v2sf)  }
0x217: {  	s1 =	sadd.s32 s5, s1;
	s2 =	sand.u32 $0x1FFFFFF0, s2;
	s6 =	spop (v2sf)  }
0x218: {  	v13 =	vshll.u32 v13, $0x4;
	[tilespmem:s31], [sflag:$0x2] =	stream.linear.gather [hbm4b:s1+s0], $0x80, $0x38;
	[tilespmem:$0x1D400] =	vst v63  }
0x219: {  	s1 =	sadd.s32 s5, s2;
	s2 =	sand.u32 $0x1FFFFFF0, s6;
	(v2sf) =	vpush v13, $0x0;
	s6 =	spop (v2sf)  }
0x21a: {  	(v2sf) =	vpush v13, $0x1;
	[tilespmem:s30], [sflag:$0x2] =	stream.linear.gather [hbm4b:s1+s0], $0x80, $0x38;
	[tilespmem:$0x1D400] =	vst v63  }
0x21b: {  	s1 =	sadd.s32 s5, s2;
	s2 =	sand.u32 $0x1FFFFFF0, s6;
	(v2sf) =	vpush v13, $0x2;
	s6 =	spop (v2sf)  }
0x21c: {  	[tilespmem:s29], [sflag:$0x2] =	stream.linear.gather [hbm4b:s1+s0], $0x80, $0x38;
	[tilespmem:$0x1D400] =	vst v63  }
0x21d: {  	s1 =	sadd.s32 s5, s2;
	s2 =	sand.u32 $0x1FFFFFF0, s6;
	(v2sf) =	vpush v13, $0x3;
	s6 =	spop (v2sf)  }
0x21e: {  	[tilespmem:s28], [sflag:$0x2] =	stream.linear.gather [hbm4b:s1+s0], $0x80, $0x38;
	[tilespmem:$0x1D400] =	vst v63  }
0x21f: {  	s1 =	sadd.s32 s5, s2;
	s2 =	sand.u32 $0x1FFFFFF0, s6;
	(v2sf) =	vpush v13, $0x4;
	s6 =	spop (v2sf)  }
0x220: {  	[tilespmem:s24], [sflag:$0x2] =	stream.linear.gather [hbm4b:s1+s0], $0x80, $0x38;
	[tilespmem:$0x1D400] =	vst v63  }
0x221: {  	s2 =	sadd.s32 s5, s2;
	s1 =	sadd.s32 $0x10B00, s22;
	s6 =	sand.u32 $0x1FFFFFF0, s6;
	(v2sf) =	vpush v13, $0x5  }
0x222: {  	[tilespmem:s1], [sflag:$0x2] =	stream.linear.gather [hbm4b:s2+s0], $0x80, $0x38;
	[tilespmem:$0x1D400] =	vst v63  }
0x223: {  	s1 =	sadd.s32 $0x10B80, s22;
	s22 =	sshra.s32 s23, $0x2;
	s2 =	sadd.s32 s5, s6;
	(v2sf) =	vpush v13, $0x6  }
0x224: {  	[tilespmem:s1], [sflag:$0x2] =	stream.linear.gather [hbm4b:s2+s0], $0x80, $0x38;
	[tilespmem:$0x1D400] =	vst v63  }
0x225: {  	s25 =	sadd.s32 $0x10, s25;
	s23 =	smov.u32 s26;
	s24 =	sadd.s32 $0x10A80, s22;
	(v2sf) =	vpush v13, $0x7  }
0x226: {  	s30 =	sadd.s32 $0x10700, s22;
	s29 =	sadd.s32 $0x10980, s22;
	s28 =	sadd.s32 $0x10A00, s22  }
0x227: {  	s6 =	sadd.s32 $0x10680, s22;
	s1 =	sadd.s32 $0x10580, s22;
	s2 =	sadd.s32 $0x10600, s22;
	(v2sf) =	vpush v13, $0x8  }
0x228: {  	s7 =	sadd.s32 $0x10480, s22;
	s9 =	sadd.s32 $0x10500, s22;
	s10 =	spop (v2sf)  }
0x229: {  	s11 =	sadd.s32 $0x10400, s22;
	s10 =	sand.u32 $0x1FFFFFF0, s10;
	s17 =	spop (v2sf)  }
0x22a: {  	s10 =	sadd.s32 s5, s10;
	s17 =	sand.u32 $0x1FFFFFF0, s17;
	s31 =	spop (v2sf)  }
0x22b: {  	[tilespmem:s11], [sflag:$0x2] =	stream.linear.gather [hbm4b:s10+s0], $0x80, $0x38;
	[tilespmem:$0x1D400] =	vst v63  }
0x22c: {  	s10 =	sadd.s32 s5, s17;
	s11 =	sand.u32 $0x1FFFFFF0, s31;
	s17 =	spop (v2sf)  }
0x22d: {  	[tilespmem:s7], [sflag:$0x2] =	stream.linear.gather [hbm4b:s10+s0], $0x80, $0x38;
	(v2sf) =	vpush v13, $0x9;
	[tilespmem:$0x1D400] =	vst v63  }
0x22e: {  	s7 =	sadd.s32 s5, s11;
	s10 =	sand.u32 $0x1FFFFFF0, s17;
	s11 =	spop (v2sf);
	(v2sf) =	vpush v13, $0xA  }
0x22f: {  	[tilespmem:s9], [sflag:$0x2] =	stream.linear.gather [hbm4b:s7+s0], $0x80, $0x38;
	(v2sf) =	vpush v13, $0xB;
	[tilespmem:$0x1D400] =	vst v63  }
0x230: {  	s7 =	sadd.s32 s5, s10;
	s9 =	sand.u32 $0x1FFFFFF0, s11;
	s10 =	spop (v2sf)  }
0x231: {  	[tilespmem:s1], [sflag:$0x2] =	stream.linear.gather [hbm4b:s7+s0], $0x80, $0x38;
	(v2sf) =	vpush v13, $0xC;
	[tilespmem:$0x1D400] =	vst v63  }
0x232: {  	s1 =	sadd.s32 s5, s9;
	s7 =	sand.u32 $0x1FFFFFF0, s10;
	s9 =	spop (v2sf)  }
0x233: {  	[tilespmem:s2], [sflag:$0x2] =	stream.linear.gather [hbm4b:s1+s0], $0x80, $0x38;
	(v2sf) =	vpush v13, $0xD;
	[tilespmem:$0x1D400] =	vst v63  }
0x234: {  	s1 =	sadd.s32 s5, s7;
	s2 =	sand.u32 $0x1FFFFFF0, s9;
	s7 =	spop (v2sf)  }
0x235: {  	[tilespmem:s6], [sflag:$0x2] =	stream.linear.gather [hbm4b:s1+s0], $0x80, $0x38;
	[tilespmem:$0x1D400] =	vst v63  }
0x236: {  	(v2sf) =	vpush v13, $0xE;
	s1 =	sadd.s32 s5, s2;
	s2 =	sand.u32 $0x1FFFFFF0, s7  }
0x237: {  	s6 =	spop (v2sf);
	s2 =	sadd.s32 s5, s2  }
0x238: {  	[tilespmem:s30], [sflag:$0x2] =	stream.linear.gather [hbm4b:s1+s0], $0x80, $0x38;
	(v2sf) =	vpush v13, $0xF;
	[tilespmem:$0x1D400] =	vst v63  }
.Ltmp4:
0x239: {  	s1 =	sadd.s32 $0x10780, s22;
	s6 =	sand.u32 $0x1FFFFFF0, s6;
	(pc) =	sbr.rel @p0 .LBB2_11-.Ltmp4, $4  }
0x23a: {  	[tilespmem:s1], [sflag:$0x2] =	stream.linear.gather [hbm4b:s2+s0], $0x80, $0x38;
	[tilespmem:$0x1D400] =	vst v63  }
0x23b: {  	s30 =	sadd.s32 $0x10900, s22;
	s1 =	sadd.s32 $0x10800, s22;
	s2 =	sadd.s32 s5, s6;
	v13 =	vld [tilespmem:s25+$0x0]  }
0x23c: {  	[tilespmem:s1], [sflag:$0x2] =	stream.linear.gather [hbm4b:s2+s0], $0x80, $0x38;
	[tilespmem:$0x1D400] =	vst v63  }
0x23d: {  	s26 =	sadd.s32 $0x2000, s26;
	s31 =	sadd.s32 $0x10880, s22;
	s1 =	spop (v2sf)  }
0x23e: {  	_ = 	snop  }
0x23f: {  	s1 =	sand.u32 $0x1FFFFFF0, s1;
	s2 =	spop (v2sf)  }
0x240: {  	s23 =	sshra.s32 s23, $0x2;
	s1 =	sadd.s32 s5, s1;
	s6 =	spop (v2sf);
	v13 =	vshll.u32 v13, $0x4  }
0x241: {  	[tilespmem:s31], [sflag:$0x2] =	stream.linear.gather [hbm4b:s1+s0], $0x80, $0x38;
	(v2sf) =	vpush v13, $0x0;
	[tilespmem:$0x1D400] =	vst v63  }
0x242: {  	s18 =	sadd.s32 $0x1, s18;
	s2 =	sand.u32 $0x1FFFFFF0, s2;
	s25 =	spop (v2sf);
	(v2sf) =	vpush v13, $0x1  }
0x243: {  	s11 =	sadd.s32 s5, s2;
	s17 =	sand.u32 $0x1FFFFFF0, s6;
	s1 =	sadd.s32 $0x10700, s23;
	(v2sf) =	vpush v13, $0x2  }
0x244: {  	[tilespmem:s30], [sflag:$0x2] =	stream.linear.gather [hbm4b:s11+s0], $0x80, $0x38;
	[tilespmem:$0x1D400] =	vst v63  }
0x245: {  	s26 =	sadd.s32 s5, s17;
	s30 =	sand.u32 $0x1FFFFFF0, s25;
	s31 =	spop (v2sf);
	(v2sf) =	vpush v13, $0x3  }
0x246: {  	s25 =	sadd.s32 $0x10B80, s22;
	s7 =	sand.u32 $0x1FFFFFF0, s31;
	s9 =	spop (v2sf);
	(v2sf) =	vpush v13, $0x4  }
0x247: {  	[tilespmem:s29], [sflag:$0x2] =	stream.linear.gather [hbm4b:s26+s0], $0x80, $0x38;
	[tilespmem:$0x1D400] =	vst v63  }
0x248: {  	s2 =	sadd.s32 s5, s30;
	s10 =	sadd.s32 s5, s7;
	s17 =	spop (v2sf);
	(v2sf) =	vpush v13, $0x5  }
0x249: {  	[tilespmem:s28], [sflag:$0x2] =	stream.linear.gather [hbm4b:s2+s0], $0x80, $0x38;
	[tilespmem:$0x1D400] =	vst v63  }
0x24a: {  	s7 =	sadd.s32 $0x10680, s23;
	s11 =	sand.u32 $0x1FFFFFF0, s9;
	s9 =	sadd.s32 $0x10480, s23;
	(v2sf) =	vpush v13, $0x6  }
0x24b: {  	[tilespmem:s24], [sflag:$0x2] =	stream.linear.gather [hbm4b:s10+s0], $0x80, $0x38;
	[tilespmem:$0x1D400] =	vst v63  }
0x24c: {  	s2 =	sadd.s32 s5, s11;
	s24 =	sadd.s32 $0x10B00, s22;
	s6 =	sand.u32 $0x1FFFFFF0, s17  }
0x24d: {  	[tilespmem:s24], [sflag:$0x2] =	stream.linear.gather [hbm4b:s2+s0], $0x80, $0x38;
	[tilespmem:$0x1D400] =	vst v63  }
0x24e: {  	s22 =	sadd.s32 $0x10A80, s23;
	s10 =	sadd.s32 $0x10500, s23;
	s26 =	sadd.s32 s5, s6;
	(v2sf) =	vpush v13, $0x7  }
0x24f: {  	[tilespmem:s25], [sflag:$0x2] =	stream.linear.gather [hbm4b:s26+s0], $0x80, $0x38;
	[tilespmem:$0x1D400] =	vst v63  }
0x250: {  	s17 =	sadd.s32 $0x10400, s23;
	s6 =	sadd.s32 $0x10600, s23;
	(v2sf) =	vpush v13, $0x8;
	s11 =	spop (v2sf)  }
0x251: {  	s2 =	sadd.s32 $0x10580, s23;
	s11 =	sand.u32 $0x1FFFFFF0, s11;
	s28 =	spop (v2sf)  }
0x252: {  	s11 =	sadd.s32 s5, s11;
	s24 =	sand.u32 $0x1FFFFFF0, s28;
	s25 =	spop (v2sf)  }
0x253: {  	[tilespmem:s17], [sflag:$0x2] =	stream.linear.gather [hbm4b:s11+s0], $0x80, $0x38;
	[tilespmem:$0x1D400] =	vst v63  }
0x254: {  	s29 =	sadd.s32 s5, s24;
	s30 =	sand.u32 $0x1FFFFFF0, s25;
	s31 =	spop (v2sf);
	(v2sf) =	vpush v13, $0x9  }
0x255: {  	s11 =	sadd.s32 s5, s30;
	s17 =	sand.u32 $0x1FFFFFF0, s31;
	s24 =	spop (v2sf)  }
0x256: {  	(v2sf) =	vpush v13, $0xA;
	[tilespmem:s9], [sflag:$0x2] =	stream.linear.gather [hbm4b:s29+s0], $0x80, $0x38;
	[tilespmem:$0x1D400] =	vst v63  }
0x257: {  	(v2sf) =	vpush v13, $0xB;
	s25 =	sadd.s32 s5, s17;
	s26 =	sand.u32 $0x1FFFFFF0, s24;
	s28 =	spop (v2sf)  }
0x258: {  	[tilespmem:s10], [sflag:$0x2] =	stream.linear.gather [hbm4b:s11+s0], $0x80, $0x38;
	[tilespmem:$0x1D400] =	vst v63  }
0x259: {  	(v2sf) =	vpush v13, $0xC;
	s29 =	sadd.s32 s5, s26;
	s30 =	sand.u32 $0x1FFFFFF0, s28;
	s31 =	spop (v2sf)  }
0x25a: {  	[tilespmem:s2], [sflag:$0x2] =	stream.linear.gather [hbm4b:s25+s0], $0x80, $0x38;
	[tilespmem:$0x1D400] =	vst v63  }
0x25b: {  	s26 =	sadd.s32 $0x10780, s23;
	(v2sf) =	vpush v13, $0xD;
	s9 =	sadd.s32 s5, s30;
	s10 =	sand.u32 $0x1FFFFFF0, s31  }
0x25c: {  	[tilespmem:s6], [sflag:$0x2] =	stream.linear.gather [hbm4b:s29+s0], $0x80, $0x38;
	[tilespmem:$0x1D400] =	vst v63  }
0x25d: {  	s11 =	spop (v2sf);
	(v2sf) =	vpush v13, $0xE;
	s30 =	sadd.s32 $0x10800, s23;
	s31 =	sadd.s32 $0x10900, s23  }
0x25e: {  	[tilespmem:s7], [sflag:$0x2] =	stream.linear.gather [hbm4b:s9+s0], $0x80, $0x38;
	[tilespmem:$0x1D400] =	vst v63  }
0x25f: {  	s17 =	sadd.s32 s5, s10;
	s24 =	sand.u32 $0x1FFFFFF0, s11;
	s25 =	spop (v2sf);
	(v2sf) =	vpush v13, $0xF  }
0x260: {  	[tilespmem:s1], [sflag:$0x2] =	stream.linear.gather [hbm4b:s17+s0], $0x80, $0x38;
	[tilespmem:$0x1D400] =	vst v63  }
0x261: {  	s2 =	sadd.s32 $0x10A00, s23;
	s28 =	sadd.s32 s5, s24;
	s29 =	sand.u32 $0x1FFFFFF0, s25  }
0x262: {  	[tilespmem:s26], [sflag:$0x2] =	stream.linear.gather [hbm4b:s28+s0], $0x80, $0x38;
	[tilespmem:$0x1D400] =	vst v63  }
0x263: {  	s11 =	sadd.s32 $0x10880, s23;
	s6 =	sadd.s32 s5, s29;
	s10 =	spop (v2sf)  }
0x264: {  	[tilespmem:s30], [sflag:$0x2] =	stream.linear.gather [hbm4b:s6+s0], $0x80, $0x38;
	[tilespmem:$0x1D400] =	vst v63  }
0x265: {  	s1 =	sadd.s32 $0x10980, s23;
	s7 =	sand.u32 $0x1FFFFFF0, s10;
	s17 =	spop (v2sf)  }
0x266: {  	s7 =	sadd.s32 s5, s7;
	s10 =	sand.u32 $0x1FFFFFF0, s17;
	s24 =	spop (v2sf)  }
0x267: {  	[tilespmem:s11], [sflag:$0x2] =	stream.linear.gather [hbm4b:s7+s0], $0x80, $0x38;
	[tilespmem:$0x1D400] =	vst v63  }
0x268: {  	s25 =	sadd.s32 s5, s10;
	s26 =	sand.u32 $0x1FFFFFF0, s24;
	s28 =	spop (v2sf)  }
0x269: {  	[tilespmem:s31], [sflag:$0x2] =	stream.linear.gather [hbm4b:s25+s0], $0x80, $0x38;
	[tilespmem:$0x1D400] =	vst v63  }
0x26a: {  	s29 =	sadd.s32 s5, s26;
	s30 =	sand.u32 $0x1FFFFFF0, s28;
	s31 =	spop (v2sf)  }
0x26b: {  	[tilespmem:s1], [sflag:$0x2] =	stream.linear.gather [hbm4b:s29+s0], $0x80, $0x38;
	[tilespmem:$0x1D400] =	vst v63  }
0x26c: {  	s10 =	sadd.s32 s5, s30;
	s11 =	sand.u32 $0x1FFFFFF0, s31;
	s17 =	spop (v2sf)  }
0x26d: {  	[tilespmem:s2], [sflag:$0x2] =	stream.linear.gather [hbm4b:s10+s0], $0x80, $0x38;
	[tilespmem:$0x1D400] =	vst v63  }
0x26e: {  	s24 =	sadd.s32 s5, s11;
	s25 =	sand.u32 $0x1FFFFFF0, s17;
	s26 =	spop (v2sf)  }
0x26f: {  	[tilespmem:s22], [sflag:$0x2] =	stream.linear.gather [hbm4b:s24+s0], $0x80, $0x38;
	[tilespmem:$0x1D400] =	vst v63  }
0x270: {  	s28 =	sadd.s32 $0x10B00, s23;
	s6 =	sand.u32 $0x1FFFFFF0, s26;
	s2 =	sadd.s32 s5, s25  }
0x271: {  	[tilespmem:s28], [sflag:$0x2] =	stream.linear.gather [hbm4b:s2+s0], $0x80, $0x38;
	[tilespmem:$0x1D400] =	vst v63  }
0x272: {  	p0 =	sne.s32 s18, $0x10;
	s29 =	sadd.s32 $0x10B80, s23;
	s30 =	sadd.s32 s5, s6  }
0x273: {  	[tilespmem:s29], [sflag:$0x2] =	stream.linear.gather [hbm4b:s30+s0], $0x80, $0x38;
	[tilespmem:$0x1D400] =	vst v63  }
.Ltmp5:
0x274: {  	_ = 	snop;
	(pc) =	sbr.rel @p0 .LBB2_8-.Ltmp5, $4  }
0x275: {  	s31 =	sadd.s32 s4, s21;
	_ =	swait.ge [sflag:s16], $0xD000  }
0x276: {  	s19 =	sadd.s32 $0x340, s19;
	s1 =	sshll.u32 s31, $0x4;
	[sflag:s16] =	ssyncset.done $0x0  }
0x277: {  	s20 =	sadd.s32 $0x340, s20;
	s1 =	sadd.s32 s3, s1;
	[sflag:s16] =	ssyncadd.s32 $0xFFFF3000  }
0x278: {  	[hbm4b:s1+s0] =	stream.linear.scatter [tilespmem:s12], [sflag:$0x3], $0xD000, $0x38;
	[tilespmem:$0x1D400] =	vst v63  }
0x279: {  	_ =	swait.ge [sflag:s14], $0xD000  }
0x27a: {  	[sflag:s14] =	ssyncset.done $0x0  }
0x27b: {  	s1 =	rddreg [dreg:$0x5];
	[sflag:s14] =	ssyncadd.s32 $0xFFFF3000  }
0x27c: {  	[hbm4b:s1+s0] =	stream.linear.scatter [tilespmem:s15], [sflag:$0x3], $0xD000, $0x38;
	[tilespmem:$0x1D400] =	vst v63  }
0x27d: {  	_ =	swait.ge [sflag:s13], $0xD000  }
0x27e: {  	[sflag:s13] =	ssyncset.done $0x0  }
0x27f: {  	[sflag:s13] =	ssyncadd.s32 $0xFFFF3000  }
0x280: {  	_ =	swait.ge [sflag:s13], $0xD000  }
0x281: {  	s2 =	rddreg [dreg:$0x7]  }
0x282: {  	s31 =	rddreg [dreg:$0x6];
	s2 =	sadd.s32 $0x1, s2  }
0x283: {  	p0 =	sne.s32 s2, s31  }
.Ltmp6:
0x284: {  	_ = 	snop;
	(pc) =	sbr.rel @p0 .LBB2_1-.Ltmp6, $3  }
0x285: {  	_ =	sdelay $0x1  }
0x286: {  	[sflag:s13] =	ssyncset.done $0x0  }
0x287: {  	[sflag:s13] =	ssyncadd.s32 $0xFFFF3000  }
0x288: {  	_ =	sfence.sel $0x180000  }
0x289: {  	[bflag:$0x0] =	sbarrier.arrive $0xFFFF  }
0x28a: {  	_ =	strace $0x90000047  }
0x28b: {  	s0 =	stileid.u32;
	[bflag:$0x2] =	sbarrier.arrive $0xFFFF  }
0x28c: {  	p0 =	sne.s32 s0, $0x0;
	s0 =	rddreg [dreg:$0x2]  }
0x28d: {  	s0 =	sadd.s32 @!p0 $0x100000, s0  }
0x28e: {  	[sflag:s0] =	ssyncadd.tile.s32 @!p0 $0x1;
	_ =	shalt  }
.Lfunc_end2:
_tile_overlayer_lowered:
.L_overlay_start_2:
0x28f: {  	(tag) =	ssettag $0x2  }
0x290: {  	s0 =	rddreg [dreg:$0x0];
	s2 =	stileid.u32  }
0x291: {  	s1 =	rddreg [dreg:$0x1];
	p0 =	sne.s32 s2, $0x0  }
0x292: {  	s3 =	rddreg [dreg:$0x2];
	[bflag:$0x3] =	sbarrier.arrive $0xFFFF;
	s2 =	simm.s32 @!p0 $0x1C04  }
0x293: {  	[timem:s3], [sflag:s2] =	dma.local @!p0 [hbm:s0], s1  }
0x294: {  	s0 =	simm.s32 @!p0 $0x4  }
0x295: {  	_ =	swait.ge @!p0 [sflag:s0], s1  }
0x296: {  	s1 =	ssub.s32 @!p0 $0x0, s1;
	[sflag:s0] =	ssyncset.done @!p0 $0x0  }
0x297: {  	[sflag:s0] =	ssyncadd.s32 @!p0 s1  }
0x298: {  	[bflag:$0x3] =	sbarrier.arrive $0xFFFF  }
0x299: {  	_ =	shalt  }

// kernel: sparse-core-data-format-call.cloned.1.call-start
scs
called_computation_lowered:
.L_overlay_start_0:
0x0: {  	s2 =	sld [smem:$0x3FD9]  }
0x1: {  	s3 =	sld [smem:$0x3FFE];
	_ =	sdelay $0x1  }
0x2: {  	s1 =	srdreg.scid  }
0x3: {  	s0 =	sand.u32 $0x1, s1  }
0x4: {  	s18 =	sshll.u32 s0, $0xA;
	s2 =	sadd.s32 s3, s2  }
0x5: {  	s2 =	sadd.s32 s2, s18  }
0x6: {  	[smem:$0x3FC6] =	sst s2  }
0x7: {  	_ = 	snop  }
0x8: {  	s2 =	sld [smem:$0x3FD0];
	(tm) =	ssettm $0x1  }
0x9: {  	s19 =	sld [smem:$0x3FFB];
	_ =	sdelay $0x3  }
0xa: {  	_ =	strace s19  }
0xb: {  	s3 =	sld [smem:$0x3FFC];
	_ =	sdelay $0x3  }
0xc: {  	_ =	strace s3  }
0xd: {  	s3 =	sld [smem:$0x3FFD];
	_ =	sdelay $0x3  }
0xe: {  	_ =	strace s3  }
0xf: {  	_ =	strace $0x8FFFFFFF  }
0x10: {  	s20 =	sld [smem:$0x3FDB];
	_ =	sdelay $0x1  }
0x11: {  	s4 =	simm.s32 $_scs_section_size  }
0x12: {  	s5 =	simm.s32 $_size__tile_overlayer_lowered;
	s6 =	simm.s32 $_tile_overlayer_lowered  }
0x13: {  	s23 =	simm.s32 $0x1BFF;
	s22 =	sshll.u32 s6, $0x1;
	s3 =	sadd.s32 s4, s20  }
0x14: {  	s7 =	simm.s32 $0x0;
	s21 =	sshll.u32 s5, $0x1;
	s5 =	sadd.s32 s22, s3  }
0x15: {  	[timem:s7], [sflag:s23] =	dma.local [hbm:s5], s21  }
0x16: {  	_ =	swait.ge [sflag:s23], s21  }
0x17: {  	s4 =	ssub.s32 $0x0, s21;
	[sflag:s23] =	ssyncset.done $0x0  }
0x18: {  	[sflag:s23] =	ssyncadd.s32 s4;
	_ =	sdelay $0x1  }
0x19: {  	s24 =	simm.s32 $0x1B8B  }
0x1a: {  	_ =	swait.ge [sflag:s24], $0x1  }
0x1b: {  	[sflag:s24] =	ssyncset.done $0x0  }
0x1c: {  	s26 =	simm.s32 $0x1B8E;
	s25 =	sld [smem:$0x3FFE];
	[sflag:s24] =	ssyncadd.s32 $0xFFFFFFFF  }
0x1d: {  	s27 =	simm.s32 $execute0_lowered;
	[smem:$0x3FD2] =	sst s26  }
0x1e: {  	s5 =	sshll.u32 s27, $0x1;
	_ =	strace $0x80000049;
	[dreg:$0x1] =	wrdreg $0xFFFFFFFF  }
0x1f: {  	s28 =	simm.s32 $_size_execute0_lowered;
	s3 =	sadd.s32 s3, s5;
	[dreg:$0x0] =	wrdreg $0x0  }
0x20: {  	s5 =	sshll.u32 s28, $0x1;
	[dreg:$0x2] =	wrdreg s3  }
0x21: {  	[dreg:$0x3] =	wrdreg s5  }
0x22: {  	[dreg:$0x4] =	wrdreg $0xC0  }
0x23: {  	_ =	task [dreg:s7], $0x5FFFF  }
0x24: {  	[dreg:$0x1] =	wrdreg $0xFFFFFFFF  }
0x25: {  	[dreg:$0x0] =	wrdreg $0x60  }
0x26: {  	[dreg:$0x2] =	wrdreg s25  }
0x27: {  	[dreg:$0x3] =	wrdreg s2  }
0x28: {  	[dreg:$0x4] =	wrdreg $0x9  }
0x29: {  	_ =	task.clear_ibuf [dreg:s7], $0x5FFFF;
	_ =	strace $0x90000049  }
0x2a: {  	s29 =	simm.s32 $0x9;
	_ =	strace $0x8000004B  }
0x2b: {  	_ =	swait.ge [sflag:s29], $0x1  }
0x2c: {  	[sflag:s29] =	ssyncadd.s32 $0xFFFFFFFF  }
0x2d: {  	_ =	strace $0x9000004B  }
0x2e: {  	_ =	sfence  }
0x2f: {  	s30 =	sld [smem:$0x0];
	_ =	sdelay $0x2  }
0x30: {  	s31 =	sshll.u32 s1, $0xD;
	s1 =	sshrl.u32 s1, $0x2  }
0x31: {  	s3 =	sand.u32 $0x4000, s31;
	s1 =	sadd.s32 s1, s30  }
0x32: {  	s0 =	sor.u32 s3, s0;
	s1 =	sshll.u32 s1, $0x11  }
0x33: {  	s0 =	sor.u32 s1, s0  }
0x34: {  	s0 =	sadd.s32 $0x8F2B, s0  }
0x35: {  	[sflag:s0] =	ssyncadd.remote.s32 $0x1  }
0x36: {  	_ =	sfence.sel $0xFFFF  }
0x37: {  	[dreg:$0x0] =	wrdreg $0xFFFFFFFF;
	(pc) =	sbr.abs _section_cstart, $3  }
0x38: {  	[dreg:$0x1] =	wrdreg $0xFFFFFFFF  }
0x39: {  	_ =	task.clear_ibuf [dreg:s7], $0x2FFFF;
	_ =	strace $0x9FFFFFFF  }
0x3a: {  	(tm) =	ssettm $0x7FFFFFFF  }
0x3b: {  	_ =	shalt  }
tec
execute0_lowered:
.L_overlay_start_1:
0x0: {  	(tag) =	ssettag $0x1  }
0x1: {  	s0 =	srdreg.scid  }
0x2: {  	s1 =	sshll.u32 s0, $0x4  }
0x3: {  	s6 =	rddreg [dreg:$0x0];
	s0 =	stileid.u32;
	s1 =	sand.u32 $0x10, s1  }
0x4: {  	s3 =	rddreg [dreg:$0x1];
	s1 =	sor.u32 s0, s1  }
0x5: {  	s5 =	simm.s32 $0x1;
	s31 =	simm.s32 $0x2;
	s2 =	sshll.u32 s1, $0x7  }
0x6: {  	s15 =	simm.s32 $0x0;
	s8 =	simm.s32 $0x20000;
	s4 =	ssub.s32 $0x4000, s2  }
0x7: {  	s14 =	simm.s32 $0x0;
	s9 =	simm.s32 $0x0;
	s30 =	sand.u32 $0xF80, s4  }
0x8: {  	s10 =	simm.s32 $0x0;
	s11 =	simm.s32 $0x0;
	p0 =	sne.s32 s30, $0x0  }
.Ltmp0:
0x9: {  	s7 =	sshrl.u32 s4, $0xC;
	s5 =	simm.s32 @!p0 $0x0;
	(pc) =	sbr.rel .LBB1_1-.Ltmp0, $4  }
0xa: {  	s13 =	simm.s32 $0x0;
	s1 =	rddreg [dreg:$0x2];
	s5 =	sadd.s32 s5, s7  }
0xb: {  	_ =	strace $0x8000004A;
	s4 =	simm.s32 $0x1;
	s5 =	smul.u32 $0x5, s5  }
0xc: {  	s6 =	sadd.s32 $0x800, s6;
	s12 =	smov.u32 s2;
	[sflag:s4] =	ssyncpa.u1 $0x0  }
0xd: {  	[sflag:s31] =	ssyncpa.u1 $0x0;
	p0 =	por $0x0, $0x0;
	s7 =	sadd.s32 $0x1, s5  }
.LBB1_4:
0xe: {  	s20 =	sshra.s32 s20, $0x2  }
0xf: {  	s28 =	sand.u32 $0x78, s10;
	s21 =	sshll.u32 s9, $0xE;
	s22 =	sshll.u32 s10, $0x3  }
0x10: {  	s24 =	sshll.u32 s9, $0x7;
	p1 =	sgt.s32 s9, $0x1F0;
	s30 =	sshra.s32 s9, $0x1F  }
0x11: {  	s26 =	sshra.s32 s10, $0x1F;
	s19 =	sadd.s32 s20, s19;
	s21 =	sand.u32 $0xFFFE0000, s21  }
0x12: {  	v5 =	vld [tilespmem:s17+$0xFFFFFFD0];
	[tilespmem:s18+$0x2040 ss:$0x81] =	vst.msk $0xffff, v4;
	s23 =	sand.u32 $0xFFFFFC00, s22;
	s29 =	sand.u32 $0x380, s24;
	s22 =	sand.u32 $0x3C00, s22  }
0x13: {  	v58 =	vld [tilespmem:s17+$0xFFFFFFE0];
	[tilespmem:s18+$0x2850 ss:$0x81] =	vst.msk $0xffff, v3;
	s21 =	sadd.s32 s23, s21;
	s20 =	sor.u32 s28, s22;
	s22 =	smov.u32 s9  }
0x14: {  	v59 =	vld [tilespmem:s17+$0xFFFFFFF0];
	[tilespmem:s18+$0x3060 ss:$0x81] =	vst.msk $0xffff, v2;
	s24 =	sand.u32 s30, s9;
	s21 =	sshrl.u32 s21, $0xE;
	s22 =	simm.s32 @!p1 $0x1F0  }
0x15: {  	v60 =	vld [tilespmem:s17+$0x0];
	[tilespmem:s18+$0x0 ss:$0x81] =	vst.msk $0xffff, v1;
	p1 =	sgt.s32 s10, $0x3F80;
	s31 =	ssub.s32 s22, s24;
	s22 =	smov.u32 s10  }
0x16: {  	v61 =	vld [tilespmem:s17+$0x10];
	[tilespmem:s19+$0x3870 ss:$0x81] =	vst.msk $0xffff, v0;
	s25 =	smulhi.u32 $0x690691, s21;
	s24 =	sand.u32 s26, s10;
	s22 =	simm.s32 @!p1 $0x3F80  }
0x17: {  	v62 =	vld [tilespmem:s17+$0x20];
	s20 =	sor.u32 s29, s20;
	[tilespmem:s19+$0x810 ss:$0x81] =	vst.msk $0xffff, v5;
	s27 =	sadd.s32 $0xFFFFFE10, s31;
	s22 =	ssub.s32 s22, s24  }
0x18: {  	v63 =	vld [tilespmem:s17+$0xFFFFFFC0];
	[tilespmem:s19+$0x1020 ss:$0x81] =	vst.msk $0xffff, v58;
	s18 =	ssub.s32 $0x270, s31;
	s28 =	smul.u32 $0x270, s25;
	s29 =	sadd.s32 $0xFFFFC080, s22  }
0x19: {  	[tilespmem:s19+$0x1830 ss:$0x81] =	vst.msk $0xffff, v59;
	p1 =	sgt.s32 s27, $0x7F;
	s22 =	ssub.s32 $0x4000, s22;
	p2 =	sgt.s32 s29, $0x7F  }
0x1a: {  	s30 =	sand.u32 $0x7, s10;
	[tilespmem:s19+$0x2040 ss:$0x81] =	vst.msk $0xffff, v60;
	s18 =	simm.s32 @p1 $0x0;
	s22 =	simm.s32 @p2 $0x0  }
0x1b: {  	s20 =	sshrl.u32 s20, $0x3;
	[tilespmem:s19+$0x2850 ss:$0x81] =	vst.msk $0xffff, v61;
	s17 =	ssub.s32 s21, s28;
	s18 =	smul.u32 s22, s18  }
0x1c: {  	[tilespmem:s19+$0x3060 ss:$0x81] =	vst.msk $0xffff, v62;
	s20 =	sadd.s32 s3, s20;
	s21 =	sshll.u32 s30, $0x12;
	s17 =	sshll.u32 s17, $0xB  }
0x1d: {  	[tilespmem:s19+$0x0 ss:$0x81] =	vst.msk $0xffff, v63;
	s31 =	sor.u32 $0x400, s21;
	s17 =	sadd.s32 s17, s20;
	s18 =	sand.u32 $0x3FFFFFFF, s18  }
0x1e: {  	[hbm4b:s17+s31] =	stream.strided.scatter [tilespmem:s16], [sflag:$0x2], s18, s8, s31, $0x20;
	[tilespmem:$0x10100] =	vst v63  }
.LBB1_5:
0x1f: {  	p1 =	slt.u32 s13, $0x2  }
0x20: {  	s17 =	smov.u32 s15;
	p2 =	sgt.s32 @!p1 s15, $0x1F0;
	s16 =	sshra.s32 @!p1 s15, $0x1F  }
0x21: {  	p3 =	sgt.s32 @!p1 s14, $0x3F80;
	s18 =	sshra.s32 @!p1 s14, $0x1F;
	p2 =	por !p2, p1  }
0x22: {  	s15 =	sand.u32 @!p1 s16, s15;
	p3 =	por !p3, p1;
	s16 =	smov.u32 s14  }
0x23: {  	s14 =	sand.u32 @!p1 s18, s14;
	s17 =	simm.s32 @p2 $0x1F0;
	s16 =	simm.s32 @p3 $0x3F80  }
0x24: {  	s15 =	ssub.s32 @!p1 s17, s15;
	s14 =	ssub.s32 @!p1 s16, s14  }
0x25: {  	s18 =	smov.u32 s12;
	s16 =	sadd.s32 @!p1 $0xFFFFFE10, s15;
	s17 =	sadd.s32 @!p1 $0xFFFFC080, s14  }
0x26: {  	s15 =	ssub.s32 @!p1 $0x270, s15;
	p2 =	sgt.s32 @!p1 s16, $0x7F;
	p3 =	sgt.s32 @!p1 s17, $0x7F  }
0x27: {  	s14 =	ssub.s32 @!p1 $0x4000, s14;
	p2 =	por !p2, p1;
	p3 =	por !p3, p1  }
0x28: {  	s16 =	sadd.s32 $0x80, s11;
	s15 =	simm.s32 @!p2 $0x0;
	s14 =	simm.s32 @!p3 $0x0  }
0x29: {  	p2 =	sgt.s32 s16, $0x26F;
	s14 =	smul.u32 @!p1 s14, s15;
	s15 =	sadd.s32 $0x1000, s12  }
0x2a: {  	s18 =	smov.u32 @p2 s15  }
0x2b: {  	s16 =	simm.s32 @p2 $0x0;
	p2 =	sgt.s32 s18, $0x3FFF  }
0x2c: {  	s18 =	smov.u32 @p2 s2;
	p2 =	sne.s32 s13, s7  }
.Ltmp1:
0x2d: {  	p0 =	por !p0, !p0;
	s17 =	simm.s32 @!p1 $0x2;
	(pc) =	sbr.rel @!p2 .LBB1_6-.Ltmp1, $4  }
0x2e: {  	s15 =	smov.u32 s9;
	s9 =	smov.u32 s11;
	s14 =	sand.u32 @!p1 $0x3FFFFFFF, s14  }
0x2f: {  	s11 =	smov.u32 s16;
	_ =	swait.ge @!p1 [sflag:s17], s14;
	s19 =	ssub.s32 @!p1 $0x0, s14  }
0x30: {  	s14 =	smov.u32 s10;
	s13 =	sadd.s32 $0x1, s13;
	[sflag:s17] =	ssyncset.done @!p1 $0x0  }
0x31: {  	s10 =	smov.u32 s12;
	s12 =	smov.u32 s18;
	[sflag:s17] =	ssyncadd.s32 @!p1 s19  }
.LBB1_1:
0x32: {  	p1 =	sge.u32 s13, s5  }
0x33: {  	s16 =	sshrl.u32 @!p1 s12, $0x3  }
0x34: {  	s17 =	sshll.u32 @!p1 s11, $0x3;
	s16 =	smul.u32 @!p1 $0x1400, s16  }
0x35: {  	s18 =	sshll.u32 @!p1 s12, $0x7;
	s17 =	sand.u32 @!p1 $0xFFFFFC00, s17  }
0x36: {  	s16 =	sadd.s32 @!p1 s16, s17;
	s17 =	sand.u32 @!p1 $0x380, s18  }
0x37: {  	s18 =	sand.u32 @!p1 $0x7F, s11;
	s16 =	sor.u32 @!p1 s17, s16  }
0x38: {  	s17 =	sor.u32 @!p1 s18, s16  }
0x39: {  	s18 =	smulhi.u32 @!p1 $0xCCCCCCCD, s17;
	_ =	sdelay $0x1  }
0x3a: {  	s16 =	smulhi.u32 @!p1 $0xCCCCCCCD, s16;
	s18 =	sshrl.u32 @!p1 s18, $0x9  }
0x3b: {  	s18 =	smul.u32 @!p1 $0x280, s18  }
0x3c: {  	s31 =	sadd.s32 $0xFFFFFFFF, s13;
	s19 =	sxor.u32 @!p1 $0xFFFFFFFF, s13;
	s16 =	sshrl.u32 @!p1 s16, $0x9  }
0x3d: {  	s19 =	sshll.u32 @!p1 s19, $0xE;
	s16 =	sand.u32 @!p1 $0x3FFF, s16;
	s17 =	ssub.s32 @!p1 s17, s18  }
0x3e: {  	s16 =	smul.u32 @!p1 $0x50, s16;
	s18 =	sshrl.u32 @!p1 s17, $0x3;
	s17 =	sand.u32 @!p1 $0x7, s17  }
0x3f: {  	s19 =	sand.u32 @!p1 $0x4000, s19;
	s18 =	sadd.s32 @!p1 s6, s18;
	s17 =	sshll.u32 @!p1 s17, $0x12  }
0x40: {  	s16 =	sadd.s32 @!p1 s16, s18;
	s17 =	sor.u32 @!p1 $0x400, s17;
	s18 =	simm.s32 @!p1 $0x1400  }
0x41: {  	[tilespmem:s19], [sflag:$0x1] =	stream.strided.gather @!p1 [hbm4b:s16+s17], $0x4000, s18, s17, $0x38;
	[tilespmem:$0x10100] =	vst v63  }
0x42: {  	p1 =	sge.u32 s31, s5  }
.Ltmp2:
0x43: {  	_ = 	snop;
	(pc) =	sbr.rel @p1 .LBB1_5-.Ltmp2, $1  }
0x44: {  	_ =	sdelay $0x3  }
0x45: {  	s16 =	simm.s32 $0x1  }
0x46: {  	_ =	swait.ge [sflag:s4], $0x4000;
	s16 =	simm.s32 @!p0 $0x0  }
0x47: {  	[sflag:s4] =	ssyncset.done $0x0;
	s17 =	sshll.u32 s16, $0xE  }
0x48: {  	[sflag:s4] =	ssyncadd.s32 $0xFFFFC000;
	s17 =	sor.u32 $0x40, s17  }
0x49: {  	s16 =	smul.u32 $0x10200, s16;
	v0 =	vld [tilespmem:s17+$0x30]  }
0x4a: {  	v1 =	vld [tilespmem:s17+$0xFFFFFFD0]  }
0x4b: {  	s16 =	sshrl.u32 s16, $0x2;
	v5 =	vld [tilespmem:s17+$0xFFFFFFE0]  }
0x4c: {  	v6 =	vld [tilespmem:s17+$0xFFFFFFF0];
	s19 =	sor.u32 $0x8000, s16  }
0x4d: {  	s31 =	sand.u32 $0x1, s13;
	v4 =	vld [tilespmem:s17+$0x0];
	s18 =	sadd.s32 $0x0, s19  }
0x4e: {  	v3 =	vld [tilespmem:s17+$0x10];
	s16 =	smul.u32 $0x10200, s31;
	[tilespmem:s18+$0x3870 ss:$0x81] =	vst.msk $0xffff, v0  }
0x4f: {  	v2 =	vld [tilespmem:s17+$0x20];
	[tilespmem:s18+$0x810 ss:$0x81] =	vst.msk $0xffff, v1  }
0x50: {  	s16 =	sshrl.u32 s16, $0x2;
	v1 =	vld [tilespmem:s17+$0xFFFFFFC0];
	[tilespmem:s18+$0x1020 ss:$0x81] =	vst.msk $0xffff, v5;
	s17 =	sadd.s32 $0x80, s17  }
0x51: {  	s20 =	simm.s32 $0x4;
	s21 =	simm.s32 $0x8;
	s16 =	sor.u32 $0x8000, s16;
	[tilespmem:s18+$0x1830 ss:$0x81] =	vst.msk $0xffff, v6;
	v0 =	vld [tilespmem:s17+$0x30]  }
.LBB1_3:
0x52: {  	p1 =	sne.s32 s21, $0x1FC;
	v5 =	vld [tilespmem:s17+$0xFFFFFFD0];
	[tilespmem:s18+$0x2040 ss:$0x81] =	vst.msk $0xffff, v4  }
0x53: {  	v6 =	vld [tilespmem:s17+$0xFFFFFFE0];
	[tilespmem:s18+$0x2850 ss:$0x81] =	vst.msk $0xffff, v3  }
0x54: {  	s22 =	sshra.s32 s20, $0x2;
	s20 =	smov.u32 s21;
	v7 =	vld [tilespmem:s17+$0xFFFFFFF0];
	[tilespmem:s18+$0x3060 ss:$0x81] =	vst.msk $0xffff, v2  }
.Ltmp3:
0x55: {  	v4 =	vld [tilespmem:s17+$0x0];
	[tilespmem:s18+$0x0 ss:$0x81] =	vst.msk $0xffff, v1;
	s18 =	sadd.s32 s22, s19;
	(pc) =	sbr.rel @p1 .LBB1_3-.Ltmp3, $4  }
0x56: {  	v3 =	vld [tilespmem:s17+$0x10];
	[tilespmem:s18+$0x3870 ss:$0x81] =	vst.msk $0xffff, v0  }
0x57: {  	[tilespmem:s18+$0x810 ss:$0x81] =	vst.msk $0xffff, v5;
	v2 =	vld [tilespmem:s17+$0x20]  }
0x58: {  	v1 =	vld [tilespmem:s17+$0xFFFFFFC0];
	[tilespmem:s18+$0x1020 ss:$0x81] =	vst.msk $0xffff, v6;
	s17 =	sadd.s32 $0x80, s17  }
0x59: {  	s21 =	sadd.s32 $0x4, s21;
	v0 =	vld [tilespmem:s17+$0x30];
	[tilespmem:s18+$0x1830 ss:$0x81] =	vst.msk $0xffff, v7  }
.Ltmp4:
0x5a: {  	_ = 	snop;
	(pc) =	sbr.rel .LBB1_4-.Ltmp4, $1  }
0x5b: {  	_ =	sdelay $0x3  }
.LBB1_6:
0x5c: {  	_ =	sfence.sel $0x180000  }
0x5d: {  	s2 =	simm.s32 $0x1;
	[bflag:$0x0] =	sbarrier.arrive $0xFFFF  }
0x5e: {  	s31 =	simm.s32 $0x2;
	[sflag:s2] =	ssyncpa.u1 $0x1  }
0x5f: {  	[sflag:s31] =	ssyncpa.u1 $0x1  }
0x60: {  	p0 =	sne.s32 s0, $0x0;
	_ =	strace $0x9000004A  }
0x61: {  	s0 =	sadd.s32 @!p0 $0x100000, s1;
	[bflag:$0x2] =	sbarrier.arrive $0xFFFF  }
0x62: {  	[sflag:s0] =	ssyncadd.tile.s32 @!p0 $0x1;
	_ =	shalt  }
.Lfunc_end1:
_tile_overlayer_lowered:
.L_overlay_start_2:
0x63: {  	(tag) =	ssettag $0x2  }
0x64: {  	s0 =	rddreg [dreg:$0x0];
	s2 =	stileid.u32  }
0x65: {  	s1 =	rddreg [dreg:$0x1];
	p0 =	sne.s32 s2, $0x0  }
0x66: {  	s3 =	rddreg [dreg:$0x2];
	[bflag:$0x3] =	sbarrier.arrive $0xFFFF;
	s2 =	simm.s32 @!p0 $0x1C01  }
0x67: {  	[timem:s3], [sflag:s2] =	dma.local @!p0 [hbm:s0], s1  }
0x68: {  	s0 =	simm.s32 @!p0 $0x1  }
0x69: {  	_ =	swait.ge @!p0 [sflag:s0], s1  }
0x6a: {  	s1 =	ssub.s32 @!p0 $0x0, s1;
	[sflag:s0] =	ssyncset.done @!p0 $0x0  }
0x6b: {  	[sflag:s0] =	ssyncadd.s32 @!p0 s1  }
0x6c: {  	[bflag:$0x3] =	sbarrier.arrive $0xFFFF  }
0x6d: {  	_ =	shalt  }

</sc_bundles>
